<compile_context>
chip_gen: v7x
topology: tpu7x:2x2x1
jax: 0.10.2.dev20260603
libtpu: 0.0.44.dev20260713+nightly
codegen_flags: <defaults>
</compile_context>

<pallas_src>
import jax
import jax.numpy as jnp
import numpy as np
from jax import lax
from jax.experimental import pallas as pl
from jax.experimental.pallas import tpu as pltpu
from jax.experimental.pallas import tpu_sc as plsc

N = 10000
D = 128
C = 128
E = 320000
NEG_SLOPE = 0.2

NC = 2
NS = 16
B = 64
CH_SUM = 324
EP = NS * CH_SUM * B
CH0 = 146
CH1 = CH_SUM - CH0
CW = C + 16
NP = 10016
RT = NP // NS

_SC_PARAMS = pltpu.CompilerParams(needs_layout_passes=False,
                                  use_tc_tiling_on_sc=False)

_PERM = np.empty((C,), np.int32)
for _j in range(C // 32):
    for _k in range(16):
        _PERM[32 * _j + 2 * _k] = 32 * _j + _k
        _PERM[32 * _j + 2 * _k + 1] = 32 * _j + 16 + _k


def _mm_body(x_ref, wl_ref, wr_ref, xl_ref, xr_ref):
    xb = x_ref[...]
    xl_ref[...] = jnp.dot(
        xb, wl_ref[...], preferred_element_type=jnp.float32
    ).astype(jnp.bfloat16)
    xr_ref[...] = jnp.dot(
        xb, wr_ref[...], preferred_element_type=jnp.float32
    ).astype(jnp.bfloat16)


def _project(x, W_lp, W_rp):
    blk = 1000
    return pl.pallas_call(
        _mm_body,
        grid=(N // blk,),
        in_specs=[
            pl.BlockSpec((blk, D), lambda i: (i, 0)),
            pl.BlockSpec((D, C), lambda i: (0, 0)),
            pl.BlockSpec((D, C), lambda i: (0, 0)),
        ],
        out_specs=[
            pl.BlockSpec((blk, C), lambda i: (i, 0)),
            pl.BlockSpec((blk, C), lambda i: (i, 0)),
        ],
        out_shape=[
            jax.ShapeDtypeStruct((N, C), jnp.bfloat16),
            jax.ShapeDtypeStruct((N, C), jnp.bfloat16),
        ],
    )(x, W_lp, W_rp)


def _edges_body(xl_hbm, xr_hbm, idx_hbm, att_hbm, m_hbm, zeros_hbm,
                accs_hbm,
                att_v, m_v, idx_v, dst_cur, w_v, ts_v, acc_sh,
                xl_b, xr_b, rows, sem_i, sem_l, sem_r, sem_s):
    c = lax.axis_index("c")
    s = lax.axis_index("s")
    crow = s * CH_SUM + c * CH0
    nch = jnp.where(c == 0, CH0, CH1)

    pltpu.sync_copy(zeros_hbm.at[pl.ds(s * RT, RT)],
                    acc_sh.at[pl.ds(s * RT, RT)])
    plsc.subcore_barrier()

    pltpu.sync_copy(att_hbm, att_v)
    pltpu.sync_copy(m_hbm, m_v)
    att_regs = [att_v[pl.ds(q * 32, 32)] for q in range(C // 32)]
    mvec = m_v[...]
    iota = lax.iota(jnp.int32, 16)
    emask = jnp.where(iota == 0, 1.0, 0.0).astype(jnp.float32)

    def idx_copy(t, b):
        return pltpu.make_async_copy(idx_hbm.at[crow + t], idx_v.at[b],
                                     sem_i[b])

    def gather_start(t, b):
        pltpu.make_async_copy(xl_hbm.at[idx_v.at[b, 0]], xl_b[b],
                              sem_l[b]).start()
        pltpu.make_async_copy(xr_hbm.at[idx_v.at[b, 1]], xr_b[b],
                              sem_r[b]).start()

    def gather_wait(t, b):
        pltpu.make_async_copy(xl_hbm.at[idx_v.at[b, 0]], xl_b[b],
                              sem_l[b]).wait()
        pltpu.make_async_copy(xr_hbm.at[idx_v.at[b, 1]], xr_b[b],
                              sem_r[b]).wait()

    def scatter(b):
        return pltpu.make_async_copy(rows[b], acc_sh.at[dst_cur[b]],
                                     sem_s[b])

    @pl.when(nch > 0)
    def _():
        idx_copy(0, 0).start()
        idx_copy(0, 0).wait()

        @pl.when(nch > 1)
        def _():
            idx_copy(1, 1).start()

        gather_start(0, 0)

        def pair(t2, carry):
            for b in range(2):
                t = t2 * 2 + b

                @pl.when(t >= 1)
                def _():
                    scatter(1 - b).wait()

                @pl.when(t + 1 < nch)
                def _():
                    idx_copy(t + 1, 1 - b).wait()
                    gather_start(t + 1, 1 - b)

                gather_wait(t, b)
                xlb, xrb, rv = xl_b[b], xr_b[b], rows[b]

                def dgroup(g, icarry):
                    ds16 = pl.ds(g * 16, 16)
                    dst_cur[b][ds16] = idx_v[b, 1, ds16]
                    return icarry

                lax.fori_loop(0, B // 16, dgroup, 0)

                @pl.when(t + 2 < nch)
                def _():
                    idx_copy(t + 2, b).start()

                def egroup(g, icarry):
                    def lane4(l4, lcarry):
                        for lu in range(4):
                            i = g * 16 + l4 * 4 + lu
                            acc = jnp.zeros((16,), jnp.float32)
                            for j in range(C // 32):
                                m32 = (xlb[i, pl.ds(32 * j, 32)]
                                       + xrb[i, pl.ds(32 * j, 32)])
                                m32 = jnp.maximum(
                                    m32, jnp.bfloat16(NEG_SLOPE) * m32)
                                p32 = att_regs[j] * m32
                                pa, pb = plsc.unpack(
                                    p32, format=plsc.PackFormat.INTERLEAVED)
                                acc = acc + pa + pb
                            ts_v[pl.ds((l4 * 4 + lu) * 16, 16)] = acc
                        return lcarry

                    lax.fori_loop(0, 4, lane4, 0)
                    tot = jnp.zeros((16,), jnp.float32)
                    iota16 = iota * 16
                    for cc in range(16):
                        tot = tot + plsc.load_gather(ts_v, [iota16 + cc])
                    w_v[pl.ds(g * 16, 16)] = jnp.exp(tot - mvec)
                    return icarry

                lax.fori_loop(0, B // 16, egroup, 0)

                def edge4(i4, icarry):
                    for iu in range(4):
                        i = i4 * 4 + iu
                        bw = plsc.load_gather(
                            w_v, [jnp.full((16,), i, jnp.int32)])
                        for j in range(C // 32):
                            la, lb = plsc.unpack(
                                xlb[i, pl.ds(32 * j, 32)],
                                format=plsc.PackFormat.INTERLEAVED)
                            rv[i, pl.ds(32 * j, 16)] = la * bw
                            rv[i, pl.ds(32 * j + 16, 16)] = lb * bw
                        rv[i, pl.ds(C, 16)] = emask * bw
                    return icarry

                lax.fori_loop(0, B // 4, edge4, 0)
                scatter(b).start(add=True)
            return carry

        lax.fori_loop(0, nch // 2, pair, 0)
        scatter(1).wait()

    plsc.subcore_barrier()
    pltpu.sync_copy(acc_sh.at[pl.ds(s * RT, RT)],
                    accs_hbm.at[c, pl.ds(s * RT, RT)])


def _edges(xl, xr_pad, idx, att, m16, zeros_acc):
    mesh = plsc.VectorSubcoreMesh(core_axis_name="c", subcore_axis_name="s",
                                  num_cores=NC, num_subcores=NS)
    return pl.kernel(
        _edges_body,
        out_type=jax.ShapeDtypeStruct((NC, NP, CW), jnp.float32),
        mesh=mesh,
        scratch_types=[
            pltpu.VMEM((C,), jnp.bfloat16),
            pltpu.VMEM((16,), jnp.float32),
            pltpu.VMEM((2, 2, B), jnp.int32),
            [pltpu.VMEM((B,), jnp.int32) for _ in range(2)],
            pltpu.VMEM((B,), jnp.float32),
            pltpu.VMEM((256,), jnp.float32),
            pltpu.VMEM_SHARED((NP, CW), jnp.float32),
            [pltpu.VMEM((B, C), jnp.bfloat16) for _ in range(2)],
            [pltpu.VMEM((B, C), jnp.bfloat16) for _ in range(2)],
            [pltpu.VMEM((B, CW), jnp.float32) for _ in range(2)],
            [pltpu.SemaphoreType.DMA for _ in range(2)],
            [pltpu.SemaphoreType.DMA for _ in range(2)],
            [pltpu.SemaphoreType.DMA for _ in range(2)],
            [pltpu.SemaphoreType.DMA for _ in range(2)],
        ],
        compiler_params=_SC_PARAMS,
    )(xl, xr_pad, idx, att, m16, zeros_acc)


def _norm_body(accs_ref, bias_ref, gamma_ref, beta_ref, agn_ref, out_ref):
    a = accs_ref[0] + accs_ref[1]
    col = lax.broadcasted_iota(jnp.int32, (NP, CW), 1)
    den_full = jnp.where(col == C, a, 0.0)
    den = jnp.sum(den_full, axis=1, keepdims=True)
    num = a[:N, :C]
    out0 = num / (den[:N] + 1e-16) + bias_ref[...]
    mean = jnp.mean(out0, axis=0, keepdims=True)
    out_c = out0 - agn_ref[...] * mean
    var = jnp.mean(out_c * out_c, axis=0, keepdims=True)
    out_ref[...] = gamma_ref[...] * out_c / jnp.sqrt(var + 1e-5) + beta_ref[...]


def _finalize(accs, bias, gamma, beta, alpha_gn):
    return pl.pallas_call(
        _norm_body,
        out_shape=jax.ShapeDtypeStruct((N, C), jnp.float32),
    )(accs, bias.reshape(1, C), gamma.reshape(1, C), beta.reshape(1, C),
      alpha_gn.reshape(1, C))


@jax.jit
def kernel(x, edge_index, W_l, W_r, att, bias, gamma, beta, alpha_gn):
    ei = edge_index.astype(jnp.int32)
    loop = jnp.arange(N, dtype=jnp.int32)
    pad = EP - (E + N)
    src = jnp.concatenate([ei[0], loop, jnp.zeros((pad,), jnp.int32)])
    dst = jnp.concatenate([ei[1], loop, jnp.full((pad,), N, jnp.int32)])
    idx = (jnp.stack([src, dst], axis=0)
           .reshape(2, NS * CH_SUM, B).transpose(1, 0, 2))

    perm = jnp.asarray(_PERM)
    xl, xr = _project(x, W_l[:, perm], W_r[:, perm])
    xr_pad = jnp.concatenate([xr, jnp.zeros((NP - N, C), jnp.bfloat16)], axis=0)

    attf = att.reshape(C)
    m0 = x[0] @ W_l + x[0] @ W_r
    m0 = jnp.maximum(m0, NEG_SLOPE * m0)
    m16 = jnp.full((16,), jnp.dot(m0, attf), jnp.float32)

    zeros_acc = jnp.zeros((NP, CW), jnp.float32)
    attb = attf[perm].astype(jnp.bfloat16)
    accs = _edges(xl, xr_pad, idx, attb, m16, zeros_acc)
    return _finalize(accs, bias, gamma, beta, alpha_gn)

# --- scband reference (transcript-rebuilt; emitter-appended) ---
"""Pipeline reference for scband-dnagatv2-block-40398462386462 (READ-ONLY COPY).

The authoritative reference and input builder live on the scoring server;
editing this copy changes nothing except your own understanding.
"""

import jax, jax.numpy as jnp
import numpy as np

N = 10000
E = 320000
D = 128
H = 1
C = 128
NEG_SLOPE = 0.2

def setup_inputs(seed: int = 0) -> dict:
    key = jax.random.key(seed)
    ks = jax.random.split(key, 10)
    x = jax.random.normal(ks[0], (N, D), dtype=jnp.float32)
    edge_index = jax.random.randint(ks[1], (2, E), 0, N)
    s = 1.0 / np.sqrt(D)
    W_l = jax.random.normal(ks[2], (D, H * C), dtype=jnp.float32) * s
    W_r = jax.random.normal(ks[3], (D, H * C), dtype=jnp.float32) * s
    att = jax.random.normal(ks[4], (H, C), dtype=jnp.float32) * (1.0 / np.sqrt(C))
    bias = jnp.zeros((H * C,), dtype=jnp.float32)
    gamma = jnp.ones((H * C,), dtype=jnp.float32)
    beta = jnp.zeros((H * C,), dtype=jnp.float32)
    alpha_gn = jnp.ones((H * C,), dtype=jnp.float32)
    return {"x": x, "edge_index": edge_index, "W_l": W_l, "W_r": W_r,
            "att": att, "bias": bias, "gamma": gamma, "beta": beta,
            "alpha_gn": alpha_gn}

def reference(x, edge_index, W_l, W_r, att, bias, gamma, beta, alpha_gn):
    n = x.shape[0]
    # add self loops
    loop = jnp.arange(n, dtype=edge_index.dtype)
    ei = jnp.concatenate([edge_index, jnp.stack([loop, loop])], axis=1)
    src, dst = ei[0], ei[1]
    # GATv2-style attention (DNAGATv2 with groups=1, mul_att_heads=1 reduces to GATv2)
    xl = (x @ W_l).reshape(n, H, C)
    xr = (x @ W_r).reshape(n, H, C)
    m = xl[src] + xr[dst]                      # gather: [E', H, C]
    m = jax.nn.leaky_relu(m, NEG_SLOPE)
    e = jnp.einsum('ehc,hc->eh', m, att)       # [E', H]
    # segment softmax over destination nodes
    e_max = jax.ops.segment_max(e, dst, num_segments=n)
    e_max = jax.lax.stop_gradient(e_max)
    ex = jnp.exp(e - e_max[dst])
    denom = jax.ops.segment_sum(ex, dst, num_segments=n)
    alpha = ex / (denom[dst] + 1e-16)          # [E', H]
    # weighted scatter-add aggregation
    out = jax.ops.segment_sum(xl[src] * alpha[:, :, None], dst, num_segments=n)
    out = out.reshape(n, H * C) + bias
    # GraphNorm (single graph batch)
    mean = out.mean(axis=0)
    out_c = out - alpha_gn * mean
    var = (out_c ** 2).mean(axis=0)
    out = gamma * out_c / jnp.sqrt(var + 1e-5) + beta
    return out

if __name__ == "__main__":
    import jax
    _d = setup_inputs()
    print(jax.jit(kernel)(*tuple(_d.values())))

</pallas_src>

<mosaic_0001>
#map = affine_map<(d0, d1) -> (0, 0)>
#map1 = affine_map<(d0, d1) -> (0, 0, 0)>
#map2 = affine_map<(d0, d1) -> (0)>
module attributes {stable_mosaic.version = 14 : i64} {
  func.func @_edges_body(%arg0: i32, %arg1: i32, %arg2: memref<10000x128xbf16, #tpu.memory_space<hbm>>, %arg3: memref<10016x128xbf16, #tpu.memory_space<hbm>>, %arg4: memref<5184x2x64xi32, #tpu.memory_space<hbm>>, %arg5: memref<128xbf16, #tpu.memory_space<hbm>>, %arg6: memref<16xf32, #tpu.memory_space<hbm>>, %arg7: memref<10016x144xf32, #tpu.memory_space<hbm>>, %arg8: memref<2x10016x144xf32, #tpu.memory_space<hbm>>, %arg9: memref<128xbf16, #tpu.memory_space<vmem>>, %arg10: memref<16xf32, #tpu.memory_space<vmem>>, %arg11: memref<2x2x64xi32, #tpu.memory_space<vmem>>, %arg12: memref<64xi32, #tpu.memory_space<vmem>>, %arg13: memref<64xi32, #tpu.memory_space<vmem>>, %arg14: memref<64xf32, #tpu.memory_space<vmem>>, %arg15: memref<256xf32, #tpu.memory_space<vmem>>, %arg16: memref<10016x144xf32, #tpu.memory_space<vmem_shared>>, %arg17: memref<64x128xbf16, #tpu.memory_space<vmem>>, %arg18: memref<64x128xbf16, #tpu.memory_space<vmem>>, %arg19: memref<64x128xbf16, #tpu.memory_space<vmem>>, %arg20: memref<64x128xbf16, #tpu.memory_space<vmem>>, %arg21: memref<64x144xf32, #tpu.memory_space<vmem>>, %arg22: memref<64x144xf32, #tpu.memory_space<vmem>>, %arg23: memref<!tpu.dma_semaphore, #tpu.memory_space<semaphore_mem>>, %arg24: memref<!tpu.dma_semaphore, #tpu.memory_space<semaphore_mem>>, %arg25: memref<!tpu.dma_semaphore, #tpu.memory_space<semaphore_mem>>, %arg26: memref<!tpu.dma_semaphore, #tpu.memory_space<semaphore_mem>>, %arg27: memref<!tpu.dma_semaphore, #tpu.memory_space<semaphore_mem>>, %arg28: memref<!tpu.dma_semaphore, #tpu.memory_space<semaphore_mem>>, %arg29: memref<!tpu.dma_semaphore, #tpu.memory_space<semaphore_mem>>, %arg30: memref<!tpu.dma_semaphore, #tpu.memory_space<semaphore_mem>>) attributes {dimension_semantics = [#tpu.dimension_semantics<core_parallel>, #tpu.dimension_semantics<subcore_parallel>], iteration_bounds = array<i64: 2, 16>, scalar_prefetch = 0 : i64, scratch_operands = 22 : i64, tpu.core_type = #tpu.core_type<sc_vector_subcore>, window_params = [{transform_indices = #map}, {transform_indices = #map}, {transform_indices = #map1}, {transform_indices = #map2}, {transform_indices = #map2}, {transform_indices = #map}, {transform_indices = #map1}]} {
    %mul3A = arith.constant 324 : i32
    %mul3A_0 = arith.muli %arg1, %mul3A : i32
    %mul3A_1 = arith.constant 146 : i32
    %mul3A_2 = arith.muli %arg0, %mul3A_1 : i32
    %add3A = arith.addi %mul3A_0, %mul3A_2 : i32
    %eq3A = arith.constant 0 : i32
    %eq3A_3 = arith.cmpi eq, %arg0, %eq3A : i32
    %jit3A = arith.constant 146 : i32
    %jit3A_4 = arith.constant 178 : i32
    %select_n3A = arith.select %eq3A_3, %jit3A, %jit3A_4 : i32
    %mul3A_5 = arith.constant 626 : i32
    %mul3A_6 = arith.muli %arg1, %mul3A_5 : i32
    %mul3A_7 = arith.constant 626 : i32
    %mul3A_8 = arith.muli %arg1, %mul3A_7 : i32
    "tpu.region"() ({
      %run_scoped3A = tpu.sem_alloc : memref<!tpu.dma_semaphore, #tpu.memory_space<semaphore_mem>>
      %dma_start3A = arith.constant 0 : i32
      %dma_start3A_32 = tpu.memref_slice %arg16[%mul3A_8, %dma_start3A] : memref<10016x144xf32, #tpu.memory_space<vmem_shared>> -> memref<626x144xf32, #tpu.memory_space<vmem_shared>>
      %dma_start3A_33 = arith.constant 0 : i32
      %dma_start3A_34 = tpu.memref_slice %arg7[%mul3A_6, %dma_start3A_33] : memref<10016x144xf32, #tpu.memory_space<hbm>> -> memref<626x144xf32, #tpu.memory_space<hbm>>
      tpu.enqueue_dma source(%dma_start3A_34 : memref<626x144xf32, #tpu.memory_space<hbm>>) target(%dma_start3A_32 : memref<626x144xf32, #tpu.memory_space<vmem_shared>>) target_semaphore(%run_scoped3A : memref<!tpu.dma_semaphore, #tpu.memory_space<semaphore_mem>>)
      %dma_wait3A = arith.constant 0 : i32
      %dma_wait3A_35 = tpu.memref_slice %arg16[%mul3A_8, %dma_wait3A] : memref<10016x144xf32, #tpu.memory_space<vmem_shared>> -> memref<626x144xf32, #tpu.memory_space<vmem_shared>>
      %dma_wait3A_36 = arith.constant 0 : i32
      %dma_wait3A_37 = tpu.memref_slice %arg7[%mul3A_6, %dma_wait3A_36] : memref<10016x144xf32, #tpu.memory_space<hbm>> -> memref<626x144xf32, #tpu.memory_space<hbm>>
      tpu.wait_dma2 semaphore(%run_scoped3A : memref<!tpu.dma_semaphore, #tpu.memory_space<semaphore_mem>>) src(%dma_wait3A_37 : memref<626x144xf32, #tpu.memory_space<hbm>>) dst(%dma_wait3A_35 : memref<626x144xf32, #tpu.memory_space<vmem_shared>>)
      tpu.yield
    }) : () -> ()
    %barrier3A = arith.constant 0 : index
    tpu.barrier barrier_id(%barrier3A)
    "tpu.region"() ({
      %run_scoped3A = tpu.sem_alloc : memref<!tpu.dma_semaphore, #tpu.memory_space<semaphore_mem>>
      tpu.enqueue_dma source(%arg5 : memref<128xbf16, #tpu.memory_space<hbm>>) target(%arg9 : memref<128xbf16, #tpu.memory_space<vmem>>) target_semaphore(%run_scoped3A : memref<!tpu.dma_semaphore, #tpu.memory_space<semaphore_mem>>)
      tpu.wait_dma2 semaphore(%run_scoped3A : memref<!tpu.dma_semaphore, #tpu.memory_space<semaphore_mem>>) src(%arg5 : memref<128xbf16, #tpu.memory_space<hbm>>) dst(%arg9 : memref<128xbf16, #tpu.memory_space<vmem>>)
      tpu.yield
    }) : () -> ()
    "tpu.region"() ({
      %run_scoped3A = tpu.sem_alloc : memref<!tpu.dma_semaphore, #tpu.memory_space<semaphore_mem>>
      tpu.enqueue_dma source(%arg6 : memref<16xf32, #tpu.memory_space<hbm>>) target(%arg10 : memref<16xf32, #tpu.memory_space<vmem>>) target_semaphore(%run_scoped3A : memref<!tpu.dma_semaphore, #tpu.memory_space<semaphore_mem>>)
      tpu.wait_dma2 semaphore(%run_scoped3A : memref<!tpu.dma_semaphore, #tpu.memory_space<semaphore_mem>>) src(%arg6 : memref<16xf32, #tpu.memory_space<hbm>>) dst(%arg10 : memref<16xf32, #tpu.memory_space<vmem>>)
      tpu.yield
    }) : () -> ()
    %get3A = arith.constant 0 : index
    %get3A_9 = tpu.vector_load %arg9[%get3A] {strides = array<i32>} : memref<128xbf16, #tpu.memory_space<vmem>>, vector<32xbf16>,
    %get3A_10 = arith.constant 32 : index
    %get3A_11 = tpu.vector_load %arg9[%get3A_10] {strides = array<i32>} : memref<128xbf16, #tpu.memory_space<vmem>>, vector<32xbf16>,
    %get3A_12 = arith.constant 64 : index
    %get3A_13 = tpu.vector_load %arg9[%get3A_12] {strides = array<i32>} : memref<128xbf16, #tpu.memory_space<vmem>>, vector<32xbf16>,
    %get3A_14 = arith.constant 96 : index
    %get3A_15 = tpu.vector_load %arg9[%get3A_14] {strides = array<i32>} : memref<128xbf16, #tpu.memory_space<vmem>>, vector<32xbf16>,
    %get3A_16 = arith.constant 0 : index
    %get3A_17 = tpu.vector_load %arg10[%get3A_16] {strides = array<i32>} : memref<16xf32, #tpu.memory_space<vmem>>, vector<16xf32>,
    %iota3A = tpu.iota {dimensions = array<i32: 0>} : vector<16xi32>
    %eq3A_18 = arith.constant 0 : i32
    %eq3A_19 = vector.broadcast %eq3A_18 : i32 to vector<16xi32>
    %eq3A_20 = arith.cmpi eq, %iota3A, %eq3A_19 : vector<16xi32>
    %jit3A_21 = arith.constant 1.000000e+00 : f32
    %jit3A_22 = arith.constant 0.000000e+00 : f32
    %broadcast_in_dim3A = vector.broadcast %jit3A_21 : f32 to vector<16xf32>
    %broadcast_in_dim3A_23 = vector.broadcast %jit3A_22 : f32 to vector<16xf32>
    %select_n3A_24 = arith.select %eq3A_20, %broadcast_in_dim3A, %broadcast_in_dim3A_23 : vector<16xi1>, vector<16xf32>
    %gt3A = arith.constant 0 : i32
    %gt3A_25 = arith.cmpi sgt, %select_n3A, %gt3A : i32
    %convert_element_type3A = arith.extui %gt3A_25 : i1 to i32
    %cond3A = arith.constant 0 : i32
    %cond3A_26 = arith.cmpi ne, %convert_element_type3A, %cond3A : i32
    scf.if %cond3A_26 {
      %add3A_32 = arith.constant 0 : i32
      %add3A_33 = arith.addi %add3A, %add3A_32 : i32
      %dma_start3A = arith.constant 0 : i32
      %dma_start3A_34 = arith.constant 0 : i32
      %dma_start3A_35 = arith.constant 0 : i32
      %dma_start3A_36 = tpu.memref_slice %arg11[%dma_start3A, %dma_start3A_34, %dma_start3A_35] : memref<2x2x64xi32, #tpu.memory_space<vmem>> -> memref<1x2x64xi32, #tpu.memory_space<vmem>>
      %dma_start3A_37 = tpu.memref_squeeze %dma_start3A_36 : memref<1x2x64xi32, #tpu.memory_space<vmem>> -> memref<2x64xi32, #tpu.memory_space<vmem>>
      %dma_start3A_38 = arith.constant 0 : i32
      %dma_start3A_39 = arith.constant 0 : i32
      %dma_start3A_40 = tpu.memref_slice %arg4[%add3A_33, %dma_start3A_38, %dma_start3A_39] : memref<5184x2x64xi32, #tpu.memory_space<hbm>> -> memref<1x2x64xi32, #tpu.memory_space<hbm>>
      %dma_start3A_41 = tpu.memref_squeeze %dma_start3A_40 : memref<1x2x64xi32, #tpu.memory_space<hbm>> -> memref<2x64xi32, #tpu.memory_space<hbm>>
      %dma_start3A_42 = arith.constant 0 : i32
      %dma_start3A_43 = arith.constant 0 : i32
      %dma_start3A_44 = tpu.memref_slice %arg11[%dma_start3A, %dma_start3A_42, %dma_start3A_43] : memref<2x2x64xi32, #tpu.memory_space<vmem>> -> memref<1x2x64xi32, #tpu.memory_space<vmem>>
      %dma_start3A_45 = tpu.memref_squeeze %dma_start3A_44 : memref<1x2x64xi32, #tpu.memory_space<vmem>> -> memref<2x64xi32, #tpu.memory_space<vmem>>
      %dma_start3A_46 = arith.constant 0 : i32
      %dma_start3A_47 = arith.constant 0 : i32
      %dma_start3A_48 = tpu.memref_slice %arg4[%add3A_33, %dma_start3A_46, %dma_start3A_47] : memref<5184x2x64xi32, #tpu.memory_space<hbm>> -> memref<1x2x64xi32, #tpu.memory_space<hbm>>
      %dma_start3A_49 = tpu.memref_squeeze %dma_start3A_48 : memref<1x2x64xi32, #tpu.memory_space<hbm>> -> memref<2x64xi32, #tpu.memory_space<hbm>>
      tpu.enqueue_dma source(%dma_start3A_49 : memref<2x64xi32, #tpu.memory_space<hbm>>) target(%dma_start3A_45 : memref<2x64xi32, #tpu.memory_space<vmem>>) target_semaphore(%arg23 : memref<!tpu.dma_semaphore, #tpu.memory_space<semaphore_mem>>)
      %add3A_50 = arith.constant 0 : i32
      %add3A_51 = arith.addi %add3A, %add3A_50 : i32
      %dma_wait3A = arith.constant 0 : i32
      %dma_wait3A_52 = arith.constant 0 : i32
      %dma_wait3A_53 = arith.constant 0 : i32
      %dma_wait3A_54 = tpu.memref_slice %arg11[%dma_wait3A, %dma_wait3A_52, %dma_wait3A_53] : memref<2x2x64xi32, #tpu.memory_space<vmem>> -> memref<1x2x64xi32, #tpu.memory_space<vmem>>
      %dma_wait3A_55 = tpu.memref_squeeze %dma_wait3A_54 : memref<1x2x64xi32, #tpu.memory_space<vmem>> -> memref<2x64xi32, #tpu.memory_space<vmem>>
      %dma_wait3A_56 = arith.constant 0 : i32
      %dma_wait3A_57 = arith.constant 0 : i32
      %dma_wait3A_58 = tpu.memref_slice %arg4[%add3A_51, %dma_wait3A_56, %dma_wait3A_57] : memref<5184x2x64xi32, #tpu.memory_space<hbm>> -> memref<1x2x64xi32, #tpu.memory_space<hbm>>
      %dma_wait3A_59 = tpu.memref_squeeze %dma_wait3A_58 : memref<1x2x64xi32, #tpu.memory_space<hbm>> -> memref<2x64xi32, #tpu.memory_space<hbm>>
      %dma_wait3A_60 = arith.constant 0 : i32
      %dma_wait3A_61 = arith.constant 0 : i32
      %dma_wait3A_62 = tpu.memref_slice %arg11[%dma_wait3A, %dma_wait3A_60, %dma_wait3A_61] : memref<2x2x64xi32, #tpu.memory_space<vmem>> -> memref<1x2x64xi32, #tpu.memory_space<vmem>>
      %dma_wait3A_63 = tpu.memref_squeeze %dma_wait3A_62 : memref<1x2x64xi32, #tpu.memory_space<vmem>> -> memref<2x64xi32, #tpu.memory_space<vmem>>
      %dma_wait3A_64 = arith.constant 0 : i32
      %dma_wait3A_65 = arith.constant 0 : i32
      %dma_wait3A_66 = tpu.memref_slice %arg4[%add3A_51, %dma_wait3A_64, %dma_wait3A_65] : memref<5184x2x64xi32, #tpu.memory_space<hbm>> -> memref<1x2x64xi32, #tpu.memory_space<hbm>>
      %dma_wait3A_67 = tpu.memref_squeeze %dma_wait3A_66 : memref<1x2x64xi32, #tpu.memory_space<hbm>> -> memref<2x64xi32, #tpu.memory_space<hbm>>
      tpu.wait_dma2 semaphore(%arg23 : memref<!tpu.dma_semaphore, #tpu.memory_space<semaphore_mem>>) src(%dma_wait3A_67 : memref<2x64xi32, #tpu.memory_space<hbm>>) dst(%dma_wait3A_63 : memref<2x64xi32, #tpu.memory_space<vmem>>)
      %gt3A_68 = arith.constant 1 : i32
      %gt3A_69 = arith.cmpi sgt, %select_n3A, %gt3A_68 : i32
      %convert_element_type3A_70 = arith.extui %gt3A_69 : i1 to i32
      %cond3A_71 = arith.constant 0 : i32
      %cond3A_72 = arith.cmpi ne, %convert_element_type3A_70, %cond3A_71 : i32
      scf.if %cond3A_72 {
        %add3A_119 = arith.constant 1 : i32
        %add3A_120 = arith.addi %add3A, %add3A_119 : i32
        %dma_start3A_121 = arith.constant 1 : i32
        %dma_start3A_122 = arith.constant 0 : i32
        %dma_start3A_123 = arith.constant 0 : i32
        %dma_start3A_124 = tpu.memref_slice %arg11[%dma_start3A_121, %dma_start3A_122, %dma_start3A_123] : memref<2x2x64xi32, #tpu.memory_space<vmem>> -> memref<1x2x64xi32, #tpu.memory_space<vmem>>
        %dma_start3A_125 = tpu.memref_squeeze %dma_start3A_124 : memref<1x2x64xi32, #tpu.memory_space<vmem>> -> memref<2x64xi32, #tpu.memory_space<vmem>>
        %dma_start3A_126 = arith.constant 0 : i32
        %dma_start3A_127 = arith.constant 0 : i32
        %dma_start3A_128 = tpu.memref_slice %arg4[%add3A_120, %dma_start3A_126, %dma_start3A_127] : memref<5184x2x64xi32, #tpu.memory_space<hbm>> -> memref<1x2x64xi32, #tpu.memory_space<hbm>>
        %dma_start3A_129 = tpu.memref_squeeze %dma_start3A_128 : memref<1x2x64xi32, #tpu.memory_space<hbm>> -> memref<2x64xi32, #tpu.memory_space<hbm>>
        %dma_start3A_130 = arith.constant 0 : i32
        %dma_start3A_131 = arith.constant 0 : i32
        %dma_start3A_132 = tpu.memref_slice %arg11[%dma_start3A_121, %dma_start3A_130, %dma_start3A_131] : memref<2x2x64xi32, #tpu.memory_space<vmem>> -> memref<1x2x64xi32, #tpu.memory_space<vmem>>
        %dma_start3A_133 = tpu.memref_squeeze %dma_start3A_132 : memref<1x2x64xi32, #tpu.memory_space<vmem>> -> memref<2x64xi32, #tpu.memory_space<vmem>>
        %dma_start3A_134 = arith.constant 0 : i32
        %dma_start3A_135 = arith.constant 0 : i32
        %dma_start3A_136 = tpu.memref_slice %arg4[%add3A_120, %dma_start3A_134, %dma_start3A_135] : memref<5184x2x64xi32, #tpu.memory_space<hbm>> -> memref<1x2x64xi32, #tpu.memory_space<hbm>>
        %dma_start3A_137 = tpu.memref_squeeze %dma_start3A_136 : memref<1x2x64xi32, #tpu.memory_space<hbm>> -> memref<2x64xi32, #tpu.memory_space<hbm>>
        tpu.enqueue_dma source(%dma_start3A_137 : memref<2x64xi32, #tpu.memory_space<hbm>>) target(%dma_start3A_133 : memref<2x64xi32, #tpu.memory_space<vmem>>) target_semaphore(%arg24 : memref<!tpu.dma_semaphore, #tpu.memory_space<semaphore_mem>>)
      } else {
      }
      %dma_start3A_73 = arith.constant 0 : i32
      %dma_start3A_74 = arith.constant 0 : i32
      %dma_start3A_75 = arith.constant 0 : i32
      %dma_start3A_76 = tpu.memref_slice %arg11[%dma_start3A_73, %dma_start3A_74, %dma_start3A_75] : memref<2x2x64xi32, #tpu.memory_space<vmem>> -> memref<1x1x64xi32, #tpu.memory_space<vmem>>
      %dma_start3A_77 = tpu.memref_squeeze %dma_start3A_76 : memref<1x1x64xi32, #tpu.memory_space<vmem>> -> memref<64xi32, #tpu.memory_space<vmem>>
      %dma_start3A_78 = arith.constant 0 : i32
      %dma_start3A_79 = arith.constant 0 : i32
      %dma_start3A_80 = tpu.memref_slice %arg2[%dma_start3A_78, %dma_start3A_79] : memref<10000x128xbf16, #tpu.memory_space<hbm>> -> memref<10000x128xbf16, #tpu.memory_space<hbm>>
      tpu.enqueue_indirect_dma source(%dma_start3A_80 : memref<10000x128xbf16, #tpu.memory_space<hbm>>) target(%arg17 : memref<64x128xbf16, #tpu.memory_space<vmem>>) offsets(%dma_start3A_77 : memref<64xi32, #tpu.memory_space<vmem>>) semaphore(%arg25 : memref<!tpu.dma_semaphore, #tpu.memory_space<semaphore_mem>>)
      %dma_start3A_81 = arith.constant 0 : i32
      %dma_start3A_82 = arith.constant 1 : i32
      %dma_start3A_83 = arith.constant 0 : i32
      %dma_start3A_84 = tpu.memref_slice %arg11[%dma_start3A_81, %dma_start3A_82, %dma_start3A_83] : memref<2x2x64xi32, #tpu.memory_space<vmem>> -> memref<1x1x64xi32, #tpu.memory_space<vmem>>
      %dma_start3A_85 = tpu.memref_squeeze %dma_start3A_84 : memref<1x1x64xi32, #tpu.memory_space<vmem>> -> memref<64xi32, #tpu.memory_space<vmem>>
      %dma_start3A_86 = arith.constant 0 : i32
      %dma_start3A_87 = arith.constant 0 : i32
      %dma_start3A_88 = tpu.memref_slice %arg3[%dma_start3A_86, %dma_start3A_87] : memref<10016x128xbf16, #tpu.memory_space<hbm>> -> memref<10016x128xbf16, #tpu.memory_space<hbm>>
      tpu.enqueue_indirect_dma source(%dma_start3A_88 : memref<10016x128xbf16, #tpu.memory_space<hbm>>) target(%arg19 : memref<64x128xbf16, #tpu.memory_space<vmem>>) offsets(%dma_start3A_85 : memref<64xi32, #tpu.memory_space<vmem>>) semaphore(%arg27 : memref<!tpu.dma_semaphore, #tpu.memory_space<semaphore_mem>>)
      %jit3A_89 = arith.constant 2 : i32
      %div3A = arith.divsi %select_n3A, %jit3A_89 : i32
      %sign3A = arith.constant 0 : i32
      %sign3A_90 = arith.cmpi sgt, %select_n3A, %sign3A : i32
      %sign3A_91 = arith.extui %sign3A_90 : i1 to i32
      %sign3A_92 = arith.constant 0 : i32
      %sign3A_93 = arith.cmpi slt, %select_n3A, %sign3A_92 : i32
      %sign3A_94 = arith.extui %sign3A_93 : i1 to i32
      %sign3A_95 = arith.subi %sign3A_91, %sign3A_94 : i32
      %sign3A_96 = arith.constant 0 : i32
      %sign3A_97 = arith.cmpi sgt, %jit3A_89, %sign3A_96 : i32
      %sign3A_98 = arith.extui %sign3A_97 : i1 to i32
      %sign3A_99 = arith.constant 0 : i32
      %sign3A_100 = arith.cmpi slt, %jit3A_89, %sign3A_99 : i32
      %sign3A_101 = arith.extui %sign3A_100 : i1 to i32
      %sign3A_102 = arith.subi %sign3A_98, %sign3A_101 : i32
      %ne3A = arith.cmpi ne, %sign3A_95, %sign3A_102 : i32
      %rem3A = arith.remsi %select_n3A, %jit3A_89 : i32
      %ne3A_103 = arith.constant 0 : i32
      %ne3A_104 = arith.cmpi ne, %rem3A, %ne3A_103 : i32
      %and3A = arith.andi %ne3A, %ne3A_104 : i1
      %sub3A = arith.constant 1 : i32
      %sub3A_105 = arith.subi %div3A, %sub3A : i32
      %select_n3A_106 = arith.select %and3A, %sub3A_105, %div3A : i32
      %while3A = arith.constant 0 : i32
      %while3A_107 = arith.constant 0 : i32
      %while3A_108 = arith.subi %select_n3A_106, %while3A_107 : i32
      %while3A_109 = arith.addi %while3A_107, %while3A_108 : i32
      %while3A_110 = arith.constant 1 : i32
      %while3A_111 = arith.divsi %while3A_108, %while3A_110 : i32
      %while3A_112 = arith.muli %while3A_111, %while3A_110 : i32
      %while3A_113 = arith.addi %while3A_107, %while3A_112 : i32
      %while3A_114 = arith.constant 1 : i32
      scf.for %while3A_119 = %while3A_107 to %while3A_113 step %while3A_114  : i32 {
        %mul3A_120 = arith.constant 2 : i32
        %mul3A_121 = arith.muli %while3A_119, %mul3A_120 : i32
        %add3A_122 = arith.constant 0 : i32
        %add3A_123 = arith.addi %mul3A_121, %add3A_122 : i32
        %ge3A = arith.constant 1 : i32
        %ge3A_124 = arith.cmpi sge, %add3A_123, %ge3A : i32
        %convert_element_type3A_125 = arith.extui %ge3A_124 : i1 to i32
        %cond3A_126 = arith.constant 0 : i32
        %cond3A_127 = arith.cmpi ne, %convert_element_type3A_125, %cond3A_126 : i32
        scf.if %cond3A_127 {
          %dma_wait3A_233 = arith.constant 0 : i32
          %dma_wait3A_234 = arith.constant 0 : i32
          %dma_wait3A_235 = tpu.memref_slice %arg16[%dma_wait3A_233, %dma_wait3A_234] : memref<10016x144xf32, #tpu.memory_space<vmem_shared>> -> memref<10016x144xf32, #tpu.memory_space<vmem_shared>>
          tpu.wait_indirect_dma semaphore(%arg30 : memref<!tpu.dma_semaphore, #tpu.memory_space<semaphore_mem>>) src(%arg22 : memref<64x144xf32, #tpu.memory_space<vmem>>) dst(%dma_wait3A_235 : memref<10016x144xf32, #tpu.memory_space<vmem_shared>>)
        } else {
        }
        %add3A_128 = arith.constant 1 : i32
        %add3A_129 = arith.addi %add3A_123, %add3A_128 : i32
        %lt3A = arith.cmpi slt, %add3A_129, %select_n3A : i32
        %convert_element_type3A_130 = arith.extui %lt3A : i1 to i32
        %cond3A_131 = arith.constant 0 : i32
        %cond3A_132 = arith.cmpi ne, %convert_element_type3A_130, %cond3A_131 : i32
        scf.if %cond3A_132 {
          %add3A_233 = arith.constant 1 : i32
          %add3A_234 = arith.addi %add3A_123, %add3A_233 : i32
          %add3A_235 = arith.addi %add3A, %add3A_234 : i32
          %dma_wait3A_236 = arith.constant 1 : i32
          %dma_wait3A_237 = arith.constant 0 : i32
          %dma_wait3A_238 = arith.constant 0 : i32
          %dma_wait3A_239 = tpu.memref_slice %arg11[%dma_wait3A_236, %dma_wait3A_237, %dma_wait3A_238] : memref<2x2x64xi32, #tpu.memory_space<vmem>> -> memref<1x2x64xi32, #tpu.memory_space<vmem>>
          %dma_wait3A_240 = tpu.memref_squeeze %dma_wait3A_239 : memref<1x2x64xi32, #tpu.memory_space<vmem>> -> memref<2x64xi32, #tpu.memory_space<vmem>>
          %dma_wait3A_241 = arith.constant 0 : i32
          %dma_wait3A_242 = arith.constant 0 : i32
          %dma_wait3A_243 = tpu.memref_slice %arg4[%add3A_235, %dma_wait3A_241, %dma_wait3A_242] : memref<5184x2x64xi32, #tpu.memory_space<hbm>> -> memref<1x2x64xi32, #tpu.memory_space<hbm>>
          %dma_wait3A_244 = tpu.memref_squeeze %dma_wait3A_243 : memref<1x2x64xi32, #tpu.memory_space<hbm>> -> memref<2x64xi32, #tpu.memory_space<hbm>>
          %dma_wait3A_245 = arith.constant 0 : i32
          %dma_wait3A_246 = arith.constant 0 : i32
          %dma_wait3A_247 = tpu.memref_slice %arg11[%dma_wait3A_236, %dma_wait3A_245, %dma_wait3A_246] : memref<2x2x64xi32, #tpu.memory_space<vmem>> -> memref<1x2x64xi32, #tpu.memory_space<vmem>>
          %dma_wait3A_248 = tpu.memref_squeeze %dma_wait3A_247 : memref<1x2x64xi32, #tpu.memory_space<vmem>> -> memref<2x64xi32, #tpu.memory_space<vmem>>
          %dma_wait3A_249 = arith.constant 0 : i32
          %dma_wait3A_250 = arith.constant 0 : i32
          %dma_wait3A_251 = tpu.memref_slice %arg4[%add3A_235, %dma_wait3A_249, %dma_wait3A_250] : memref<5184x2x64xi32, #tpu.memory_space<hbm>> -> memref<1x2x64xi32, #tpu.memory_space<hbm>>
          %dma_wait3A_252 = tpu.memref_squeeze %dma_wait3A_251 : memref<1x2x64xi32, #tpu.memory_space<hbm>> -> memref<2x64xi32, #tpu.memory_space<hbm>>
          tpu.wait_dma2 semaphore(%arg24 : memref<!tpu.dma_semaphore, #tpu.memory_space<semaphore_mem>>) src(%dma_wait3A_252 : memref<2x64xi32, #tpu.memory_space<hbm>>) dst(%dma_wait3A_248 : memref<2x64xi32, #tpu.memory_space<vmem>>)
          %add3A_253 = arith.constant 1 : i32
          %add3A_254 = arith.addi %add3A_123, %add3A_253 : i32
          %dma_start3A_255 = arith.constant 1 : i32
          %dma_start3A_256 = arith.constant 0 : i32
          %dma_start3A_257 = arith.constant 0 : i32
          %dma_start3A_258 = tpu.memref_slice %arg11[%dma_start3A_255, %dma_start3A_256, %dma_start3A_257] : memref<2x2x64xi32, #tpu.memory_space<vmem>> -> memref<1x1x64xi32, #tpu.memory_space<vmem>>
          %dma_start3A_259 = tpu.memref_squeeze %dma_start3A_258 : memref<1x1x64xi32, #tpu.memory_space<vmem>> -> memref<64xi32, #tpu.memory_space<vmem>>
          %dma_start3A_260 = arith.constant 0 : i32
          %dma_start3A_261 = arith.constant 0 : i32
          %dma_start3A_262 = tpu.memref_slice %arg2[%dma_start3A_260, %dma_start3A_261] : memref<10000x128xbf16, #tpu.memory_space<hbm>> -> memref<10000x128xbf16, #tpu.memory_space<hbm>>
          tpu.enqueue_indirect_dma source(%dma_start3A_262 : memref<10000x128xbf16, #tpu.memory_space<hbm>>) target(%arg18 : memref<64x128xbf16, #tpu.memory_space<vmem>>) offsets(%dma_start3A_259 : memref<64xi32, #tpu.memory_space<vmem>>) semaphore(%arg26 : memref<!tpu.dma_semaphore, #tpu.memory_space<semaphore_mem>>)
          %dma_start3A_263 = arith.constant 1 : i32
          %dma_start3A_264 = arith.constant 1 : i32
          %dma_start3A_265 = arith.constant 0 : i32
          %dma_start3A_266 = tpu.memref_slice %arg11[%dma_start3A_263, %dma_start3A_264, %dma_start3A_265] : memref<2x2x64xi32, #tpu.memory_space<vmem>> -> memref<1x1x64xi32, #tpu.memory_space<vmem>>
          %dma_start3A_267 = tpu.memref_squeeze %dma_start3A_266 : memref<1x1x64xi32, #tpu.memory_space<vmem>> -> memref<64xi32, #tpu.memory_space<vmem>>
          %dma_start3A_268 = arith.constant 0 : i32
          %dma_start3A_269 = arith.constant 0 : i32
          %dma_start3A_270 = tpu.memref_slice %arg3[%dma_start3A_268, %dma_start3A_269] : memref<10016x128xbf16, #tpu.memory_space<hbm>> -> memref<10016x128xbf16, #tpu.memory_space<hbm>>
          tpu.enqueue_indirect_dma source(%dma_start3A_270 : memref<10016x128xbf16, #tpu.memory_space<hbm>>) target(%arg20 : memref<64x128xbf16, #tpu.memory_space<vmem>>) offsets(%dma_start3A_267 : memref<64xi32, #tpu.memory_space<vmem>>) semaphore(%arg28 : memref<!tpu.dma_semaphore, #tpu.memory_space<semaphore_mem>>)
        } else {
        }
        %dma_wait3A_133 = arith.constant 0 : i32
        %dma_wait3A_134 = arith.constant 0 : i32
        %dma_wait3A_135 = arith.constant 0 : i32
        %dma_wait3A_136 = tpu.memref_slice %arg11[%dma_wait3A_133, %dma_wait3A_134, %dma_wait3A_135] : memref<2x2x64xi32, #tpu.memory_space<vmem>> -> memref<1x1x64xi32, #tpu.memory_space<vmem>>
        %dma_wait3A_137 = tpu.memref_squeeze %dma_wait3A_136 : memref<1x1x64xi32, #tpu.memory_space<vmem>> -> memref<64xi32, #tpu.memory_space<vmem>>
        %dma_wait3A_138 = arith.constant 0 : i32
        %dma_wait3A_139 = arith.constant 0 : i32
        %dma_wait3A_140 = tpu.memref_slice %arg2[%dma_wait3A_138, %dma_wait3A_139] : memref<10000x128xbf16, #tpu.memory_space<hbm>> -> memref<10000x128xbf16, #tpu.memory_space<hbm>>
        tpu.wait_indirect_dma semaphore(%arg25 : memref<!tpu.dma_semaphore, #tpu.memory_space<semaphore_mem>>) src(%dma_wait3A_140 : memref<10000x128xbf16, #tpu.memory_space<hbm>>) dst(%arg17 : memref<64x128xbf16, #tpu.memory_space<vmem>>)
        %dma_wait3A_141 = arith.constant 0 : i32
        %dma_wait3A_142 = arith.constant 1 : i32
        %dma_wait3A_143 = arith.constant 0 : i32
        %dma_wait3A_144 = tpu.memref_slice %arg11[%dma_wait3A_141, %dma_wait3A_142, %dma_wait3A_143] : memref<2x2x64xi32, #tpu.memory_space<vmem>> -> memref<1x1x64xi32, #tpu.memory_space<vmem>>
        %dma_wait3A_145 = tpu.memref_squeeze %dma_wait3A_144 : memref<1x1x64xi32, #tpu.memory_space<vmem>> -> memref<64xi32, #tpu.memory_space<vmem>>
        %dma_wait3A_146 = arith.constant 0 : i32
        %dma_wait3A_147 = arith.constant 0 : i32
        %dma_wait3A_148 = tpu.memref_slice %arg3[%dma_wait3A_146, %dma_wait3A_147] : memref<10016x128xbf16, #tpu.memory_space<hbm>> -> memref<10016x128xbf16, #tpu.memory_space<hbm>>
        tpu.wait_indirect_dma semaphore(%arg27 : memref<!tpu.dma_semaphore, #tpu.memory_space<semaphore_mem>>) src(%dma_wait3A_148 : memref<10016x128xbf16, #tpu.memory_space<hbm>>) dst(%arg19 : memref<64x128xbf16, #tpu.memory_space<vmem>>)
        %scan3A = arith.constant 0 : i32
        %scan3A_149 = arith.constant 0 : i32
        %scan3A_150 = arith.constant 4 : i32
        %scan3A_151 = arith.addi %scan3A_149, %scan3A_150 : i32
        %scan3A_152 = arith.constant 1 : i32
        scf.for %scan3A_233 = %scan3A_149 to %scan3A_151 step %scan3A_152  : i32 {
          %mul3A_234 = arith.constant 16 : i32
          %mul3A_235 = arith.muli %scan3A_233, %mul3A_234 : i32
          %get3A_236 = arith.constant 0 : i32
          %get3A_237 = arith.constant 1 : i32
          %get3A_238 = arith.index_cast %get3A_236 : i32 to index
          %get3A_239 = arith.index_cast %get3A_237 : i32 to index
          %get3A_240 = arith.index_cast %mul3A_235 : i32 to index
          %get3A_241 = tpu.vector_load %arg11[%get3A_238, %get3A_239, %get3A_240] {strides = array<i32>} : memref<2x2x64xi32, #tpu.memory_space<vmem>>, vector<16xi32>,
          %swap3A = arith.index_cast %mul3A_235 : i32 to index
          %swap3A_242 = tpu.vector_load %arg12[%swap3A] {strides = array<i32>} : memref<64xi32, #tpu.memory_space<vmem>>, vector<16xi32>,
          tpu.vector_store %arg12[%swap3A], %get3A_241 {strides = array<i32>} : memref<64xi32, #tpu.memory_space<vmem>>, vector<16xi32>,
        }
        %scan3A_153 = arith.constant 4 : i32
        %add3A_154 = arith.constant 2 : i32
        %add3A_155 = arith.addi %add3A_123, %add3A_154 : i32
        %lt3A_156 = arith.cmpi slt, %add3A_155, %select_n3A : i32
        %convert_element_type3A_157 = arith.extui %lt3A_156 : i1 to i32
        %cond3A_158 = arith.constant 0 : i32
        %cond3A_159 = arith.cmpi ne, %convert_element_type3A_157, %cond3A_158 : i32
        scf.if %cond3A_159 {
          %add3A_233 = arith.constant 2 : i32
          %add3A_234 = arith.addi %add3A_123, %add3A_233 : i32
          %add3A_235 = arith.addi %add3A, %add3A_234 : i32
          %dma_start3A_236 = arith.constant 0 : i32
          %dma_start3A_237 = arith.constant 0 : i32
          %dma_start3A_238 = arith.constant 0 : i32
          %dma_start3A_239 = tpu.memref_slice %arg11[%dma_start3A_236, %dma_start3A_237, %dma_start3A_238] : memref<2x2x64xi32, #tpu.memory_space<vmem>> -> memref<1x2x64xi32, #tpu.memory_space<vmem>>
          %dma_start3A_240 = tpu.memref_squeeze %dma_start3A_239 : memref<1x2x64xi32, #tpu.memory_space<vmem>> -> memref<2x64xi32, #tpu.memory_space<vmem>>
          %dma_start3A_241 = arith.constant 0 : i32
          %dma_start3A_242 = arith.constant 0 : i32
          %dma_start3A_243 = tpu.memref_slice %arg4[%add3A_235, %dma_start3A_241, %dma_start3A_242] : memref<5184x2x64xi32, #tpu.memory_space<hbm>> -> memref<1x2x64xi32, #tpu.memory_space<hbm>>
          %dma_start3A_244 = tpu.memref_squeeze %dma_start3A_243 : memref<1x2x64xi32, #tpu.memory_space<hbm>> -> memref<2x64xi32, #tpu.memory_space<hbm>>
          %dma_start3A_245 = arith.constant 0 : i32
          %dma_start3A_246 = arith.constant 0 : i32
          %dma_start3A_247 = tpu.memref_slice %arg11[%dma_start3A_236, %dma_start3A_245, %dma_start3A_246] : memref<2x2x64xi32, #tpu.memory_space<vmem>> -> memref<1x2x64xi32, #tpu.memory_space<vmem>>
          %dma_start3A_248 = tpu.memref_squeeze %dma_start3A_247 : memref<1x2x64xi32, #tpu.memory_space<vmem>> -> memref<2x64xi32, #tpu.memory_space<vmem>>
          %dma_start3A_249 = arith.constant 0 : i32
          %dma_start3A_250 = arith.constant 0 : i32
          %dma_start3A_251 = tpu.memref_slice %arg4[%add3A_235, %dma_start3A_249, %dma_start3A_250] : memref<5184x2x64xi32, #tpu.memory_space<hbm>> -> memref<1x2x64xi32, #tpu.memory_space<hbm>>
          %dma_start3A_252 = tpu.memref_squeeze %dma_start3A_251 : memref<1x2x64xi32, #tpu.memory_space<hbm>> -> memref<2x64xi32, #tpu.memory_space<hbm>>
          tpu.enqueue_dma source(%dma_start3A_252 : memref<2x64xi32, #tpu.memory_space<hbm>>) target(%dma_start3A_248 : memref<2x64xi32, #tpu.memory_space<vmem>>) target_semaphore(%arg23 : memref<!tpu.dma_semaphore, #tpu.memory_space<semaphore_mem>>)
        } else {
        }
        %scan3A_160 = arith.constant 0 : i32
        %scan3A_161 = arith.constant 0 : i32
        %scan3A_162 = arith.constant 4 : i32
        %scan3A_163 = arith.addi %scan3A_161, %scan3A_162 : i32
        %scan3A_164 = arith.constant 1 : i32
        scf.for %scan3A_233 = %scan3A_161 to %scan3A_163 step %scan3A_164  : i32 {
          %scan3A_234 = arith.constant 0 : i32
          %scan3A_235 = arith.constant 0 : i32
          %scan3A_236 = arith.constant 4 : i32
          %scan3A_237 = arith.addi %scan3A_235, %scan3A_236 : i32
          %scan3A_238 = arith.constant 1 : i32
          scf.for %scan3A_328 = %scan3A_235 to %scan3A_237 step %scan3A_238  : i32 {
            %mul3A_329 = arith.constant 16 : i32
            %mul3A_330 = arith.muli %scan3A_233, %mul3A_329 : i32
            %mul3A_331 = arith.constant 4 : i32
            %mul3A_332 = arith.muli %scan3A_328, %mul3A_331 : i32
            %add3A_333 = arith.addi %mul3A_330, %mul3A_332 : i32
            %add3A_334 = arith.constant 0 : i32
            %add3A_335 = arith.addi %add3A_333, %add3A_334 : i32
            %broadcast_in_dim3A_336 = arith.constant 0.000000e+00 : f32
            %broadcast_in_dim3A_337 = vector.broadcast %broadcast_in_dim3A_336 : f32 to vector<16xf32>
            %get3A_338 = arith.index_cast %add3A_335 : i32 to index
            %get3A_339 = arith.constant 0 : index
            %get3A_340 = tpu.vector_load %arg17[%get3A_338, %get3A_339] {strides = array<i32>} : memref<64x128xbf16, #tpu.memory_space<vmem>>, vector<32xbf16>,
            %get3A_341 = arith.index_cast %add3A_335 : i32 to index
            %get3A_342 = arith.constant 0 : index
            %get3A_343 = tpu.vector_load %arg19[%get3A_341, %get3A_342] {strides = array<i32>} : memref<64x128xbf16, #tpu.memory_space<vmem>>, vector<32xbf16>,
            %add3A_344 = arith.addf %get3A_340, %get3A_343 : vector<32xbf16>
            %mul3A_345 = arith.constant 2.001950e-01 : bf16
            %mul3A_346 = vector.broadcast %mul3A_345 : bf16 to vector<32xbf16>
            %mul3A_347 = arith.mulf %mul3A_346, %add3A_344 : vector<32xbf16>
            %max3A = arith.maximumf %add3A_344, %mul3A_347 : vector<32xbf16>
            %mul3A_348 = arith.mulf %get3A_9, %max3A : vector<32xbf16>
            %unpack3A = tpu.unpack_subelements %mul3A_348, 0 {pack_format = #tpu.pack_format<interleaved>} : vector<32xbf16> -> vector<16xf32>
            %unpack3A_349 = tpu.unpack_subelements %mul3A_348, 1 {pack_format = #tpu.pack_format<interleaved>} : vector<32xbf16> -> vector<16xf32>
            %add3A_350 = arith.addf %broadcast_in_dim3A_337, %unpack3A : vector<16xf32>
            %add3A_351 = arith.addf %add3A_350, %unpack3A_349 : vector<16xf32>
            %get3A_352 = arith.index_cast %add3A_335 : i32 to index
            %get3A_353 = arith.constant 32 : index
            %get3A_354 = tpu.vector_load %arg17[%get3A_352, %get3A_353] {strides = array<i32>} : memref<64x128xbf16, #tpu.memory_space<vmem>>, vector<32xbf16>,
            %get3A_355 = arith.index_cast %add3A_335 : i32 to index
            %get3A_356 = arith.constant 32 : index
            %get3A_357 = tpu.vector_load %arg19[%get3A_355, %get3A_356] {strides = array<i32>} : memref<64x128xbf16, #tpu.memory_space<vmem>>, vector<32xbf16>,
            %add3A_358 = arith.addf %get3A_354, %get3A_357 : vector<32xbf16>
            %mul3A_359 = arith.constant 2.001950e-01 : bf16
            %mul3A_360 = vector.broadcast %mul3A_359 : bf16 to vector<32xbf16>
            %mul3A_361 = arith.mulf %mul3A_360, %add3A_358 : vector<32xbf16>
            %max3A_362 = arith.maximumf %add3A_358, %mul3A_361 : vector<32xbf16>
            %mul3A_363 = arith.mulf %get3A_11, %max3A_362 : vector<32xbf16>
            %unpack3A_364 = tpu.unpack_subelements %mul3A_363, 0 {pack_format = #tpu.pack_format<interleaved>} : vector<32xbf16> -> vector<16xf32>
            %unpack3A_365 = tpu.unpack_subelements %mul3A_363, 1 {pack_format = #tpu.pack_format<interleaved>} : vector<32xbf16> -> vector<16xf32>
            %add3A_366 = arith.addf %add3A_351, %unpack3A_364 : vector<16xf32>
            %add3A_367 = arith.addf %add3A_366, %unpack3A_365 : vector<16xf32>
            %get3A_368 = arith.index_cast %add3A_335 : i32 to index
            %get3A_369 = arith.constant 64 : index
            %get3A_370 = tpu.vector_load %arg17[%get3A_368, %get3A_369] {strides = array<i32>} : memref<64x128xbf16, #tpu.memory_space<vmem>>, vector<32xbf16>,
            %get3A_371 = arith.index_cast %add3A_335 : i32 to index
            %get3A_372 = arith.constant 64 : index
            %get3A_373 = tpu.vector_load %arg19[%get3A_371, %get3A_372] {strides = array<i32>} : memref<64x128xbf16, #tpu.memory_space<vmem>>, vector<32xbf16>,
            %add3A_374 = arith.addf %get3A_370, %get3A_373 : vector<32xbf16>
            %mul3A_375 = arith.constant 2.001950e-01 : bf16
            %mul3A_376 = vector.broadcast %mul3A_375 : bf16 to vector<32xbf16>
            %mul3A_377 = arith.mulf %mul3A_376, %add3A_374 : vector<32xbf16>
            %max3A_378 = arith.maximumf %add3A_374, %mul3A_377 : vector<32xbf16>
            %mul3A_379 = arith.mulf %get3A_13, %max3A_378 : vector<32xbf16>
            %unpack3A_380 = tpu.unpack_subelements %mul3A_379, 0 {pack_format = #tpu.pack_format<interleaved>} : vector<32xbf16> -> vector<16xf32>
            %unpack3A_381 = tpu.unpack_subelements %mul3A_379, 1 {pack_format = #tpu.pack_format<interleaved>} : vector<32xbf16> -> vector<16xf32>
            %add3A_382 = arith.addf %add3A_367, %unpack3A_380 : vector<16xf32>
            %add3A_383 = arith.addf %add3A_382, %unpack3A_381 : vector<16xf32>
            %get3A_384 = arith.index_cast %add3A_335 : i32 to index
            %get3A_385 = arith.constant 96 : index
            %get3A_386 = tpu.vector_load %arg17[%get3A_384, %get3A_385] {strides = array<i32>} : memref<64x128xbf16, #tpu.memory_space<vmem>>, vector<32xbf16>,
            %get3A_387 = arith.index_cast %add3A_335 : i32 to index
            %get3A_388 = arith.constant 96 : index
            %get3A_389 = tpu.vector_load %arg19[%get3A_387, %get3A_388] {strides = array<i32>} : memref<64x128xbf16, #tpu.memory_space<vmem>>, vector<32xbf16>,
            %add3A_390 = arith.addf %get3A_386, %get3A_389 : vector<32xbf16>
            %mul3A_391 = arith.constant 2.001950e-01 : bf16
            %mul3A_392 = vector.broadcast %mul3A_391 : bf16 to vector<32xbf16>
            %mul3A_393 = arith.mulf %mul3A_392, %add3A_390 : vector<32xbf16>
            %max3A_394 = arith.maximumf %add3A_390, %mul3A_393 : vector<32xbf16>
            %mul3A_395 = arith.mulf %get3A_15, %max3A_394 : vector<32xbf16>
            %unpack3A_396 = tpu.unpack_subelements %mul3A_395, 0 {pack_format = #tpu.pack_format<interleaved>} : vector<32xbf16> -> vector<16xf32>
            %unpack3A_397 = tpu.unpack_subelements %mul3A_395, 1 {pack_format = #tpu.pack_format<interleaved>} : vector<32xbf16> -> vector<16xf32>
            %add3A_398 = arith.addf %add3A_383, %unpack3A_396 : vector<16xf32>
            %add3A_399 = arith.addf %add3A_398, %unpack3A_397 : vector<16xf32>
            %mul3A_400 = arith.constant 4 : i32
            %mul3A_401 = arith.muli %scan3A_328, %mul3A_400 : i32
            %add3A_402 = arith.constant 0 : i32
            %add3A_403 = arith.addi %mul3A_401, %add3A_402 : i32
            %mul3A_404 = arith.constant 16 : i32
            %mul3A_405 = arith.muli %add3A_403, %mul3A_404 : i32
            %swap3A_406 = arith.index_cast %mul3A_405 : i32 to index
            %swap3A_407 = tpu.vector_load %arg15[%swap3A_406] {strides = array<i32>} : memref<256xf32, #tpu.memory_space<vmem>>, vector<16xf32>,
            tpu.vector_store %arg15[%swap3A_406], %add3A_399 {strides = array<i32>} : memref<256xf32, #tpu.memory_space<vmem>>, vector<16xf32>,
            %mul3A_408 = arith.constant 16 : i32
            %mul3A_409 = arith.muli %scan3A_233, %mul3A_408 : i32
            %mul3A_410 = arith.constant 4 : i32
            %mul3A_411 = arith.muli %scan3A_328, %mul3A_410 : i32
            %add3A_412 = arith.addi %mul3A_409, %mul3A_411 : i32
            %add3A_413 = arith.constant 1 : i32
            %add3A_414 = arith.addi %add3A_412, %add3A_413 : i32
            %broadcast_in_dim3A_415 = arith.constant 0.000000e+00 : f32
            %broadcast_in_dim3A_416 = vector.broadcast %broadcast_in_dim3A_415 : f32 to vector<16xf32>
            %get3A_417 = arith.index_cast %add3A_414 : i32 to index
            %get3A_418 = arith.constant 0 : index
            %get3A_419 = tpu.vector_load %arg17[%get3A_417, %get3A_418] {strides = array<i32>} : memref<64x128xbf16, #tpu.memory_space<vmem>>, vector<32xbf16>,
            %get3A_420 = arith.index_cast %add3A_414 : i32 to index
            %get3A_421 = arith.constant 0 : index
            %get3A_422 = tpu.vector_load %arg19[%get3A_420, %get3A_421] {strides = array<i32>} : memref<64x128xbf16, #tpu.memory_space<vmem>>, vector<32xbf16>,
            %add3A_423 = arith.addf %get3A_419, %get3A_422 : vector<32xbf16>
            %mul3A_424 = arith.constant 2.001950e-01 : bf16
            %mul3A_425 = vector.broadcast %mul3A_424 : bf16 to vector<32xbf16>
            %mul3A_426 = arith.mulf %mul3A_425, %add3A_423 : vector<32xbf16>
            %max3A_427 = arith.maximumf %add3A_423, %mul3A_426 : vector<32xbf16>
            %mul3A_428 = arith.mulf %get3A_9, %max3A_427 : vector<32xbf16>
            %unpack3A_429 = tpu.unpack_subelements %mul3A_428, 0 {pack_format = #tpu.pack_format<interleaved>} : vector<32xbf16> -> vector<16xf32>
            %unpack3A_430 = tpu.unpack_subelements %mul3A_428, 1 {pack_format = #tpu.pack_format<interleaved>} : vector<32xbf16> -> vector<16xf32>
            %add3A_431 = arith.addf %broadcast_in_dim3A_416, %unpack3A_429 : vector<16xf32>
            %add3A_432 = arith.addf %add3A_431, %unpack3A_430 : vector<16xf32>
            %get3A_433 = arith.index_cast %add3A_414 : i32 to index
            %get3A_434 = arith.constant 32 : index
            %get3A_435 = tpu.vector_load %arg17[%get3A_433, %get3A_434] {strides = array<i32>} : memref<64x128xbf16, #tpu.memory_space<vmem>>, vector<32xbf16>,
            %get3A_436 = arith.index_cast %add3A_414 : i32 to index
            %get3A_437 = arith.constant 32 : index
            %get3A_438 = tpu.vector_load %arg19[%get3A_436, %get3A_437] {strides = array<i32>} : memref<64x128xbf16, #tpu.memory_space<vmem>>, vector<32xbf16>,
            %add3A_439 = arith.addf %get3A_435, %get3A_438 : vector<32xbf16>
            %mul3A_440 = arith.constant 2.001950e-01 : bf16
            %mul3A_441 = vector.broadcast %mul3A_440 : bf16 to vector<32xbf16>
            %mul3A_442 = arith.mulf %mul3A_441, %add3A_439 : vector<32xbf16>
            %max3A_443 = arith.maximumf %add3A_439, %mul3A_442 : vector<32xbf16>
            %mul3A_444 = arith.mulf %get3A_11, %max3A_443 : vector<32xbf16>
            %unpack3A_445 = tpu.unpack_subelements %mul3A_444, 0 {pack_format = #tpu.pack_format<interleaved>} : vector<32xbf16> -> vector<16xf32>
            %unpack3A_446 = tpu.unpack_subelements %mul3A_444, 1 {pack_format = #tpu.pack_format<interleaved>} : vector<32xbf16> -> vector<16xf32>
            %add3A_447 = arith.addf %add3A_432, %unpack3A_445 : vector<16xf32>
            %add3A_448 = arith.addf %add3A_447, %unpack3A_446 : vector<16xf32>
            %get3A_449 = arith.index_cast %add3A_414 : i32 to index
            %get3A_450 = arith.constant 64 : index
            %get3A_451 = tpu.vector_load %arg17[%get3A_449, %get3A_450] {strides = array<i32>} : memref<64x128xbf16, #tpu.memory_space<vmem>>, vector<32xbf16>,
            %get3A_452 = arith.index_cast %add3A_414 : i32 to index
            %get3A_453 = arith.constant 64 : index
            %get3A_454 = tpu.vector_load %arg19[%get3A_452, %get3A_453] {strides = array<i32>} : memref<64x128xbf16, #tpu.memory_space<vmem>>, vector<32xbf16>,
            %add3A_455 = arith.addf %get3A_451, %get3A_454 : vector<32xbf16>
            %mul3A_456 = arith.constant 2.001950e-01 : bf16
            %mul3A_457 = vector.broadcast %mul3A_456 : bf16 to vector<32xbf16>
            %mul3A_458 = arith.mulf %mul3A_457, %add3A_455 : vector<32xbf16>
            %max3A_459 = arith.maximumf %add3A_455, %mul3A_458 : vector<32xbf16>
            %mul3A_460 = arith.mulf %get3A_13, %max3A_459 : vector<32xbf16>
            %unpack3A_461 = tpu.unpack_subelements %mul3A_460, 0 {pack_format = #tpu.pack_format<interleaved>} : vector<32xbf16> -> vector<16xf32>
            %unpack3A_462 = tpu.unpack_subelements %mul3A_460, 1 {pack_format = #tpu.pack_format<interleaved>} : vector<32xbf16> -> vector<16xf32>
            %add3A_463 = arith.addf %add3A_448, %unpack3A_461 : vector<16xf32>
            %add3A_464 = arith.addf %add3A_463, %unpack3A_462 : vector<16xf32>
            %get3A_465 = arith.index_cast %add3A_414 : i32 to index
            %get3A_466 = arith.constant 96 : index
            %get3A_467 = tpu.vector_load %arg17[%get3A_465, %get3A_466] {strides = array<i32>} : memref<64x128xbf16, #tpu.memory_space<vmem>>, vector<32xbf16>,
            %get3A_468 = arith.index_cast %add3A_414 : i32 to index
            %get3A_469 = arith.constant 96 : index
            %get3A_470 = tpu.vector_load %arg19[%get3A_468, %get3A_469] {strides = array<i32>} : memref<64x128xbf16, #tpu.memory_space<vmem>>, vector<32xbf16>,
            %add3A_471 = arith.addf %get3A_467, %get3A_470 : vector<32xbf16>
            %mul3A_472 = arith.constant 2.001950e-01 : bf16
            %mul3A_473 = vector.broadcast %mul3A_472 : bf16 to vector<32xbf16>
            %mul3A_474 = arith.mulf %mul3A_473, %add3A_471 : vector<32xbf16>
            %max3A_475 = arith.maximumf %add3A_471, %mul3A_474 : vector<32xbf16>
            %mul3A_476 = arith.mulf %get3A_15, %max3A_475 : vector<32xbf16>
            %unpack3A_477 = tpu.unpack_subelements %mul3A_476, 0 {pack_format = #tpu.pack_format<interleaved>} : vector<32xbf16> -> vector<16xf32>
            %unpack3A_478 = tpu.unpack_subelements %mul3A_476, 1 {pack_format = #tpu.pack_format<interleaved>} : vector<32xbf16> -> vector<16xf32>
            %add3A_479 = arith.addf %add3A_464, %unpack3A_477 : vector<16xf32>
            %add3A_480 = arith.addf %add3A_479, %unpack3A_478 : vector<16xf32>
            %mul3A_481 = arith.constant 4 : i32
            %mul3A_482 = arith.muli %scan3A_328, %mul3A_481 : i32
            %add3A_483 = arith.constant 1 : i32
            %add3A_484 = arith.addi %mul3A_482, %add3A_483 : i32
            %mul3A_485 = arith.constant 16 : i32
            %mul3A_486 = arith.muli %add3A_484, %mul3A_485 : i32
            %swap3A_487 = arith.index_cast %mul3A_486 : i32 to index
            %swap3A_488 = tpu.vector_load %arg15[%swap3A_487] {strides = array<i32>} : memref<256xf32, #tpu.memory_space<vmem>>, vector<16xf32>,
            tpu.vector_store %arg15[%swap3A_487], %add3A_480 {strides = array<i32>} : memref<256xf32, #tpu.memory_space<vmem>>, vector<16xf32>,
            %mul3A_489 = arith.constant 16 : i32
            %mul3A_490 = arith.muli %scan3A_233, %mul3A_489 : i32
            %mul3A_491 = arith.constant 4 : i32
            %mul3A_492 = arith.muli %scan3A_328, %mul3A_491 : i32
            %add3A_493 = arith.addi %mul3A_490, %mul3A_492 : i32
            %add3A_494 = arith.constant 2 : i32
            %add3A_495 = arith.addi %add3A_493, %add3A_494 : i32
            %broadcast_in_dim3A_496 = arith.constant 0.000000e+00 : f32
            %broadcast_in_dim3A_497 = vector.broadcast %broadcast_in_dim3A_496 : f32 to vector<16xf32>
            %get3A_498 = arith.index_cast %add3A_495 : i32 to index
            %get3A_499 = arith.constant 0 : index
            %get3A_500 = tpu.vector_load %arg17[%get3A_498, %get3A_499] {strides = array<i32>} : memref<64x128xbf16, #tpu.memory_space<vmem>>, vector<32xbf16>,
            %get3A_501 = arith.index_cast %add3A_495 : i32 to index
            %get3A_502 = arith.constant 0 : index
            %get3A_503 = tpu.vector_load %arg19[%get3A_501, %get3A_502] {strides = array<i32>} : memref<64x128xbf16, #tpu.memory_space<vmem>>, vector<32xbf16>,
            %add3A_504 = arith.addf %get3A_500, %get3A_503 : vector<32xbf16>
            %mul3A_505 = arith.constant 2.001950e-01 : bf16
            %mul3A_506 = vector.broadcast %mul3A_505 : bf16 to vector<32xbf16>
            %mul3A_507 = arith.mulf %mul3A_506, %add3A_504 : vector<32xbf16>
            %max3A_508 = arith.maximumf %add3A_504, %mul3A_507 : vector<32xbf16>
            %mul3A_509 = arith.mulf %get3A_9, %max3A_508 : vector<32xbf16>
            %unpack3A_510 = tpu.unpack_subelements %mul3A_509, 0 {pack_format = #tpu.pack_format<interleaved>} : vector<32xbf16> -> vector<16xf32>
            %unpack3A_511 = tpu.unpack_subelements %mul3A_509, 1 {pack_format = #tpu.pack_format<interleaved>} : vector<32xbf16> -> vector<16xf32>
            %add3A_512 = arith.addf %broadcast_in_dim3A_497, %unpack3A_510 : vector<16xf32>
            %add3A_513 = arith.addf %add3A_512, %unpack3A_511 : vector<16xf32>
            %get3A_514 = arith.index_cast %add3A_495 : i32 to index
            %get3A_515 = arith.constant 32 : index
            %get3A_516 = tpu.vector_load %arg17[%get3A_514, %get3A_515] {strides = array<i32>} : memref<64x128xbf16, #tpu.memory_space<vmem>>, vector<32xbf16>,
            %get3A_517 = arith.index_cast %add3A_495 : i32 to index
            %get3A_518 = arith.constant 32 : index
            %get3A_519 = tpu.vector_load %arg19[%get3A_517, %get3A_518] {strides = array<i32>} : memref<64x128xbf16, #tpu.memory_space<vmem>>, vector<32xbf16>,
            %add3A_520 = arith.addf %get3A_516, %get3A_519 : vector<32xbf16>
            %mul3A_521 = arith.constant 2.001950e-01 : bf16
            %mul3A_522 = vector.broadcast %mul3A_521 : bf16 to vector<32xbf16>
            %mul3A_523 = arith.mulf %mul3A_522, %add3A_520 : vector<32xbf16>
            %max3A_524 = arith.maximumf %add3A_520, %mul3A_523 : vector<32xbf16>
            %mul3A_525 = arith.mulf %get3A_11, %max3A_524 : vector<32xbf16>
            %unpack3A_526 = tpu.unpack_subelements %mul3A_525, 0 {pack_format = #tpu.pack_format<interleaved>} : vector<32xbf16> -> vector<16xf32>
            %unpack3A_527 = tpu.unpack_subelements %mul3A_525, 1 {pack_format = #tpu.pack_format<interleaved>} : vector<32xbf16> -> vector<16xf32>
            %add3A_528 = arith.addf %add3A_513, %unpack3A_526 : vector<16xf32>
            %add3A_529 = arith.addf %add3A_528, %unpack3A_527 : vector<16xf32>
            %get3A_530 = arith.index_cast %add3A_495 : i32 to index
            %get3A_531 = arith.constant 64 : index
            %get3A_532 = tpu.vector_load %arg17[%get3A_530, %get3A_531] {strides = array<i32>} : memref<64x128xbf16, #tpu.memory_space<vmem>>, vector<32xbf16>,
            %get3A_533 = arith.index_cast %add3A_495 : i32 to index
            %get3A_534 = arith.constant 64 : index
            %get3A_535 = tpu.vector_load %arg19[%get3A_533, %get3A_534] {strides = array<i32>} : memref<64x128xbf16, #tpu.memory_space<vmem>>, vector<32xbf16>,
            %add3A_536 = arith.addf %get3A_532, %get3A_535 : vector<32xbf16>
            %mul3A_537 = arith.constant 2.001950e-01 : bf16
            %mul3A_538 = vector.broadcast %mul3A_537 : bf16 to vector<32xbf16>
            %mul3A_539 = arith.mulf %mul3A_538, %add3A_536 : vector<32xbf16>
            %max3A_540 = arith.maximumf %add3A_536, %mul3A_539 : vector<32xbf16>
            %mul3A_541 = arith.mulf %get3A_13, %max3A_540 : vector<32xbf16>
            %unpack3A_542 = tpu.unpack_subelements %mul3A_541, 0 {pack_format = #tpu.pack_format<interleaved>} : vector<32xbf16> -> vector<16xf32>
            %unpack3A_543 = tpu.unpack_subelements %mul3A_541, 1 {pack_format = #tpu.pack_format<interleaved>} : vector<32xbf16> -> vector<16xf32>
            %add3A_544 = arith.addf %add3A_529, %unpack3A_542 : vector<16xf32>
            %add3A_545 = arith.addf %add3A_544, %unpack3A_543 : vector<16xf32>
            %get3A_546 = arith.index_cast %add3A_495 : i32 to index
            %get3A_547 = arith.constant 96 : index
            %get3A_548 = tpu.vector_load %arg17[%get3A_546, %get3A_547] {strides = array<i32>} : memref<64x128xbf16, #tpu.memory_space<vmem>>, vector<32xbf16>,
            %get3A_549 = arith.index_cast %add3A_495 : i32 to index
            %get3A_550 = arith.constant 96 : index
            %get3A_551 = tpu.vector_load %arg19[%get3A_549, %get3A_550] {strides = array<i32>} : memref<64x128xbf16, #tpu.memory_space<vmem>>, vector<32xbf16>,
            %add3A_552 = arith.addf %get3A_548, %get3A_551 : vector<32xbf16>
            %mul3A_553 = arith.constant 2.001950e-01 : bf16
            %mul3A_554 = vector.broadcast %mul3A_553 : bf16 to vector<32xbf16>
            %mul3A_555 = arith.mulf %mul3A_554, %add3A_552 : vector<32xbf16>
            %max3A_556 = arith.maximumf %add3A_552, %mul3A_555 : vector<32xbf16>
            %mul3A_557 = arith.mulf %get3A_15, %max3A_556 : vector<32xbf16>
            %unpack3A_558 = tpu.unpack_subelements %mul3A_557, 0 {pack_format = #tpu.pack_format<interleaved>} : vector<32xbf16> -> vector<16xf32>
            %unpack3A_559 = tpu.unpack_subelements %mul3A_557, 1 {pack_format = #tpu.pack_format<interleaved>} : vector<32xbf16> -> vector<16xf32>
            %add3A_560 = arith.addf %add3A_545, %unpack3A_558 : vector<16xf32>
            %add3A_561 = arith.addf %add3A_560, %unpack3A_559 : vector<16xf32>
            %mul3A_562 = arith.constant 4 : i32
            %mul3A_563 = arith.muli %scan3A_328, %mul3A_562 : i32
            %add3A_564 = arith.constant 2 : i32
            %add3A_565 = arith.addi %mul3A_563, %add3A_564 : i32
            %mul3A_566 = arith.constant 16 : i32
            %mul3A_567 = arith.muli %add3A_565, %mul3A_566 : i32
            %swap3A_568 = arith.index_cast %mul3A_567 : i32 to index
            %swap3A_569 = tpu.vector_load %arg15[%swap3A_568] {strides = array<i32>} : memref<256xf32, #tpu.memory_space<vmem>>, vector<16xf32>,
            tpu.vector_store %arg15[%swap3A_568], %add3A_561 {strides = array<i32>} : memref<256xf32, #tpu.memory_space<vmem>>, vector<16xf32>,
            %mul3A_570 = arith.constant 16 : i32
            %mul3A_571 = arith.muli %scan3A_233, %mul3A_570 : i32
            %mul3A_572 = arith.constant 4 : i32
            %mul3A_573 = arith.muli %scan3A_328, %mul3A_572 : i32
            %add3A_574 = arith.addi %mul3A_571, %mul3A_573 : i32
            %add3A_575 = arith.constant 3 : i32
            %add3A_576 = arith.addi %add3A_574, %add3A_575 : i32
            %broadcast_in_dim3A_577 = arith.constant 0.000000e+00 : f32
            %broadcast_in_dim3A_578 = vector.broadcast %broadcast_in_dim3A_577 : f32 to vector<16xf32>
            %get3A_579 = arith.index_cast %add3A_576 : i32 to index
            %get3A_580 = arith.constant 0 : index
            %get3A_581 = tpu.vector_load %arg17[%get3A_579, %get3A_580] {strides = array<i32>} : memref<64x128xbf16, #tpu.memory_space<vmem>>, vector<32xbf16>,
            %get3A_582 = arith.index_cast %add3A_576 : i32 to index
            %get3A_583 = arith.constant 0 : index
            %get3A_584 = tpu.vector_load %arg19[%get3A_582, %get3A_583] {strides = array<i32>} : memref<64x128xbf16, #tpu.memory_space<vmem>>, vector<32xbf16>,
            %add3A_585 = arith.addf %get3A_581, %get3A_584 : vector<32xbf16>
            %mul3A_586 = arith.constant 2.001950e-01 : bf16
            %mul3A_587 = vector.broadcast %mul3A_586 : bf16 to vector<32xbf16>
            %mul3A_588 = arith.mulf %mul3A_587, %add3A_585 : vector<32xbf16>
            %max3A_589 = arith.maximumf %add3A_585, %mul3A_588 : vector<32xbf16>
            %mul3A_590 = arith.mulf %get3A_9, %max3A_589 : vector<32xbf16>
            %unpack3A_591 = tpu.unpack_subelements %mul3A_590, 0 {pack_format = #tpu.pack_format<interleaved>} : vector<32xbf16> -> vector<16xf32>
            %unpack3A_592 = tpu.unpack_subelements %mul3A_590, 1 {pack_format = #tpu.pack_format<interleaved>} : vector<32xbf16> -> vector<16xf32>
            %add3A_593 = arith.addf %broadcast_in_dim3A_578, %unpack3A_591 : vector<16xf32>
            %add3A_594 = arith.addf %add3A_593, %unpack3A_592 : vector<16xf32>
            %get3A_595 = arith.index_cast %add3A_576 : i32 to index
            %get3A_596 = arith.constant 32 : index
            %get3A_597 = tpu.vector_load %arg17[%get3A_595, %get3A_596] {strides = array<i32>} : memref<64x128xbf16, #tpu.memory_space<vmem>>, vector<32xbf16>,
            %get3A_598 = arith.index_cast %add3A_576 : i32 to index
            %get3A_599 = arith.constant 32 : index
            %get3A_600 = tpu.vector_load %arg19[%get3A_598, %get3A_599] {strides = array<i32>} : memref<64x128xbf16, #tpu.memory_space<vmem>>, vector<32xbf16>,
            %add3A_601 = arith.addf %get3A_597, %get3A_600 : vector<32xbf16>
            %mul3A_602 = arith.constant 2.001950e-01 : bf16
            %mul3A_603 = vector.broadcast %mul3A_602 : bf16 to vector<32xbf16>
            %mul3A_604 = arith.mulf %mul3A_603, %add3A_601 : vector<32xbf16>
            %max3A_605 = arith.maximumf %add3A_601, %mul3A_604 : vector<32xbf16>
            %mul3A_606 = arith.mulf %get3A_11, %max3A_605 : vector<32xbf16>
            %unpack3A_607 = tpu.unpack_subelements %mul3A_606, 0 {pack_format = #tpu.pack_format<interleaved>} : vector<32xbf16> -> vector<16xf32>
            %unpack3A_608 = tpu.unpack_subelements %mul3A_606, 1 {pack_format = #tpu.pack_format<interleaved>} : vector<32xbf16> -> vector<16xf32>
            %add3A_609 = arith.addf %add3A_594, %unpack3A_607 : vector<16xf32>
            %add3A_610 = arith.addf %add3A_609, %unpack3A_608 : vector<16xf32>
            %get3A_611 = arith.index_cast %add3A_576 : i32 to index
            %get3A_612 = arith.constant 64 : index
            %get3A_613 = tpu.vector_load %arg17[%get3A_611, %get3A_612] {strides = array<i32>} : memref<64x128xbf16, #tpu.memory_space<vmem>>, vector<32xbf16>,
            %get3A_614 = arith.index_cast %add3A_576 : i32 to index
            %get3A_615 = arith.constant 64 : index
            %get3A_616 = tpu.vector_load %arg19[%get3A_614, %get3A_615] {strides = array<i32>} : memref<64x128xbf16, #tpu.memory_space<vmem>>, vector<32xbf16>,
            %add3A_617 = arith.addf %get3A_613, %get3A_616 : vector<32xbf16>
            %mul3A_618 = arith.constant 2.001950e-01 : bf16
            %mul3A_619 = vector.broadcast %mul3A_618 : bf16 to vector<32xbf16>
            %mul3A_620 = arith.mulf %mul3A_619, %add3A_617 : vector<32xbf16>
            %max3A_621 = arith.maximumf %add3A_617, %mul3A_620 : vector<32xbf16>
            %mul3A_622 = arith.mulf %get3A_13, %max3A_621 : vector<32xbf16>
            %unpack3A_623 = tpu.unpack_subelements %mul3A_622, 0 {pack_format = #tpu.pack_format<interleaved>} : vector<32xbf16> -> vector<16xf32>
            %unpack3A_624 = tpu.unpack_subelements %mul3A_622, 1 {pack_format = #tpu.pack_format<interleaved>} : vector<32xbf16> -> vector<16xf32>
            %add3A_625 = arith.addf %add3A_610, %unpack3A_623 : vector<16xf32>
            %add3A_626 = arith.addf %add3A_625, %unpack3A_624 : vector<16xf32>
            %get3A_627 = arith.index_cast %add3A_576 : i32 to index
            %get3A_628 = arith.constant 96 : index
            %get3A_629 = tpu.vector_load %arg17[%get3A_627, %get3A_628] {strides = array<i32>} : memref<64x128xbf16, #tpu.memory_space<vmem>>, vector<32xbf16>,
            %get3A_630 = arith.index_cast %add3A_576 : i32 to index
            %get3A_631 = arith.constant 96 : index
            %get3A_632 = tpu.vector_load %arg19[%get3A_630, %get3A_631] {strides = array<i32>} : memref<64x128xbf16, #tpu.memory_space<vmem>>, vector<32xbf16>,
            %add3A_633 = arith.addf %get3A_629, %get3A_632 : vector<32xbf16>
            %mul3A_634 = arith.constant 2.001950e-01 : bf16
            %mul3A_635 = vector.broadcast %mul3A_634 : bf16 to vector<32xbf16>
            %mul3A_636 = arith.mulf %mul3A_635, %add3A_633 : vector<32xbf16>
            %max3A_637 = arith.maximumf %add3A_633, %mul3A_636 : vector<32xbf16>
            %mul3A_638 = arith.mulf %get3A_15, %max3A_637 : vector<32xbf16>
            %unpack3A_639 = tpu.unpack_subelements %mul3A_638, 0 {pack_format = #tpu.pack_format<interleaved>} : vector<32xbf16> -> vector<16xf32>
            %unpack3A_640 = tpu.unpack_subelements %mul3A_638, 1 {pack_format = #tpu.pack_format<interleaved>} : vector<32xbf16> -> vector<16xf32>
            %add3A_641 = arith.addf %add3A_626, %unpack3A_639 : vector<16xf32>
            %add3A_642 = arith.addf %add3A_641, %unpack3A_640 : vector<16xf32>
            %mul3A_643 = arith.constant 4 : i32
            %mul3A_644 = arith.muli %scan3A_328, %mul3A_643 : i32
            %add3A_645 = arith.constant 3 : i32
            %add3A_646 = arith.addi %mul3A_644, %add3A_645 : i32
            %mul3A_647 = arith.constant 16 : i32
            %mul3A_648 = arith.muli %add3A_646, %mul3A_647 : i32
            %swap3A_649 = arith.index_cast %mul3A_648 : i32 to index
            %swap3A_650 = tpu.vector_load %arg15[%swap3A_649] {strides = array<i32>} : memref<256xf32, #tpu.memory_space<vmem>>, vector<16xf32>,
            tpu.vector_store %arg15[%swap3A_649], %add3A_642 {strides = array<i32>} : memref<256xf32, #tpu.memory_space<vmem>>, vector<16xf32>,
          }
          %scan3A_239 = arith.constant 4 : i32
          %broadcast_in_dim3A_240 = arith.constant 0.000000e+00 : f32
          %broadcast_in_dim3A_241 = vector.broadcast %broadcast_in_dim3A_240 : f32 to vector<16xf32>
          %mul3A_242 = arith.constant 16 : i32
          %mul3A_243 = vector.broadcast %mul3A_242 : i32 to vector<16xi32>
          %mul3A_244 = arith.muli %iota3A, %mul3A_243 : vector<16xi32>
          %add3A_245 = arith.constant 0 : i32
          %add3A_246 = vector.broadcast %add3A_245 : i32 to vector<16xi32>
          %add3A_247 = arith.addi %mul3A_244, %add3A_246 : vector<16xi32>
          %gather3A = tpu.vector_load_idx %arg15[%add3A_247] : memref<256xf32, #tpu.memory_space<vmem>>[vector<16xi32>], vector<16xf32>,
          %add3A_248 = arith.addf %broadcast_in_dim3A_241, %gather3A : vector<16xf32>
          %add3A_249 = arith.constant 1 : i32
          %add3A_250 = vector.broadcast %add3A_249 : i32 to vector<16xi32>
          %add3A_251 = arith.addi %mul3A_244, %add3A_250 : vector<16xi32>
          %gather3A_252 = tpu.vector_load_idx %arg15[%add3A_251] : memref<256xf32, #tpu.memory_space<vmem>>[vector<16xi32>], vector<16xf32>,
          %add3A_253 = arith.addf %add3A_248, %gather3A_252 : vector<16xf32>
          %add3A_254 = arith.constant 2 : i32
          %add3A_255 = vector.broadcast %add3A_254 : i32 to vector<16xi32>
          %add3A_256 = arith.addi %mul3A_244, %add3A_255 : vector<16xi32>
          %gather3A_257 = tpu.vector_load_idx %arg15[%add3A_256] : memref<256xf32, #tpu.memory_space<vmem>>[vector<16xi32>], vector<16xf32>,
          %add3A_258 = arith.addf %add3A_253, %gather3A_257 : vector<16xf32>
          %add3A_259 = arith.constant 3 : i32
          %add3A_260 = vector.broadcast %add3A_259 : i32 to vector<16xi32>
          %add3A_261 = arith.addi %mul3A_244, %add3A_260 : vector<16xi32>
          %gather3A_262 = tpu.vector_load_idx %arg15[%add3A_261] : memref<256xf32, #tpu.memory_space<vmem>>[vector<16xi32>], vector<16xf32>,
          %add3A_263 = arith.addf %add3A_258, %gather3A_262 : vector<16xf32>
          %add3A_264 = arith.constant 4 : i32
          %add3A_265 = vector.broadcast %add3A_264 : i32 to vector<16xi32>
          %add3A_266 = arith.addi %mul3A_244, %add3A_265 : vector<16xi32>
          %gather3A_267 = tpu.vector_load_idx %arg15[%add3A_266] : memref<256xf32, #tpu.memory_space<vmem>>[vector<16xi32>], vector<16xf32>,
          %add3A_268 = arith.addf %add3A_263, %gather3A_267 : vector<16xf32>
          %add3A_269 = arith.constant 5 : i32
          %add3A_270 = vector.broadcast %add3A_269 : i32 to vector<16xi32>
          %add3A_271 = arith.addi %mul3A_244, %add3A_270 : vector<16xi32>
          %gather3A_272 = tpu.vector_load_idx %arg15[%add3A_271] : memref<256xf32, #tpu.memory_space<vmem>>[vector<16xi32>], vector<16xf32>,
          %add3A_273 = arith.addf %add3A_268, %gather3A_272 : vector<16xf32>
          %add3A_274 = arith.constant 6 : i32
          %add3A_275 = vector.broadcast %add3A_274 : i32 to vector<16xi32>
          %add3A_276 = arith.addi %mul3A_244, %add3A_275 : vector<16xi32>
          %gather3A_277 = tpu.vector_load_idx %arg15[%add3A_276] : memref<256xf32, #tpu.memory_space<vmem>>[vector<16xi32>], vector<16xf32>,
          %add3A_278 = arith.addf %add3A_273, %gather3A_277 : vector<16xf32>
          %add3A_279 = arith.constant 7 : i32
          %add3A_280 = vector.broadcast %add3A_279 : i32 to vector<16xi32>
          %add3A_281 = arith.addi %mul3A_244, %add3A_280 : vector<16xi32>
          %gather3A_282 = tpu.vector_load_idx %arg15[%add3A_281] : memref<256xf32, #tpu.memory_space<vmem>>[vector<16xi32>], vector<16xf32>,
          %add3A_283 = arith.addf %add3A_278, %gather3A_282 : vector<16xf32>
          %add3A_284 = arith.constant 8 : i32
          %add3A_285 = vector.broadcast %add3A_284 : i32 to vector<16xi32>
          %add3A_286 = arith.addi %mul3A_244, %add3A_285 : vector<16xi32>
          %gather3A_287 = tpu.vector_load_idx %arg15[%add3A_286] : memref<256xf32, #tpu.memory_space<vmem>>[vector<16xi32>], vector<16xf32>,
          %add3A_288 = arith.addf %add3A_283, %gather3A_287 : vector<16xf32>
          %add3A_289 = arith.constant 9 : i32
          %add3A_290 = vector.broadcast %add3A_289 : i32 to vector<16xi32>
          %add3A_291 = arith.addi %mul3A_244, %add3A_290 : vector<16xi32>
          %gather3A_292 = tpu.vector_load_idx %arg15[%add3A_291] : memref<256xf32, #tpu.memory_space<vmem>>[vector<16xi32>], vector<16xf32>,
          %add3A_293 = arith.addf %add3A_288, %gather3A_292 : vector<16xf32>
          %add3A_294 = arith.constant 10 : i32
          %add3A_295 = vector.broadcast %add3A_294 : i32 to vector<16xi32>
          %add3A_296 = arith.addi %mul3A_244, %add3A_295 : vector<16xi32>
          %gather3A_297 = tpu.vector_load_idx %arg15[%add3A_296] : memref<256xf32, #tpu.memory_space<vmem>>[vector<16xi32>], vector<16xf32>,
          %add3A_298 = arith.addf %add3A_293, %gather3A_297 : vector<16xf32>
          %add3A_299 = arith.constant 11 : i32
          %add3A_300 = vector.broadcast %add3A_299 : i32 to vector<16xi32>
          %add3A_301 = arith.addi %mul3A_244, %add3A_300 : vector<16xi32>
          %gather3A_302 = tpu.vector_load_idx %arg15[%add3A_301] : memref<256xf32, #tpu.memory_space<vmem>>[vector<16xi32>], vector<16xf32>,
          %add3A_303 = arith.addf %add3A_298, %gather3A_302 : vector<16xf32>
          %add3A_304 = arith.constant 12 : i32
          %add3A_305 = vector.broadcast %add3A_304 : i32 to vector<16xi32>
          %add3A_306 = arith.addi %mul3A_244, %add3A_305 : vector<16xi32>
          %gather3A_307 = tpu.vector_load_idx %arg15[%add3A_306] : memref<256xf32, #tpu.memory_space<vmem>>[vector<16xi32>], vector<16xf32>,
          %add3A_308 = arith.addf %add3A_303, %gather3A_307 : vector<16xf32>
          %add3A_309 = arith.constant 13 : i32
          %add3A_310 = vector.broadcast %add3A_309 : i32 to vector<16xi32>
          %add3A_311 = arith.addi %mul3A_244, %add3A_310 : vector<16xi32>
          %gather3A_312 = tpu.vector_load_idx %arg15[%add3A_311] : memref<256xf32, #tpu.memory_space<vmem>>[vector<16xi32>], vector<16xf32>,
          %add3A_313 = arith.addf %add3A_308, %gather3A_312 : vector<16xf32>
          %add3A_314 = arith.constant 14 : i32
          %add3A_315 = vector.broadcast %add3A_314 : i32 to vector<16xi32>
          %add3A_316 = arith.addi %mul3A_244, %add3A_315 : vector<16xi32>
          %gather3A_317 = tpu.vector_load_idx %arg15[%add3A_316] : memref<256xf32, #tpu.memory_space<vmem>>[vector<16xi32>], vector<16xf32>,
          %add3A_318 = arith.addf %add3A_313, %gather3A_317 : vector<16xf32>
          %add3A_319 = arith.constant 15 : i32
          %add3A_320 = vector.broadcast %add3A_319 : i32 to vector<16xi32>
          %add3A_321 = arith.addi %mul3A_244, %add3A_320 : vector<16xi32>
          %gather3A_322 = tpu.vector_load_idx %arg15[%add3A_321] : memref<256xf32, #tpu.memory_space<vmem>>[vector<16xi32>], vector<16xf32>,
          %add3A_323 = arith.addf %add3A_318, %gather3A_322 : vector<16xf32>
          %sub3A_324 = arith.subf %add3A_323, %get3A_17 : vector<16xf32>
          %exp3A = math.exp %sub3A_324 : vector<16xf32>
          %mul3A_325 = arith.constant 16 : i32
          %mul3A_326 = arith.muli %scan3A_233, %mul3A_325 : i32
          %swap3A = arith.index_cast %mul3A_326 : i32 to index
          %swap3A_327 = tpu.vector_load %arg14[%swap3A] {strides = array<i32>} : memref<64xf32, #tpu.memory_space<vmem>>, vector<16xf32>,
          tpu.vector_store %arg14[%swap3A], %exp3A {strides = array<i32>} : memref<64xf32, #tpu.memory_space<vmem>>, vector<16xf32>,
        }
        %scan3A_165 = arith.constant 4 : i32
        %scan3A_166 = arith.constant 0 : i32
        %scan3A_167 = arith.constant 0 : i32
        %scan3A_168 = arith.constant 16 : i32
        %scan3A_169 = arith.addi %scan3A_167, %scan3A_168 : i32
        %scan3A_170 = arith.constant 1 : i32
        scf.for %scan3A_233 = %scan3A_167 to %scan3A_169 step %scan3A_170  : i32 {
          %mul3A_234 = arith.constant 4 : i32
          %mul3A_235 = arith.muli %scan3A_233, %mul3A_234 : i32
          %add3A_236 = arith.constant 0 : i32
          %add3A_237 = arith.addi %mul3A_235, %add3A_236 : i32
          %broadcast_in_dim3A_238 = vector.broadcast %add3A_237 : i32 to vector<16xi32>
          %gather3A = tpu.vector_load_idx %arg14[%broadcast_in_dim3A_238] : memref<64xf32, #tpu.memory_space<vmem>>[vector<16xi32>], vector<16xf32>,
          %get3A_239 = arith.index_cast %add3A_237 : i32 to index
          %get3A_240 = arith.constant 0 : index
          %get3A_241 = tpu.vector_load %arg17[%get3A_239, %get3A_240] {strides = array<i32>} : memref<64x128xbf16, #tpu.memory_space<vmem>>, vector<32xbf16>,
          %unpack3A = tpu.unpack_subelements %get3A_241, 0 {pack_format = #tpu.pack_format<interleaved>} : vector<32xbf16> -> vector<16xf32>
          %unpack3A_242 = tpu.unpack_subelements %get3A_241, 1 {pack_format = #tpu.pack_format<interleaved>} : vector<32xbf16> -> vector<16xf32>
          %mul3A_243 = arith.mulf %unpack3A, %gather3A : vector<16xf32>
          %swap3A = arith.index_cast %add3A_237 : i32 to index
          %swap3A_244 = arith.constant 0 : index
          %swap3A_245 = tpu.vector_load %arg21[%swap3A, %swap3A_244] {strides = array<i32>} : memref<64x144xf32, #tpu.memory_space<vmem>>, vector<16xf32>,
          tpu.vector_store %arg21[%swap3A, %swap3A_244], %mul3A_243 {strides = array<i32>} : memref<64x144xf32, #tpu.memory_space<vmem>>, vector<16xf32>,
          %mul3A_246 = arith.mulf %unpack3A_242, %gather3A : vector<16xf32>
          %swap3A_247 = arith.index_cast %add3A_237 : i32 to index
          %swap3A_248 = arith.constant 16 : index
          %swap3A_249 = tpu.vector_load %arg21[%swap3A_247, %swap3A_248] {strides = array<i32>} : memref<64x144xf32, #tpu.memory_space<vmem>>, vector<16xf32>,
          tpu.vector_store %arg21[%swap3A_247, %swap3A_248], %mul3A_246 {strides = array<i32>} : memref<64x144xf32, #tpu.memory_space<vmem>>, vector<16xf32>,
          %get3A_250 = arith.index_cast %add3A_237 : i32 to index
          %get3A_251 = arith.constant 32 : index
          %get3A_252 = tpu.vector_load %arg17[%get3A_250, %get3A_251] {strides = array<i32>} : memref<64x128xbf16, #tpu.memory_space<vmem>>, vector<32xbf16>,
          %unpack3A_253 = tpu.unpack_subelements %get3A_252, 0 {pack_format = #tpu.pack_format<interleaved>} : vector<32xbf16> -> vector<16xf32>
          %unpack3A_254 = tpu.unpack_subelements %get3A_252, 1 {pack_format = #tpu.pack_format<interleaved>} : vector<32xbf16> -> vector<16xf32>
          %mul3A_255 = arith.mulf %unpack3A_253, %gather3A : vector<16xf32>
          %swap3A_256 = arith.index_cast %add3A_237 : i32 to index
          %swap3A_257 = arith.constant 32 : index
          %swap3A_258 = tpu.vector_load %arg21[%swap3A_256, %swap3A_257] {strides = array<i32>} : memref<64x144xf32, #tpu.memory_space<vmem>>, vector<16xf32>,
          tpu.vector_store %arg21[%swap3A_256, %swap3A_257], %mul3A_255 {strides = array<i32>} : memref<64x144xf32, #tpu.memory_space<vmem>>, vector<16xf32>,
          %mul3A_259 = arith.mulf %unpack3A_254, %gather3A : vector<16xf32>
          %swap3A_260 = arith.index_cast %add3A_237 : i32 to index
          %swap3A_261 = arith.constant 48 : index
          %swap3A_262 = tpu.vector_load %arg21[%swap3A_260, %swap3A_261] {strides = array<i32>} : memref<64x144xf32, #tpu.memory_space<vmem>>, vector<16xf32>,
          tpu.vector_store %arg21[%swap3A_260, %swap3A_261], %mul3A_259 {strides = array<i32>} : memref<64x144xf32, #tpu.memory_space<vmem>>, vector<16xf32>,
          %get3A_263 = arith.index_cast %add3A_237 : i32 to index
          %get3A_264 = arith.constant 64 : index
          %get3A_265 = tpu.vector_load %arg17[%get3A_263, %get3A_264] {strides = array<i32>} : memref<64x128xbf16, #tpu.memory_space<vmem>>, vector<32xbf16>,
          %unpack3A_266 = tpu.unpack_subelements %get3A_265, 0 {pack_format = #tpu.pack_format<interleaved>} : vector<32xbf16> -> vector<16xf32>
          %unpack3A_267 = tpu.unpack_subelements %get3A_265, 1 {pack_format = #tpu.pack_format<interleaved>} : vector<32xbf16> -> vector<16xf32>
          %mul3A_268 = arith.mulf %unpack3A_266, %gather3A : vector<16xf32>
          %swap3A_269 = arith.index_cast %add3A_237 : i32 to index
          %swap3A_270 = arith.constant 64 : index
          %swap3A_271 = tpu.vector_load %arg21[%swap3A_269, %swap3A_270] {strides = array<i32>} : memref<64x144xf32, #tpu.memory_space<vmem>>, vector<16xf32>,
          tpu.vector_store %arg21[%swap3A_269, %swap3A_270], %mul3A_268 {strides = array<i32>} : memref<64x144xf32, #tpu.memory_space<vmem>>, vector<16xf32>,
          %mul3A_272 = arith.mulf %unpack3A_267, %gather3A : vector<16xf32>
          %swap3A_273 = arith.index_cast %add3A_237 : i32 to index
          %swap3A_274 = arith.constant 80 : index
          %swap3A_275 = tpu.vector_load %arg21[%swap3A_273, %swap3A_274] {strides = array<i32>} : memref<64x144xf32, #tpu.memory_space<vmem>>, vector<16xf32>,
          tpu.vector_store %arg21[%swap3A_273, %swap3A_274], %mul3A_272 {strides = array<i32>} : memref<64x144xf32, #tpu.memory_space<vmem>>, vector<16xf32>,
          %get3A_276 = arith.index_cast %add3A_237 : i32 to index
          %get3A_277 = arith.constant 96 : index
          %get3A_278 = tpu.vector_load %arg17[%get3A_276, %get3A_277] {strides = array<i32>} : memref<64x128xbf16, #tpu.memory_space<vmem>>, vector<32xbf16>,
          %unpack3A_279 = tpu.unpack_subelements %get3A_278, 0 {pack_format = #tpu.pack_format<interleaved>} : vector<32xbf16> -> vector<16xf32>
          %unpack3A_280 = tpu.unpack_subelements %get3A_278, 1 {pack_format = #tpu.pack_format<interleaved>} : vector<32xbf16> -> vector<16xf32>
          %mul3A_281 = arith.mulf %unpack3A_279, %gather3A : vector<16xf32>
          %swap3A_282 = arith.index_cast %add3A_237 : i32 to index
          %swap3A_283 = arith.constant 96 : index
          %swap3A_284 = tpu.vector_load %arg21[%swap3A_282, %swap3A_283] {strides = array<i32>} : memref<64x144xf32, #tpu.memory_space<vmem>>, vector<16xf32>,
          tpu.vector_store %arg21[%swap3A_282, %swap3A_283], %mul3A_281 {strides = array<i32>} : memref<64x144xf32, #tpu.memory_space<vmem>>, vector<16xf32>,
          %mul3A_285 = arith.mulf %unpack3A_280, %gather3A : vector<16xf32>
          %swap3A_286 = arith.index_cast %add3A_237 : i32 to index
          %swap3A_287 = arith.constant 112 : index
          %swap3A_288 = tpu.vector_load %arg21[%swap3A_286, %swap3A_287] {strides = array<i32>} : memref<64x144xf32, #tpu.memory_space<vmem>>, vector<16xf32>,
          tpu.vector_store %arg21[%swap3A_286, %swap3A_287], %mul3A_285 {strides = array<i32>} : memref<64x144xf32, #tpu.memory_space<vmem>>, vector<16xf32>,
          %mul3A_289 = arith.mulf %select_n3A_24, %gather3A : vector<16xf32>
          %swap3A_290 = arith.index_cast %add3A_237 : i32 to index
          %swap3A_291 = arith.constant 128 : index
          %swap3A_292 = tpu.vector_load %arg21[%swap3A_290, %swap3A_291] {strides = array<i32>} : memref<64x144xf32, #tpu.memory_space<vmem>>, vector<16xf32>,
          tpu.vector_store %arg21[%swap3A_290, %swap3A_291], %mul3A_289 {strides = array<i32>} : memref<64x144xf32, #tpu.memory_space<vmem>>, vector<16xf32>,
          %mul3A_293 = arith.constant 4 : i32
          %mul3A_294 = arith.muli %scan3A_233, %mul3A_293 : i32
          %add3A_295 = arith.constant 1 : i32
          %add3A_296 = arith.addi %mul3A_294, %add3A_295 : i32
          %broadcast_in_dim3A_297 = vector.broadcast %add3A_296 : i32 to vector<16xi32>
          %gather3A_298 = tpu.vector_load_idx %arg14[%broadcast_in_dim3A_297] : memref<64xf32, #tpu.memory_space<vmem>>[vector<16xi32>], vector<16xf32>,
          %get3A_299 = arith.index_cast %add3A_296 : i32 to index
          %get3A_300 = arith.constant 0 : index
          %get3A_301 = tpu.vector_load %arg17[%get3A_299, %get3A_300] {strides = array<i32>} : memref<64x128xbf16, #tpu.memory_space<vmem>>, vector<32xbf16>,
          %unpack3A_302 = tpu.unpack_subelements %get3A_301, 0 {pack_format = #tpu.pack_format<interleaved>} : vector<32xbf16> -> vector<16xf32>
          %unpack3A_303 = tpu.unpack_subelements %get3A_301, 1 {pack_format = #tpu.pack_format<interleaved>} : vector<32xbf16> -> vector<16xf32>
          %mul3A_304 = arith.mulf %unpack3A_302, %gather3A_298 : vector<16xf32>
          %swap3A_305 = arith.index_cast %add3A_296 : i32 to index
          %swap3A_306 = arith.constant 0 : index
          %swap3A_307 = tpu.vector_load %arg21[%swap3A_305, %swap3A_306] {strides = array<i32>} : memref<64x144xf32, #tpu.memory_space<vmem>>, vector<16xf32>,
          tpu.vector_store %arg21[%swap3A_305, %swap3A_306], %mul3A_304 {strides = array<i32>} : memref<64x144xf32, #tpu.memory_space<vmem>>, vector<16xf32>,
          %mul3A_308 = arith.mulf %unpack3A_303, %gather3A_298 : vector<16xf32>
          %swap3A_309 = arith.index_cast %add3A_296 : i32 to index
          %swap3A_310 = arith.constant 16 : index
          %swap3A_311 = tpu.vector_load %arg21[%swap3A_309, %swap3A_310] {strides = array<i32>} : memref<64x144xf32, #tpu.memory_space<vmem>>, vector<16xf32>,
          tpu.vector_store %arg21[%swap3A_309, %swap3A_310], %mul3A_308 {strides = array<i32>} : memref<64x144xf32, #tpu.memory_space<vmem>>, vector<16xf32>,
          %get3A_312 = arith.index_cast %add3A_296 : i32 to index
          %get3A_313 = arith.constant 32 : index
          %get3A_314 = tpu.vector_load %arg17[%get3A_312, %get3A_313] {strides = array<i32>} : memref<64x128xbf16, #tpu.memory_space<vmem>>, vector<32xbf16>,
          %unpack3A_315 = tpu.unpack_subelements %get3A_314, 0 {pack_format = #tpu.pack_format<interleaved>} : vector<32xbf16> -> vector<16xf32>
          %unpack3A_316 = tpu.unpack_subelements %get3A_314, 1 {pack_format = #tpu.pack_format<interleaved>} : vector<32xbf16> -> vector<16xf32>
          %mul3A_317 = arith.mulf %unpack3A_315, %gather3A_298 : vector<16xf32>
          %swap3A_318 = arith.index_cast %add3A_296 : i32 to index
          %swap3A_319 = arith.constant 32 : index
          %swap3A_320 = tpu.vector_load %arg21[%swap3A_318, %swap3A_319] {strides = array<i32>} : memref<64x144xf32, #tpu.memory_space<vmem>>, vector<16xf32>,
          tpu.vector_store %arg21[%swap3A_318, %swap3A_319], %mul3A_317 {strides = array<i32>} : memref<64x144xf32, #tpu.memory_space<vmem>>, vector<16xf32>,
          %mul3A_321 = arith.mulf %unpack3A_316, %gather3A_298 : vector<16xf32>
          %swap3A_322 = arith.index_cast %add3A_296 : i32 to index
          %swap3A_323 = arith.constant 48 : index
          %swap3A_324 = tpu.vector_load %arg21[%swap3A_322, %swap3A_323] {strides = array<i32>} : memref<64x144xf32, #tpu.memory_space<vmem>>, vector<16xf32>,
          tpu.vector_store %arg21[%swap3A_322, %swap3A_323], %mul3A_321 {strides = array<i32>} : memref<64x144xf32, #tpu.memory_space<vmem>>, vector<16xf32>,
          %get3A_325 = arith.index_cast %add3A_296 : i32 to index
          %get3A_326 = arith.constant 64 : index
          %get3A_327 = tpu.vector_load %arg17[%get3A_325, %get3A_326] {strides = array<i32>} : memref<64x128xbf16, #tpu.memory_space<vmem>>, vector<32xbf16>,
          %unpack3A_328 = tpu.unpack_subelements %get3A_327, 0 {pack_format = #tpu.pack_format<interleaved>} : vector<32xbf16> -> vector<16xf32>
          %unpack3A_329 = tpu.unpack_subelements %get3A_327, 1 {pack_format = #tpu.pack_format<interleaved>} : vector<32xbf16> -> vector<16xf32>
          %mul3A_330 = arith.mulf %unpack3A_328, %gather3A_298 : vector<16xf32>
          %swap3A_331 = arith.index_cast %add3A_296 : i32 to index
          %swap3A_332 = arith.constant 64 : index
          %swap3A_333 = tpu.vector_load %arg21[%swap3A_331, %swap3A_332] {strides = array<i32>} : memref<64x144xf32, #tpu.memory_space<vmem>>, vector<16xf32>,
          tpu.vector_store %arg21[%swap3A_331, %swap3A_332], %mul3A_330 {strides = array<i32>} : memref<64x144xf32, #tpu.memory_space<vmem>>, vector<16xf32>,
          %mul3A_334 = arith.mulf %unpack3A_329, %gather3A_298 : vector<16xf32>
          %swap3A_335 = arith.index_cast %add3A_296 : i32 to index
          %swap3A_336 = arith.constant 80 : index
          %swap3A_337 = tpu.vector_load %arg21[%swap3A_335, %swap3A_336] {strides = array<i32>} : memref<64x144xf32, #tpu.memory_space<vmem>>, vector<16xf32>,
          tpu.vector_store %arg21[%swap3A_335, %swap3A_336], %mul3A_334 {strides = array<i32>} : memref<64x144xf32, #tpu.memory_space<vmem>>, vector<16xf32>,
          %get3A_338 = arith.index_cast %add3A_296 : i32 to index
          %get3A_339 = arith.constant 96 : index
          %get3A_340 = tpu.vector_load %arg17[%get3A_338, %get3A_339] {strides = array<i32>} : memref<64x128xbf16, #tpu.memory_space<vmem>>, vector<32xbf16>,
          %unpack3A_341 = tpu.unpack_subelements %get3A_340, 0 {pack_format = #tpu.pack_format<interleaved>} : vector<32xbf16> -> vector<16xf32>
          %unpack3A_342 = tpu.unpack_subelements %get3A_340, 1 {pack_format = #tpu.pack_format<interleaved>} : vector<32xbf16> -> vector<16xf32>
          %mul3A_343 = arith.mulf %unpack3A_341, %gather3A_298 : vector<16xf32>
          %swap3A_344 = arith.index_cast %add3A_296 : i32 to index
          %swap3A_345 = arith.constant 96 : index
          %swap3A_346 = tpu.vector_load %arg21[%swap3A_344, %swap3A_345] {strides = array<i32>} : memref<64x144xf32, #tpu.memory_space<vmem>>, vector<16xf32>,
          tpu.vector_store %arg21[%swap3A_344, %swap3A_345], %mul3A_343 {strides = array<i32>} : memref<64x144xf32, #tpu.memory_space<vmem>>, vector<16xf32>,
          %mul3A_347 = arith.mulf %unpack3A_342, %gather3A_298 : vector<16xf32>
          %swap3A_348 = arith.index_cast %add3A_296 : i32 to index
          %swap3A_349 = arith.constant 112 : index
          %swap3A_350 = tpu.vector_load %arg21[%swap3A_348, %swap3A_349] {strides = array<i32>} : memref<64x144xf32, #tpu.memory_space<vmem>>, vector<16xf32>,
          tpu.vector_store %arg21[%swap3A_348, %swap3A_349], %mul3A_347 {strides = array<i32>} : memref<64x144xf32, #tpu.memory_space<vmem>>, vector<16xf32>,
          %mul3A_351 = arith.mulf %select_n3A_24, %gather3A_298 : vector<16xf32>
          %swap3A_352 = arith.index_cast %add3A_296 : i32 to index
          %swap3A_353 = arith.constant 128 : index
          %swap3A_354 = tpu.vector_load %arg21[%swap3A_352, %swap3A_353] {strides = array<i32>} : memref<64x144xf32, #tpu.memory_space<vmem>>, vector<16xf32>,
          tpu.vector_store %arg21[%swap3A_352, %swap3A_353], %mul3A_351 {strides = array<i32>} : memref<64x144xf32, #tpu.memory_space<vmem>>, vector<16xf32>,
          %mul3A_355 = arith.constant 4 : i32
          %mul3A_356 = arith.muli %scan3A_233, %mul3A_355 : i32
          %add3A_357 = arith.constant 2 : i32
          %add3A_358 = arith.addi %mul3A_356, %add3A_357 : i32
          %broadcast_in_dim3A_359 = vector.broadcast %add3A_358 : i32 to vector<16xi32>
          %gather3A_360 = tpu.vector_load_idx %arg14[%broadcast_in_dim3A_359] : memref<64xf32, #tpu.memory_space<vmem>>[vector<16xi32>], vector<16xf32>,
          %get3A_361 = arith.index_cast %add3A_358 : i32 to index
          %get3A_362 = arith.constant 0 : index
          %get3A_363 = tpu.vector_load %arg17[%get3A_361, %get3A_362] {strides = array<i32>} : memref<64x128xbf16, #tpu.memory_space<vmem>>, vector<32xbf16>,
          %unpack3A_364 = tpu.unpack_subelements %get3A_363, 0 {pack_format = #tpu.pack_format<interleaved>} : vector<32xbf16> -> vector<16xf32>
          %unpack3A_365 = tpu.unpack_subelements %get3A_363, 1 {pack_format = #tpu.pack_format<interleaved>} : vector<32xbf16> -> vector<16xf32>
          %mul3A_366 = arith.mulf %unpack3A_364, %gather3A_360 : vector<16xf32>
          %swap3A_367 = arith.index_cast %add3A_358 : i32 to index
          %swap3A_368 = arith.constant 0 : index
          %swap3A_369 = tpu.vector_load %arg21[%swap3A_367, %swap3A_368] {strides = array<i32>} : memref<64x144xf32, #tpu.memory_space<vmem>>, vector<16xf32>,
          tpu.vector_store %arg21[%swap3A_367, %swap3A_368], %mul3A_366 {strides = array<i32>} : memref<64x144xf32, #tpu.memory_space<vmem>>, vector<16xf32>,
          %mul3A_370 = arith.mulf %unpack3A_365, %gather3A_360 : vector<16xf32>
          %swap3A_371 = arith.index_cast %add3A_358 : i32 to index
          %swap3A_372 = arith.constant 16 : index
          %swap3A_373 = tpu.vector_load %arg21[%swap3A_371, %swap3A_372] {strides = array<i32>} : memref<64x144xf32, #tpu.memory_space<vmem>>, vector<16xf32>,
          tpu.vector_store %arg21[%swap3A_371, %swap3A_372], %mul3A_370 {strides = array<i32>} : memref<64x144xf32, #tpu.memory_space<vmem>>, vector<16xf32>,
          %get3A_374 = arith.index_cast %add3A_358 : i32 to index
          %get3A_375 = arith.constant 32 : index
          %get3A_376 = tpu.vector_load %arg17[%get3A_374, %get3A_375] {strides = array<i32>} : memref<64x128xbf16, #tpu.memory_space<vmem>>, vector<32xbf16>,
          %unpack3A_377 = tpu.unpack_subelements %get3A_376, 0 {pack_format = #tpu.pack_format<interleaved>} : vector<32xbf16> -> vector<16xf32>
          %unpack3A_378 = tpu.unpack_subelements %get3A_376, 1 {pack_format = #tpu.pack_format<interleaved>} : vector<32xbf16> -> vector<16xf32>
          %mul3A_379 = arith.mulf %unpack3A_377, %gather3A_360 : vector<16xf32>
          %swap3A_380 = arith.index_cast %add3A_358 : i32 to index
          %swap3A_381 = arith.constant 32 : index
          %swap3A_382 = tpu.vector_load %arg21[%swap3A_380, %swap3A_381] {strides = array<i32>} : memref<64x144xf32, #tpu.memory_space<vmem>>, vector<16xf32>,
          tpu.vector_store %arg21[%swap3A_380, %swap3A_381], %mul3A_379 {strides = array<i32>} : memref<64x144xf32, #tpu.memory_space<vmem>>, vector<16xf32>,
          %mul3A_383 = arith.mulf %unpack3A_378, %gather3A_360 : vector<16xf32>
          %swap3A_384 = arith.index_cast %add3A_358 : i32 to index
          %swap3A_385 = arith.constant 48 : index
          %swap3A_386 = tpu.vector_load %arg21[%swap3A_384, %swap3A_385] {strides = array<i32>} : memref<64x144xf32, #tpu.memory_space<vmem>>, vector<16xf32>,
          tpu.vector_store %arg21[%swap3A_384, %swap3A_385], %mul3A_383 {strides = array<i32>} : memref<64x144xf32, #tpu.memory_space<vmem>>, vector<16xf32>,
          %get3A_387 = arith.index_cast %add3A_358 : i32 to index
          %get3A_388 = arith.constant 64 : index
          %get3A_389 = tpu.vector_load %arg17[%get3A_387, %get3A_388] {strides = array<i32>} : memref<64x128xbf16, #tpu.memory_space<vmem>>, vector<32xbf16>,
          %unpack3A_390 = tpu.unpack_subelements %get3A_389, 0 {pack_format = #tpu.pack_format<interleaved>} : vector<32xbf16> -> vector<16xf32>
          %unpack3A_391 = tpu.unpack_subelements %get3A_389, 1 {pack_format = #tpu.pack_format<interleaved>} : vector<32xbf16> -> vector<16xf32>
          %mul3A_392 = arith.mulf %unpack3A_390, %gather3A_360 : vector<16xf32>
          %swap3A_393 = arith.index_cast %add3A_358 : i32 to index
          %swap3A_394 = arith.constant 64 : index
          %swap3A_395 = tpu.vector_load %arg21[%swap3A_393, %swap3A_394] {strides = array<i32>} : memref<64x144xf32, #tpu.memory_space<vmem>>, vector<16xf32>,
          tpu.vector_store %arg21[%swap3A_393, %swap3A_394], %mul3A_392 {strides = array<i32>} : memref<64x144xf32, #tpu.memory_space<vmem>>, vector<16xf32>,
          %mul3A_396 = arith.mulf %unpack3A_391, %gather3A_360 : vector<16xf32>
          %swap3A_397 = arith.index_cast %add3A_358 : i32 to index
          %swap3A_398 = arith.constant 80 : index
          %swap3A_399 = tpu.vector_load %arg21[%swap3A_397, %swap3A_398] {strides = array<i32>} : memref<64x144xf32, #tpu.memory_space<vmem>>, vector<16xf32>,
          tpu.vector_store %arg21[%swap3A_397, %swap3A_398], %mul3A_396 {strides = array<i32>} : memref<64x144xf32, #tpu.memory_space<vmem>>, vector<16xf32>,
          %get3A_400 = arith.index_cast %add3A_358 : i32 to index
          %get3A_401 = arith.constant 96 : index
          %get3A_402 = tpu.vector_load %arg17[%get3A_400, %get3A_401] {strides = array<i32>} : memref<64x128xbf16, #tpu.memory_space<vmem>>, vector<32xbf16>,
          %unpack3A_403 = tpu.unpack_subelements %get3A_402, 0 {pack_format = #tpu.pack_format<interleaved>} : vector<32xbf16> -> vector<16xf32>
          %unpack3A_404 = tpu.unpack_subelements %get3A_402, 1 {pack_format = #tpu.pack_format<interleaved>} : vector<32xbf16> -> vector<16xf32>
          %mul3A_405 = arith.mulf %unpack3A_403, %gather3A_360 : vector<16xf32>
          %swap3A_406 = arith.index_cast %add3A_358 : i32 to index
          %swap3A_407 = arith.constant 96 : index
          %swap3A_408 = tpu.vector_load %arg21[%swap3A_406, %swap3A_407] {strides = array<i32>} : memref<64x144xf32, #tpu.memory_space<vmem>>, vector<16xf32>,
          tpu.vector_store %arg21[%swap3A_406, %swap3A_407], %mul3A_405 {strides = array<i32>} : memref<64x144xf32, #tpu.memory_space<vmem>>, vector<16xf32>,
          %mul3A_409 = arith.mulf %unpack3A_404, %gather3A_360 : vector<16xf32>
          %swap3A_410 = arith.index_cast %add3A_358 : i32 to index
          %swap3A_411 = arith.constant 112 : index
          %swap3A_412 = tpu.vector_load %arg21[%swap3A_410, %swap3A_411] {strides = array<i32>} : memref<64x144xf32, #tpu.memory_space<vmem>>, vector<16xf32>,
          tpu.vector_store %arg21[%swap3A_410, %swap3A_411], %mul3A_409 {strides = array<i32>} : memref<64x144xf32, #tpu.memory_space<vmem>>, vector<16xf32>,
          %mul3A_413 = arith.mulf %select_n3A_24, %gather3A_360 : vector<16xf32>
          %swap3A_414 = arith.index_cast %add3A_358 : i32 to index
          %swap3A_415 = arith.constant 128 : index
          %swap3A_416 = tpu.vector_load %arg21[%swap3A_414, %swap3A_415] {strides = array<i32>} : memref<64x144xf32, #tpu.memory_space<vmem>>, vector<16xf32>,
          tpu.vector_store %arg21[%swap3A_414, %swap3A_415], %mul3A_413 {strides = array<i32>} : memref<64x144xf32, #tpu.memory_space<vmem>>, vector<16xf32>,
          %mul3A_417 = arith.constant 4 : i32
          %mul3A_418 = arith.muli %scan3A_233, %mul3A_417 : i32
          %add3A_419 = arith.constant 3 : i32
          %add3A_420 = arith.addi %mul3A_418, %add3A_419 : i32
          %broadcast_in_dim3A_421 = vector.broadcast %add3A_420 : i32 to vector<16xi32>
          %gather3A_422 = tpu.vector_load_idx %arg14[%broadcast_in_dim3A_421] : memref<64xf32, #tpu.memory_space<vmem>>[vector<16xi32>], vector<16xf32>,
          %get3A_423 = arith.index_cast %add3A_420 : i32 to index
          %get3A_424 = arith.constant 0 : index
          %get3A_425 = tpu.vector_load %arg17[%get3A_423, %get3A_424] {strides = array<i32>} : memref<64x128xbf16, #tpu.memory_space<vmem>>, vector<32xbf16>,
          %unpack3A_426 = tpu.unpack_subelements %get3A_425, 0 {pack_format = #tpu.pack_format<interleaved>} : vector<32xbf16> -> vector<16xf32>
          %unpack3A_427 = tpu.unpack_subelements %get3A_425, 1 {pack_format = #tpu.pack_format<interleaved>} : vector<32xbf16> -> vector<16xf32>
          %mul3A_428 = arith.mulf %unpack3A_426, %gather3A_422 : vector<16xf32>
          %swap3A_429 = arith.index_cast %add3A_420 : i32 to index
          %swap3A_430 = arith.constant 0 : index
          %swap3A_431 = tpu.vector_load %arg21[%swap3A_429, %swap3A_430] {strides = array<i32>} : memref<64x144xf32, #tpu.memory_space<vmem>>, vector<16xf32>,
          tpu.vector_store %arg21[%swap3A_429, %swap3A_430], %mul3A_428 {strides = array<i32>} : memref<64x144xf32, #tpu.memory_space<vmem>>, vector<16xf32>,
          %mul3A_432 = arith.mulf %unpack3A_427, %gather3A_422 : vector<16xf32>
          %swap3A_433 = arith.index_cast %add3A_420 : i32 to index
          %swap3A_434 = arith.constant 16 : index
          %swap3A_435 = tpu.vector_load %arg21[%swap3A_433, %swap3A_434] {strides = array<i32>} : memref<64x144xf32, #tpu.memory_space<vmem>>, vector<16xf32>,
          tpu.vector_store %arg21[%swap3A_433, %swap3A_434], %mul3A_432 {strides = array<i32>} : memref<64x144xf32, #tpu.memory_space<vmem>>, vector<16xf32>,
          %get3A_436 = arith.index_cast %add3A_420 : i32 to index
          %get3A_437 = arith.constant 32 : index
          %get3A_438 = tpu.vector_load %arg17[%get3A_436, %get3A_437] {strides = array<i32>} : memref<64x128xbf16, #tpu.memory_space<vmem>>, vector<32xbf16>,
          %unpack3A_439 = tpu.unpack_subelements %get3A_438, 0 {pack_format = #tpu.pack_format<interleaved>} : vector<32xbf16> -> vector<16xf32>
          %unpack3A_440 = tpu.unpack_subelements %get3A_438, 1 {pack_format = #tpu.pack_format<interleaved>} : vector<32xbf16> -> vector<16xf32>
          %mul3A_441 = arith.mulf %unpack3A_439, %gather3A_422 : vector<16xf32>
          %swap3A_442 = arith.index_cast %add3A_420 : i32 to index
          %swap3A_443 = arith.constant 32 : index
          %swap3A_444 = tpu.vector_load %arg21[%swap3A_442, %swap3A_443] {strides = array<i32>} : memref<64x144xf32, #tpu.memory_space<vmem>>, vector<16xf32>,
          tpu.vector_store %arg21[%swap3A_442, %swap3A_443], %mul3A_441 {strides = array<i32>} : memref<64x144xf32, #tpu.memory_space<vmem>>, vector<16xf32>,
          %mul3A_445 = arith.mulf %unpack3A_440, %gather3A_422 : vector<16xf32>
          %swap3A_446 = arith.index_cast %add3A_420 : i32 to index
          %swap3A_447 = arith.constant 48 : index
          %swap3A_448 = tpu.vector_load %arg21[%swap3A_446, %swap3A_447] {strides = array<i32>} : memref<64x144xf32, #tpu.memory_space<vmem>>, vector<16xf32>,
          tpu.vector_store %arg21[%swap3A_446, %swap3A_447], %mul3A_445 {strides = array<i32>} : memref<64x144xf32, #tpu.memory_space<vmem>>, vector<16xf32>,
          %get3A_449 = arith.index_cast %add3A_420 : i32 to index
          %get3A_450 = arith.constant 64 : index
          %get3A_451 = tpu.vector_load %arg17[%get3A_449, %get3A_450] {strides = array<i32>} : memref<64x128xbf16, #tpu.memory_space<vmem>>, vector<32xbf16>,
          %unpack3A_452 = tpu.unpack_subelements %get3A_451, 0 {pack_format = #tpu.pack_format<interleaved>} : vector<32xbf16> -> vector<16xf32>
          %unpack3A_453 = tpu.unpack_subelements %get3A_451, 1 {pack_format = #tpu.pack_format<interleaved>} : vector<32xbf16> -> vector<16xf32>
          %mul3A_454 = arith.mulf %unpack3A_452, %gather3A_422 : vector<16xf32>
          %swap3A_455 = arith.index_cast %add3A_420 : i32 to index
          %swap3A_456 = arith.constant 64 : index
          %swap3A_457 = tpu.vector_load %arg21[%swap3A_455, %swap3A_456] {strides = array<i32>} : memref<64x144xf32, #tpu.memory_space<vmem>>, vector<16xf32>,
          tpu.vector_store %arg21[%swap3A_455, %swap3A_456], %mul3A_454 {strides = array<i32>} : memref<64x144xf32, #tpu.memory_space<vmem>>, vector<16xf32>,
          %mul3A_458 = arith.mulf %unpack3A_453, %gather3A_422 : vector<16xf32>
          %swap3A_459 = arith.index_cast %add3A_420 : i32 to index
          %swap3A_460 = arith.constant 80 : index
          %swap3A_461 = tpu.vector_load %arg21[%swap3A_459, %swap3A_460] {strides = array<i32>} : memref<64x144xf32, #tpu.memory_space<vmem>>, vector<16xf32>,
          tpu.vector_store %arg21[%swap3A_459, %swap3A_460], %mul3A_458 {strides = array<i32>} : memref<64x144xf32, #tpu.memory_space<vmem>>, vector<16xf32>,
          %get3A_462 = arith.index_cast %add3A_420 : i32 to index
          %get3A_463 = arith.constant 96 : index
          %get3A_464 = tpu.vector_load %arg17[%get3A_462, %get3A_463] {strides = array<i32>} : memref<64x128xbf16, #tpu.memory_space<vmem>>, vector<32xbf16>,
          %unpack3A_465 = tpu.unpack_subelements %get3A_464, 0 {pack_format = #tpu.pack_format<interleaved>} : vector<32xbf16> -> vector<16xf32>
          %unpack3A_466 = tpu.unpack_subelements %get3A_464, 1 {pack_format = #tpu.pack_format<interleaved>} : vector<32xbf16> -> vector<16xf32>
          %mul3A_467 = arith.mulf %unpack3A_465, %gather3A_422 : vector<16xf32>
          %swap3A_468 = arith.index_cast %add3A_420 : i32 to index
          %swap3A_469 = arith.constant 96 : index
          %swap3A_470 = tpu.vector_load %arg21[%swap3A_468, %swap3A_469] {strides = array<i32>} : memref<64x144xf32, #tpu.memory_space<vmem>>, vector<16xf32>,
          tpu.vector_store %arg21[%swap3A_468, %swap3A_469], %mul3A_467 {strides = array<i32>} : memref<64x144xf32, #tpu.memory_space<vmem>>, vector<16xf32>,
          %mul3A_471 = arith.mulf %unpack3A_466, %gather3A_422 : vector<16xf32>
          %swap3A_472 = arith.index_cast %add3A_420 : i32 to index
          %swap3A_473 = arith.constant 112 : index
          %swap3A_474 = tpu.vector_load %arg21[%swap3A_472, %swap3A_473] {strides = array<i32>} : memref<64x144xf32, #tpu.memory_space<vmem>>, vector<16xf32>,
          tpu.vector_store %arg21[%swap3A_472, %swap3A_473], %mul3A_471 {strides = array<i32>} : memref<64x144xf32, #tpu.memory_space<vmem>>, vector<16xf32>,
          %mul3A_475 = arith.mulf %select_n3A_24, %gather3A_422 : vector<16xf32>
          %swap3A_476 = arith.index_cast %add3A_420 : i32 to index
          %swap3A_477 = arith.constant 128 : index
          %swap3A_478 = tpu.vector_load %arg21[%swap3A_476, %swap3A_477] {strides = array<i32>} : memref<64x144xf32, #tpu.memory_space<vmem>>, vector<16xf32>,
          tpu.vector_store %arg21[%swap3A_476, %swap3A_477], %mul3A_475 {strides = array<i32>} : memref<64x144xf32, #tpu.memory_space<vmem>>, vector<16xf32>,
        }
        %scan3A_171 = arith.constant 16 : i32
        %dma_start3A_172 = arith.constant 0 : i32
        %dma_start3A_173 = arith.constant 0 : i32
        %dma_start3A_174 = tpu.memref_slice %arg16[%dma_start3A_172, %dma_start3A_173] : memref<10016x144xf32, #tpu.memory_space<vmem_shared>> -> memref<10016x144xf32, #tpu.memory_space<vmem_shared>>
        tpu.enqueue_indirect_dma source(%arg21 : memref<64x144xf32, #tpu.memory_space<vmem>>) target(%dma_start3A_174 : memref<10016x144xf32, #tpu.memory_space<vmem_shared>>) offsets(%arg12 : memref<64xi32, #tpu.memory_space<vmem>>) semaphore(%arg29 : memref<!tpu.dma_semaphore, #tpu.memory_space<semaphore_mem>>) {add = true}
        %mul3A_175 = arith.constant 2 : i32
        %mul3A_176 = arith.muli %while3A_119, %mul3A_175 : i32
        %add3A_177 = arith.constant 1 : i32
        %add3A_178 = arith.addi %mul3A_176, %add3A_177 : i32
        %ge3A_179 = arith.constant 1 : i32
        %ge3A_180 = arith.cmpi sge, %add3A_178, %ge3A_179 : i32
        %convert_element_type3A_181 = arith.extui %ge3A_180 : i1 to i32
        %cond3A_182 = arith.constant 0 : i32
        %cond3A_183 = arith.cmpi ne, %convert_element_type3A_181, %cond3A_182 : i32
        scf.if %cond3A_183 {
          %dma_wait3A_233 = arith.constant 0 : i32
          %dma_wait3A_234 = arith.constant 0 : i32
          %dma_wait3A_235 = tpu.memref_slice %arg16[%dma_wait3A_233, %dma_wait3A_234] : memref<10016x144xf32, #tpu.memory_space<vmem_shared>> -> memref<10016x144xf32, #tpu.memory_space<vmem_shared>>
          tpu.wait_indirect_dma semaphore(%arg29 : memref<!tpu.dma_semaphore, #tpu.memory_space<semaphore_mem>>) src(%arg21 : memref<64x144xf32, #tpu.memory_space<vmem>>) dst(%dma_wait3A_235 : memref<10016x144xf32, #tpu.memory_space<vmem_shared>>)
        } else {
        }
        %add3A_184 = arith.constant 1 : i32
        %add3A_185 = arith.addi %add3A_178, %add3A_184 : i32
        %lt3A_186 = arith.cmpi slt, %add3A_185, %select_n3A : i32
        %convert_element_type3A_187 = arith.extui %lt3A_186 : i1 to i32
        %cond3A_188 = arith.constant 0 : i32
        %cond3A_189 = arith.cmpi ne, %convert_element_type3A_187, %cond3A_188 : i32
        scf.if %cond3A_189 {
          %add3A_233 = arith.constant 1 : i32
          %add3A_234 = arith.addi %add3A_178, %add3A_233 : i32
          %add3A_235 = arith.addi %add3A, %add3A_234 : i32
          %dma_wait3A_236 = arith.constant 0 : i32
          %dma_wait3A_237 = arith.constant 0 : i32
          %dma_wait3A_238 = arith.constant 0 : i32
          %dma_wait3A_239 = tpu.memref_slice %arg11[%dma_wait3A_236, %dma_wait3A_237, %dma_wait3A_238] : memref<2x2x64xi32, #tpu.memory_space<vmem>> -> memref<1x2x64xi32, #tpu.memory_space<vmem>>
          %dma_wait3A_240 = tpu.memref_squeeze %dma_wait3A_239 : memref<1x2x64xi32, #tpu.memory_space<vmem>> -> memref<2x64xi32, #tpu.memory_space<vmem>>
          %dma_wait3A_241 = arith.constant 0 : i32
          %dma_wait3A_242 = arith.constant 0 : i32
          %dma_wait3A_243 = tpu.memref_slice %arg4[%add3A_235, %dma_wait3A_241, %dma_wait3A_242] : memref<5184x2x64xi32, #tpu.memory_space<hbm>> -> memref<1x2x64xi32, #tpu.memory_space<hbm>>
          %dma_wait3A_244 = tpu.memref_squeeze %dma_wait3A_243 : memref<1x2x64xi32, #tpu.memory_space<hbm>> -> memref<2x64xi32, #tpu.memory_space<hbm>>
          %dma_wait3A_245 = arith.constant 0 : i32
          %dma_wait3A_246 = arith.constant 0 : i32
          %dma_wait3A_247 = tpu.memref_slice %arg11[%dma_wait3A_236, %dma_wait3A_245, %dma_wait3A_246] : memref<2x2x64xi32, #tpu.memory_space<vmem>> -> memref<1x2x64xi32, #tpu.memory_space<vmem>>
          %dma_wait3A_248 = tpu.memref_squeeze %dma_wait3A_247 : memref<1x2x64xi32, #tpu.memory_space<vmem>> -> memref<2x64xi32, #tpu.memory_space<vmem>>
          %dma_wait3A_249 = arith.constant 0 : i32
          %dma_wait3A_250 = arith.constant 0 : i32
          %dma_wait3A_251 = tpu.memref_slice %arg4[%add3A_235, %dma_wait3A_249, %dma_wait3A_250] : memref<5184x2x64xi32, #tpu.memory_space<hbm>> -> memref<1x2x64xi32, #tpu.memory_space<hbm>>
          %dma_wait3A_252 = tpu.memref_squeeze %dma_wait3A_251 : memref<1x2x64xi32, #tpu.memory_space<hbm>> -> memref<2x64xi32, #tpu.memory_space<hbm>>
          tpu.wait_dma2 semaphore(%arg23 : memref<!tpu.dma_semaphore, #tpu.memory_space<semaphore_mem>>) src(%dma_wait3A_252 : memref<2x64xi32, #tpu.memory_space<hbm>>) dst(%dma_wait3A_248 : memref<2x64xi32, #tpu.memory_space<vmem>>)
          %add3A_253 = arith.constant 1 : i32
          %add3A_254 = arith.addi %add3A_178, %add3A_253 : i32
          %dma_start3A_255 = arith.constant 0 : i32
          %dma_start3A_256 = arith.constant 0 : i32
          %dma_start3A_257 = arith.constant 0 : i32
          %dma_start3A_258 = tpu.memref_slice %arg11[%dma_start3A_255, %dma_start3A_256, %dma_start3A_257] : memref<2x2x64xi32, #tpu.memory_space<vmem>> -> memref<1x1x64xi32, #tpu.memory_space<vmem>>
          %dma_start3A_259 = tpu.memref_squeeze %dma_start3A_258 : memref<1x1x64xi32, #tpu.memory_space<vmem>> -> memref<64xi32, #tpu.memory_space<vmem>>
          %dma_start3A_260 = arith.constant 0 : i32
          %dma_start3A_261 = arith.constant 0 : i32
          %dma_start3A_262 = tpu.memref_slice %arg2[%dma_start3A_260, %dma_start3A_261] : memref<10000x128xbf16, #tpu.memory_space<hbm>> -> memref<10000x128xbf16, #tpu.memory_space<hbm>>
          tpu.enqueue_indirect_dma source(%dma_start3A_262 : memref<10000x128xbf16, #tpu.memory_space<hbm>>) target(%arg17 : memref<64x128xbf16, #tpu.memory_space<vmem>>) offsets(%dma_start3A_259 : memref<64xi32, #tpu.memory_space<vmem>>) semaphore(%arg25 : memref<!tpu.dma_semaphore, #tpu.memory_space<semaphore_mem>>)
          %dma_start3A_263 = arith.constant 0 : i32
          %dma_start3A_264 = arith.constant 1 : i32
          %dma_start3A_265 = arith.constant 0 : i32
          %dma_start3A_266 = tpu.memref_slice %arg11[%dma_start3A_263, %dma_start3A_264, %dma_start3A_265] : memref<2x2x64xi32, #tpu.memory_space<vmem>> -> memref<1x1x64xi32, #tpu.memory_space<vmem>>
          %dma_start3A_267 = tpu.memref_squeeze %dma_start3A_266 : memref<1x1x64xi32, #tpu.memory_space<vmem>> -> memref<64xi32, #tpu.memory_space<vmem>>
          %dma_start3A_268 = arith.constant 0 : i32
          %dma_start3A_269 = arith.constant 0 : i32
          %dma_start3A_270 = tpu.memref_slice %arg3[%dma_start3A_268, %dma_start3A_269] : memref<10016x128xbf16, #tpu.memory_space<hbm>> -> memref<10016x128xbf16, #tpu.memory_space<hbm>>
          tpu.enqueue_indirect_dma source(%dma_start3A_270 : memref<10016x128xbf16, #tpu.memory_space<hbm>>) target(%arg19 : memref<64x128xbf16, #tpu.memory_space<vmem>>) offsets(%dma_start3A_267 : memref<64xi32, #tpu.memory_space<vmem>>) semaphore(%arg27 : memref<!tpu.dma_semaphore, #tpu.memory_space<semaphore_mem>>)
        } else {
        }
        %dma_wait3A_190 = arith.constant 1 : i32
        %dma_wait3A_191 = arith.constant 0 : i32
        %dma_wait3A_192 = arith.constant 0 : i32
        %dma_wait3A_193 = tpu.memref_slice %arg11[%dma_wait3A_190, %dma_wait3A_191, %dma_wait3A_192] : memref<2x2x64xi32, #tpu.memory_space<vmem>> -> memref<1x1x64xi32, #tpu.memory_space<vmem>>
        %dma_wait3A_194 = tpu.memref_squeeze %dma_wait3A_193 : memref<1x1x64xi32, #tpu.memory_space<vmem>> -> memref<64xi32, #tpu.memory_space<vmem>>
        %dma_wait3A_195 = arith.constant 0 : i32
        %dma_wait3A_196 = arith.constant 0 : i32
        %dma_wait3A_197 = tpu.memref_slice %arg2[%dma_wait3A_195, %dma_wait3A_196] : memref<10000x128xbf16, #tpu.memory_space<hbm>> -> memref<10000x128xbf16, #tpu.memory_space<hbm>>
        tpu.wait_indirect_dma semaphore(%arg26 : memref<!tpu.dma_semaphore, #tpu.memory_space<semaphore_mem>>) src(%dma_wait3A_197 : memref<10000x128xbf16, #tpu.memory_space<hbm>>) dst(%arg18 : memref<64x128xbf16, #tpu.memory_space<vmem>>)
        %dma_wait3A_198 = arith.constant 1 : i32
        %dma_wait3A_199 = arith.constant 1 : i32
        %dma_wait3A_200 = arith.constant 0 : i32
        %dma_wait3A_201 = tpu.memref_slice %arg11[%dma_wait3A_198, %dma_wait3A_199, %dma_wait3A_200] : memref<2x2x64xi32, #tpu.memory_space<vmem>> -> memref<1x1x64xi32, #tpu.memory_space<vmem>>
        %dma_wait3A_202 = tpu.memref_squeeze %dma_wait3A_201 : memref<1x1x64xi32, #tpu.memory_space<vmem>> -> memref<64xi32, #tpu.memory_space<vmem>>
        %dma_wait3A_203 = arith.constant 0 : i32
        %dma_wait3A_204 = arith.constant 0 : i32
        %dma_wait3A_205 = tpu.memref_slice %arg3[%dma_wait3A_203, %dma_wait3A_204] : memref<10016x128xbf16, #tpu.memory_space<hbm>> -> memref<10016x128xbf16, #tpu.memory_space<hbm>>
        tpu.wait_indirect_dma semaphore(%arg28 : memref<!tpu.dma_semaphore, #tpu.memory_space<semaphore_mem>>) src(%dma_wait3A_205 : memref<10016x128xbf16, #tpu.memory_space<hbm>>) dst(%arg20 : memref<64x128xbf16, #tpu.memory_space<vmem>>)
        %scan3A_206 = arith.constant 0 : i32
        %scan3A_207 = arith.constant 0 : i32
        %scan3A_208 = arith.constant 4 : i32
        %scan3A_209 = arith.addi %scan3A_207, %scan3A_208 : i32
        %scan3A_210 = arith.constant 1 : i32
        scf.for %scan3A_233 = %scan3A_207 to %scan3A_209 step %scan3A_210  : i32 {
          %mul3A_234 = arith.constant 16 : i32
          %mul3A_235 = arith.muli %scan3A_233, %mul3A_234 : i32
          %get3A_236 = arith.constant 1 : i32
          %get3A_237 = arith.constant 1 : i32
          %get3A_238 = arith.index_cast %get3A_236 : i32 to index
          %get3A_239 = arith.index_cast %get3A_237 : i32 to index
          %get3A_240 = arith.index_cast %mul3A_235 : i32 to index
          %get3A_241 = tpu.vector_load %arg11[%get3A_238, %get3A_239, %get3A_240] {strides = array<i32>} : memref<2x2x64xi32, #tpu.memory_space<vmem>>, vector<16xi32>,
          %swap3A = arith.index_cast %mul3A_235 : i32 to index
          %swap3A_242 = tpu.vector_load %arg13[%swap3A] {strides = array<i32>} : memref<64xi32, #tpu.memory_space<vmem>>, vector<16xi32>,
          tpu.vector_store %arg13[%swap3A], %get3A_241 {strides = array<i32>} : memref<64xi32, #tpu.memory_space<vmem>>, vector<16xi32>,
        }
        %scan3A_211 = arith.constant 4 : i32
        %add3A_212 = arith.constant 2 : i32
        %add3A_213 = arith.addi %add3A_178, %add3A_212 : i32
        %lt3A_214 = arith.cmpi slt, %add3A_213, %select_n3A : i32
        %convert_element_type3A_215 = arith.extui %lt3A_214 : i1 to i32
        %cond3A_216 = arith.constant 0 : i32
        %cond3A_217 = arith.cmpi ne, %convert_element_type3A_215, %cond3A_216 : i32
        scf.if %cond3A_217 {
          %add3A_233 = arith.constant 2 : i32
          %add3A_234 = arith.addi %add3A_178, %add3A_233 : i32
          %add3A_235 = arith.addi %add3A, %add3A_234 : i32
          %dma_start3A_236 = arith.constant 1 : i32
          %dma_start3A_237 = arith.constant 0 : i32
          %dma_start3A_238 = arith.constant 0 : i32
          %dma_start3A_239 = tpu.memref_slice %arg11[%dma_start3A_236, %dma_start3A_237, %dma_start3A_238] : memref<2x2x64xi32, #tpu.memory_space<vmem>> -> memref<1x2x64xi32, #tpu.memory_space<vmem>>
          %dma_start3A_240 = tpu.memref_squeeze %dma_start3A_239 : memref<1x2x64xi32, #tpu.memory_space<vmem>> -> memref<2x64xi32, #tpu.memory_space<vmem>>
          %dma_start3A_241 = arith.constant 0 : i32
          %dma_start3A_242 = arith.constant 0 : i32
          %dma_start3A_243 = tpu.memref_slice %arg4[%add3A_235, %dma_start3A_241, %dma_start3A_242] : memref<5184x2x64xi32, #tpu.memory_space<hbm>> -> memref<1x2x64xi32, #tpu.memory_space<hbm>>
          %dma_start3A_244 = tpu.memref_squeeze %dma_start3A_243 : memref<1x2x64xi32, #tpu.memory_space<hbm>> -> memref<2x64xi32, #tpu.memory_space<hbm>>
          %dma_start3A_245 = arith.constant 0 : i32
          %dma_start3A_246 = arith.constant 0 : i32
          %dma_start3A_247 = tpu.memref_slice %arg11[%dma_start3A_236, %dma_start3A_245, %dma_start3A_246] : memref<2x2x64xi32, #tpu.memory_space<vmem>> -> memref<1x2x64xi32, #tpu.memory_space<vmem>>
          %dma_start3A_248 = tpu.memref_squeeze %dma_start3A_247 : memref<1x2x64xi32, #tpu.memory_space<vmem>> -> memref<2x64xi32, #tpu.memory_space<vmem>>
          %dma_start3A_249 = arith.constant 0 : i32
          %dma_start3A_250 = arith.constant 0 : i32
          %dma_start3A_251 = tpu.memref_slice %arg4[%add3A_235, %dma_start3A_249, %dma_start3A_250] : memref<5184x2x64xi32, #tpu.memory_space<hbm>> -> memref<1x2x64xi32, #tpu.memory_space<hbm>>
          %dma_start3A_252 = tpu.memref_squeeze %dma_start3A_251 : memref<1x2x64xi32, #tpu.memory_space<hbm>> -> memref<2x64xi32, #tpu.memory_space<hbm>>
          tpu.enqueue_dma source(%dma_start3A_252 : memref<2x64xi32, #tpu.memory_space<hbm>>) target(%dma_start3A_248 : memref<2x64xi32, #tpu.memory_space<vmem>>) target_semaphore(%arg24 : memref<!tpu.dma_semaphore, #tpu.memory_space<semaphore_mem>>)
        } else {
        }
        %scan3A_218 = arith.constant 0 : i32
        %scan3A_219 = arith.constant 0 : i32
        %scan3A_220 = arith.constant 4 : i32
        %scan3A_221 = arith.addi %scan3A_219, %scan3A_220 : i32
        %scan3A_222 = arith.constant 1 : i32
        scf.for %scan3A_233 = %scan3A_219 to %scan3A_221 step %scan3A_222  : i32 {
          %scan3A_234 = arith.constant 0 : i32
          %scan3A_235 = arith.constant 0 : i32
          %scan3A_236 = arith.constant 4 : i32
          %scan3A_237 = arith.addi %scan3A_235, %scan3A_236 : i32
          %scan3A_238 = arith.constant 1 : i32
          scf.for %scan3A_328 = %scan3A_235 to %scan3A_237 step %scan3A_238  : i32 {
            %mul3A_329 = arith.constant 16 : i32
            %mul3A_330 = arith.muli %scan3A_233, %mul3A_329 : i32
            %mul3A_331 = arith.constant 4 : i32
            %mul3A_332 = arith.muli %scan3A_328, %mul3A_331 : i32
            %add3A_333 = arith.addi %mul3A_330, %mul3A_332 : i32
            %add3A_334 = arith.constant 0 : i32
            %add3A_335 = arith.addi %add3A_333, %add3A_334 : i32
            %broadcast_in_dim3A_336 = arith.constant 0.000000e+00 : f32
            %broadcast_in_dim3A_337 = vector.broadcast %broadcast_in_dim3A_336 : f32 to vector<16xf32>
            %get3A_338 = arith.index_cast %add3A_335 : i32 to index
            %get3A_339 = arith.constant 0 : index
            %get3A_340 = tpu.vector_load %arg18[%get3A_338, %get3A_339] {strides = array<i32>} : memref<64x128xbf16, #tpu.memory_space<vmem>>, vector<32xbf16>,
            %get3A_341 = arith.index_cast %add3A_335 : i32 to index
            %get3A_342 = arith.constant 0 : index
            %get3A_343 = tpu.vector_load %arg20[%get3A_341, %get3A_342] {strides = array<i32>} : memref<64x128xbf16, #tpu.memory_space<vmem>>, vector<32xbf16>,
            %add3A_344 = arith.addf %get3A_340, %get3A_343 : vector<32xbf16>
            %mul3A_345 = arith.constant 2.001950e-01 : bf16
            %mul3A_346 = vector.broadcast %mul3A_345 : bf16 to vector<32xbf16>
            %mul3A_347 = arith.mulf %mul3A_346, %add3A_344 : vector<32xbf16>
            %max3A = arith.maximumf %add3A_344, %mul3A_347 : vector<32xbf16>
            %mul3A_348 = arith.mulf %get3A_9, %max3A : vector<32xbf16>
            %unpack3A = tpu.unpack_subelements %mul3A_348, 0 {pack_format = #tpu.pack_format<interleaved>} : vector<32xbf16> -> vector<16xf32>
            %unpack3A_349 = tpu.unpack_subelements %mul3A_348, 1 {pack_format = #tpu.pack_format<interleaved>} : vector<32xbf16> -> vector<16xf32>
            %add3A_350 = arith.addf %broadcast_in_dim3A_337, %unpack3A : vector<16xf32>
            %add3A_351 = arith.addf %add3A_350, %unpack3A_349 : vector<16xf32>
            %get3A_352 = arith.index_cast %add3A_335 : i32 to index
            %get3A_353 = arith.constant 32 : index
            %get3A_354 = tpu.vector_load %arg18[%get3A_352, %get3A_353] {strides = array<i32>} : memref<64x128xbf16, #tpu.memory_space<vmem>>, vector<32xbf16>,
            %get3A_355 = arith.index_cast %add3A_335 : i32 to index
            %get3A_356 = arith.constant 32 : index
            %get3A_357 = tpu.vector_load %arg20[%get3A_355, %get3A_356] {strides = array<i32>} : memref<64x128xbf16, #tpu.memory_space<vmem>>, vector<32xbf16>,
            %add3A_358 = arith.addf %get3A_354, %get3A_357 : vector<32xbf16>
            %mul3A_359 = arith.constant 2.001950e-01 : bf16
            %mul3A_360 = vector.broadcast %mul3A_359 : bf16 to vector<32xbf16>
            %mul3A_361 = arith.mulf %mul3A_360, %add3A_358 : vector<32xbf16>
            %max3A_362 = arith.maximumf %add3A_358, %mul3A_361 : vector<32xbf16>
            %mul3A_363 = arith.mulf %get3A_11, %max3A_362 : vector<32xbf16>
            %unpack3A_364 = tpu.unpack_subelements %mul3A_363, 0 {pack_format = #tpu.pack_format<interleaved>} : vector<32xbf16> -> vector<16xf32>
            %unpack3A_365 = tpu.unpack_subelements %mul3A_363, 1 {pack_format = #tpu.pack_format<interleaved>} : vector<32xbf16> -> vector<16xf32>
            %add3A_366 = arith.addf %add3A_351, %unpack3A_364 : vector<16xf32>
            %add3A_367 = arith.addf %add3A_366, %unpack3A_365 : vector<16xf32>
            %get3A_368 = arith.index_cast %add3A_335 : i32 to index
            %get3A_369 = arith.constant 64 : index
            %get3A_370 = tpu.vector_load %arg18[%get3A_368, %get3A_369] {strides = array<i32>} : memref<64x128xbf16, #tpu.memory_space<vmem>>, vector<32xbf16>,
            %get3A_371 = arith.index_cast %add3A_335 : i32 to index
            %get3A_372 = arith.constant 64 : index
            %get3A_373 = tpu.vector_load %arg20[%get3A_371, %get3A_372] {strides = array<i32>} : memref<64x128xbf16, #tpu.memory_space<vmem>>, vector<32xbf16>,
            %add3A_374 = arith.addf %get3A_370, %get3A_373 : vector<32xbf16>
            %mul3A_375 = arith.constant 2.001950e-01 : bf16
            %mul3A_376 = vector.broadcast %mul3A_375 : bf16 to vector<32xbf16>
            %mul3A_377 = arith.mulf %mul3A_376, %add3A_374 : vector<32xbf16>
            %max3A_378 = arith.maximumf %add3A_374, %mul3A_377 : vector<32xbf16>
            %mul3A_379 = arith.mulf %get3A_13, %max3A_378 : vector<32xbf16>
            %unpack3A_380 = tpu.unpack_subelements %mul3A_379, 0 {pack_format = #tpu.pack_format<interleaved>} : vector<32xbf16> -> vector<16xf32>
            %unpack3A_381 = tpu.unpack_subelements %mul3A_379, 1 {pack_format = #tpu.pack_format<interleaved>} : vector<32xbf16> -> vector<16xf32>
            %add3A_382 = arith.addf %add3A_367, %unpack3A_380 : vector<16xf32>
            %add3A_383 = arith.addf %add3A_382, %unpack3A_381 : vector<16xf32>
            %get3A_384 = arith.index_cast %add3A_335 : i32 to index
            %get3A_385 = arith.constant 96 : index
            %get3A_386 = tpu.vector_load %arg18[%get3A_384, %get3A_385] {strides = array<i32>} : memref<64x128xbf16, #tpu.memory_space<vmem>>, vector<32xbf16>,
            %get3A_387 = arith.index_cast %add3A_335 : i32 to index
            %get3A_388 = arith.constant 96 : index
            %get3A_389 = tpu.vector_load %arg20[%get3A_387, %get3A_388] {strides = array<i32>} : memref<64x128xbf16, #tpu.memory_space<vmem>>, vector<32xbf16>,
            %add3A_390 = arith.addf %get3A_386, %get3A_389 : vector<32xbf16>
            %mul3A_391 = arith.constant 2.001950e-01 : bf16
            %mul3A_392 = vector.broadcast %mul3A_391 : bf16 to vector<32xbf16>
            %mul3A_393 = arith.mulf %mul3A_392, %add3A_390 : vector<32xbf16>
            %max3A_394 = arith.maximumf %add3A_390, %mul3A_393 : vector<32xbf16>
            %mul3A_395 = arith.mulf %get3A_15, %max3A_394 : vector<32xbf16>
            %unpack3A_396 = tpu.unpack_subelements %mul3A_395, 0 {pack_format = #tpu.pack_format<interleaved>} : vector<32xbf16> -> vector<16xf32>
            %unpack3A_397 = tpu.unpack_subelements %mul3A_395, 1 {pack_format = #tpu.pack_format<interleaved>} : vector<32xbf16> -> vector<16xf32>
            %add3A_398 = arith.addf %add3A_383, %unpack3A_396 : vector<16xf32>
            %add3A_399 = arith.addf %add3A_398, %unpack3A_397 : vector<16xf32>
            %mul3A_400 = arith.constant 4 : i32
            %mul3A_401 = arith.muli %scan3A_328, %mul3A_400 : i32
            %add3A_402 = arith.constant 0 : i32
            %add3A_403 = arith.addi %mul3A_401, %add3A_402 : i32
            %mul3A_404 = arith.constant 16 : i32
            %mul3A_405 = arith.muli %add3A_403, %mul3A_404 : i32
            %swap3A_406 = arith.index_cast %mul3A_405 : i32 to index
            %swap3A_407 = tpu.vector_load %arg15[%swap3A_406] {strides = array<i32>} : memref<256xf32, #tpu.memory_space<vmem>>, vector<16xf32>,
            tpu.vector_store %arg15[%swap3A_406], %add3A_399 {strides = array<i32>} : memref<256xf32, #tpu.memory_space<vmem>>, vector<16xf32>,
            %mul3A_408 = arith.constant 16 : i32
            %mul3A_409 = arith.muli %scan3A_233, %mul3A_408 : i32
            %mul3A_410 = arith.constant 4 : i32
            %mul3A_411 = arith.muli %scan3A_328, %mul3A_410 : i32
            %add3A_412 = arith.addi %mul3A_409, %mul3A_411 : i32
            %add3A_413 = arith.constant 1 : i32
            %add3A_414 = arith.addi %add3A_412, %add3A_413 : i32
            %broadcast_in_dim3A_415 = arith.constant 0.000000e+00 : f32
            %broadcast_in_dim3A_416 = vector.broadcast %broadcast_in_dim3A_415 : f32 to vector<16xf32>
            %get3A_417 = arith.index_cast %add3A_414 : i32 to index
            %get3A_418 = arith.constant 0 : index
            %get3A_419 = tpu.vector_load %arg18[%get3A_417, %get3A_418] {strides = array<i32>} : memref<64x128xbf16, #tpu.memory_space<vmem>>, vector<32xbf16>,
            %get3A_420 = arith.index_cast %add3A_414 : i32 to index
            %get3A_421 = arith.constant 0 : index
            %get3A_422 = tpu.vector_load %arg20[%get3A_420, %get3A_421] {strides = array<i32>} : memref<64x128xbf16, #tpu.memory_space<vmem>>, vector<32xbf16>,
            %add3A_423 = arith.addf %get3A_419, %get3A_422 : vector<32xbf16>
            %mul3A_424 = arith.constant 2.001950e-01 : bf16
            %mul3A_425 = vector.broadcast %mul3A_424 : bf16 to vector<32xbf16>
            %mul3A_426 = arith.mulf %mul3A_425, %add3A_423 : vector<32xbf16>
            %max3A_427 = arith.maximumf %add3A_423, %mul3A_426 : vector<32xbf16>
            %mul3A_428 = arith.mulf %get3A_9, %max3A_427 : vector<32xbf16>
            %unpack3A_429 = tpu.unpack_subelements %mul3A_428, 0 {pack_format = #tpu.pack_format<interleaved>} : vector<32xbf16> -> vector<16xf32>
            %unpack3A_430 = tpu.unpack_subelements %mul3A_428, 1 {pack_format = #tpu.pack_format<interleaved>} : vector<32xbf16> -> vector<16xf32>
            %add3A_431 = arith.addf %broadcast_in_dim3A_416, %unpack3A_429 : vector<16xf32>
            %add3A_432 = arith.addf %add3A_431, %unpack3A_430 : vector<16xf32>
            %get3A_433 = arith.index_cast %add3A_414 : i32 to index
            %get3A_434 = arith.constant 32 : index
            %get3A_435 = tpu.vector_load %arg18[%get3A_433, %get3A_434] {strides = array<i32>} : memref<64x128xbf16, #tpu.memory_space<vmem>>, vector<32xbf16>,
            %get3A_436 = arith.index_cast %add3A_414 : i32 to index
            %get3A_437 = arith.constant 32 : index
            %get3A_438 = tpu.vector_load %arg20[%get3A_436, %get3A_437] {strides = array<i32>} : memref<64x128xbf16, #tpu.memory_space<vmem>>, vector<32xbf16>,
            %add3A_439 = arith.addf %get3A_435, %get3A_438 : vector<32xbf16>
            %mul3A_440 = arith.constant 2.001950e-01 : bf16
            %mul3A_441 = vector.broadcast %mul3A_440 : bf16 to vector<32xbf16>
            %mul3A_442 = arith.mulf %mul3A_441, %add3A_439 : vector<32xbf16>
            %max3A_443 = arith.maximumf %add3A_439, %mul3A_442 : vector<32xbf16>
            %mul3A_444 = arith.mulf %get3A_11, %max3A_443 : vector<32xbf16>
            %unpack3A_445 = tpu.unpack_subelements %mul3A_444, 0 {pack_format = #tpu.pack_format<interleaved>} : vector<32xbf16> -> vector<16xf32>
            %unpack3A_446 = tpu.unpack_subelements %mul3A_444, 1 {pack_format = #tpu.pack_format<interleaved>} : vector<32xbf16> -> vector<16xf32>
            %add3A_447 = arith.addf %add3A_432, %unpack3A_445 : vector<16xf32>
            %add3A_448 = arith.addf %add3A_447, %unpack3A_446 : vector<16xf32>
            %get3A_449 = arith.index_cast %add3A_414 : i32 to index
            %get3A_450 = arith.constant 64 : index
            %get3A_451 = tpu.vector_load %arg18[%get3A_449, %get3A_450] {strides = array<i32>} : memref<64x128xbf16, #tpu.memory_space<vmem>>, vector<32xbf16>,
            %get3A_452 = arith.index_cast %add3A_414 : i32 to index
            %get3A_453 = arith.constant 64 : index
            %get3A_454 = tpu.vector_load %arg20[%get3A_452, %get3A_453] {strides = array<i32>} : memref<64x128xbf16, #tpu.memory_space<vmem>>, vector<32xbf16>,
            %add3A_455 = arith.addf %get3A_451, %get3A_454 : vector<32xbf16>
            %mul3A_456 = arith.constant 2.001950e-01 : bf16
            %mul3A_457 = vector.broadcast %mul3A_456 : bf16 to vector<32xbf16>
            %mul3A_458 = arith.mulf %mul3A_457, %add3A_455 : vector<32xbf16>
            %max3A_459 = arith.maximumf %add3A_455, %mul3A_458 : vector<32xbf16>
            %mul3A_460 = arith.mulf %get3A_13, %max3A_459 : vector<32xbf16>
            %unpack3A_461 = tpu.unpack_subelements %mul3A_460, 0 {pack_format = #tpu.pack_format<interleaved>} : vector<32xbf16> -> vector<16xf32>
            %unpack3A_462 = tpu.unpack_subelements %mul3A_460, 1 {pack_format = #tpu.pack_format<interleaved>} : vector<32xbf16> -> vector<16xf32>
            %add3A_463 = arith.addf %add3A_448, %unpack3A_461 : vector<16xf32>
            %add3A_464 = arith.addf %add3A_463, %unpack3A_462 : vector<16xf32>
            %get3A_465 = arith.index_cast %add3A_414 : i32 to index
            %get3A_466 = arith.constant 96 : index
            %get3A_467 = tpu.vector_load %arg18[%get3A_465, %get3A_466] {strides = array<i32>} : memref<64x128xbf16, #tpu.memory_space<vmem>>, vector<32xbf16>,
            %get3A_468 = arith.index_cast %add3A_414 : i32 to index
            %get3A_469 = arith.constant 96 : index
            %get3A_470 = tpu.vector_load %arg20[%get3A_468, %get3A_469] {strides = array<i32>} : memref<64x128xbf16, #tpu.memory_space<vmem>>, vector<32xbf16>,
            %add3A_471 = arith.addf %get3A_467, %get3A_470 : vector<32xbf16>
            %mul3A_472 = arith.constant 2.001950e-01 : bf16
            %mul3A_473 = vector.broadcast %mul3A_472 : bf16 to vector<32xbf16>
            %mul3A_474 = arith.mulf %mul3A_473, %add3A_471 : vector<32xbf16>
            %max3A_475 = arith.maximumf %add3A_471, %mul3A_474 : vector<32xbf16>
            %mul3A_476 = arith.mulf %get3A_15, %max3A_475 : vector<32xbf16>
            %unpack3A_477 = tpu.unpack_subelements %mul3A_476, 0 {pack_format = #tpu.pack_format<interleaved>} : vector<32xbf16> -> vector<16xf32>
            %unpack3A_478 = tpu.unpack_subelements %mul3A_476, 1 {pack_format = #tpu.pack_format<interleaved>} : vector<32xbf16> -> vector<16xf32>
            %add3A_479 = arith.addf %add3A_464, %unpack3A_477 : vector<16xf32>
            %add3A_480 = arith.addf %add3A_479, %unpack3A_478 : vector<16xf32>
            %mul3A_481 = arith.constant 4 : i32
            %mul3A_482 = arith.muli %scan3A_328, %mul3A_481 : i32
            %add3A_483 = arith.constant 1 : i32
            %add3A_484 = arith.addi %mul3A_482, %add3A_483 : i32
            %mul3A_485 = arith.constant 16 : i32
            %mul3A_486 = arith.muli %add3A_484, %mul3A_485 : i32
            %swap3A_487 = arith.index_cast %mul3A_486 : i32 to index
            %swap3A_488 = tpu.vector_load %arg15[%swap3A_487] {strides = array<i32>} : memref<256xf32, #tpu.memory_space<vmem>>, vector<16xf32>,
            tpu.vector_store %arg15[%swap3A_487], %add3A_480 {strides = array<i32>} : memref<256xf32, #tpu.memory_space<vmem>>, vector<16xf32>,
            %mul3A_489 = arith.constant 16 : i32
            %mul3A_490 = arith.muli %scan3A_233, %mul3A_489 : i32
            %mul3A_491 = arith.constant 4 : i32
            %mul3A_492 = arith.muli %scan3A_328, %mul3A_491 : i32
            %add3A_493 = arith.addi %mul3A_490, %mul3A_492 : i32
            %add3A_494 = arith.constant 2 : i32
            %add3A_495 = arith.addi %add3A_493, %add3A_494 : i32
            %broadcast_in_dim3A_496 = arith.constant 0.000000e+00 : f32
            %broadcast_in_dim3A_497 = vector.broadcast %broadcast_in_dim3A_496 : f32 to vector<16xf32>
            %get3A_498 = arith.index_cast %add3A_495 : i32 to index
            %get3A_499 = arith.constant 0 : index
            %get3A_500 = tpu.vector_load %arg18[%get3A_498, %get3A_499] {strides = array<i32>} : memref<64x128xbf16, #tpu.memory_space<vmem>>, vector<32xbf16>,
            %get3A_501 = arith.index_cast %add3A_495 : i32 to index
            %get3A_502 = arith.constant 0 : index
            %get3A_503 = tpu.vector_load %arg20[%get3A_501, %get3A_502] {strides = array<i32>} : memref<64x128xbf16, #tpu.memory_space<vmem>>, vector<32xbf16>,
            %add3A_504 = arith.addf %get3A_500, %get3A_503 : vector<32xbf16>
            %mul3A_505 = arith.constant 2.001950e-01 : bf16
            %mul3A_506 = vector.broadcast %mul3A_505 : bf16 to vector<32xbf16>
            %mul3A_507 = arith.mulf %mul3A_506, %add3A_504 : vector<32xbf16>
            %max3A_508 = arith.maximumf %add3A_504, %mul3A_507 : vector<32xbf16>
            %mul3A_509 = arith.mulf %get3A_9, %max3A_508 : vector<32xbf16>
            %unpack3A_510 = tpu.unpack_subelements %mul3A_509, 0 {pack_format = #tpu.pack_format<interleaved>} : vector<32xbf16> -> vector<16xf32>
            %unpack3A_511 = tpu.unpack_subelements %mul3A_509, 1 {pack_format = #tpu.pack_format<interleaved>} : vector<32xbf16> -> vector<16xf32>
            %add3A_512 = arith.addf %broadcast_in_dim3A_497, %unpack3A_510 : vector<16xf32>
            %add3A_513 = arith.addf %add3A_512, %unpack3A_511 : vector<16xf32>
            %get3A_514 = arith.index_cast %add3A_495 : i32 to index
            %get3A_515 = arith.constant 32 : index
            %get3A_516 = tpu.vector_load %arg18[%get3A_514, %get3A_515] {strides = array<i32>} : memref<64x128xbf16, #tpu.memory_space<vmem>>, vector<32xbf16>,
            %get3A_517 = arith.index_cast %add3A_495 : i32 to index
            %get3A_518 = arith.constant 32 : index
            %get3A_519 = tpu.vector_load %arg20[%get3A_517, %get3A_518] {strides = array<i32>} : memref<64x128xbf16, #tpu.memory_space<vmem>>, vector<32xbf16>,
            %add3A_520 = arith.addf %get3A_516, %get3A_519 : vector<32xbf16>
            %mul3A_521 = arith.constant 2.001950e-01 : bf16
            %mul3A_522 = vector.broadcast %mul3A_521 : bf16 to vector<32xbf16>
            %mul3A_523 = arith.mulf %mul3A_522, %add3A_520 : vector<32xbf16>
            %max3A_524 = arith.maximumf %add3A_520, %mul3A_523 : vector<32xbf16>
            %mul3A_525 = arith.mulf %get3A_11, %max3A_524 : vector<32xbf16>
            %unpack3A_526 = tpu.unpack_subelements %mul3A_525, 0 {pack_format = #tpu.pack_format<interleaved>} : vector<32xbf16> -> vector<16xf32>
            %unpack3A_527 = tpu.unpack_subelements %mul3A_525, 1 {pack_format = #tpu.pack_format<interleaved>} : vector<32xbf16> -> vector<16xf32>
            %add3A_528 = arith.addf %add3A_513, %unpack3A_526 : vector<16xf32>
            %add3A_529 = arith.addf %add3A_528, %unpack3A_527 : vector<16xf32>
            %get3A_530 = arith.index_cast %add3A_495 : i32 to index
            %get3A_531 = arith.constant 64 : index
            %get3A_532 = tpu.vector_load %arg18[%get3A_530, %get3A_531] {strides = array<i32>} : memref<64x128xbf16, #tpu.memory_space<vmem>>, vector<32xbf16>,
            %get3A_533 = arith.index_cast %add3A_495 : i32 to index
            %get3A_534 = arith.constant 64 : index
            %get3A_535 = tpu.vector_load %arg20[%get3A_533, %get3A_534] {strides = array<i32>} : memref<64x128xbf16, #tpu.memory_space<vmem>>, vector<32xbf16>,
            %add3A_536 = arith.addf %get3A_532, %get3A_535 : vector<32xbf16>
            %mul3A_537 = arith.constant 2.001950e-01 : bf16
            %mul3A_538 = vector.broadcast %mul3A_537 : bf16 to vector<32xbf16>
            %mul3A_539 = arith.mulf %mul3A_538, %add3A_536 : vector<32xbf16>
            %max3A_540 = arith.maximumf %add3A_536, %mul3A_539 : vector<32xbf16>
            %mul3A_541 = arith.mulf %get3A_13, %max3A_540 : vector<32xbf16>
            %unpack3A_542 = tpu.unpack_subelements %mul3A_541, 0 {pack_format = #tpu.pack_format<interleaved>} : vector<32xbf16> -> vector<16xf32>
            %unpack3A_543 = tpu.unpack_subelements %mul3A_541, 1 {pack_format = #tpu.pack_format<interleaved>} : vector<32xbf16> -> vector<16xf32>
            %add3A_544 = arith.addf %add3A_529, %unpack3A_542 : vector<16xf32>
            %add3A_545 = arith.addf %add3A_544, %unpack3A_543 : vector<16xf32>
            %get3A_546 = arith.index_cast %add3A_495 : i32 to index
            %get3A_547 = arith.constant 96 : index
            %get3A_548 = tpu.vector_load %arg18[%get3A_546, %get3A_547] {strides = array<i32>} : memref<64x128xbf16, #tpu.memory_space<vmem>>, vector<32xbf16>,
            %get3A_549 = arith.index_cast %add3A_495 : i32 to index
            %get3A_550 = arith.constant 96 : index
            %get3A_551 = tpu.vector_load %arg20[%get3A_549, %get3A_550] {strides = array<i32>} : memref<64x128xbf16, #tpu.memory_space<vmem>>, vector<32xbf16>,
            %add3A_552 = arith.addf %get3A_548, %get3A_551 : vector<32xbf16>
            %mul3A_553 = arith.constant 2.001950e-01 : bf16
            %mul3A_554 = vector.broadcast %mul3A_553 : bf16 to vector<32xbf16>
            %mul3A_555 = arith.mulf %mul3A_554, %add3A_552 : vector<32xbf16>
            %max3A_556 = arith.maximumf %add3A_552, %mul3A_555 : vector<32xbf16>
            %mul3A_557 = arith.mulf %get3A_15, %max3A_556 : vector<32xbf16>
            %unpack3A_558 = tpu.unpack_subelements %mul3A_557, 0 {pack_format = #tpu.pack_format<interleaved>} : vector<32xbf16> -> vector<16xf32>
            %unpack3A_559 = tpu.unpack_subelements %mul3A_557, 1 {pack_format = #tpu.pack_format<interleaved>} : vector<32xbf16> -> vector<16xf32>
            %add3A_560 = arith.addf %add3A_545, %unpack3A_558 : vector<16xf32>
            %add3A_561 = arith.addf %add3A_560, %unpack3A_559 : vector<16xf32>
            %mul3A_562 = arith.constant 4 : i32
            %mul3A_563 = arith.muli %scan3A_328, %mul3A_562 : i32
            %add3A_564 = arith.constant 2 : i32
            %add3A_565 = arith.addi %mul3A_563, %add3A_564 : i32
            %mul3A_566 = arith.constant 16 : i32
            %mul3A_567 = arith.muli %add3A_565, %mul3A_566 : i32
            %swap3A_568 = arith.index_cast %mul3A_567 : i32 to index
            %swap3A_569 = tpu.vector_load %arg15[%swap3A_568] {strides = array<i32>} : memref<256xf32, #tpu.memory_space<vmem>>, vector<16xf32>,
            tpu.vector_store %arg15[%swap3A_568], %add3A_561 {strides = array<i32>} : memref<256xf32, #tpu.memory_space<vmem>>, vector<16xf32>,
            %mul3A_570 = arith.constant 16 : i32
            %mul3A_571 = arith.muli %scan3A_233, %mul3A_570 : i32
            %mul3A_572 = arith.constant 4 : i32
            %mul3A_573 = arith.muli %scan3A_328, %mul3A_572 : i32
            %add3A_574 = arith.addi %mul3A_571, %mul3A_573 : i32
            %add3A_575 = arith.constant 3 : i32
            %add3A_576 = arith.addi %add3A_574, %add3A_575 : i32
            %broadcast_in_dim3A_577 = arith.constant 0.000000e+00 : f32
            %broadcast_in_dim3A_578 = vector.broadcast %broadcast_in_dim3A_577 : f32 to vector<16xf32>
            %get3A_579 = arith.index_cast %add3A_576 : i32 to index
            %get3A_580 = arith.constant 0 : index
            %get3A_581 = tpu.vector_load %arg18[%get3A_579, %get3A_580] {strides = array<i32>} : memref<64x128xbf16, #tpu.memory_space<vmem>>, vector<32xbf16>,
            %get3A_582 = arith.index_cast %add3A_576 : i32 to index
            %get3A_583 = arith.constant 0 : index
            %get3A_584 = tpu.vector_load %arg20[%get3A_582, %get3A_583] {strides = array<i32>} : memref<64x128xbf16, #tpu.memory_space<vmem>>, vector<32xbf16>,
            %add3A_585 = arith.addf %get3A_581, %get3A_584 : vector<32xbf16>
            %mul3A_586 = arith.constant 2.001950e-01 : bf16
            %mul3A_587 = vector.broadcast %mul3A_586 : bf16 to vector<32xbf16>
            %mul3A_588 = arith.mulf %mul3A_587, %add3A_585 : vector<32xbf16>
            %max3A_589 = arith.maximumf %add3A_585, %mul3A_588 : vector<32xbf16>
            %mul3A_590 = arith.mulf %get3A_9, %max3A_589 : vector<32xbf16>
            %unpack3A_591 = tpu.unpack_subelements %mul3A_590, 0 {pack_format = #tpu.pack_format<interleaved>} : vector<32xbf16> -> vector<16xf32>
            %unpack3A_592 = tpu.unpack_subelements %mul3A_590, 1 {pack_format = #tpu.pack_format<interleaved>} : vector<32xbf16> -> vector<16xf32>
            %add3A_593 = arith.addf %broadcast_in_dim3A_578, %unpack3A_591 : vector<16xf32>
            %add3A_594 = arith.addf %add3A_593, %unpack3A_592 : vector<16xf32>
            %get3A_595 = arith.index_cast %add3A_576 : i32 to index
            %get3A_596 = arith.constant 32 : index
            %get3A_597 = tpu.vector_load %arg18[%get3A_595, %get3A_596] {strides = array<i32>} : memref<64x128xbf16, #tpu.memory_space<vmem>>, vector<32xbf16>,
            %get3A_598 = arith.index_cast %add3A_576 : i32 to index
            %get3A_599 = arith.constant 32 : index
            %get3A_600 = tpu.vector_load %arg20[%get3A_598, %get3A_599] {strides = array<i32>} : memref<64x128xbf16, #tpu.memory_space<vmem>>, vector<32xbf16>,
            %add3A_601 = arith.addf %get3A_597, %get3A_600 : vector<32xbf16>
            %mul3A_602 = arith.constant 2.001950e-01 : bf16
            %mul3A_603 = vector.broadcast %mul3A_602 : bf16 to vector<32xbf16>
            %mul3A_604 = arith.mulf %mul3A_603, %add3A_601 : vector<32xbf16>
            %max3A_605 = arith.maximumf %add3A_601, %mul3A_604 : vector<32xbf16>
            %mul3A_606 = arith.mulf %get3A_11, %max3A_605 : vector<32xbf16>
            %unpack3A_607 = tpu.unpack_subelements %mul3A_606, 0 {pack_format = #tpu.pack_format<interleaved>} : vector<32xbf16> -> vector<16xf32>
            %unpack3A_608 = tpu.unpack_subelements %mul3A_606, 1 {pack_format = #tpu.pack_format<interleaved>} : vector<32xbf16> -> vector<16xf32>
            %add3A_609 = arith.addf %add3A_594, %unpack3A_607 : vector<16xf32>
            %add3A_610 = arith.addf %add3A_609, %unpack3A_608 : vector<16xf32>
            %get3A_611 = arith.index_cast %add3A_576 : i32 to index
            %get3A_612 = arith.constant 64 : index
            %get3A_613 = tpu.vector_load %arg18[%get3A_611, %get3A_612] {strides = array<i32>} : memref<64x128xbf16, #tpu.memory_space<vmem>>, vector<32xbf16>,
            %get3A_614 = arith.index_cast %add3A_576 : i32 to index
            %get3A_615 = arith.constant 64 : index
            %get3A_616 = tpu.vector_load %arg20[%get3A_614, %get3A_615] {strides = array<i32>} : memref<64x128xbf16, #tpu.memory_space<vmem>>, vector<32xbf16>,
            %add3A_617 = arith.addf %get3A_613, %get3A_616 : vector<32xbf16>
            %mul3A_618 = arith.constant 2.001950e-01 : bf16
            %mul3A_619 = vector.broadcast %mul3A_618 : bf16 to vector<32xbf16>
            %mul3A_620 = arith.mulf %mul3A_619, %add3A_617 : vector<32xbf16>
            %max3A_621 = arith.maximumf %add3A_617, %mul3A_620 : vector<32xbf16>
            %mul3A_622 = arith.mulf %get3A_13, %max3A_621 : vector<32xbf16>
            %unpack3A_623 = tpu.unpack_subelements %mul3A_622, 0 {pack_format = #tpu.pack_format<interleaved>} : vector<32xbf16> -> vector<16xf32>
            %unpack3A_624 = tpu.unpack_subelements %mul3A_622, 1 {pack_format = #tpu.pack_format<interleaved>} : vector<32xbf16> -> vector<16xf32>
            %add3A_625 = arith.addf %add3A_610, %unpack3A_623 : vector<16xf32>
            %add3A_626 = arith.addf %add3A_625, %unpack3A_624 : vector<16xf32>
            %get3A_627 = arith.index_cast %add3A_576 : i32 to index
            %get3A_628 = arith.constant 96 : index
            %get3A_629 = tpu.vector_load %arg18[%get3A_627, %get3A_628] {strides = array<i32>} : memref<64x128xbf16, #tpu.memory_space<vmem>>, vector<32xbf16>,
            %get3A_630 = arith.index_cast %add3A_576 : i32 to index
            %get3A_631 = arith.constant 96 : index
            %get3A_632 = tpu.vector_load %arg20[%get3A_630, %get3A_631] {strides = array<i32>} : memref<64x128xbf16, #tpu.memory_space<vmem>>, vector<32xbf16>,
            %add3A_633 = arith.addf %get3A_629, %get3A_632 : vector<32xbf16>
            %mul3A_634 = arith.constant 2.001950e-01 : bf16
            %mul3A_635 = vector.broadcast %mul3A_634 : bf16 to vector<32xbf16>
            %mul3A_636 = arith.mulf %mul3A_635, %add3A_633 : vector<32xbf16>
            %max3A_637 = arith.maximumf %add3A_633, %mul3A_636 : vector<32xbf16>
            %mul3A_638 = arith.mulf %get3A_15, %max3A_637 : vector<32xbf16>
            %unpack3A_639 = tpu.unpack_subelements %mul3A_638, 0 {pack_format = #tpu.pack_format<interleaved>} : vector<32xbf16> -> vector<16xf32>
            %unpack3A_640 = tpu.unpack_subelements %mul3A_638, 1 {pack_format = #tpu.pack_format<interleaved>} : vector<32xbf16> -> vector<16xf32>
            %add3A_641 = arith.addf %add3A_626, %unpack3A_639 : vector<16xf32>
            %add3A_642 = arith.addf %add3A_641, %unpack3A_640 : vector<16xf32>
            %mul3A_643 = arith.constant 4 : i32
            %mul3A_644 = arith.muli %scan3A_328, %mul3A_643 : i32
            %add3A_645 = arith.constant 3 : i32
            %add3A_646 = arith.addi %mul3A_644, %add3A_645 : i32
            %mul3A_647 = arith.constant 16 : i32
            %mul3A_648 = arith.muli %add3A_646, %mul3A_647 : i32
            %swap3A_649 = arith.index_cast %mul3A_648 : i32 to index
            %swap3A_650 = tpu.vector_load %arg15[%swap3A_649] {strides = array<i32>} : memref<256xf32, #tpu.memory_space<vmem>>, vector<16xf32>,
            tpu.vector_store %arg15[%swap3A_649], %add3A_642 {strides = array<i32>} : memref<256xf32, #tpu.memory_space<vmem>>, vector<16xf32>,
          }
          %scan3A_239 = arith.constant 4 : i32
          %broadcast_in_dim3A_240 = arith.constant 0.000000e+00 : f32
          %broadcast_in_dim3A_241 = vector.broadcast %broadcast_in_dim3A_240 : f32 to vector<16xf32>
          %mul3A_242 = arith.constant 16 : i32
          %mul3A_243 = vector.broadcast %mul3A_242 : i32 to vector<16xi32>
          %mul3A_244 = arith.muli %iota3A, %mul3A_243 : vector<16xi32>
          %add3A_245 = arith.constant 0 : i32
          %add3A_246 = vector.broadcast %add3A_245 : i32 to vector<16xi32>
          %add3A_247 = arith.addi %mul3A_244, %add3A_246 : vector<16xi32>
          %gather3A = tpu.vector_load_idx %arg15[%add3A_247] : memref<256xf32, #tpu.memory_space<vmem>>[vector<16xi32>], vector<16xf32>,
          %add3A_248 = arith.addf %broadcast_in_dim3A_241, %gather3A : vector<16xf32>
          %add3A_249 = arith.constant 1 : i32
          %add3A_250 = vector.broadcast %add3A_249 : i32 to vector<16xi32>
          %add3A_251 = arith.addi %mul3A_244, %add3A_250 : vector<16xi32>
          %gather3A_252 = tpu.vector_load_idx %arg15[%add3A_251] : memref<256xf32, #tpu.memory_space<vmem>>[vector<16xi32>], vector<16xf32>,
          %add3A_253 = arith.addf %add3A_248, %gather3A_252 : vector<16xf32>
          %add3A_254 = arith.constant 2 : i32
          %add3A_255 = vector.broadcast %add3A_254 : i32 to vector<16xi32>
          %add3A_256 = arith.addi %mul3A_244, %add3A_255 : vector<16xi32>
          %gather3A_257 = tpu.vector_load_idx %arg15[%add3A_256] : memref<256xf32, #tpu.memory_space<vmem>>[vector<16xi32>], vector<16xf32>,
          %add3A_258 = arith.addf %add3A_253, %gather3A_257 : vector<16xf32>
          %add3A_259 = arith.constant 3 : i32
          %add3A_260 = vector.broadcast %add3A_259 : i32 to vector<16xi32>
          %add3A_261 = arith.addi %mul3A_244, %add3A_260 : vector<16xi32>
          %gather3A_262 = tpu.vector_load_idx %arg15[%add3A_261] : memref<256xf32, #tpu.memory_space<vmem>>[vector<16xi32>], vector<16xf32>,
          %add3A_263 = arith.addf %add3A_258, %gather3A_262 : vector<16xf32>
          %add3A_264 = arith.constant 4 : i32
          %add3A_265 = vector.broadcast %add3A_264 : i32 to vector<16xi32>
          %add3A_266 = arith.addi %mul3A_244, %add3A_265 : vector<16xi32>
          %gather3A_267 = tpu.vector_load_idx %arg15[%add3A_266] : memref<256xf32, #tpu.memory_space<vmem>>[vector<16xi32>], vector<16xf32>,
          %add3A_268 = arith.addf %add3A_263, %gather3A_267 : vector<16xf32>
          %add3A_269 = arith.constant 5 : i32
          %add3A_270 = vector.broadcast %add3A_269 : i32 to vector<16xi32>
          %add3A_271 = arith.addi %mul3A_244, %add3A_270 : vector<16xi32>
          %gather3A_272 = tpu.vector_load_idx %arg15[%add3A_271] : memref<256xf32, #tpu.memory_space<vmem>>[vector<16xi32>], vector<16xf32>,
          %add3A_273 = arith.addf %add3A_268, %gather3A_272 : vector<16xf32>
          %add3A_274 = arith.constant 6 : i32
          %add3A_275 = vector.broadcast %add3A_274 : i32 to vector<16xi32>
          %add3A_276 = arith.addi %mul3A_244, %add3A_275 : vector<16xi32>
          %gather3A_277 = tpu.vector_load_idx %arg15[%add3A_276] : memref<256xf32, #tpu.memory_space<vmem>>[vector<16xi32>], vector<16xf32>,
          %add3A_278 = arith.addf %add3A_273, %gather3A_277 : vector<16xf32>
          %add3A_279 = arith.constant 7 : i32
          %add3A_280 = vector.broadcast %add3A_279 : i32 to vector<16xi32>
          %add3A_281 = arith.addi %mul3A_244, %add3A_280 : vector<16xi32>
          %gather3A_282 = tpu.vector_load_idx %arg15[%add3A_281] : memref<256xf32, #tpu.memory_space<vmem>>[vector<16xi32>], vector<16xf32>,
          %add3A_283 = arith.addf %add3A_278, %gather3A_282 : vector<16xf32>
          %add3A_284 = arith.constant 8 : i32
          %add3A_285 = vector.broadcast %add3A_284 : i32 to vector<16xi32>
          %add3A_286 = arith.addi %mul3A_244, %add3A_285 : vector<16xi32>
          %gather3A_287 = tpu.vector_load_idx %arg15[%add3A_286] : memref<256xf32, #tpu.memory_space<vmem>>[vector<16xi32>], vector<16xf32>,
          %add3A_288 = arith.addf %add3A_283, %gather3A_287 : vector<16xf32>
          %add3A_289 = arith.constant 9 : i32
          %add3A_290 = vector.broadcast %add3A_289 : i32 to vector<16xi32>
          %add3A_291 = arith.addi %mul3A_244, %add3A_290 : vector<16xi32>
          %gather3A_292 = tpu.vector_load_idx %arg15[%add3A_291] : memref<256xf32, #tpu.memory_space<vmem>>[vector<16xi32>], vector<16xf32>,
          %add3A_293 = arith.addf %add3A_288, %gather3A_292 : vector<16xf32>
          %add3A_294 = arith.constant 10 : i32
          %add3A_295 = vector.broadcast %add3A_294 : i32 to vector<16xi32>
          %add3A_296 = arith.addi %mul3A_244, %add3A_295 : vector<16xi32>
          %gather3A_297 = tpu.vector_load_idx %arg15[%add3A_296] : memref<256xf32, #tpu.memory_space<vmem>>[vector<16xi32>], vector<16xf32>,
          %add3A_298 = arith.addf %add3A_293, %gather3A_297 : vector<16xf32>
          %add3A_299 = arith.constant 11 : i32
          %add3A_300 = vector.broadcast %add3A_299 : i32 to vector<16xi32>
          %add3A_301 = arith.addi %mul3A_244, %add3A_300 : vector<16xi32>
          %gather3A_302 = tpu.vector_load_idx %arg15[%add3A_301] : memref<256xf32, #tpu.memory_space<vmem>>[vector<16xi32>], vector<16xf32>,
          %add3A_303 = arith.addf %add3A_298, %gather3A_302 : vector<16xf32>
          %add3A_304 = arith.constant 12 : i32
          %add3A_305 = vector.broadcast %add3A_304 : i32 to vector<16xi32>
          %add3A_306 = arith.addi %mul3A_244, %add3A_305 : vector<16xi32>
          %gather3A_307 = tpu.vector_load_idx %arg15[%add3A_306] : memref<256xf32, #tpu.memory_space<vmem>>[vector<16xi32>], vector<16xf32>,
          %add3A_308 = arith.addf %add3A_303, %gather3A_307 : vector<16xf32>
          %add3A_309 = arith.constant 13 : i32
          %add3A_310 = vector.broadcast %add3A_309 : i32 to vector<16xi32>
          %add3A_311 = arith.addi %mul3A_244, %add3A_310 : vector<16xi32>
          %gather3A_312 = tpu.vector_load_idx %arg15[%add3A_311] : memref<256xf32, #tpu.memory_space<vmem>>[vector<16xi32>], vector<16xf32>,
          %add3A_313 = arith.addf %add3A_308, %gather3A_312 : vector<16xf32>
          %add3A_314 = arith.constant 14 : i32
          %add3A_315 = vector.broadcast %add3A_314 : i32 to vector<16xi32>
          %add3A_316 = arith.addi %mul3A_244, %add3A_315 : vector<16xi32>
          %gather3A_317 = tpu.vector_load_idx %arg15[%add3A_316] : memref<256xf32, #tpu.memory_space<vmem>>[vector<16xi32>], vector<16xf32>,
          %add3A_318 = arith.addf %add3A_313, %gather3A_317 : vector<16xf32>
          %add3A_319 = arith.constant 15 : i32
          %add3A_320 = vector.broadcast %add3A_319 : i32 to vector<16xi32>
          %add3A_321 = arith.addi %mul3A_244, %add3A_320 : vector<16xi32>
          %gather3A_322 = tpu.vector_load_idx %arg15[%add3A_321] : memref<256xf32, #tpu.memory_space<vmem>>[vector<16xi32>], vector<16xf32>,
          %add3A_323 = arith.addf %add3A_318, %gather3A_322 : vector<16xf32>
          %sub3A_324 = arith.subf %add3A_323, %get3A_17 : vector<16xf32>
          %exp3A = math.exp %sub3A_324 : vector<16xf32>
          %mul3A_325 = arith.constant 16 : i32
          %mul3A_326 = arith.muli %scan3A_233, %mul3A_325 : i32
          %swap3A = arith.index_cast %mul3A_326 : i32 to index
          %swap3A_327 = tpu.vector_load %arg14[%swap3A] {strides = array<i32>} : memref<64xf32, #tpu.memory_space<vmem>>, vector<16xf32>,
          tpu.vector_store %arg14[%swap3A], %exp3A {strides = array<i32>} : memref<64xf32, #tpu.memory_space<vmem>>, vector<16xf32>,
        }
        %scan3A_223 = arith.constant 4 : i32
        %scan3A_224 = arith.constant 0 : i32
        %scan3A_225 = arith.constant 0 : i32
        %scan3A_226 = arith.constant 16 : i32
        %scan3A_227 = arith.addi %scan3A_225, %scan3A_226 : i32
        %scan3A_228 = arith.constant 1 : i32
        scf.for %scan3A_233 = %scan3A_225 to %scan3A_227 step %scan3A_228  : i32 {
          %mul3A_234 = arith.constant 4 : i32
          %mul3A_235 = arith.muli %scan3A_233, %mul3A_234 : i32
          %add3A_236 = arith.constant 0 : i32
          %add3A_237 = arith.addi %mul3A_235, %add3A_236 : i32
          %broadcast_in_dim3A_238 = vector.broadcast %add3A_237 : i32 to vector<16xi32>
          %gather3A = tpu.vector_load_idx %arg14[%broadcast_in_dim3A_238] : memref<64xf32, #tpu.memory_space<vmem>>[vector<16xi32>], vector<16xf32>,
          %get3A_239 = arith.index_cast %add3A_237 : i32 to index
          %get3A_240 = arith.constant 0 : index
          %get3A_241 = tpu.vector_load %arg18[%get3A_239, %get3A_240] {strides = array<i32>} : memref<64x128xbf16, #tpu.memory_space<vmem>>, vector<32xbf16>,
          %unpack3A = tpu.unpack_subelements %get3A_241, 0 {pack_format = #tpu.pack_format<interleaved>} : vector<32xbf16> -> vector<16xf32>
          %unpack3A_242 = tpu.unpack_subelements %get3A_241, 1 {pack_format = #tpu.pack_format<interleaved>} : vector<32xbf16> -> vector<16xf32>
          %mul3A_243 = arith.mulf %unpack3A, %gather3A : vector<16xf32>
          %swap3A = arith.index_cast %add3A_237 : i32 to index
          %swap3A_244 = arith.constant 0 : index
          %swap3A_245 = tpu.vector_load %arg22[%swap3A, %swap3A_244] {strides = array<i32>} : memref<64x144xf32, #tpu.memory_space<vmem>>, vector<16xf32>,
          tpu.vector_store %arg22[%swap3A, %swap3A_244], %mul3A_243 {strides = array<i32>} : memref<64x144xf32, #tpu.memory_space<vmem>>, vector<16xf32>,
          %mul3A_246 = arith.mulf %unpack3A_242, %gather3A : vector<16xf32>
          %swap3A_247 = arith.index_cast %add3A_237 : i32 to index
          %swap3A_248 = arith.constant 16 : index
          %swap3A_249 = tpu.vector_load %arg22[%swap3A_247, %swap3A_248] {strides = array<i32>} : memref<64x144xf32, #tpu.memory_space<vmem>>, vector<16xf32>,
          tpu.vector_store %arg22[%swap3A_247, %swap3A_248], %mul3A_246 {strides = array<i32>} : memref<64x144xf32, #tpu.memory_space<vmem>>, vector<16xf32>,
          %get3A_250 = arith.index_cast %add3A_237 : i32 to index
          %get3A_251 = arith.constant 32 : index
          %get3A_252 = tpu.vector_load %arg18[%get3A_250, %get3A_251] {strides = array<i32>} : memref<64x128xbf16, #tpu.memory_space<vmem>>, vector<32xbf16>,
          %unpack3A_253 = tpu.unpack_subelements %get3A_252, 0 {pack_format = #tpu.pack_format<interleaved>} : vector<32xbf16> -> vector<16xf32>
          %unpack3A_254 = tpu.unpack_subelements %get3A_252, 1 {pack_format = #tpu.pack_format<interleaved>} : vector<32xbf16> -> vector<16xf32>
          %mul3A_255 = arith.mulf %unpack3A_253, %gather3A : vector<16xf32>
          %swap3A_256 = arith.index_cast %add3A_237 : i32 to index
          %swap3A_257 = arith.constant 32 : index
          %swap3A_258 = tpu.vector_load %arg22[%swap3A_256, %swap3A_257] {strides = array<i32>} : memref<64x144xf32, #tpu.memory_space<vmem>>, vector<16xf32>,
          tpu.vector_store %arg22[%swap3A_256, %swap3A_257], %mul3A_255 {strides = array<i32>} : memref<64x144xf32, #tpu.memory_space<vmem>>, vector<16xf32>,
          %mul3A_259 = arith.mulf %unpack3A_254, %gather3A : vector<16xf32>
          %swap3A_260 = arith.index_cast %add3A_237 : i32 to index
          %swap3A_261 = arith.constant 48 : index
          %swap3A_262 = tpu.vector_load %arg22[%swap3A_260, %swap3A_261] {strides = array<i32>} : memref<64x144xf32, #tpu.memory_space<vmem>>, vector<16xf32>,
          tpu.vector_store %arg22[%swap3A_260, %swap3A_261], %mul3A_259 {strides = array<i32>} : memref<64x144xf32, #tpu.memory_space<vmem>>, vector<16xf32>,
          %get3A_263 = arith.index_cast %add3A_237 : i32 to index
          %get3A_264 = arith.constant 64 : index
          %get3A_265 = tpu.vector_load %arg18[%get3A_263, %get3A_264] {strides = array<i32>} : memref<64x128xbf16, #tpu.memory_space<vmem>>, vector<32xbf16>,
          %unpack3A_266 = tpu.unpack_subelements %get3A_265, 0 {pack_format = #tpu.pack_format<interleaved>} : vector<32xbf16> -> vector<16xf32>
          %unpack3A_267 = tpu.unpack_subelements %get3A_265, 1 {pack_format = #tpu.pack_format<interleaved>} : vector<32xbf16> -> vector<16xf32>
          %mul3A_268 = arith.mulf %unpack3A_266, %gather3A : vector<16xf32>
          %swap3A_269 = arith.index_cast %add3A_237 : i32 to index
          %swap3A_270 = arith.constant 64 : index
          %swap3A_271 = tpu.vector_load %arg22[%swap3A_269, %swap3A_270] {strides = array<i32>} : memref<64x144xf32, #tpu.memory_space<vmem>>, vector<16xf32>,
          tpu.vector_store %arg22[%swap3A_269, %swap3A_270], %mul3A_268 {strides = array<i32>} : memref<64x144xf32, #tpu.memory_space<vmem>>, vector<16xf32>,
          %mul3A_272 = arith.mulf %unpack3A_267, %gather3A : vector<16xf32>
          %swap3A_273 = arith.index_cast %add3A_237 : i32 to index
          %swap3A_274 = arith.constant 80 : index
          %swap3A_275 = tpu.vector_load %arg22[%swap3A_273, %swap3A_274] {strides = array<i32>} : memref<64x144xf32, #tpu.memory_space<vmem>>, vector<16xf32>,
          tpu.vector_store %arg22[%swap3A_273, %swap3A_274], %mul3A_272 {strides = array<i32>} : memref<64x144xf32, #tpu.memory_space<vmem>>, vector<16xf32>,
          %get3A_276 = arith.index_cast %add3A_237 : i32 to index
          %get3A_277 = arith.constant 96 : index
          %get3A_278 = tpu.vector_load %arg18[%get3A_276, %get3A_277] {strides = array<i32>} : memref<64x128xbf16, #tpu.memory_space<vmem>>, vector<32xbf16>,
          %unpack3A_279 = tpu.unpack_subelements %get3A_278, 0 {pack_format = #tpu.pack_format<interleaved>} : vector<32xbf16> -> vector<16xf32>
          %unpack3A_280 = tpu.unpack_subelements %get3A_278, 1 {pack_format = #tpu.pack_format<interleaved>} : vector<32xbf16> -> vector<16xf32>
          %mul3A_281 = arith.mulf %unpack3A_279, %gather3A : vector<16xf32>
          %swap3A_282 = arith.index_cast %add3A_237 : i32 to index
          %swap3A_283 = arith.constant 96 : index
          %swap3A_284 = tpu.vector_load %arg22[%swap3A_282, %swap3A_283] {strides = array<i32>} : memref<64x144xf32, #tpu.memory_space<vmem>>, vector<16xf32>,
          tpu.vector_store %arg22[%swap3A_282, %swap3A_283], %mul3A_281 {strides = array<i32>} : memref<64x144xf32, #tpu.memory_space<vmem>>, vector<16xf32>,
          %mul3A_285 = arith.mulf %unpack3A_280, %gather3A : vector<16xf32>
          %swap3A_286 = arith.index_cast %add3A_237 : i32 to index
          %swap3A_287 = arith.constant 112 : index
          %swap3A_288 = tpu.vector_load %arg22[%swap3A_286, %swap3A_287] {strides = array<i32>} : memref<64x144xf32, #tpu.memory_space<vmem>>, vector<16xf32>,
          tpu.vector_store %arg22[%swap3A_286, %swap3A_287], %mul3A_285 {strides = array<i32>} : memref<64x144xf32, #tpu.memory_space<vmem>>, vector<16xf32>,
          %mul3A_289 = arith.mulf %select_n3A_24, %gather3A : vector<16xf32>
          %swap3A_290 = arith.index_cast %add3A_237 : i32 to index
          %swap3A_291 = arith.constant 128 : index
          %swap3A_292 = tpu.vector_load %arg22[%swap3A_290, %swap3A_291] {strides = array<i32>} : memref<64x144xf32, #tpu.memory_space<vmem>>, vector<16xf32>,
          tpu.vector_store %arg22[%swap3A_290, %swap3A_291], %mul3A_289 {strides = array<i32>} : memref<64x144xf32, #tpu.memory_space<vmem>>, vector<16xf32>,
          %mul3A_293 = arith.constant 4 : i32
          %mul3A_294 = arith.muli %scan3A_233, %mul3A_293 : i32
          %add3A_295 = arith.constant 1 : i32
          %add3A_296 = arith.addi %mul3A_294, %add3A_295 : i32
          %broadcast_in_dim3A_297 = vector.broadcast %add3A_296 : i32 to vector<16xi32>
          %gather3A_298 = tpu.vector_load_idx %arg14[%broadcast_in_dim3A_297] : memref<64xf32, #tpu.memory_space<vmem>>[vector<16xi32>], vector<16xf32>,
          %get3A_299 = arith.index_cast %add3A_296 : i32 to index
          %get3A_300 = arith.constant 0 : index
          %get3A_301 = tpu.vector_load %arg18[%get3A_299, %get3A_300] {strides = array<i32>} : memref<64x128xbf16, #tpu.memory_space<vmem>>, vector<32xbf16>,
          %unpack3A_302 = tpu.unpack_subelements %get3A_301, 0 {pack_format = #tpu.pack_format<interleaved>} : vector<32xbf16> -> vector<16xf32>
          %unpack3A_303 = tpu.unpack_subelements %get3A_301, 1 {pack_format = #tpu.pack_format<interleaved>} : vector<32xbf16> -> vector<16xf32>
          %mul3A_304 = arith.mulf %unpack3A_302, %gather3A_298 : vector<16xf32>
          %swap3A_305 = arith.index_cast %add3A_296 : i32 to index
          %swap3A_306 = arith.constant 0 : index
          %swap3A_307 = tpu.vector_load %arg22[%swap3A_305, %swap3A_306] {strides = array<i32>} : memref<64x144xf32, #tpu.memory_space<vmem>>, vector<16xf32>,
          tpu.vector_store %arg22[%swap3A_305, %swap3A_306], %mul3A_304 {strides = array<i32>} : memref<64x144xf32, #tpu.memory_space<vmem>>, vector<16xf32>,
          %mul3A_308 = arith.mulf %unpack3A_303, %gather3A_298 : vector<16xf32>
          %swap3A_309 = arith.index_cast %add3A_296 : i32 to index
          %swap3A_310 = arith.constant 16 : index
          %swap3A_311 = tpu.vector_load %arg22[%swap3A_309, %swap3A_310] {strides = array<i32>} : memref<64x144xf32, #tpu.memory_space<vmem>>, vector<16xf32>,
          tpu.vector_store %arg22[%swap3A_309, %swap3A_310], %mul3A_308 {strides = array<i32>} : memref<64x144xf32, #tpu.memory_space<vmem>>, vector<16xf32>,
          %get3A_312 = arith.index_cast %add3A_296 : i32 to index
          %get3A_313 = arith.constant 32 : index
          %get3A_314 = tpu.vector_load %arg18[%get3A_312, %get3A_313] {strides = array<i32>} : memref<64x128xbf16, #tpu.memory_space<vmem>>, vector<32xbf16>,
          %unpack3A_315 = tpu.unpack_subelements %get3A_314, 0 {pack_format = #tpu.pack_format<interleaved>} : vector<32xbf16> -> vector<16xf32>
          %unpack3A_316 = tpu.unpack_subelements %get3A_314, 1 {pack_format = #tpu.pack_format<interleaved>} : vector<32xbf16> -> vector<16xf32>
          %mul3A_317 = arith.mulf %unpack3A_315, %gather3A_298 : vector<16xf32>
          %swap3A_318 = arith.index_cast %add3A_296 : i32 to index
          %swap3A_319 = arith.constant 32 : index
          %swap3A_320 = tpu.vector_load %arg22[%swap3A_318, %swap3A_319] {strides = array<i32>} : memref<64x144xf32, #tpu.memory_space<vmem>>, vector<16xf32>,
          tpu.vector_store %arg22[%swap3A_318, %swap3A_319], %mul3A_317 {strides = array<i32>} : memref<64x144xf32, #tpu.memory_space<vmem>>, vector<16xf32>,
          %mul3A_321 = arith.mulf %unpack3A_316, %gather3A_298 : vector<16xf32>
          %swap3A_322 = arith.index_cast %add3A_296 : i32 to index
          %swap3A_323 = arith.constant 48 : index
          %swap3A_324 = tpu.vector_load %arg22[%swap3A_322, %swap3A_323] {strides = array<i32>} : memref<64x144xf32, #tpu.memory_space<vmem>>, vector<16xf32>,
          tpu.vector_store %arg22[%swap3A_322, %swap3A_323], %mul3A_321 {strides = array<i32>} : memref<64x144xf32, #tpu.memory_space<vmem>>, vector<16xf32>,
          %get3A_325 = arith.index_cast %add3A_296 : i32 to index
          %get3A_326 = arith.constant 64 : index
          %get3A_327 = tpu.vector_load %arg18[%get3A_325, %get3A_326] {strides = array<i32>} : memref<64x128xbf16, #tpu.memory_space<vmem>>, vector<32xbf16>,
          %unpack3A_328 = tpu.unpack_subelements %get3A_327, 0 {pack_format = #tpu.pack_format<interleaved>} : vector<32xbf16> -> vector<16xf32>
          %unpack3A_329 = tpu.unpack_subelements %get3A_327, 1 {pack_format = #tpu.pack_format<interleaved>} : vector<32xbf16> -> vector<16xf32>
          %mul3A_330 = arith.mulf %unpack3A_328, %gather3A_298 : vector<16xf32>
          %swap3A_331 = arith.index_cast %add3A_296 : i32 to index
          %swap3A_332 = arith.constant 64 : index
          %swap3A_333 = tpu.vector_load %arg22[%swap3A_331, %swap3A_332] {strides = array<i32>} : memref<64x144xf32, #tpu.memory_space<vmem>>, vector<16xf32>,
          tpu.vector_store %arg22[%swap3A_331, %swap3A_332], %mul3A_330 {strides = array<i32>} : memref<64x144xf32, #tpu.memory_space<vmem>>, vector<16xf32>,
          %mul3A_334 = arith.mulf %unpack3A_329, %gather3A_298 : vector<16xf32>
          %swap3A_335 = arith.index_cast %add3A_296 : i32 to index
          %swap3A_336 = arith.constant 80 : index
          %swap3A_337 = tpu.vector_load %arg22[%swap3A_335, %swap3A_336] {strides = array<i32>} : memref<64x144xf32, #tpu.memory_space<vmem>>, vector<16xf32>,
          tpu.vector_store %arg22[%swap3A_335, %swap3A_336], %mul3A_334 {strides = array<i32>} : memref<64x144xf32, #tpu.memory_space<vmem>>, vector<16xf32>,
          %get3A_338 = arith.index_cast %add3A_296 : i32 to index
          %get3A_339 = arith.constant 96 : index
          %get3A_340 = tpu.vector_load %arg18[%get3A_338, %get3A_339] {strides = array<i32>} : memref<64x128xbf16, #tpu.memory_space<vmem>>, vector<32xbf16>,
          %unpack3A_341 = tpu.unpack_subelements %get3A_340, 0 {pack_format = #tpu.pack_format<interleaved>} : vector<32xbf16> -> vector<16xf32>
          %unpack3A_342 = tpu.unpack_subelements %get3A_340, 1 {pack_format = #tpu.pack_format<interleaved>} : vector<32xbf16> -> vector<16xf32>
          %mul3A_343 = arith.mulf %unpack3A_341, %gather3A_298 : vector<16xf32>
          %swap3A_344 = arith.index_cast %add3A_296 : i32 to index
          %swap3A_345 = arith.constant 96 : index
          %swap3A_346 = tpu.vector_load %arg22[%swap3A_344, %swap3A_345] {strides = array<i32>} : memref<64x144xf32, #tpu.memory_space<vmem>>, vector<16xf32>,
          tpu.vector_store %arg22[%swap3A_344, %swap3A_345], %mul3A_343 {strides = array<i32>} : memref<64x144xf32, #tpu.memory_space<vmem>>, vector<16xf32>,
          %mul3A_347 = arith.mulf %unpack3A_342, %gather3A_298 : vector<16xf32>
          %swap3A_348 = arith.index_cast %add3A_296 : i32 to index
          %swap3A_349 = arith.constant 112 : index
          %swap3A_350 = tpu.vector_load %arg22[%swap3A_348, %swap3A_349] {strides = array<i32>} : memref<64x144xf32, #tpu.memory_space<vmem>>, vector<16xf32>,
          tpu.vector_store %arg22[%swap3A_348, %swap3A_349], %mul3A_347 {strides = array<i32>} : memref<64x144xf32, #tpu.memory_space<vmem>>, vector<16xf32>,
          %mul3A_351 = arith.mulf %select_n3A_24, %gather3A_298 : vector<16xf32>
          %swap3A_352 = arith.index_cast %add3A_296 : i32 to index
          %swap3A_353 = arith.constant 128 : index
          %swap3A_354 = tpu.vector_load %arg22[%swap3A_352, %swap3A_353] {strides = array<i32>} : memref<64x144xf32, #tpu.memory_space<vmem>>, vector<16xf32>,
          tpu.vector_store %arg22[%swap3A_352, %swap3A_353], %mul3A_351 {strides = array<i32>} : memref<64x144xf32, #tpu.memory_space<vmem>>, vector<16xf32>,
          %mul3A_355 = arith.constant 4 : i32
          %mul3A_356 = arith.muli %scan3A_233, %mul3A_355 : i32
          %add3A_357 = arith.constant 2 : i32
          %add3A_358 = arith.addi %mul3A_356, %add3A_357 : i32
          %broadcast_in_dim3A_359 = vector.broadcast %add3A_358 : i32 to vector<16xi32>
          %gather3A_360 = tpu.vector_load_idx %arg14[%broadcast_in_dim3A_359] : memref<64xf32, #tpu.memory_space<vmem>>[vector<16xi32>], vector<16xf32>,
          %get3A_361 = arith.index_cast %add3A_358 : i32 to index
          %get3A_362 = arith.constant 0 : index
          %get3A_363 = tpu.vector_load %arg18[%get3A_361, %get3A_362] {strides = array<i32>} : memref<64x128xbf16, #tpu.memory_space<vmem>>, vector<32xbf16>,
          %unpack3A_364 = tpu.unpack_subelements %get3A_363, 0 {pack_format = #tpu.pack_format<interleaved>} : vector<32xbf16> -> vector<16xf32>
          %unpack3A_365 = tpu.unpack_subelements %get3A_363, 1 {pack_format = #tpu.pack_format<interleaved>} : vector<32xbf16> -> vector<16xf32>
          %mul3A_366 = arith.mulf %unpack3A_364, %gather3A_360 : vector<16xf32>
          %swap3A_367 = arith.index_cast %add3A_358 : i32 to index
          %swap3A_368 = arith.constant 0 : index
          %swap3A_369 = tpu.vector_load %arg22[%swap3A_367, %swap3A_368] {strides = array<i32>} : memref<64x144xf32, #tpu.memory_space<vmem>>, vector<16xf32>,
          tpu.vector_store %arg22[%swap3A_367, %swap3A_368], %mul3A_366 {strides = array<i32>} : memref<64x144xf32, #tpu.memory_space<vmem>>, vector<16xf32>,
          %mul3A_370 = arith.mulf %unpack3A_365, %gather3A_360 : vector<16xf32>
          %swap3A_371 = arith.index_cast %add3A_358 : i32 to index
          %swap3A_372 = arith.constant 16 : index
          %swap3A_373 = tpu.vector_load %arg22[%swap3A_371, %swap3A_372] {strides = array<i32>} : memref<64x144xf32, #tpu.memory_space<vmem>>, vector<16xf32>,
          tpu.vector_store %arg22[%swap3A_371, %swap3A_372], %mul3A_370 {strides = array<i32>} : memref<64x144xf32, #tpu.memory_space<vmem>>, vector<16xf32>,
          %get3A_374 = arith.index_cast %add3A_358 : i32 to index
          %get3A_375 = arith.constant 32 : index
          %get3A_376 = tpu.vector_load %arg18[%get3A_374, %get3A_375] {strides = array<i32>} : memref<64x128xbf16, #tpu.memory_space<vmem>>, vector<32xbf16>,
          %unpack3A_377 = tpu.unpack_subelements %get3A_376, 0 {pack_format = #tpu.pack_format<interleaved>} : vector<32xbf16> -> vector<16xf32>
          %unpack3A_378 = tpu.unpack_subelements %get3A_376, 1 {pack_format = #tpu.pack_format<interleaved>} : vector<32xbf16> -> vector<16xf32>
          %mul3A_379 = arith.mulf %unpack3A_377, %gather3A_360 : vector<16xf32>
          %swap3A_380 = arith.index_cast %add3A_358 : i32 to index
          %swap3A_381 = arith.constant 32 : index
          %swap3A_382 = tpu.vector_load %arg22[%swap3A_380, %swap3A_381] {strides = array<i32>} : memref<64x144xf32, #tpu.memory_space<vmem>>, vector<16xf32>,
          tpu.vector_store %arg22[%swap3A_380, %swap3A_381], %mul3A_379 {strides = array<i32>} : memref<64x144xf32, #tpu.memory_space<vmem>>, vector<16xf32>,
          %mul3A_383 = arith.mulf %unpack3A_378, %gather3A_360 : vector<16xf32>
          %swap3A_384 = arith.index_cast %add3A_358 : i32 to index
          %swap3A_385 = arith.constant 48 : index
          %swap3A_386 = tpu.vector_load %arg22[%swap3A_384, %swap3A_385] {strides = array<i32>} : memref<64x144xf32, #tpu.memory_space<vmem>>, vector<16xf32>,
          tpu.vector_store %arg22[%swap3A_384, %swap3A_385], %mul3A_383 {strides = array<i32>} : memref<64x144xf32, #tpu.memory_space<vmem>>, vector<16xf32>,
          %get3A_387 = arith.index_cast %add3A_358 : i32 to index
          %get3A_388 = arith.constant 64 : index
          %get3A_389 = tpu.vector_load %arg18[%get3A_387, %get3A_388] {strides = array<i32>} : memref<64x128xbf16, #tpu.memory_space<vmem>>, vector<32xbf16>,
          %unpack3A_390 = tpu.unpack_subelements %get3A_389, 0 {pack_format = #tpu.pack_format<interleaved>} : vector<32xbf16> -> vector<16xf32>
          %unpack3A_391 = tpu.unpack_subelements %get3A_389, 1 {pack_format = #tpu.pack_format<interleaved>} : vector<32xbf16> -> vector<16xf32>
          %mul3A_392 = arith.mulf %unpack3A_390, %gather3A_360 : vector<16xf32>
          %swap3A_393 = arith.index_cast %add3A_358 : i32 to index
          %swap3A_394 = arith.constant 64 : index
          %swap3A_395 = tpu.vector_load %arg22[%swap3A_393, %swap3A_394] {strides = array<i32>} : memref<64x144xf32, #tpu.memory_space<vmem>>, vector<16xf32>,
          tpu.vector_store %arg22[%swap3A_393, %swap3A_394], %mul3A_392 {strides = array<i32>} : memref<64x144xf32, #tpu.memory_space<vmem>>, vector<16xf32>,
          %mul3A_396 = arith.mulf %unpack3A_391, %gather3A_360 : vector<16xf32>
          %swap3A_397 = arith.index_cast %add3A_358 : i32 to index
          %swap3A_398 = arith.constant 80 : index
          %swap3A_399 = tpu.vector_load %arg22[%swap3A_397, %swap3A_398] {strides = array<i32>} : memref<64x144xf32, #tpu.memory_space<vmem>>, vector<16xf32>,
          tpu.vector_store %arg22[%swap3A_397, %swap3A_398], %mul3A_396 {strides = array<i32>} : memref<64x144xf32, #tpu.memory_space<vmem>>, vector<16xf32>,
          %get3A_400 = arith.index_cast %add3A_358 : i32 to index
          %get3A_401 = arith.constant 96 : index
          %get3A_402 = tpu.vector_load %arg18[%get3A_400, %get3A_401] {strides = array<i32>} : memref<64x128xbf16, #tpu.memory_space<vmem>>, vector<32xbf16>,
          %unpack3A_403 = tpu.unpack_subelements %get3A_402, 0 {pack_format = #tpu.pack_format<interleaved>} : vector<32xbf16> -> vector<16xf32>
          %unpack3A_404 = tpu.unpack_subelements %get3A_402, 1 {pack_format = #tpu.pack_format<interleaved>} : vector<32xbf16> -> vector<16xf32>
          %mul3A_405 = arith.mulf %unpack3A_403, %gather3A_360 : vector<16xf32>
          %swap3A_406 = arith.index_cast %add3A_358 : i32 to index
          %swap3A_407 = arith.constant 96 : index
          %swap3A_408 = tpu.vector_load %arg22[%swap3A_406, %swap3A_407] {strides = array<i32>} : memref<64x144xf32, #tpu.memory_space<vmem>>, vector<16xf32>,
          tpu.vector_store %arg22[%swap3A_406, %swap3A_407], %mul3A_405 {strides = array<i32>} : memref<64x144xf32, #tpu.memory_space<vmem>>, vector<16xf32>,
          %mul3A_409 = arith.mulf %unpack3A_404, %gather3A_360 : vector<16xf32>
          %swap3A_410 = arith.index_cast %add3A_358 : i32 to index
          %swap3A_411 = arith.constant 112 : index
          %swap3A_412 = tpu.vector_load %arg22[%swap3A_410, %swap3A_411] {strides = array<i32>} : memref<64x144xf32, #tpu.memory_space<vmem>>, vector<16xf32>,
          tpu.vector_store %arg22[%swap3A_410, %swap3A_411], %mul3A_409 {strides = array<i32>} : memref<64x144xf32, #tpu.memory_space<vmem>>, vector<16xf32>,
          %mul3A_413 = arith.mulf %select_n3A_24, %gather3A_360 : vector<16xf32>
          %swap3A_414 = arith.index_cast %add3A_358 : i32 to index
          %swap3A_415 = arith.constant 128 : index
          %swap3A_416 = tpu.vector_load %arg22[%swap3A_414, %swap3A_415] {strides = array<i32>} : memref<64x144xf32, #tpu.memory_space<vmem>>, vector<16xf32>,
          tpu.vector_store %arg22[%swap3A_414, %swap3A_415], %mul3A_413 {strides = array<i32>} : memref<64x144xf32, #tpu.memory_space<vmem>>, vector<16xf32>,
          %mul3A_417 = arith.constant 4 : i32
          %mul3A_418 = arith.muli %scan3A_233, %mul3A_417 : i32
          %add3A_419 = arith.constant 3 : i32
          %add3A_420 = arith.addi %mul3A_418, %add3A_419 : i32
          %broadcast_in_dim3A_421 = vector.broadcast %add3A_420 : i32 to vector<16xi32>
          %gather3A_422 = tpu.vector_load_idx %arg14[%broadcast_in_dim3A_421] : memref<64xf32, #tpu.memory_space<vmem>>[vector<16xi32>], vector<16xf32>,
          %get3A_423 = arith.index_cast %add3A_420 : i32 to index
          %get3A_424 = arith.constant 0 : index
          %get3A_425 = tpu.vector_load %arg18[%get3A_423, %get3A_424] {strides = array<i32>} : memref<64x128xbf16, #tpu.memory_space<vmem>>, vector<32xbf16>,
          %unpack3A_426 = tpu.unpack_subelements %get3A_425, 0 {pack_format = #tpu.pack_format<interleaved>} : vector<32xbf16> -> vector<16xf32>
          %unpack3A_427 = tpu.unpack_subelements %get3A_425, 1 {pack_format = #tpu.pack_format<interleaved>} : vector<32xbf16> -> vector<16xf32>
          %mul3A_428 = arith.mulf %unpack3A_426, %gather3A_422 : vector<16xf32>
          %swap3A_429 = arith.index_cast %add3A_420 : i32 to index
          %swap3A_430 = arith.constant 0 : index
          %swap3A_431 = tpu.vector_load %arg22[%swap3A_429, %swap3A_430] {strides = array<i32>} : memref<64x144xf32, #tpu.memory_space<vmem>>, vector<16xf32>,
          tpu.vector_store %arg22[%swap3A_429, %swap3A_430], %mul3A_428 {strides = array<i32>} : memref<64x144xf32, #tpu.memory_space<vmem>>, vector<16xf32>,
          %mul3A_432 = arith.mulf %unpack3A_427, %gather3A_422 : vector<16xf32>
          %swap3A_433 = arith.index_cast %add3A_420 : i32 to index
          %swap3A_434 = arith.constant 16 : index
          %swap3A_435 = tpu.vector_load %arg22[%swap3A_433, %swap3A_434] {strides = array<i32>} : memref<64x144xf32, #tpu.memory_space<vmem>>, vector<16xf32>,
          tpu.vector_store %arg22[%swap3A_433, %swap3A_434], %mul3A_432 {strides = array<i32>} : memref<64x144xf32, #tpu.memory_space<vmem>>, vector<16xf32>,
          %get3A_436 = arith.index_cast %add3A_420 : i32 to index
          %get3A_437 = arith.constant 32 : index
          %get3A_438 = tpu.vector_load %arg18[%get3A_436, %get3A_437] {strides = array<i32>} : memref<64x128xbf16, #tpu.memory_space<vmem>>, vector<32xbf16>,
          %unpack3A_439 = tpu.unpack_subelements %get3A_438, 0 {pack_format = #tpu.pack_format<interleaved>} : vector<32xbf16> -> vector<16xf32>
          %unpack3A_440 = tpu.unpack_subelements %get3A_438, 1 {pack_format = #tpu.pack_format<interleaved>} : vector<32xbf16> -> vector<16xf32>
          %mul3A_441 = arith.mulf %unpack3A_439, %gather3A_422 : vector<16xf32>
          %swap3A_442 = arith.index_cast %add3A_420 : i32 to index
          %swap3A_443 = arith.constant 32 : index
          %swap3A_444 = tpu.vector_load %arg22[%swap3A_442, %swap3A_443] {strides = array<i32>} : memref<64x144xf32, #tpu.memory_space<vmem>>, vector<16xf32>,
          tpu.vector_store %arg22[%swap3A_442, %swap3A_443], %mul3A_441 {strides = array<i32>} : memref<64x144xf32, #tpu.memory_space<vmem>>, vector<16xf32>,
          %mul3A_445 = arith.mulf %unpack3A_440, %gather3A_422 : vector<16xf32>
          %swap3A_446 = arith.index_cast %add3A_420 : i32 to index
          %swap3A_447 = arith.constant 48 : index
          %swap3A_448 = tpu.vector_load %arg22[%swap3A_446, %swap3A_447] {strides = array<i32>} : memref<64x144xf32, #tpu.memory_space<vmem>>, vector<16xf32>,
          tpu.vector_store %arg22[%swap3A_446, %swap3A_447], %mul3A_445 {strides = array<i32>} : memref<64x144xf32, #tpu.memory_space<vmem>>, vector<16xf32>,
          %get3A_449 = arith.index_cast %add3A_420 : i32 to index
          %get3A_450 = arith.constant 64 : index
          %get3A_451 = tpu.vector_load %arg18[%get3A_449, %get3A_450] {strides = array<i32>} : memref<64x128xbf16, #tpu.memory_space<vmem>>, vector<32xbf16>,
          %unpack3A_452 = tpu.unpack_subelements %get3A_451, 0 {pack_format = #tpu.pack_format<interleaved>} : vector<32xbf16> -> vector<16xf32>
          %unpack3A_453 = tpu.unpack_subelements %get3A_451, 1 {pack_format = #tpu.pack_format<interleaved>} : vector<32xbf16> -> vector<16xf32>
          %mul3A_454 = arith.mulf %unpack3A_452, %gather3A_422 : vector<16xf32>
          %swap3A_455 = arith.index_cast %add3A_420 : i32 to index
          %swap3A_456 = arith.constant 64 : index
          %swap3A_457 = tpu.vector_load %arg22[%swap3A_455, %swap3A_456] {strides = array<i32>} : memref<64x144xf32, #tpu.memory_space<vmem>>, vector<16xf32>,
          tpu.vector_store %arg22[%swap3A_455, %swap3A_456], %mul3A_454 {strides = array<i32>} : memref<64x144xf32, #tpu.memory_space<vmem>>, vector<16xf32>,
          %mul3A_458 = arith.mulf %unpack3A_453, %gather3A_422 : vector<16xf32>
          %swap3A_459 = arith.index_cast %add3A_420 : i32 to index
          %swap3A_460 = arith.constant 80 : index
          %swap3A_461 = tpu.vector_load %arg22[%swap3A_459, %swap3A_460] {strides = array<i32>} : memref<64x144xf32, #tpu.memory_space<vmem>>, vector<16xf32>,
          tpu.vector_store %arg22[%swap3A_459, %swap3A_460], %mul3A_458 {strides = array<i32>} : memref<64x144xf32, #tpu.memory_space<vmem>>, vector<16xf32>,
          %get3A_462 = arith.index_cast %add3A_420 : i32 to index
          %get3A_463 = arith.constant 96 : index
          %get3A_464 = tpu.vector_load %arg18[%get3A_462, %get3A_463] {strides = array<i32>} : memref<64x128xbf16, #tpu.memory_space<vmem>>, vector<32xbf16>,
          %unpack3A_465 = tpu.unpack_subelements %get3A_464, 0 {pack_format = #tpu.pack_format<interleaved>} : vector<32xbf16> -> vector<16xf32>
          %unpack3A_466 = tpu.unpack_subelements %get3A_464, 1 {pack_format = #tpu.pack_format<interleaved>} : vector<32xbf16> -> vector<16xf32>
          %mul3A_467 = arith.mulf %unpack3A_465, %gather3A_422 : vector<16xf32>
          %swap3A_468 = arith.index_cast %add3A_420 : i32 to index
          %swap3A_469 = arith.constant 96 : index
          %swap3A_470 = tpu.vector_load %arg22[%swap3A_468, %swap3A_469] {strides = array<i32>} : memref<64x144xf32, #tpu.memory_space<vmem>>, vector<16xf32>,
          tpu.vector_store %arg22[%swap3A_468, %swap3A_469], %mul3A_467 {strides = array<i32>} : memref<64x144xf32, #tpu.memory_space<vmem>>, vector<16xf32>,
          %mul3A_471 = arith.mulf %unpack3A_466, %gather3A_422 : vector<16xf32>
          %swap3A_472 = arith.index_cast %add3A_420 : i32 to index
          %swap3A_473 = arith.constant 112 : index
          %swap3A_474 = tpu.vector_load %arg22[%swap3A_472, %swap3A_473] {strides = array<i32>} : memref<64x144xf32, #tpu.memory_space<vmem>>, vector<16xf32>,
          tpu.vector_store %arg22[%swap3A_472, %swap3A_473], %mul3A_471 {strides = array<i32>} : memref<64x144xf32, #tpu.memory_space<vmem>>, vector<16xf32>,
          %mul3A_475 = arith.mulf %select_n3A_24, %gather3A_422 : vector<16xf32>
          %swap3A_476 = arith.index_cast %add3A_420 : i32 to index
          %swap3A_477 = arith.constant 128 : index
          %swap3A_478 = tpu.vector_load %arg22[%swap3A_476, %swap3A_477] {strides = array<i32>} : memref<64x144xf32, #tpu.memory_space<vmem>>, vector<16xf32>,
          tpu.vector_store %arg22[%swap3A_476, %swap3A_477], %mul3A_475 {strides = array<i32>} : memref<64x144xf32, #tpu.memory_space<vmem>>, vector<16xf32>,
        }
        %scan3A_229 = arith.constant 16 : i32
        %dma_start3A_230 = arith.constant 0 : i32
        %dma_start3A_231 = arith.constant 0 : i32
        %dma_start3A_232 = tpu.memref_slice %arg16[%dma_start3A_230, %dma_start3A_231] : memref<10016x144xf32, #tpu.memory_space<vmem_shared>> -> memref<10016x144xf32, #tpu.memory_space<vmem_shared>>
        tpu.enqueue_indirect_dma source(%arg22 : memref<64x144xf32, #tpu.memory_space<vmem>>) target(%dma_start3A_232 : memref<10016x144xf32, #tpu.memory_space<vmem_shared>>) offsets(%arg13 : memref<64xi32, #tpu.memory_space<vmem>>) semaphore(%arg30 : memref<!tpu.dma_semaphore, #tpu.memory_space<semaphore_mem>>) {add = true}
      }
      %while3A_115 = arith.constant 1 : i32
      scf.for %while3A_119 = %while3A_113 to %while3A_109 step %while3A_115  : i32 {
        %mul3A_120 = arith.constant 2 : i32
        %mul3A_121 = arith.muli %while3A_119, %mul3A_120 : i32
        %add3A_122 = arith.constant 0 : i32
        %add3A_123 = arith.addi %mul3A_121, %add3A_122 : i32
        %ge3A = arith.constant 1 : i32
        %ge3A_124 = arith.cmpi sge, %add3A_123, %ge3A : i32
        %convert_element_type3A_125 = arith.extui %ge3A_124 : i1 to i32
        %cond3A_126 = arith.constant 0 : i32
        %cond3A_127 = arith.cmpi ne, %convert_element_type3A_125, %cond3A_126 : i32
        scf.if %cond3A_127 {
          %dma_wait3A_233 = arith.constant 0 : i32
          %dma_wait3A_234 = arith.constant 0 : i32
          %dma_wait3A_235 = tpu.memref_slice %arg16[%dma_wait3A_233, %dma_wait3A_234] : memref<10016x144xf32, #tpu.memory_space<vmem_shared>> -> memref<10016x144xf32, #tpu.memory_space<vmem_shared>>
          tpu.wait_indirect_dma semaphore(%arg30 : memref<!tpu.dma_semaphore, #tpu.memory_space<semaphore_mem>>) src(%arg22 : memref<64x144xf32, #tpu.memory_space<vmem>>) dst(%dma_wait3A_235 : memref<10016x144xf32, #tpu.memory_space<vmem_shared>>)
        } else {
        }
        %add3A_128 = arith.constant 1 : i32
        %add3A_129 = arith.addi %add3A_123, %add3A_128 : i32
        %lt3A = arith.cmpi slt, %add3A_129, %select_n3A : i32
        %convert_element_type3A_130 = arith.extui %lt3A : i1 to i32
        %cond3A_131 = arith.constant 0 : i32
        %cond3A_132 = arith.cmpi ne, %convert_element_type3A_130, %cond3A_131 : i32
        scf.if %cond3A_132 {
          %add3A_233 = arith.constant 1 : i32
          %add3A_234 = arith.addi %add3A_123, %add3A_233 : i32
          %add3A_235 = arith.addi %add3A, %add3A_234 : i32
          %dma_wait3A_236 = arith.constant 1 : i32
          %dma_wait3A_237 = arith.constant 0 : i32
          %dma_wait3A_238 = arith.constant 0 : i32
          %dma_wait3A_239 = tpu.memref_slice %arg11[%dma_wait3A_236, %dma_wait3A_237, %dma_wait3A_238] : memref<2x2x64xi32, #tpu.memory_space<vmem>> -> memref<1x2x64xi32, #tpu.memory_space<vmem>>
          %dma_wait3A_240 = tpu.memref_squeeze %dma_wait3A_239 : memref<1x2x64xi32, #tpu.memory_space<vmem>> -> memref<2x64xi32, #tpu.memory_space<vmem>>
          %dma_wait3A_241 = arith.constant 0 : i32
          %dma_wait3A_242 = arith.constant 0 : i32
          %dma_wait3A_243 = tpu.memref_slice %arg4[%add3A_235, %dma_wait3A_241, %dma_wait3A_242] : memref<5184x2x64xi32, #tpu.memory_space<hbm>> -> memref<1x2x64xi32, #tpu.memory_space<hbm>>
          %dma_wait3A_244 = tpu.memref_squeeze %dma_wait3A_243 : memref<1x2x64xi32, #tpu.memory_space<hbm>> -> memref<2x64xi32, #tpu.memory_space<hbm>>
          %dma_wait3A_245 = arith.constant 0 : i32
          %dma_wait3A_246 = arith.constant 0 : i32
          %dma_wait3A_247 = tpu.memref_slice %arg11[%dma_wait3A_236, %dma_wait3A_245, %dma_wait3A_246] : memref<2x2x64xi32, #tpu.memory_space<vmem>> -> memref<1x2x64xi32, #tpu.memory_space<vmem>>
          %dma_wait3A_248 = tpu.memref_squeeze %dma_wait3A_247 : memref<1x2x64xi32, #tpu.memory_space<vmem>> -> memref<2x64xi32, #tpu.memory_space<vmem>>
          %dma_wait3A_249 = arith.constant 0 : i32
          %dma_wait3A_250 = arith.constant 0 : i32
          %dma_wait3A_251 = tpu.memref_slice %arg4[%add3A_235, %dma_wait3A_249, %dma_wait3A_250] : memref<5184x2x64xi32, #tpu.memory_space<hbm>> -> memref<1x2x64xi32, #tpu.memory_space<hbm>>
          %dma_wait3A_252 = tpu.memref_squeeze %dma_wait3A_251 : memref<1x2x64xi32, #tpu.memory_space<hbm>> -> memref<2x64xi32, #tpu.memory_space<hbm>>
          tpu.wait_dma2 semaphore(%arg24 : memref<!tpu.dma_semaphore, #tpu.memory_space<semaphore_mem>>) src(%dma_wait3A_252 : memref<2x64xi32, #tpu.memory_space<hbm>>) dst(%dma_wait3A_248 : memref<2x64xi32, #tpu.memory_space<vmem>>)
          %add3A_253 = arith.constant 1 : i32
          %add3A_254 = arith.addi %add3A_123, %add3A_253 : i32
          %dma_start3A_255 = arith.constant 1 : i32
          %dma_start3A_256 = arith.constant 0 : i32
          %dma_start3A_257 = arith.constant 0 : i32
          %dma_start3A_258 = tpu.memref_slice %arg11[%dma_start3A_255, %dma_start3A_256, %dma_start3A_257] : memref<2x2x64xi32, #tpu.memory_space<vmem>> -> memref<1x1x64xi32, #tpu.memory_space<vmem>>
          %dma_start3A_259 = tpu.memref_squeeze %dma_start3A_258 : memref<1x1x64xi32, #tpu.memory_space<vmem>> -> memref<64xi32, #tpu.memory_space<vmem>>
          %dma_start3A_260 = arith.constant 0 : i32
          %dma_start3A_261 = arith.constant 0 : i32
          %dma_start3A_262 = tpu.memref_slice %arg2[%dma_start3A_260, %dma_start3A_261] : memref<10000x128xbf16, #tpu.memory_space<hbm>> -> memref<10000x128xbf16, #tpu.memory_space<hbm>>
          tpu.enqueue_indirect_dma source(%dma_start3A_262 : memref<10000x128xbf16, #tpu.memory_space<hbm>>) target(%arg18 : memref<64x128xbf16, #tpu.memory_space<vmem>>) offsets(%dma_start3A_259 : memref<64xi32, #tpu.memory_space<vmem>>) semaphore(%arg26 : memref<!tpu.dma_semaphore, #tpu.memory_space<semaphore_mem>>)
          %dma_start3A_263 = arith.constant 1 : i32
          %dma_start3A_264 = arith.constant 1 : i32
          %dma_start3A_265 = arith.constant 0 : i32
          %dma_start3A_266 = tpu.memref_slice %arg11[%dma_start3A_263, %dma_start3A_264, %dma_start3A_265] : memref<2x2x64xi32, #tpu.memory_space<vmem>> -> memref<1x1x64xi32, #tpu.memory_space<vmem>>
          %dma_start3A_267 = tpu.memref_squeeze %dma_start3A_266 : memref<1x1x64xi32, #tpu.memory_space<vmem>> -> memref<64xi32, #tpu.memory_space<vmem>>
          %dma_start3A_268 = arith.constant 0 : i32
          %dma_start3A_269 = arith.constant 0 : i32
          %dma_start3A_270 = tpu.memref_slice %arg3[%dma_start3A_268, %dma_start3A_269] : memref<10016x128xbf16, #tpu.memory_space<hbm>> -> memref<10016x128xbf16, #tpu.memory_space<hbm>>
          tpu.enqueue_indirect_dma source(%dma_start3A_270 : memref<10016x128xbf16, #tpu.memory_space<hbm>>) target(%arg20 : memref<64x128xbf16, #tpu.memory_space<vmem>>) offsets(%dma_start3A_267 : memref<64xi32, #tpu.memory_space<vmem>>) semaphore(%arg28 : memref<!tpu.dma_semaphore, #tpu.memory_space<semaphore_mem>>)
        } else {
        }
        %dma_wait3A_133 = arith.constant 0 : i32
        %dma_wait3A_134 = arith.constant 0 : i32
        %dma_wait3A_135 = arith.constant 0 : i32
        %dma_wait3A_136 = tpu.memref_slice %arg11[%dma_wait3A_133, %dma_wait3A_134, %dma_wait3A_135] : memref<2x2x64xi32, #tpu.memory_space<vmem>> -> memref<1x1x64xi32, #tpu.memory_space<vmem>>
        %dma_wait3A_137 = tpu.memref_squeeze %dma_wait3A_136 : memref<1x1x64xi32, #tpu.memory_space<vmem>> -> memref<64xi32, #tpu.memory_space<vmem>>
        %dma_wait3A_138 = arith.constant 0 : i32
        %dma_wait3A_139 = arith.constant 0 : i32
        %dma_wait3A_140 = tpu.memref_slice %arg2[%dma_wait3A_138, %dma_wait3A_139] : memref<10000x128xbf16, #tpu.memory_space<hbm>> -> memref<10000x128xbf16, #tpu.memory_space<hbm>>
        tpu.wait_indirect_dma semaphore(%arg25 : memref<!tpu.dma_semaphore, #tpu.memory_space<semaphore_mem>>) src(%dma_wait3A_140 : memref<10000x128xbf16, #tpu.memory_space<hbm>>) dst(%arg17 : memref<64x128xbf16, #tpu.memory_space<vmem>>)
        %dma_wait3A_141 = arith.constant 0 : i32
        %dma_wait3A_142 = arith.constant 1 : i32
        %dma_wait3A_143 = arith.constant 0 : i32
        %dma_wait3A_144 = tpu.memref_slice %arg11[%dma_wait3A_141, %dma_wait3A_142, %dma_wait3A_143] : memref<2x2x64xi32, #tpu.memory_space<vmem>> -> memref<1x1x64xi32, #tpu.memory_space<vmem>>
        %dma_wait3A_145 = tpu.memref_squeeze %dma_wait3A_144 : memref<1x1x64xi32, #tpu.memory_space<vmem>> -> memref<64xi32, #tpu.memory_space<vmem>>
        %dma_wait3A_146 = arith.constant 0 : i32
        %dma_wait3A_147 = arith.constant 0 : i32
        %dma_wait3A_148 = tpu.memref_slice %arg3[%dma_wait3A_146, %dma_wait3A_147] : memref<10016x128xbf16, #tpu.memory_space<hbm>> -> memref<10016x128xbf16, #tpu.memory_space<hbm>>
        tpu.wait_indirect_dma semaphore(%arg27 : memref<!tpu.dma_semaphore, #tpu.memory_space<semaphore_mem>>) src(%dma_wait3A_148 : memref<10016x128xbf16, #tpu.memory_space<hbm>>) dst(%arg19 : memref<64x128xbf16, #tpu.memory_space<vmem>>)
        %scan3A = arith.constant 0 : i32
        %scan3A_149 = arith.constant 0 : i32
        %scan3A_150 = arith.constant 4 : i32
        %scan3A_151 = arith.addi %scan3A_149, %scan3A_150 : i32
        %scan3A_152 = arith.constant 1 : i32
        scf.for %scan3A_233 = %scan3A_149 to %scan3A_151 step %scan3A_152  : i32 {
          %mul3A_234 = arith.constant 16 : i32
          %mul3A_235 = arith.muli %scan3A_233, %mul3A_234 : i32
          %get3A_236 = arith.constant 0 : i32
          %get3A_237 = arith.constant 1 : i32
          %get3A_238 = arith.index_cast %get3A_236 : i32 to index
          %get3A_239 = arith.index_cast %get3A_237 : i32 to index
          %get3A_240 = arith.index_cast %mul3A_235 : i32 to index
          %get3A_241 = tpu.vector_load %arg11[%get3A_238, %get3A_239, %get3A_240] {strides = array<i32>} : memref<2x2x64xi32, #tpu.memory_space<vmem>>, vector<16xi32>,
          %swap3A = arith.index_cast %mul3A_235 : i32 to index
          %swap3A_242 = tpu.vector_load %arg12[%swap3A] {strides = array<i32>} : memref<64xi32, #tpu.memory_space<vmem>>, vector<16xi32>,
          tpu.vector_store %arg12[%swap3A], %get3A_241 {strides = array<i32>} : memref<64xi32, #tpu.memory_space<vmem>>, vector<16xi32>,
        }
        %scan3A_153 = arith.constant 4 : i32
        %add3A_154 = arith.constant 2 : i32
        %add3A_155 = arith.addi %add3A_123, %add3A_154 : i32
        %lt3A_156 = arith.cmpi slt, %add3A_155, %select_n3A : i32
        %convert_element_type3A_157 = arith.extui %lt3A_156 : i1 to i32
        %cond3A_158 = arith.constant 0 : i32
        %cond3A_159 = arith.cmpi ne, %convert_element_type3A_157, %cond3A_158 : i32
        scf.if %cond3A_159 {
          %add3A_233 = arith.constant 2 : i32
          %add3A_234 = arith.addi %add3A_123, %add3A_233 : i32
          %add3A_235 = arith.addi %add3A, %add3A_234 : i32
          %dma_start3A_236 = arith.constant 0 : i32
          %dma_start3A_237 = arith.constant 0 : i32
          %dma_start3A_238 = arith.constant 0 : i32
          %dma_start3A_239 = tpu.memref_slice %arg11[%dma_start3A_236, %dma_start3A_237, %dma_start3A_238] : memref<2x2x64xi32, #tpu.memory_space<vmem>> -> memref<1x2x64xi32, #tpu.memory_space<vmem>>
          %dma_start3A_240 = tpu.memref_squeeze %dma_start3A_239 : memref<1x2x64xi32, #tpu.memory_space<vmem>> -> memref<2x64xi32, #tpu.memory_space<vmem>>
          %dma_start3A_241 = arith.constant 0 : i32
          %dma_start3A_242 = arith.constant 0 : i32
          %dma_start3A_243 = tpu.memref_slice %arg4[%add3A_235, %dma_start3A_241, %dma_start3A_242] : memref<5184x2x64xi32, #tpu.memory_space<hbm>> -> memref<1x2x64xi32, #tpu.memory_space<hbm>>
          %dma_start3A_244 = tpu.memref_squeeze %dma_start3A_243 : memref<1x2x64xi32, #tpu.memory_space<hbm>> -> memref<2x64xi32, #tpu.memory_space<hbm>>
          %dma_start3A_245 = arith.constant 0 : i32
          %dma_start3A_246 = arith.constant 0 : i32
          %dma_start3A_247 = tpu.memref_slice %arg11[%dma_start3A_236, %dma_start3A_245, %dma_start3A_246] : memref<2x2x64xi32, #tpu.memory_space<vmem>> -> memref<1x2x64xi32, #tpu.memory_space<vmem>>
          %dma_start3A_248 = tpu.memref_squeeze %dma_start3A_247 : memref<1x2x64xi32, #tpu.memory_space<vmem>> -> memref<2x64xi32, #tpu.memory_space<vmem>>
          %dma_start3A_249 = arith.constant 0 : i32
          %dma_start3A_250 = arith.constant 0 : i32
          %dma_start3A_251 = tpu.memref_slice %arg4[%add3A_235, %dma_start3A_249, %dma_start3A_250] : memref<5184x2x64xi32, #tpu.memory_space<hbm>> -> memref<1x2x64xi32, #tpu.memory_space<hbm>>
          %dma_start3A_252 = tpu.memref_squeeze %dma_start3A_251 : memref<1x2x64xi32, #tpu.memory_space<hbm>> -> memref<2x64xi32, #tpu.memory_space<hbm>>
          tpu.enqueue_dma source(%dma_start3A_252 : memref<2x64xi32, #tpu.memory_space<hbm>>) target(%dma_start3A_248 : memref<2x64xi32, #tpu.memory_space<vmem>>) target_semaphore(%arg23 : memref<!tpu.dma_semaphore, #tpu.memory_space<semaphore_mem>>)
        } else {
        }
        %scan3A_160 = arith.constant 0 : i32
        %scan3A_161 = arith.constant 0 : i32
        %scan3A_162 = arith.constant 4 : i32
        %scan3A_163 = arith.addi %scan3A_161, %scan3A_162 : i32
        %scan3A_164 = arith.constant 1 : i32
        scf.for %scan3A_233 = %scan3A_161 to %scan3A_163 step %scan3A_164  : i32 {
          %scan3A_234 = arith.constant 0 : i32
          %scan3A_235 = arith.constant 0 : i32
          %scan3A_236 = arith.constant 4 : i32
          %scan3A_237 = arith.addi %scan3A_235, %scan3A_236 : i32
          %scan3A_238 = arith.constant 1 : i32
          scf.for %scan3A_328 = %scan3A_235 to %scan3A_237 step %scan3A_238  : i32 {
            %mul3A_329 = arith.constant 16 : i32
            %mul3A_330 = arith.muli %scan3A_233, %mul3A_329 : i32
            %mul3A_331 = arith.constant 4 : i32
            %mul3A_332 = arith.muli %scan3A_328, %mul3A_331 : i32
            %add3A_333 = arith.addi %mul3A_330, %mul3A_332 : i32
            %add3A_334 = arith.constant 0 : i32
            %add3A_335 = arith.addi %add3A_333, %add3A_334 : i32
            %broadcast_in_dim3A_336 = arith.constant 0.000000e+00 : f32
            %broadcast_in_dim3A_337 = vector.broadcast %broadcast_in_dim3A_336 : f32 to vector<16xf32>
            %get3A_338 = arith.index_cast %add3A_335 : i32 to index
            %get3A_339 = arith.constant 0 : index
            %get3A_340 = tpu.vector_load %arg17[%get3A_338, %get3A_339] {strides = array<i32>} : memref<64x128xbf16, #tpu.memory_space<vmem>>, vector<32xbf16>,
            %get3A_341 = arith.index_cast %add3A_335 : i32 to index
            %get3A_342 = arith.constant 0 : index
            %get3A_343 = tpu.vector_load %arg19[%get3A_341, %get3A_342] {strides = array<i32>} : memref<64x128xbf16, #tpu.memory_space<vmem>>, vector<32xbf16>,
            %add3A_344 = arith.addf %get3A_340, %get3A_343 : vector<32xbf16>
            %mul3A_345 = arith.constant 2.001950e-01 : bf16
            %mul3A_346 = vector.broadcast %mul3A_345 : bf16 to vector<32xbf16>
            %mul3A_347 = arith.mulf %mul3A_346, %add3A_344 : vector<32xbf16>
            %max3A = arith.maximumf %add3A_344, %mul3A_347 : vector<32xbf16>
            %mul3A_348 = arith.mulf %get3A_9, %max3A : vector<32xbf16>
            %unpack3A = tpu.unpack_subelements %mul3A_348, 0 {pack_format = #tpu.pack_format<interleaved>} : vector<32xbf16> -> vector<16xf32>
            %unpack3A_349 = tpu.unpack_subelements %mul3A_348, 1 {pack_format = #tpu.pack_format<interleaved>} : vector<32xbf16> -> vector<16xf32>
            %add3A_350 = arith.addf %broadcast_in_dim3A_337, %unpack3A : vector<16xf32>
            %add3A_351 = arith.addf %add3A_350, %unpack3A_349 : vector<16xf32>
            %get3A_352 = arith.index_cast %add3A_335 : i32 to index
            %get3A_353 = arith.constant 32 : index
            %get3A_354 = tpu.vector_load %arg17[%get3A_352, %get3A_353] {strides = array<i32>} : memref<64x128xbf16, #tpu.memory_space<vmem>>, vector<32xbf16>,
            %get3A_355 = arith.index_cast %add3A_335 : i32 to index
            %get3A_356 = arith.constant 32 : index
            %get3A_357 = tpu.vector_load %arg19[%get3A_355, %get3A_356] {strides = array<i32>} : memref<64x128xbf16, #tpu.memory_space<vmem>>, vector<32xbf16>,
            %add3A_358 = arith.addf %get3A_354, %get3A_357 : vector<32xbf16>
            %mul3A_359 = arith.constant 2.001950e-01 : bf16
            %mul3A_360 = vector.broadcast %mul3A_359 : bf16 to vector<32xbf16>
            %mul3A_361 = arith.mulf %mul3A_360, %add3A_358 : vector<32xbf16>
            %max3A_362 = arith.maximumf %add3A_358, %mul3A_361 : vector<32xbf16>
            %mul3A_363 = arith.mulf %get3A_11, %max3A_362 : vector<32xbf16>
            %unpack3A_364 = tpu.unpack_subelements %mul3A_363, 0 {pack_format = #tpu.pack_format<interleaved>} : vector<32xbf16> -> vector<16xf32>
            %unpack3A_365 = tpu.unpack_subelements %mul3A_363, 1 {pack_format = #tpu.pack_format<interleaved>} : vector<32xbf16> -> vector<16xf32>
            %add3A_366 = arith.addf %add3A_351, %unpack3A_364 : vector<16xf32>
            %add3A_367 = arith.addf %add3A_366, %unpack3A_365 : vector<16xf32>
            %get3A_368 = arith.index_cast %add3A_335 : i32 to index
            %get3A_369 = arith.constant 64 : index
            %get3A_370 = tpu.vector_load %arg17[%get3A_368, %get3A_369] {strides = array<i32>} : memref<64x128xbf16, #tpu.memory_space<vmem>>, vector<32xbf16>,
            %get3A_371 = arith.index_cast %add3A_335 : i32 to index
            %get3A_372 = arith.constant 64 : index
            %get3A_373 = tpu.vector_load %arg19[%get3A_371, %get3A_372] {strides = array<i32>} : memref<64x128xbf16, #tpu.memory_space<vmem>>, vector<32xbf16>,
            %add3A_374 = arith.addf %get3A_370, %get3A_373 : vector<32xbf16>
            %mul3A_375 = arith.constant 2.001950e-01 : bf16
            %mul3A_376 = vector.broadcast %mul3A_375 : bf16 to vector<32xbf16>
            %mul3A_377 = arith.mulf %mul3A_376, %add3A_374 : vector<32xbf16>
            %max3A_378 = arith.maximumf %add3A_374, %mul3A_377 : vector<32xbf16>
            %mul3A_379 = arith.mulf %get3A_13, %max3A_378 : vector<32xbf16>
            %unpack3A_380 = tpu.unpack_subelements %mul3A_379, 0 {pack_format = #tpu.pack_format<interleaved>} : vector<32xbf16> -> vector<16xf32>
            %unpack3A_381 = tpu.unpack_subelements %mul3A_379, 1 {pack_format = #tpu.pack_format<interleaved>} : vector<32xbf16> -> vector<16xf32>
            %add3A_382 = arith.addf %add3A_367, %unpack3A_380 : vector<16xf32>
            %add3A_383 = arith.addf %add3A_382, %unpack3A_381 : vector<16xf32>
            %get3A_384 = arith.index_cast %add3A_335 : i32 to index
            %get3A_385 = arith.constant 96 : index
            %get3A_386 = tpu.vector_load %arg17[%get3A_384, %get3A_385] {strides = array<i32>} : memref<64x128xbf16, #tpu.memory_space<vmem>>, vector<32xbf16>,
            %get3A_387 = arith.index_cast %add3A_335 : i32 to index
            %get3A_388 = arith.constant 96 : index
            %get3A_389 = tpu.vector_load %arg19[%get3A_387, %get3A_388] {strides = array<i32>} : memref<64x128xbf16, #tpu.memory_space<vmem>>, vector<32xbf16>,
            %add3A_390 = arith.addf %get3A_386, %get3A_389 : vector<32xbf16>
            %mul3A_391 = arith.constant 2.001950e-01 : bf16
            %mul3A_392 = vector.broadcast %mul3A_391 : bf16 to vector<32xbf16>
            %mul3A_393 = arith.mulf %mul3A_392, %add3A_390 : vector<32xbf16>
            %max3A_394 = arith.maximumf %add3A_390, %mul3A_393 : vector<32xbf16>
            %mul3A_395 = arith.mulf %get3A_15, %max3A_394 : vector<32xbf16>
            %unpack3A_396 = tpu.unpack_subelements %mul3A_395, 0 {pack_format = #tpu.pack_format<interleaved>} : vector<32xbf16> -> vector<16xf32>
            %unpack3A_397 = tpu.unpack_subelements %mul3A_395, 1 {pack_format = #tpu.pack_format<interleaved>} : vector<32xbf16> -> vector<16xf32>
            %add3A_398 = arith.addf %add3A_383, %unpack3A_396 : vector<16xf32>
            %add3A_399 = arith.addf %add3A_398, %unpack3A_397 : vector<16xf32>
            %mul3A_400 = arith.constant 4 : i32
            %mul3A_401 = arith.muli %scan3A_328, %mul3A_400 : i32
            %add3A_402 = arith.constant 0 : i32
            %add3A_403 = arith.addi %mul3A_401, %add3A_402 : i32
            %mul3A_404 = arith.constant 16 : i32
            %mul3A_405 = arith.muli %add3A_403, %mul3A_404 : i32
            %swap3A_406 = arith.index_cast %mul3A_405 : i32 to index
            %swap3A_407 = tpu.vector_load %arg15[%swap3A_406] {strides = array<i32>} : memref<256xf32, #tpu.memory_space<vmem>>, vector<16xf32>,
            tpu.vector_store %arg15[%swap3A_406], %add3A_399 {strides = array<i32>} : memref<256xf32, #tpu.memory_space<vmem>>, vector<16xf32>,
            %mul3A_408 = arith.constant 16 : i32
            %mul3A_409 = arith.muli %scan3A_233, %mul3A_408 : i32
            %mul3A_410 = arith.constant 4 : i32
            %mul3A_411 = arith.muli %scan3A_328, %mul3A_410 : i32
            %add3A_412 = arith.addi %mul3A_409, %mul3A_411 : i32
            %add3A_413 = arith.constant 1 : i32
            %add3A_414 = arith.addi %add3A_412, %add3A_413 : i32
            %broadcast_in_dim3A_415 = arith.constant 0.000000e+00 : f32
            %broadcast_in_dim3A_416 = vector.broadcast %broadcast_in_dim3A_415 : f32 to vector<16xf32>
            %get3A_417 = arith.index_cast %add3A_414 : i32 to index
            %get3A_418 = arith.constant 0 : index
            %get3A_419 = tpu.vector_load %arg17[%get3A_417, %get3A_418] {strides = array<i32>} : memref<64x128xbf16, #tpu.memory_space<vmem>>, vector<32xbf16>,
            %get3A_420 = arith.index_cast %add3A_414 : i32 to index
            %get3A_421 = arith.constant 0 : index
            %get3A_422 = tpu.vector_load %arg19[%get3A_420, %get3A_421] {strides = array<i32>} : memref<64x128xbf16, #tpu.memory_space<vmem>>, vector<32xbf16>,
            %add3A_423 = arith.addf %get3A_419, %get3A_422 : vector<32xbf16>
            %mul3A_424 = arith.constant 2.001950e-01 : bf16
            %mul3A_425 = vector.broadcast %mul3A_424 : bf16 to vector<32xbf16>
            %mul3A_426 = arith.mulf %mul3A_425, %add3A_423 : vector<32xbf16>
            %max3A_427 = arith.maximumf %add3A_423, %mul3A_426 : vector<32xbf16>
            %mul3A_428 = arith.mulf %get3A_9, %max3A_427 : vector<32xbf16>
            %unpack3A_429 = tpu.unpack_subelements %mul3A_428, 0 {pack_format = #tpu.pack_format<interleaved>} : vector<32xbf16> -> vector<16xf32>
            %unpack3A_430 = tpu.unpack_subelements %mul3A_428, 1 {pack_format = #tpu.pack_format<interleaved>} : vector<32xbf16> -> vector<16xf32>
            %add3A_431 = arith.addf %broadcast_in_dim3A_416, %unpack3A_429 : vector<16xf32>
            %add3A_432 = arith.addf %add3A_431, %unpack3A_430 : vector<16xf32>
            %get3A_433 = arith.index_cast %add3A_414 : i32 to index
            %get3A_434 = arith.constant 32 : index
            %get3A_435 = tpu.vector_load %arg17[%get3A_433, %get3A_434] {strides = array<i32>} : memref<64x128xbf16, #tpu.memory_space<vmem>>, vector<32xbf16>,
            %get3A_436 = arith.index_cast %add3A_414 : i32 to index
            %get3A_437 = arith.constant 32 : index
            %get3A_438 = tpu.vector_load %arg19[%get3A_436, %get3A_437] {strides = array<i32>} : memref<64x128xbf16, #tpu.memory_space<vmem>>, vector<32xbf16>,
            %add3A_439 = arith.addf %get3A_435, %get3A_438 : vector<32xbf16>
            %mul3A_440 = arith.constant 2.001950e-01 : bf16
            %mul3A_441 = vector.broadcast %mul3A_440 : bf16 to vector<32xbf16>
            %mul3A_442 = arith.mulf %mul3A_441, %add3A_439 : vector<32xbf16>
            %max3A_443 = arith.maximumf %add3A_439, %mul3A_442 : vector<32xbf16>
            %mul3A_444 = arith.mulf %get3A_11, %max3A_443 : vector<32xbf16>
            %unpack3A_445 = tpu.unpack_subelements %mul3A_444, 0 {pack_format = #tpu.pack_format<interleaved>} : vector<32xbf16> -> vector<16xf32>
            %unpack3A_446 = tpu.unpack_subelements %mul3A_444, 1 {pack_format = #tpu.pack_format<interleaved>} : vector<32xbf16> -> vector<16xf32>
            %add3A_447 = arith.addf %add3A_432, %unpack3A_445 : vector<16xf32>
            %add3A_448 = arith.addf %add3A_447, %unpack3A_446 : vector<16xf32>
            %get3A_449 = arith.index_cast %add3A_414 : i32 to index
            %get3A_450 = arith.constant 64 : index
            %get3A_451 = tpu.vector_load %arg17[%get3A_449, %get3A_450] {strides = array<i32>} : memref<64x128xbf16, #tpu.memory_space<vmem>>, vector<32xbf16>,
            %get3A_452 = arith.index_cast %add3A_414 : i32 to index
            %get3A_453 = arith.constant 64 : index
            %get3A_454 = tpu.vector_load %arg19[%get3A_452, %get3A_453] {strides = array<i32>} : memref<64x128xbf16, #tpu.memory_space<vmem>>, vector<32xbf16>,
            %add3A_455 = arith.addf %get3A_451, %get3A_454 : vector<32xbf16>
            %mul3A_456 = arith.constant 2.001950e-01 : bf16
            %mul3A_457 = vector.broadcast %mul3A_456 : bf16 to vector<32xbf16>
            %mul3A_458 = arith.mulf %mul3A_457, %add3A_455 : vector<32xbf16>
            %max3A_459 = arith.maximumf %add3A_455, %mul3A_458 : vector<32xbf16>
            %mul3A_460 = arith.mulf %get3A_13, %max3A_459 : vector<32xbf16>
            %unpack3A_461 = tpu.unpack_subelements %mul3A_460, 0 {pack_format = #tpu.pack_format<interleaved>} : vector<32xbf16> -> vector<16xf32>
            %unpack3A_462 = tpu.unpack_subelements %mul3A_460, 1 {pack_format = #tpu.pack_format<interleaved>} : vector<32xbf16> -> vector<16xf32>
            %add3A_463 = arith.addf %add3A_448, %unpack3A_461 : vector<16xf32>
            %add3A_464 = arith.addf %add3A_463, %unpack3A_462 : vector<16xf32>
            %get3A_465 = arith.index_cast %add3A_414 : i32 to index
            %get3A_466 = arith.constant 96 : index
            %get3A_467 = tpu.vector_load %arg17[%get3A_465, %get3A_466] {strides = array<i32>} : memref<64x128xbf16, #tpu.memory_space<vmem>>, vector<32xbf16>,
            %get3A_468 = arith.index_cast %add3A_414 : i32 to index
            %get3A_469 = arith.constant 96 : index
            %get3A_470 = tpu.vector_load %arg19[%get3A_468, %get3A_469] {strides = array<i32>} : memref<64x128xbf16, #tpu.memory_space<vmem>>, vector<32xbf16>,
            %add3A_471 = arith.addf %get3A_467, %get3A_470 : vector<32xbf16>
            %mul3A_472 = arith.constant 2.001950e-01 : bf16
            %mul3A_473 = vector.broadcast %mul3A_472 : bf16 to vector<32xbf16>
            %mul3A_474 = arith.mulf %mul3A_473, %add3A_471 : vector<32xbf16>
            %max3A_475 = arith.maximumf %add3A_471, %mul3A_474 : vector<32xbf16>
            %mul3A_476 = arith.mulf %get3A_15, %max3A_475 : vector<32xbf16>
            %unpack3A_477 = tpu.unpack_subelements %mul3A_476, 0 {pack_format = #tpu.pack_format<interleaved>} : vector<32xbf16> -> vector<16xf32>
            %unpack3A_478 = tpu.unpack_subelements %mul3A_476, 1 {pack_format = #tpu.pack_format<interleaved>} : vector<32xbf16> -> vector<16xf32>
            %add3A_479 = arith.addf %add3A_464, %unpack3A_477 : vector<16xf32>
            %add3A_480 = arith.addf %add3A_479, %unpack3A_478 : vector<16xf32>
            %mul3A_481 = arith.constant 4 : i32
            %mul3A_482 = arith.muli %scan3A_328, %mul3A_481 : i32
            %add3A_483 = arith.constant 1 : i32
            %add3A_484 = arith.addi %mul3A_482, %add3A_483 : i32
            %mul3A_485 = arith.constant 16 : i32
            %mul3A_486 = arith.muli %add3A_484, %mul3A_485 : i32
            %swap3A_487 = arith.index_cast %mul3A_486 : i32 to index
            %swap3A_488 = tpu.vector_load %arg15[%swap3A_487] {strides = array<i32>} : memref<256xf32, #tpu.memory_space<vmem>>, vector<16xf32>,
            tpu.vector_store %arg15[%swap3A_487], %add3A_480 {strides = array<i32>} : memref<256xf32, #tpu.memory_space<vmem>>, vector<16xf32>,
            %mul3A_489 = arith.constant 16 : i32
            %mul3A_490 = arith.muli %scan3A_233, %mul3A_489 : i32
            %mul3A_491 = arith.constant 4 : i32
            %mul3A_492 = arith.muli %scan3A_328, %mul3A_491 : i32
            %add3A_493 = arith.addi %mul3A_490, %mul3A_492 : i32
            %add3A_494 = arith.constant 2 : i32
            %add3A_495 = arith.addi %add3A_493, %add3A_494 : i32
            %broadcast_in_dim3A_496 = arith.constant 0.000000e+00 : f32
            %broadcast_in_dim3A_497 = vector.broadcast %broadcast_in_dim3A_496 : f32 to vector<16xf32>
            %get3A_498 = arith.index_cast %add3A_495 : i32 to index
            %get3A_499 = arith.constant 0 : index
            %get3A_500 = tpu.vector_load %arg17[%get3A_498, %get3A_499] {strides = array<i32>} : memref<64x128xbf16, #tpu.memory_space<vmem>>, vector<32xbf16>,
            %get3A_501 = arith.index_cast %add3A_495 : i32 to index
            %get3A_502 = arith.constant 0 : index
            %get3A_503 = tpu.vector_load %arg19[%get3A_501, %get3A_502] {strides = array<i32>} : memref<64x128xbf16, #tpu.memory_space<vmem>>, vector<32xbf16>,
            %add3A_504 = arith.addf %get3A_500, %get3A_503 : vector<32xbf16>
            %mul3A_505 = arith.constant 2.001950e-01 : bf16
            %mul3A_506 = vector.broadcast %mul3A_505 : bf16 to vector<32xbf16>
            %mul3A_507 = arith.mulf %mul3A_506, %add3A_504 : vector<32xbf16>
            %max3A_508 = arith.maximumf %add3A_504, %mul3A_507 : vector<32xbf16>
            %mul3A_509 = arith.mulf %get3A_9, %max3A_508 : vector<32xbf16>
            %unpack3A_510 = tpu.unpack_subelements %mul3A_509, 0 {pack_format = #tpu.pack_format<interleaved>} : vector<32xbf16> -> vector<16xf32>
            %unpack3A_511 = tpu.unpack_subelements %mul3A_509, 1 {pack_format = #tpu.pack_format<interleaved>} : vector<32xbf16> -> vector<16xf32>
            %add3A_512 = arith.addf %broadcast_in_dim3A_497, %unpack3A_510 : vector<16xf32>
            %add3A_513 = arith.addf %add3A_512, %unpack3A_511 : vector<16xf32>
            %get3A_514 = arith.index_cast %add3A_495 : i32 to index
            %get3A_515 = arith.constant 32 : index
            %get3A_516 = tpu.vector_load %arg17[%get3A_514, %get3A_515] {strides = array<i32>} : memref<64x128xbf16, #tpu.memory_space<vmem>>, vector<32xbf16>,
            %get3A_517 = arith.index_cast %add3A_495 : i32 to index
            %get3A_518 = arith.constant 32 : index
            %get3A_519 = tpu.vector_load %arg19[%get3A_517, %get3A_518] {strides = array<i32>} : memref<64x128xbf16, #tpu.memory_space<vmem>>, vector<32xbf16>,
            %add3A_520 = arith.addf %get3A_516, %get3A_519 : vector<32xbf16>
            %mul3A_521 = arith.constant 2.001950e-01 : bf16
            %mul3A_522 = vector.broadcast %mul3A_521 : bf16 to vector<32xbf16>
            %mul3A_523 = arith.mulf %mul3A_522, %add3A_520 : vector<32xbf16>
            %max3A_524 = arith.maximumf %add3A_520, %mul3A_523 : vector<32xbf16>
            %mul3A_525 = arith.mulf %get3A_11, %max3A_524 : vector<32xbf16>
            %unpack3A_526 = tpu.unpack_subelements %mul3A_525, 0 {pack_format = #tpu.pack_format<interleaved>} : vector<32xbf16> -> vector<16xf32>
            %unpack3A_527 = tpu.unpack_subelements %mul3A_525, 1 {pack_format = #tpu.pack_format<interleaved>} : vector<32xbf16> -> vector<16xf32>
            %add3A_528 = arith.addf %add3A_513, %unpack3A_526 : vector<16xf32>
            %add3A_529 = arith.addf %add3A_528, %unpack3A_527 : vector<16xf32>
            %get3A_530 = arith.index_cast %add3A_495 : i32 to index
            %get3A_531 = arith.constant 64 : index
            %get3A_532 = tpu.vector_load %arg17[%get3A_530, %get3A_531] {strides = array<i32>} : memref<64x128xbf16, #tpu.memory_space<vmem>>, vector<32xbf16>,
            %get3A_533 = arith.index_cast %add3A_495 : i32 to index
            %get3A_534 = arith.constant 64 : index
            %get3A_535 = tpu.vector_load %arg19[%get3A_533, %get3A_534] {strides = array<i32>} : memref<64x128xbf16, #tpu.memory_space<vmem>>, vector<32xbf16>,
            %add3A_536 = arith.addf %get3A_532, %get3A_535 : vector<32xbf16>
            %mul3A_537 = arith.constant 2.001950e-01 : bf16
            %mul3A_538 = vector.broadcast %mul3A_537 : bf16 to vector<32xbf16>
            %mul3A_539 = arith.mulf %mul3A_538, %add3A_536 : vector<32xbf16>
            %max3A_540 = arith.maximumf %add3A_536, %mul3A_539 : vector<32xbf16>
            %mul3A_541 = arith.mulf %get3A_13, %max3A_540 : vector<32xbf16>
            %unpack3A_542 = tpu.unpack_subelements %mul3A_541, 0 {pack_format = #tpu.pack_format<interleaved>} : vector<32xbf16> -> vector<16xf32>
            %unpack3A_543 = tpu.unpack_subelements %mul3A_541, 1 {pack_format = #tpu.pack_format<interleaved>} : vector<32xbf16> -> vector<16xf32>
            %add3A_544 = arith.addf %add3A_529, %unpack3A_542 : vector<16xf32>
            %add3A_545 = arith.addf %add3A_544, %unpack3A_543 : vector<16xf32>
            %get3A_546 = arith.index_cast %add3A_495 : i32 to index
            %get3A_547 = arith.constant 96 : index
            %get3A_548 = tpu.vector_load %arg17[%get3A_546, %get3A_547] {strides = array<i32>} : memref<64x128xbf16, #tpu.memory_space<vmem>>, vector<32xbf16>,
            %get3A_549 = arith.index_cast %add3A_495 : i32 to index
            %get3A_550 = arith.constant 96 : index
            %get3A_551 = tpu.vector_load %arg19[%get3A_549, %get3A_550] {strides = array<i32>} : memref<64x128xbf16, #tpu.memory_space<vmem>>, vector<32xbf16>,
            %add3A_552 = arith.addf %get3A_548, %get3A_551 : vector<32xbf16>
            %mul3A_553 = arith.constant 2.001950e-01 : bf16
            %mul3A_554 = vector.broadcast %mul3A_553 : bf16 to vector<32xbf16>
            %mul3A_555 = arith.mulf %mul3A_554, %add3A_552 : vector<32xbf16>
            %max3A_556 = arith.maximumf %add3A_552, %mul3A_555 : vector<32xbf16>
            %mul3A_557 = arith.mulf %get3A_15, %max3A_556 : vector<32xbf16>
            %unpack3A_558 = tpu.unpack_subelements %mul3A_557, 0 {pack_format = #tpu.pack_format<interleaved>} : vector<32xbf16> -> vector<16xf32>
            %unpack3A_559 = tpu.unpack_subelements %mul3A_557, 1 {pack_format = #tpu.pack_format<interleaved>} : vector<32xbf16> -> vector<16xf32>
            %add3A_560 = arith.addf %add3A_545, %unpack3A_558 : vector<16xf32>
            %add3A_561 = arith.addf %add3A_560, %unpack3A_559 : vector<16xf32>
            %mul3A_562 = arith.constant 4 : i32
            %mul3A_563 = arith.muli %scan3A_328, %mul3A_562 : i32
            %add3A_564 = arith.constant 2 : i32
            %add3A_565 = arith.addi %mul3A_563, %add3A_564 : i32
            %mul3A_566 = arith.constant 16 : i32
            %mul3A_567 = arith.muli %add3A_565, %mul3A_566 : i32
            %swap3A_568 = arith.index_cast %mul3A_567 : i32 to index
            %swap3A_569 = tpu.vector_load %arg15[%swap3A_568] {strides = array<i32>} : memref<256xf32, #tpu.memory_space<vmem>>, vector<16xf32>,
            tpu.vector_store %arg15[%swap3A_568], %add3A_561 {strides = array<i32>} : memref<256xf32, #tpu.memory_space<vmem>>, vector<16xf32>,
            %mul3A_570 = arith.constant 16 : i32
            %mul3A_571 = arith.muli %scan3A_233, %mul3A_570 : i32
            %mul3A_572 = arith.constant 4 : i32
            %mul3A_573 = arith.muli %scan3A_328, %mul3A_572 : i32
            %add3A_574 = arith.addi %mul3A_571, %mul3A_573 : i32
            %add3A_575 = arith.constant 3 : i32
            %add3A_576 = arith.addi %add3A_574, %add3A_575 : i32
            %broadcast_in_dim3A_577 = arith.constant 0.000000e+00 : f32
            %broadcast_in_dim3A_578 = vector.broadcast %broadcast_in_dim3A_577 : f32 to vector<16xf32>
            %get3A_579 = arith.index_cast %add3A_576 : i32 to index
            %get3A_580 = arith.constant 0 : index
            %get3A_581 = tpu.vector_load %arg17[%get3A_579, %get3A_580] {strides = array<i32>} : memref<64x128xbf16, #tpu.memory_space<vmem>>, vector<32xbf16>,
            %get3A_582 = arith.index_cast %add3A_576 : i32 to index
            %get3A_583 = arith.constant 0 : index
            %get3A_584 = tpu.vector_load %arg19[%get3A_582, %get3A_583] {strides = array<i32>} : memref<64x128xbf16, #tpu.memory_space<vmem>>, vector<32xbf16>,
            %add3A_585 = arith.addf %get3A_581, %get3A_584 : vector<32xbf16>
            %mul3A_586 = arith.constant 2.001950e-01 : bf16
            %mul3A_587 = vector.broadcast %mul3A_586 : bf16 to vector<32xbf16>
            %mul3A_588 = arith.mulf %mul3A_587, %add3A_585 : vector<32xbf16>
            %max3A_589 = arith.maximumf %add3A_585, %mul3A_588 : vector<32xbf16>
            %mul3A_590 = arith.mulf %get3A_9, %max3A_589 : vector<32xbf16>
            %unpack3A_591 = tpu.unpack_subelements %mul3A_590, 0 {pack_format = #tpu.pack_format<interleaved>} : vector<32xbf16> -> vector<16xf32>
            %unpack3A_592 = tpu.unpack_subelements %mul3A_590, 1 {pack_format = #tpu.pack_format<interleaved>} : vector<32xbf16> -> vector<16xf32>
            %add3A_593 = arith.addf %broadcast_in_dim3A_578, %unpack3A_591 : vector<16xf32>
            %add3A_594 = arith.addf %add3A_593, %unpack3A_592 : vector<16xf32>
            %get3A_595 = arith.index_cast %add3A_576 : i32 to index
            %get3A_596 = arith.constant 32 : index
            %get3A_597 = tpu.vector_load %arg17[%get3A_595, %get3A_596] {strides = array<i32>} : memref<64x128xbf16, #tpu.memory_space<vmem>>, vector<32xbf16>,
            %get3A_598 = arith.index_cast %add3A_576 : i32 to index
            %get3A_599 = arith.constant 32 : index
            %get3A_600 = tpu.vector_load %arg19[%get3A_598, %get3A_599] {strides = array<i32>} : memref<64x128xbf16, #tpu.memory_space<vmem>>, vector<32xbf16>,
            %add3A_601 = arith.addf %get3A_597, %get3A_600 : vector<32xbf16>
            %mul3A_602 = arith.constant 2.001950e-01 : bf16
            %mul3A_603 = vector.broadcast %mul3A_602 : bf16 to vector<32xbf16>
            %mul3A_604 = arith.mulf %mul3A_603, %add3A_601 : vector<32xbf16>
            %max3A_605 = arith.maximumf %add3A_601, %mul3A_604 : vector<32xbf16>
            %mul3A_606 = arith.mulf %get3A_11, %max3A_605 : vector<32xbf16>
            %unpack3A_607 = tpu.unpack_subelements %mul3A_606, 0 {pack_format = #tpu.pack_format<interleaved>} : vector<32xbf16> -> vector<16xf32>
            %unpack3A_608 = tpu.unpack_subelements %mul3A_606, 1 {pack_format = #tpu.pack_format<interleaved>} : vector<32xbf16> -> vector<16xf32>
            %add3A_609 = arith.addf %add3A_594, %unpack3A_607 : vector<16xf32>
            %add3A_610 = arith.addf %add3A_609, %unpack3A_608 : vector<16xf32>
            %get3A_611 = arith.index_cast %add3A_576 : i32 to index
            %get3A_612 = arith.constant 64 : index
            %get3A_613 = tpu.vector_load %arg17[%get3A_611, %get3A_612] {strides = array<i32>} : memref<64x128xbf16, #tpu.memory_space<vmem>>, vector<32xbf16>,
            %get3A_614 = arith.index_cast %add3A_576 : i32 to index
            %get3A_615 = arith.constant 64 : index
            %get3A_616 = tpu.vector_load %arg19[%get3A_614, %get3A_615] {strides = array<i32>} : memref<64x128xbf16, #tpu.memory_space<vmem>>, vector<32xbf16>,
            %add3A_617 = arith.addf %get3A_613, %get3A_616 : vector<32xbf16>
            %mul3A_618 = arith.constant 2.001950e-01 : bf16
            %mul3A_619 = vector.broadcast %mul3A_618 : bf16 to vector<32xbf16>
            %mul3A_620 = arith.mulf %mul3A_619, %add3A_617 : vector<32xbf16>
            %max3A_621 = arith.maximumf %add3A_617, %mul3A_620 : vector<32xbf16>
            %mul3A_622 = arith.mulf %get3A_13, %max3A_621 : vector<32xbf16>
            %unpack3A_623 = tpu.unpack_subelements %mul3A_622, 0 {pack_format = #tpu.pack_format<interleaved>} : vector<32xbf16> -> vector<16xf32>
            %unpack3A_624 = tpu.unpack_subelements %mul3A_622, 1 {pack_format = #tpu.pack_format<interleaved>} : vector<32xbf16> -> vector<16xf32>
            %add3A_625 = arith.addf %add3A_610, %unpack3A_623 : vector<16xf32>
            %add3A_626 = arith.addf %add3A_625, %unpack3A_624 : vector<16xf32>
            %get3A_627 = arith.index_cast %add3A_576 : i32 to index
            %get3A_628 = arith.constant 96 : index
            %get3A_629 = tpu.vector_load %arg17[%get3A_627, %get3A_628] {strides = array<i32>} : memref<64x128xbf16, #tpu.memory_space<vmem>>, vector<32xbf16>,
            %get3A_630 = arith.index_cast %add3A_576 : i32 to index
            %get3A_631 = arith.constant 96 : index
            %get3A_632 = tpu.vector_load %arg19[%get3A_630, %get3A_631] {strides = array<i32>} : memref<64x128xbf16, #tpu.memory_space<vmem>>, vector<32xbf16>,
            %add3A_633 = arith.addf %get3A_629, %get3A_632 : vector<32xbf16>
            %mul3A_634 = arith.constant 2.001950e-01 : bf16
            %mul3A_635 = vector.broadcast %mul3A_634 : bf16 to vector<32xbf16>
            %mul3A_636 = arith.mulf %mul3A_635, %add3A_633 : vector<32xbf16>
            %max3A_637 = arith.maximumf %add3A_633, %mul3A_636 : vector<32xbf16>
            %mul3A_638 = arith.mulf %get3A_15, %max3A_637 : vector<32xbf16>
            %unpack3A_639 = tpu.unpack_subelements %mul3A_638, 0 {pack_format = #tpu.pack_format<interleaved>} : vector<32xbf16> -> vector<16xf32>
            %unpack3A_640 = tpu.unpack_subelements %mul3A_638, 1 {pack_format = #tpu.pack_format<interleaved>} : vector<32xbf16> -> vector<16xf32>
            %add3A_641 = arith.addf %add3A_626, %unpack3A_639 : vector<16xf32>
            %add3A_642 = arith.addf %add3A_641, %unpack3A_640 : vector<16xf32>
            %mul3A_643 = arith.constant 4 : i32
            %mul3A_644 = arith.muli %scan3A_328, %mul3A_643 : i32
            %add3A_645 = arith.constant 3 : i32
            %add3A_646 = arith.addi %mul3A_644, %add3A_645 : i32
            %mul3A_647 = arith.constant 16 : i32
            %mul3A_648 = arith.muli %add3A_646, %mul3A_647 : i32
            %swap3A_649 = arith.index_cast %mul3A_648 : i32 to index
            %swap3A_650 = tpu.vector_load %arg15[%swap3A_649] {strides = array<i32>} : memref<256xf32, #tpu.memory_space<vmem>>, vector<16xf32>,
            tpu.vector_store %arg15[%swap3A_649], %add3A_642 {strides = array<i32>} : memref<256xf32, #tpu.memory_space<vmem>>, vector<16xf32>,
          }
          %scan3A_239 = arith.constant 4 : i32
          %broadcast_in_dim3A_240 = arith.constant 0.000000e+00 : f32
          %broadcast_in_dim3A_241 = vector.broadcast %broadcast_in_dim3A_240 : f32 to vector<16xf32>
          %mul3A_242 = arith.constant 16 : i32
          %mul3A_243 = vector.broadcast %mul3A_242 : i32 to vector<16xi32>
          %mul3A_244 = arith.muli %iota3A, %mul3A_243 : vector<16xi32>
          %add3A_245 = arith.constant 0 : i32
          %add3A_246 = vector.broadcast %add3A_245 : i32 to vector<16xi32>
          %add3A_247 = arith.addi %mul3A_244, %add3A_246 : vector<16xi32>
          %gather3A = tpu.vector_load_idx %arg15[%add3A_247] : memref<256xf32, #tpu.memory_space<vmem>>[vector<16xi32>], vector<16xf32>,
          %add3A_248 = arith.addf %broadcast_in_dim3A_241, %gather3A : vector<16xf32>
          %add3A_249 = arith.constant 1 : i32
          %add3A_250 = vector.broadcast %add3A_249 : i32 to vector<16xi32>
          %add3A_251 = arith.addi %mul3A_244, %add3A_250 : vector<16xi32>
          %gather3A_252 = tpu.vector_load_idx %arg15[%add3A_251] : memref<256xf32, #tpu.memory_space<vmem>>[vector<16xi32>], vector<16xf32>,
          %add3A_253 = arith.addf %add3A_248, %gather3A_252 : vector<16xf32>
          %add3A_254 = arith.constant 2 : i32
          %add3A_255 = vector.broadcast %add3A_254 : i32 to vector<16xi32>
          %add3A_256 = arith.addi %mul3A_244, %add3A_255 : vector<16xi32>
          %gather3A_257 = tpu.vector_load_idx %arg15[%add3A_256] : memref<256xf32, #tpu.memory_space<vmem>>[vector<16xi32>], vector<16xf32>,
          %add3A_258 = arith.addf %add3A_253, %gather3A_257 : vector<16xf32>
          %add3A_259 = arith.constant 3 : i32
          %add3A_260 = vector.broadcast %add3A_259 : i32 to vector<16xi32>
          %add3A_261 = arith.addi %mul3A_244, %add3A_260 : vector<16xi32>
          %gather3A_262 = tpu.vector_load_idx %arg15[%add3A_261] : memref<256xf32, #tpu.memory_space<vmem>>[vector<16xi32>], vector<16xf32>,
          %add3A_263 = arith.addf %add3A_258, %gather3A_262 : vector<16xf32>
          %add3A_264 = arith.constant 4 : i32
          %add3A_265 = vector.broadcast %add3A_264 : i32 to vector<16xi32>
          %add3A_266 = arith.addi %mul3A_244, %add3A_265 : vector<16xi32>
          %gather3A_267 = tpu.vector_load_idx %arg15[%add3A_266] : memref<256xf32, #tpu.memory_space<vmem>>[vector<16xi32>], vector<16xf32>,
          %add3A_268 = arith.addf %add3A_263, %gather3A_267 : vector<16xf32>
          %add3A_269 = arith.constant 5 : i32
          %add3A_270 = vector.broadcast %add3A_269 : i32 to vector<16xi32>
          %add3A_271 = arith.addi %mul3A_244, %add3A_270 : vector<16xi32>
          %gather3A_272 = tpu.vector_load_idx %arg15[%add3A_271] : memref<256xf32, #tpu.memory_space<vmem>>[vector<16xi32>], vector<16xf32>,
          %add3A_273 = arith.addf %add3A_268, %gather3A_272 : vector<16xf32>
          %add3A_274 = arith.constant 6 : i32
          %add3A_275 = vector.broadcast %add3A_274 : i32 to vector<16xi32>
          %add3A_276 = arith.addi %mul3A_244, %add3A_275 : vector<16xi32>
          %gather3A_277 = tpu.vector_load_idx %arg15[%add3A_276] : memref<256xf32, #tpu.memory_space<vmem>>[vector<16xi32>], vector<16xf32>,
          %add3A_278 = arith.addf %add3A_273, %gather3A_277 : vector<16xf32>
          %add3A_279 = arith.constant 7 : i32
          %add3A_280 = vector.broadcast %add3A_279 : i32 to vector<16xi32>
          %add3A_281 = arith.addi %mul3A_244, %add3A_280 : vector<16xi32>
          %gather3A_282 = tpu.vector_load_idx %arg15[%add3A_281] : memref<256xf32, #tpu.memory_space<vmem>>[vector<16xi32>], vector<16xf32>,
          %add3A_283 = arith.addf %add3A_278, %gather3A_282 : vector<16xf32>
          %add3A_284 = arith.constant 8 : i32
          %add3A_285 = vector.broadcast %add3A_284 : i32 to vector<16xi32>
          %add3A_286 = arith.addi %mul3A_244, %add3A_285 : vector<16xi32>
          %gather3A_287 = tpu.vector_load_idx %arg15[%add3A_286] : memref<256xf32, #tpu.memory_space<vmem>>[vector<16xi32>], vector<16xf32>,
          %add3A_288 = arith.addf %add3A_283, %gather3A_287 : vector<16xf32>
          %add3A_289 = arith.constant 9 : i32
          %add3A_290 = vector.broadcast %add3A_289 : i32 to vector<16xi32>
          %add3A_291 = arith.addi %mul3A_244, %add3A_290 : vector<16xi32>
          %gather3A_292 = tpu.vector_load_idx %arg15[%add3A_291] : memref<256xf32, #tpu.memory_space<vmem>>[vector<16xi32>], vector<16xf32>,
          %add3A_293 = arith.addf %add3A_288, %gather3A_292 : vector<16xf32>
          %add3A_294 = arith.constant 10 : i32
          %add3A_295 = vector.broadcast %add3A_294 : i32 to vector<16xi32>
          %add3A_296 = arith.addi %mul3A_244, %add3A_295 : vector<16xi32>
          %gather3A_297 = tpu.vector_load_idx %arg15[%add3A_296] : memref<256xf32, #tpu.memory_space<vmem>>[vector<16xi32>], vector<16xf32>,
          %add3A_298 = arith.addf %add3A_293, %gather3A_297 : vector<16xf32>
          %add3A_299 = arith.constant 11 : i32
          %add3A_300 = vector.broadcast %add3A_299 : i32 to vector<16xi32>
          %add3A_301 = arith.addi %mul3A_244, %add3A_300 : vector<16xi32>
          %gather3A_302 = tpu.vector_load_idx %arg15[%add3A_301] : memref<256xf32, #tpu.memory_space<vmem>>[vector<16xi32>], vector<16xf32>,
          %add3A_303 = arith.addf %add3A_298, %gather3A_302 : vector<16xf32>
          %add3A_304 = arith.constant 12 : i32
          %add3A_305 = vector.broadcast %add3A_304 : i32 to vector<16xi32>
          %add3A_306 = arith.addi %mul3A_244, %add3A_305 : vector<16xi32>
          %gather3A_307 = tpu.vector_load_idx %arg15[%add3A_306] : memref<256xf32, #tpu.memory_space<vmem>>[vector<16xi32>], vector<16xf32>,
          %add3A_308 = arith.addf %add3A_303, %gather3A_307 : vector<16xf32>
          %add3A_309 = arith.constant 13 : i32
          %add3A_310 = vector.broadcast %add3A_309 : i32 to vector<16xi32>
          %add3A_311 = arith.addi %mul3A_244, %add3A_310 : vector<16xi32>
          %gather3A_312 = tpu.vector_load_idx %arg15[%add3A_311] : memref<256xf32, #tpu.memory_space<vmem>>[vector<16xi32>], vector<16xf32>,
          %add3A_313 = arith.addf %add3A_308, %gather3A_312 : vector<16xf32>
          %add3A_314 = arith.constant 14 : i32
          %add3A_315 = vector.broadcast %add3A_314 : i32 to vector<16xi32>
          %add3A_316 = arith.addi %mul3A_244, %add3A_315 : vector<16xi32>
          %gather3A_317 = tpu.vector_load_idx %arg15[%add3A_316] : memref<256xf32, #tpu.memory_space<vmem>>[vector<16xi32>], vector<16xf32>,
          %add3A_318 = arith.addf %add3A_313, %gather3A_317 : vector<16xf32>
          %add3A_319 = arith.constant 15 : i32
          %add3A_320 = vector.broadcast %add3A_319 : i32 to vector<16xi32>
          %add3A_321 = arith.addi %mul3A_244, %add3A_320 : vector<16xi32>
          %gather3A_322 = tpu.vector_load_idx %arg15[%add3A_321] : memref<256xf32, #tpu.memory_space<vmem>>[vector<16xi32>], vector<16xf32>,
          %add3A_323 = arith.addf %add3A_318, %gather3A_322 : vector<16xf32>
          %sub3A_324 = arith.subf %add3A_323, %get3A_17 : vector<16xf32>
          %exp3A = math.exp %sub3A_324 : vector<16xf32>
          %mul3A_325 = arith.constant 16 : i32
          %mul3A_326 = arith.muli %scan3A_233, %mul3A_325 : i32
          %swap3A = arith.index_cast %mul3A_326 : i32 to index
          %swap3A_327 = tpu.vector_load %arg14[%swap3A] {strides = array<i32>} : memref<64xf32, #tpu.memory_space<vmem>>, vector<16xf32>,
          tpu.vector_store %arg14[%swap3A], %exp3A {strides = array<i32>} : memref<64xf32, #tpu.memory_space<vmem>>, vector<16xf32>,
        }
        %scan3A_165 = arith.constant 4 : i32
        %scan3A_166 = arith.constant 0 : i32
        %scan3A_167 = arith.constant 0 : i32
        %scan3A_168 = arith.constant 16 : i32
        %scan3A_169 = arith.addi %scan3A_167, %scan3A_168 : i32
        %scan3A_170 = arith.constant 1 : i32
        scf.for %scan3A_233 = %scan3A_167 to %scan3A_169 step %scan3A_170  : i32 {
          %mul3A_234 = arith.constant 4 : i32
          %mul3A_235 = arith.muli %scan3A_233, %mul3A_234 : i32
          %add3A_236 = arith.constant 0 : i32
          %add3A_237 = arith.addi %mul3A_235, %add3A_236 : i32
          %broadcast_in_dim3A_238 = vector.broadcast %add3A_237 : i32 to vector<16xi32>
          %gather3A = tpu.vector_load_idx %arg14[%broadcast_in_dim3A_238] : memref<64xf32, #tpu.memory_space<vmem>>[vector<16xi32>], vector<16xf32>,
          %get3A_239 = arith.index_cast %add3A_237 : i32 to index
          %get3A_240 = arith.constant 0 : index
          %get3A_241 = tpu.vector_load %arg17[%get3A_239, %get3A_240] {strides = array<i32>} : memref<64x128xbf16, #tpu.memory_space<vmem>>, vector<32xbf16>,
          %unpack3A = tpu.unpack_subelements %get3A_241, 0 {pack_format = #tpu.pack_format<interleaved>} : vector<32xbf16> -> vector<16xf32>
          %unpack3A_242 = tpu.unpack_subelements %get3A_241, 1 {pack_format = #tpu.pack_format<interleaved>} : vector<32xbf16> -> vector<16xf32>
          %mul3A_243 = arith.mulf %unpack3A, %gather3A : vector<16xf32>
          %swap3A = arith.index_cast %add3A_237 : i32 to index
          %swap3A_244 = arith.constant 0 : index
          %swap3A_245 = tpu.vector_load %arg21[%swap3A, %swap3A_244] {strides = array<i32>} : memref<64x144xf32, #tpu.memory_space<vmem>>, vector<16xf32>,
          tpu.vector_store %arg21[%swap3A, %swap3A_244], %mul3A_243 {strides = array<i32>} : memref<64x144xf32, #tpu.memory_space<vmem>>, vector<16xf32>,
          %mul3A_246 = arith.mulf %unpack3A_242, %gather3A : vector<16xf32>
          %swap3A_247 = arith.index_cast %add3A_237 : i32 to index
          %swap3A_248 = arith.constant 16 : index
          %swap3A_249 = tpu.vector_load %arg21[%swap3A_247, %swap3A_248] {strides = array<i32>} : memref<64x144xf32, #tpu.memory_space<vmem>>, vector<16xf32>,
          tpu.vector_store %arg21[%swap3A_247, %swap3A_248], %mul3A_246 {strides = array<i32>} : memref<64x144xf32, #tpu.memory_space<vmem>>, vector<16xf32>,
          %get3A_250 = arith.index_cast %add3A_237 : i32 to index
          %get3A_251 = arith.constant 32 : index
          %get3A_252 = tpu.vector_load %arg17[%get3A_250, %get3A_251] {strides = array<i32>} : memref<64x128xbf16, #tpu.memory_space<vmem>>, vector<32xbf16>,
          %unpack3A_253 = tpu.unpack_subelements %get3A_252, 0 {pack_format = #tpu.pack_format<interleaved>} : vector<32xbf16> -> vector<16xf32>
          %unpack3A_254 = tpu.unpack_subelements %get3A_252, 1 {pack_format = #tpu.pack_format<interleaved>} : vector<32xbf16> -> vector<16xf32>
          %mul3A_255 = arith.mulf %unpack3A_253, %gather3A : vector<16xf32>
          %swap3A_256 = arith.index_cast %add3A_237 : i32 to index
          %swap3A_257 = arith.constant 32 : index
          %swap3A_258 = tpu.vector_load %arg21[%swap3A_256, %swap3A_257] {strides = array<i32>} : memref<64x144xf32, #tpu.memory_space<vmem>>, vector<16xf32>,
          tpu.vector_store %arg21[%swap3A_256, %swap3A_257], %mul3A_255 {strides = array<i32>} : memref<64x144xf32, #tpu.memory_space<vmem>>, vector<16xf32>,
          %mul3A_259 = arith.mulf %unpack3A_254, %gather3A : vector<16xf32>
          %swap3A_260 = arith.index_cast %add3A_237 : i32 to index
          %swap3A_261 = arith.constant 48 : index
          %swap3A_262 = tpu.vector_load %arg21[%swap3A_260, %swap3A_261] {strides = array<i32>} : memref<64x144xf32, #tpu.memory_space<vmem>>, vector<16xf32>,
          tpu.vector_store %arg21[%swap3A_260, %swap3A_261], %mul3A_259 {strides = array<i32>} : memref<64x144xf32, #tpu.memory_space<vmem>>, vector<16xf32>,
          %get3A_263 = arith.index_cast %add3A_237 : i32 to index
          %get3A_264 = arith.constant 64 : index
          %get3A_265 = tpu.vector_load %arg17[%get3A_263, %get3A_264] {strides = array<i32>} : memref<64x128xbf16, #tpu.memory_space<vmem>>, vector<32xbf16>,
          %unpack3A_266 = tpu.unpack_subelements %get3A_265, 0 {pack_format = #tpu.pack_format<interleaved>} : vector<32xbf16> -> vector<16xf32>
          %unpack3A_267 = tpu.unpack_subelements %get3A_265, 1 {pack_format = #tpu.pack_format<interleaved>} : vector<32xbf16> -> vector<16xf32>
          %mul3A_268 = arith.mulf %unpack3A_266, %gather3A : vector<16xf32>
          %swap3A_269 = arith.index_cast %add3A_237 : i32 to index
          %swap3A_270 = arith.constant 64 : index
          %swap3A_271 = tpu.vector_load %arg21[%swap3A_269, %swap3A_270] {strides = array<i32>} : memref<64x144xf32, #tpu.memory_space<vmem>>, vector<16xf32>,
          tpu.vector_store %arg21[%swap3A_269, %swap3A_270], %mul3A_268 {strides = array<i32>} : memref<64x144xf32, #tpu.memory_space<vmem>>, vector<16xf32>,
          %mul3A_272 = arith.mulf %unpack3A_267, %gather3A : vector<16xf32>
          %swap3A_273 = arith.index_cast %add3A_237 : i32 to index
          %swap3A_274 = arith.constant 80 : index
          %swap3A_275 = tpu.vector_load %arg21[%swap3A_273, %swap3A_274] {strides = array<i32>} : memref<64x144xf32, #tpu.memory_space<vmem>>, vector<16xf32>,
          tpu.vector_store %arg21[%swap3A_273, %swap3A_274], %mul3A_272 {strides = array<i32>} : memref<64x144xf32, #tpu.memory_space<vmem>>, vector<16xf32>,
          %get3A_276 = arith.index_cast %add3A_237 : i32 to index
          %get3A_277 = arith.constant 96 : index
          %get3A_278 = tpu.vector_load %arg17[%get3A_276, %get3A_277] {strides = array<i32>} : memref<64x128xbf16, #tpu.memory_space<vmem>>, vector<32xbf16>,
          %unpack3A_279 = tpu.unpack_subelements %get3A_278, 0 {pack_format = #tpu.pack_format<interleaved>} : vector<32xbf16> -> vector<16xf32>
          %unpack3A_280 = tpu.unpack_subelements %get3A_278, 1 {pack_format = #tpu.pack_format<interleaved>} : vector<32xbf16> -> vector<16xf32>
          %mul3A_281 = arith.mulf %unpack3A_279, %gather3A : vector<16xf32>
          %swap3A_282 = arith.index_cast %add3A_237 : i32 to index
          %swap3A_283 = arith.constant 96 : index
          %swap3A_284 = tpu.vector_load %arg21[%swap3A_282, %swap3A_283] {strides = array<i32>} : memref<64x144xf32, #tpu.memory_space<vmem>>, vector<16xf32>,
          tpu.vector_store %arg21[%swap3A_282, %swap3A_283], %mul3A_281 {strides = array<i32>} : memref<64x144xf32, #tpu.memory_space<vmem>>, vector<16xf32>,
          %mul3A_285 = arith.mulf %unpack3A_280, %gather3A : vector<16xf32>
          %swap3A_286 = arith.index_cast %add3A_237 : i32 to index
          %swap3A_287 = arith.constant 112 : index
          %swap3A_288 = tpu.vector_load %arg21[%swap3A_286, %swap3A_287] {strides = array<i32>} : memref<64x144xf32, #tpu.memory_space<vmem>>, vector<16xf32>,
          tpu.vector_store %arg21[%swap3A_286, %swap3A_287], %mul3A_285 {strides = array<i32>} : memref<64x144xf32, #tpu.memory_space<vmem>>, vector<16xf32>,
          %mul3A_289 = arith.mulf %select_n3A_24, %gather3A : vector<16xf32>
          %swap3A_290 = arith.index_cast %add3A_237 : i32 to index
          %swap3A_291 = arith.constant 128 : index
          %swap3A_292 = tpu.vector_load %arg21[%swap3A_290, %swap3A_291] {strides = array<i32>} : memref<64x144xf32, #tpu.memory_space<vmem>>, vector<16xf32>,
          tpu.vector_store %arg21[%swap3A_290, %swap3A_291], %mul3A_289 {strides = array<i32>} : memref<64x144xf32, #tpu.memory_space<vmem>>, vector<16xf32>,
          %mul3A_293 = arith.constant 4 : i32
          %mul3A_294 = arith.muli %scan3A_233, %mul3A_293 : i32
          %add3A_295 = arith.constant 1 : i32
          %add3A_296 = arith.addi %mul3A_294, %add3A_295 : i32
          %broadcast_in_dim3A_297 = vector.broadcast %add3A_296 : i32 to vector<16xi32>
          %gather3A_298 = tpu.vector_load_idx %arg14[%broadcast_in_dim3A_297] : memref<64xf32, #tpu.memory_space<vmem>>[vector<16xi32>], vector<16xf32>,
          %get3A_299 = arith.index_cast %add3A_296 : i32 to index
          %get3A_300 = arith.constant 0 : index
          %get3A_301 = tpu.vector_load %arg17[%get3A_299, %get3A_300] {strides = array<i32>} : memref<64x128xbf16, #tpu.memory_space<vmem>>, vector<32xbf16>,
          %unpack3A_302 = tpu.unpack_subelements %get3A_301, 0 {pack_format = #tpu.pack_format<interleaved>} : vector<32xbf16> -> vector<16xf32>
          %unpack3A_303 = tpu.unpack_subelements %get3A_301, 1 {pack_format = #tpu.pack_format<interleaved>} : vector<32xbf16> -> vector<16xf32>
          %mul3A_304 = arith.mulf %unpack3A_302, %gather3A_298 : vector<16xf32>
          %swap3A_305 = arith.index_cast %add3A_296 : i32 to index
          %swap3A_306 = arith.constant 0 : index
          %swap3A_307 = tpu.vector_load %arg21[%swap3A_305, %swap3A_306] {strides = array<i32>} : memref<64x144xf32, #tpu.memory_space<vmem>>, vector<16xf32>,
          tpu.vector_store %arg21[%swap3A_305, %swap3A_306], %mul3A_304 {strides = array<i32>} : memref<64x144xf32, #tpu.memory_space<vmem>>, vector<16xf32>,
          %mul3A_308 = arith.mulf %unpack3A_303, %gather3A_298 : vector<16xf32>
          %swap3A_309 = arith.index_cast %add3A_296 : i32 to index
          %swap3A_310 = arith.constant 16 : index
          %swap3A_311 = tpu.vector_load %arg21[%swap3A_309, %swap3A_310] {strides = array<i32>} : memref<64x144xf32, #tpu.memory_space<vmem>>, vector<16xf32>,
          tpu.vector_store %arg21[%swap3A_309, %swap3A_310], %mul3A_308 {strides = array<i32>} : memref<64x144xf32, #tpu.memory_space<vmem>>, vector<16xf32>,
          %get3A_312 = arith.index_cast %add3A_296 : i32 to index
          %get3A_313 = arith.constant 32 : index
          %get3A_314 = tpu.vector_load %arg17[%get3A_312, %get3A_313] {strides = array<i32>} : memref<64x128xbf16, #tpu.memory_space<vmem>>, vector<32xbf16>,
          %unpack3A_315 = tpu.unpack_subelements %get3A_314, 0 {pack_format = #tpu.pack_format<interleaved>} : vector<32xbf16> -> vector<16xf32>
          %unpack3A_316 = tpu.unpack_subelements %get3A_314, 1 {pack_format = #tpu.pack_format<interleaved>} : vector<32xbf16> -> vector<16xf32>
          %mul3A_317 = arith.mulf %unpack3A_315, %gather3A_298 : vector<16xf32>
          %swap3A_318 = arith.index_cast %add3A_296 : i32 to index
          %swap3A_319 = arith.constant 32 : index
          %swap3A_320 = tpu.vector_load %arg21[%swap3A_318, %swap3A_319] {strides = array<i32>} : memref<64x144xf32, #tpu.memory_space<vmem>>, vector<16xf32>,
          tpu.vector_store %arg21[%swap3A_318, %swap3A_319], %mul3A_317 {strides = array<i32>} : memref<64x144xf32, #tpu.memory_space<vmem>>, vector<16xf32>,
          %mul3A_321 = arith.mulf %unpack3A_316, %gather3A_298 : vector<16xf32>
          %swap3A_322 = arith.index_cast %add3A_296 : i32 to index
          %swap3A_323 = arith.constant 48 : index
          %swap3A_324 = tpu.vector_load %arg21[%swap3A_322, %swap3A_323] {strides = array<i32>} : memref<64x144xf32, #tpu.memory_space<vmem>>, vector<16xf32>,
          tpu.vector_store %arg21[%swap3A_322, %swap3A_323], %mul3A_321 {strides = array<i32>} : memref<64x144xf32, #tpu.memory_space<vmem>>, vector<16xf32>,
          %get3A_325 = arith.index_cast %add3A_296 : i32 to index
          %get3A_326 = arith.constant 64 : index
          %get3A_327 = tpu.vector_load %arg17[%get3A_325, %get3A_326] {strides = array<i32>} : memref<64x128xbf16, #tpu.memory_space<vmem>>, vector<32xbf16>,
          %unpack3A_328 = tpu.unpack_subelements %get3A_327, 0 {pack_format = #tpu.pack_format<interleaved>} : vector<32xbf16> -> vector<16xf32>
          %unpack3A_329 = tpu.unpack_subelements %get3A_327, 1 {pack_format = #tpu.pack_format<interleaved>} : vector<32xbf16> -> vector<16xf32>
          %mul3A_330 = arith.mulf %unpack3A_328, %gather3A_298 : vector<16xf32>
          %swap3A_331 = arith.index_cast %add3A_296 : i32 to index
          %swap3A_332 = arith.constant 64 : index
          %swap3A_333 = tpu.vector_load %arg21[%swap3A_331, %swap3A_332] {strides = array<i32>} : memref<64x144xf32, #tpu.memory_space<vmem>>, vector<16xf32>,
          tpu.vector_store %arg21[%swap3A_331, %swap3A_332], %mul3A_330 {strides = array<i32>} : memref<64x144xf32, #tpu.memory_space<vmem>>, vector<16xf32>,
          %mul3A_334 = arith.mulf %unpack3A_329, %gather3A_298 : vector<16xf32>
          %swap3A_335 = arith.index_cast %add3A_296 : i32 to index
          %swap3A_336 = arith.constant 80 : index
          %swap3A_337 = tpu.vector_load %arg21[%swap3A_335, %swap3A_336] {strides = array<i32>} : memref<64x144xf32, #tpu.memory_space<vmem>>, vector<16xf32>,
          tpu.vector_store %arg21[%swap3A_335, %swap3A_336], %mul3A_334 {strides = array<i32>} : memref<64x144xf32, #tpu.memory_space<vmem>>, vector<16xf32>,
          %get3A_338 = arith.index_cast %add3A_296 : i32 to index
          %get3A_339 = arith.constant 96 : index
          %get3A_340 = tpu.vector_load %arg17[%get3A_338, %get3A_339] {strides = array<i32>} : memref<64x128xbf16, #tpu.memory_space<vmem>>, vector<32xbf16>,
          %unpack3A_341 = tpu.unpack_subelements %get3A_340, 0 {pack_format = #tpu.pack_format<interleaved>} : vector<32xbf16> -> vector<16xf32>
          %unpack3A_342 = tpu.unpack_subelements %get3A_340, 1 {pack_format = #tpu.pack_format<interleaved>} : vector<32xbf16> -> vector<16xf32>
          %mul3A_343 = arith.mulf %unpack3A_341, %gather3A_298 : vector<16xf32>
          %swap3A_344 = arith.index_cast %add3A_296 : i32 to index
          %swap3A_345 = arith.constant 96 : index
          %swap3A_346 = tpu.vector_load %arg21[%swap3A_344, %swap3A_345] {strides = array<i32>} : memref<64x144xf32, #tpu.memory_space<vmem>>, vector<16xf32>,
          tpu.vector_store %arg21[%swap3A_344, %swap3A_345], %mul3A_343 {strides = array<i32>} : memref<64x144xf32, #tpu.memory_space<vmem>>, vector<16xf32>,
          %mul3A_347 = arith.mulf %unpack3A_342, %gather3A_298 : vector<16xf32>
          %swap3A_348 = arith.index_cast %add3A_296 : i32 to index
          %swap3A_349 = arith.constant 112 : index
          %swap3A_350 = tpu.vector_load %arg21[%swap3A_348, %swap3A_349] {strides = array<i32>} : memref<64x144xf32, #tpu.memory_space<vmem>>, vector<16xf32>,
          tpu.vector_store %arg21[%swap3A_348, %swap3A_349], %mul3A_347 {strides = array<i32>} : memref<64x144xf32, #tpu.memory_space<vmem>>, vector<16xf32>,
          %mul3A_351 = arith.mulf %select_n3A_24, %gather3A_298 : vector<16xf32>
          %swap3A_352 = arith.index_cast %add3A_296 : i32 to index
          %swap3A_353 = arith.constant 128 : index
          %swap3A_354 = tpu.vector_load %arg21[%swap3A_352, %swap3A_353] {strides = array<i32>} : memref<64x144xf32, #tpu.memory_space<vmem>>, vector<16xf32>,
          tpu.vector_store %arg21[%swap3A_352, %swap3A_353], %mul3A_351 {strides = array<i32>} : memref<64x144xf32, #tpu.memory_space<vmem>>, vector<16xf32>,
          %mul3A_355 = arith.constant 4 : i32
          %mul3A_356 = arith.muli %scan3A_233, %mul3A_355 : i32
          %add3A_357 = arith.constant 2 : i32
          %add3A_358 = arith.addi %mul3A_356, %add3A_357 : i32
          %broadcast_in_dim3A_359 = vector.broadcast %add3A_358 : i32 to vector<16xi32>
          %gather3A_360 = tpu.vector_load_idx %arg14[%broadcast_in_dim3A_359] : memref<64xf32, #tpu.memory_space<vmem>>[vector<16xi32>], vector<16xf32>,
          %get3A_361 = arith.index_cast %add3A_358 : i32 to index
          %get3A_362 = arith.constant 0 : index
          %get3A_363 = tpu.vector_load %arg17[%get3A_361, %get3A_362] {strides = array<i32>} : memref<64x128xbf16, #tpu.memory_space<vmem>>, vector<32xbf16>,
          %unpack3A_364 = tpu.unpack_subelements %get3A_363, 0 {pack_format = #tpu.pack_format<interleaved>} : vector<32xbf16> -> vector<16xf32>
          %unpack3A_365 = tpu.unpack_subelements %get3A_363, 1 {pack_format = #tpu.pack_format<interleaved>} : vector<32xbf16> -> vector<16xf32>
          %mul3A_366 = arith.mulf %unpack3A_364, %gather3A_360 : vector<16xf32>
          %swap3A_367 = arith.index_cast %add3A_358 : i32 to index
          %swap3A_368 = arith.constant 0 : index
          %swap3A_369 = tpu.vector_load %arg21[%swap3A_367, %swap3A_368] {strides = array<i32>} : memref<64x144xf32, #tpu.memory_space<vmem>>, vector<16xf32>,
          tpu.vector_store %arg21[%swap3A_367, %swap3A_368], %mul3A_366 {strides = array<i32>} : memref<64x144xf32, #tpu.memory_space<vmem>>, vector<16xf32>,
          %mul3A_370 = arith.mulf %unpack3A_365, %gather3A_360 : vector<16xf32>
          %swap3A_371 = arith.index_cast %add3A_358 : i32 to index
          %swap3A_372 = arith.constant 16 : index
          %swap3A_373 = tpu.vector_load %arg21[%swap3A_371, %swap3A_372] {strides = array<i32>} : memref<64x144xf32, #tpu.memory_space<vmem>>, vector<16xf32>,
          tpu.vector_store %arg21[%swap3A_371, %swap3A_372], %mul3A_370 {strides = array<i32>} : memref<64x144xf32, #tpu.memory_space<vmem>>, vector<16xf32>,
          %get3A_374 = arith.index_cast %add3A_358 : i32 to index
          %get3A_375 = arith.constant 32 : index
          %get3A_376 = tpu.vector_load %arg17[%get3A_374, %get3A_375] {strides = array<i32>} : memref<64x128xbf16, #tpu.memory_space<vmem>>, vector<32xbf16>,
          %unpack3A_377 = tpu.unpack_subelements %get3A_376, 0 {pack_format = #tpu.pack_format<interleaved>} : vector<32xbf16> -> vector<16xf32>
          %unpack3A_378 = tpu.unpack_subelements %get3A_376, 1 {pack_format = #tpu.pack_format<interleaved>} : vector<32xbf16> -> vector<16xf32>
          %mul3A_379 = arith.mulf %unpack3A_377, %gather3A_360 : vector<16xf32>
          %swap3A_380 = arith.index_cast %add3A_358 : i32 to index
          %swap3A_381 = arith.constant 32 : index
          %swap3A_382 = tpu.vector_load %arg21[%swap3A_380, %swap3A_381] {strides = array<i32>} : memref<64x144xf32, #tpu.memory_space<vmem>>, vector<16xf32>,
          tpu.vector_store %arg21[%swap3A_380, %swap3A_381], %mul3A_379 {strides = array<i32>} : memref<64x144xf32, #tpu.memory_space<vmem>>, vector<16xf32>,
          %mul3A_383 = arith.mulf %unpack3A_378, %gather3A_360 : vector<16xf32>
          %swap3A_384 = arith.index_cast %add3A_358 : i32 to index
          %swap3A_385 = arith.constant 48 : index
          %swap3A_386 = tpu.vector_load %arg21[%swap3A_384, %swap3A_385] {strides = array<i32>} : memref<64x144xf32, #tpu.memory_space<vmem>>, vector<16xf32>,
          tpu.vector_store %arg21[%swap3A_384, %swap3A_385], %mul3A_383 {strides = array<i32>} : memref<64x144xf32, #tpu.memory_space<vmem>>, vector<16xf32>,
          %get3A_387 = arith.index_cast %add3A_358 : i32 to index
          %get3A_388 = arith.constant 64 : index
          %get3A_389 = tpu.vector_load %arg17[%get3A_387, %get3A_388] {strides = array<i32>} : memref<64x128xbf16, #tpu.memory_space<vmem>>, vector<32xbf16>,
          %unpack3A_390 = tpu.unpack_subelements %get3A_389, 0 {pack_format = #tpu.pack_format<interleaved>} : vector<32xbf16> -> vector<16xf32>
          %unpack3A_391 = tpu.unpack_subelements %get3A_389, 1 {pack_format = #tpu.pack_format<interleaved>} : vector<32xbf16> -> vector<16xf32>
          %mul3A_392 = arith.mulf %unpack3A_390, %gather3A_360 : vector<16xf32>
          %swap3A_393 = arith.index_cast %add3A_358 : i32 to index
          %swap3A_394 = arith.constant 64 : index
          %swap3A_395 = tpu.vector_load %arg21[%swap3A_393, %swap3A_394] {strides = array<i32>} : memref<64x144xf32, #tpu.memory_space<vmem>>, vector<16xf32>,
          tpu.vector_store %arg21[%swap3A_393, %swap3A_394], %mul3A_392 {strides = array<i32>} : memref<64x144xf32, #tpu.memory_space<vmem>>, vector<16xf32>,
          %mul3A_396 = arith.mulf %unpack3A_391, %gather3A_360 : vector<16xf32>
          %swap3A_397 = arith.index_cast %add3A_358 : i32 to index
          %swap3A_398 = arith.constant 80 : index
          %swap3A_399 = tpu.vector_load %arg21[%swap3A_397, %swap3A_398] {strides = array<i32>} : memref<64x144xf32, #tpu.memory_space<vmem>>, vector<16xf32>,
          tpu.vector_store %arg21[%swap3A_397, %swap3A_398], %mul3A_396 {strides = array<i32>} : memref<64x144xf32, #tpu.memory_space<vmem>>, vector<16xf32>,
          %get3A_400 = arith.index_cast %add3A_358 : i32 to index
          %get3A_401 = arith.constant 96 : index
          %get3A_402 = tpu.vector_load %arg17[%get3A_400, %get3A_401] {strides = array<i32>} : memref<64x128xbf16, #tpu.memory_space<vmem>>, vector<32xbf16>,
          %unpack3A_403 = tpu.unpack_subelements %get3A_402, 0 {pack_format = #tpu.pack_format<interleaved>} : vector<32xbf16> -> vector<16xf32>
          %unpack3A_404 = tpu.unpack_subelements %get3A_402, 1 {pack_format = #tpu.pack_format<interleaved>} : vector<32xbf16> -> vector<16xf32>
          %mul3A_405 = arith.mulf %unpack3A_403, %gather3A_360 : vector<16xf32>
          %swap3A_406 = arith.index_cast %add3A_358 : i32 to index
          %swap3A_407 = arith.constant 96 : index
          %swap3A_408 = tpu.vector_load %arg21[%swap3A_406, %swap3A_407] {strides = array<i32>} : memref<64x144xf32, #tpu.memory_space<vmem>>, vector<16xf32>,
          tpu.vector_store %arg21[%swap3A_406, %swap3A_407], %mul3A_405 {strides = array<i32>} : memref<64x144xf32, #tpu.memory_space<vmem>>, vector<16xf32>,
          %mul3A_409 = arith.mulf %unpack3A_404, %gather3A_360 : vector<16xf32>
          %swap3A_410 = arith.index_cast %add3A_358 : i32 to index
          %swap3A_411 = arith.constant 112 : index
          %swap3A_412 = tpu.vector_load %arg21[%swap3A_410, %swap3A_411] {strides = array<i32>} : memref<64x144xf32, #tpu.memory_space<vmem>>, vector<16xf32>,
          tpu.vector_store %arg21[%swap3A_410, %swap3A_411], %mul3A_409 {strides = array<i32>} : memref<64x144xf32, #tpu.memory_space<vmem>>, vector<16xf32>,
          %mul3A_413 = arith.mulf %select_n3A_24, %gather3A_360 : vector<16xf32>
          %swap3A_414 = arith.index_cast %add3A_358 : i32 to index
          %swap3A_415 = arith.constant 128 : index
          %swap3A_416 = tpu.vector_load %arg21[%swap3A_414, %swap3A_415] {strides = array<i32>} : memref<64x144xf32, #tpu.memory_space<vmem>>, vector<16xf32>,
          tpu.vector_store %arg21[%swap3A_414, %swap3A_415], %mul3A_413 {strides = array<i32>} : memref<64x144xf32, #tpu.memory_space<vmem>>, vector<16xf32>,
          %mul3A_417 = arith.constant 4 : i32
          %mul3A_418 = arith.muli %scan3A_233, %mul3A_417 : i32
          %add3A_419 = arith.constant 3 : i32
          %add3A_420 = arith.addi %mul3A_418, %add3A_419 : i32
          %broadcast_in_dim3A_421 = vector.broadcast %add3A_420 : i32 to vector<16xi32>
          %gather3A_422 = tpu.vector_load_idx %arg14[%broadcast_in_dim3A_421] : memref<64xf32, #tpu.memory_space<vmem>>[vector<16xi32>], vector<16xf32>,
          %get3A_423 = arith.index_cast %add3A_420 : i32 to index
          %get3A_424 = arith.constant 0 : index
          %get3A_425 = tpu.vector_load %arg17[%get3A_423, %get3A_424] {strides = array<i32>} : memref<64x128xbf16, #tpu.memory_space<vmem>>, vector<32xbf16>,
          %unpack3A_426 = tpu.unpack_subelements %get3A_425, 0 {pack_format = #tpu.pack_format<interleaved>} : vector<32xbf16> -> vector<16xf32>
          %unpack3A_427 = tpu.unpack_subelements %get3A_425, 1 {pack_format = #tpu.pack_format<interleaved>} : vector<32xbf16> -> vector<16xf32>
          %mul3A_428 = arith.mulf %unpack3A_426, %gather3A_422 : vector<16xf32>
          %swap3A_429 = arith.index_cast %add3A_420 : i32 to index
          %swap3A_430 = arith.constant 0 : index
          %swap3A_431 = tpu.vector_load %arg21[%swap3A_429, %swap3A_430] {strides = array<i32>} : memref<64x144xf32, #tpu.memory_space<vmem>>, vector<16xf32>,
          tpu.vector_store %arg21[%swap3A_429, %swap3A_430], %mul3A_428 {strides = array<i32>} : memref<64x144xf32, #tpu.memory_space<vmem>>, vector<16xf32>,
          %mul3A_432 = arith.mulf %unpack3A_427, %gather3A_422 : vector<16xf32>
          %swap3A_433 = arith.index_cast %add3A_420 : i32 to index
          %swap3A_434 = arith.constant 16 : index
          %swap3A_435 = tpu.vector_load %arg21[%swap3A_433, %swap3A_434] {strides = array<i32>} : memref<64x144xf32, #tpu.memory_space<vmem>>, vector<16xf32>,
          tpu.vector_store %arg21[%swap3A_433, %swap3A_434], %mul3A_432 {strides = array<i32>} : memref<64x144xf32, #tpu.memory_space<vmem>>, vector<16xf32>,
          %get3A_436 = arith.index_cast %add3A_420 : i32 to index
          %get3A_437 = arith.constant 32 : index
          %get3A_438 = tpu.vector_load %arg17[%get3A_436, %get3A_437] {strides = array<i32>} : memref<64x128xbf16, #tpu.memory_space<vmem>>, vector<32xbf16>,
          %unpack3A_439 = tpu.unpack_subelements %get3A_438, 0 {pack_format = #tpu.pack_format<interleaved>} : vector<32xbf16> -> vector<16xf32>
          %unpack3A_440 = tpu.unpack_subelements %get3A_438, 1 {pack_format = #tpu.pack_format<interleaved>} : vector<32xbf16> -> vector<16xf32>
          %mul3A_441 = arith.mulf %unpack3A_439, %gather3A_422 : vector<16xf32>
          %swap3A_442 = arith.index_cast %add3A_420 : i32 to index
          %swap3A_443 = arith.constant 32 : index
          %swap3A_444 = tpu.vector_load %arg21[%swap3A_442, %swap3A_443] {strides = array<i32>} : memref<64x144xf32, #tpu.memory_space<vmem>>, vector<16xf32>,
          tpu.vector_store %arg21[%swap3A_442, %swap3A_443], %mul3A_441 {strides = array<i32>} : memref<64x144xf32, #tpu.memory_space<vmem>>, vector<16xf32>,
          %mul3A_445 = arith.mulf %unpack3A_440, %gather3A_422 : vector<16xf32>
          %swap3A_446 = arith.index_cast %add3A_420 : i32 to index
          %swap3A_447 = arith.constant 48 : index
          %swap3A_448 = tpu.vector_load %arg21[%swap3A_446, %swap3A_447] {strides = array<i32>} : memref<64x144xf32, #tpu.memory_space<vmem>>, vector<16xf32>,
          tpu.vector_store %arg21[%swap3A_446, %swap3A_447], %mul3A_445 {strides = array<i32>} : memref<64x144xf32, #tpu.memory_space<vmem>>, vector<16xf32>,
          %get3A_449 = arith.index_cast %add3A_420 : i32 to index
          %get3A_450 = arith.constant 64 : index
          %get3A_451 = tpu.vector_load %arg17[%get3A_449, %get3A_450] {strides = array<i32>} : memref<64x128xbf16, #tpu.memory_space<vmem>>, vector<32xbf16>,
          %unpack3A_452 = tpu.unpack_subelements %get3A_451, 0 {pack_format = #tpu.pack_format<interleaved>} : vector<32xbf16> -> vector<16xf32>
          %unpack3A_453 = tpu.unpack_subelements %get3A_451, 1 {pack_format = #tpu.pack_format<interleaved>} : vector<32xbf16> -> vector<16xf32>
          %mul3A_454 = arith.mulf %unpack3A_452, %gather3A_422 : vector<16xf32>
          %swap3A_455 = arith.index_cast %add3A_420 : i32 to index
          %swap3A_456 = arith.constant 64 : index
          %swap3A_457 = tpu.vector_load %arg21[%swap3A_455, %swap3A_456] {strides = array<i32>} : memref<64x144xf32, #tpu.memory_space<vmem>>, vector<16xf32>,
          tpu.vector_store %arg21[%swap3A_455, %swap3A_456], %mul3A_454 {strides = array<i32>} : memref<64x144xf32, #tpu.memory_space<vmem>>, vector<16xf32>,
          %mul3A_458 = arith.mulf %unpack3A_453, %gather3A_422 : vector<16xf32>
          %swap3A_459 = arith.index_cast %add3A_420 : i32 to index
          %swap3A_460 = arith.constant 80 : index
          %swap3A_461 = tpu.vector_load %arg21[%swap3A_459, %swap3A_460] {strides = array<i32>} : memref<64x144xf32, #tpu.memory_space<vmem>>, vector<16xf32>,
          tpu.vector_store %arg21[%swap3A_459, %swap3A_460], %mul3A_458 {strides = array<i32>} : memref<64x144xf32, #tpu.memory_space<vmem>>, vector<16xf32>,
          %get3A_462 = arith.index_cast %add3A_420 : i32 to index
          %get3A_463 = arith.constant 96 : index
          %get3A_464 = tpu.vector_load %arg17[%get3A_462, %get3A_463] {strides = array<i32>} : memref<64x128xbf16, #tpu.memory_space<vmem>>, vector<32xbf16>,
          %unpack3A_465 = tpu.unpack_subelements %get3A_464, 0 {pack_format = #tpu.pack_format<interleaved>} : vector<32xbf16> -> vector<16xf32>
          %unpack3A_466 = tpu.unpack_subelements %get3A_464, 1 {pack_format = #tpu.pack_format<interleaved>} : vector<32xbf16> -> vector<16xf32>
          %mul3A_467 = arith.mulf %unpack3A_465, %gather3A_422 : vector<16xf32>
          %swap3A_468 = arith.index_cast %add3A_420 : i32 to index
          %swap3A_469 = arith.constant 96 : index
          %swap3A_470 = tpu.vector_load %arg21[%swap3A_468, %swap3A_469] {strides = array<i32>} : memref<64x144xf32, #tpu.memory_space<vmem>>, vector<16xf32>,
          tpu.vector_store %arg21[%swap3A_468, %swap3A_469], %mul3A_467 {strides = array<i32>} : memref<64x144xf32, #tpu.memory_space<vmem>>, vector<16xf32>,
          %mul3A_471 = arith.mulf %unpack3A_466, %gather3A_422 : vector<16xf32>
          %swap3A_472 = arith.index_cast %add3A_420 : i32 to index
          %swap3A_473 = arith.constant 112 : index
          %swap3A_474 = tpu.vector_load %arg21[%swap3A_472, %swap3A_473] {strides = array<i32>} : memref<64x144xf32, #tpu.memory_space<vmem>>, vector<16xf32>,
          tpu.vector_store %arg21[%swap3A_472, %swap3A_473], %mul3A_471 {strides = array<i32>} : memref<64x144xf32, #tpu.memory_space<vmem>>, vector<16xf32>,
          %mul3A_475 = arith.mulf %select_n3A_24, %gather3A_422 : vector<16xf32>
          %swap3A_476 = arith.index_cast %add3A_420 : i32 to index
          %swap3A_477 = arith.constant 128 : index
          %swap3A_478 = tpu.vector_load %arg21[%swap3A_476, %swap3A_477] {strides = array<i32>} : memref<64x144xf32, #tpu.memory_space<vmem>>, vector<16xf32>,
          tpu.vector_store %arg21[%swap3A_476, %swap3A_477], %mul3A_475 {strides = array<i32>} : memref<64x144xf32, #tpu.memory_space<vmem>>, vector<16xf32>,
        }
        %scan3A_171 = arith.constant 16 : i32
        %dma_start3A_172 = arith.constant 0 : i32
        %dma_start3A_173 = arith.constant 0 : i32
        %dma_start3A_174 = tpu.memref_slice %arg16[%dma_start3A_172, %dma_start3A_173] : memref<10016x144xf32, #tpu.memory_space<vmem_shared>> -> memref<10016x144xf32, #tpu.memory_space<vmem_shared>>
        tpu.enqueue_indirect_dma source(%arg21 : memref<64x144xf32, #tpu.memory_space<vmem>>) target(%dma_start3A_174 : memref<10016x144xf32, #tpu.memory_space<vmem_shared>>) offsets(%arg12 : memref<64xi32, #tpu.memory_space<vmem>>) semaphore(%arg29 : memref<!tpu.dma_semaphore, #tpu.memory_space<semaphore_mem>>) {add = true}
        %mul3A_175 = arith.constant 2 : i32
        %mul3A_176 = arith.muli %while3A_119, %mul3A_175 : i32
        %add3A_177 = arith.constant 1 : i32
        %add3A_178 = arith.addi %mul3A_176, %add3A_177 : i32
        %ge3A_179 = arith.constant 1 : i32
        %ge3A_180 = arith.cmpi sge, %add3A_178, %ge3A_179 : i32
        %convert_element_type3A_181 = arith.extui %ge3A_180 : i1 to i32
        %cond3A_182 = arith.constant 0 : i32
        %cond3A_183 = arith.cmpi ne, %convert_element_type3A_181, %cond3A_182 : i32
        scf.if %cond3A_183 {
          %dma_wait3A_233 = arith.constant 0 : i32
          %dma_wait3A_234 = arith.constant 0 : i32
          %dma_wait3A_235 = tpu.memref_slice %arg16[%dma_wait3A_233, %dma_wait3A_234] : memref<10016x144xf32, #tpu.memory_space<vmem_shared>> -> memref<10016x144xf32, #tpu.memory_space<vmem_shared>>
          tpu.wait_indirect_dma semaphore(%arg29 : memref<!tpu.dma_semaphore, #tpu.memory_space<semaphore_mem>>) src(%arg21 : memref<64x144xf32, #tpu.memory_space<vmem>>) dst(%dma_wait3A_235 : memref<10016x144xf32, #tpu.memory_space<vmem_shared>>)
        } else {
        }
        %add3A_184 = arith.constant 1 : i32
        %add3A_185 = arith.addi %add3A_178, %add3A_184 : i32
        %lt3A_186 = arith.cmpi slt, %add3A_185, %select_n3A : i32
        %convert_element_type3A_187 = arith.extui %lt3A_186 : i1 to i32
        %cond3A_188 = arith.constant 0 : i32
        %cond3A_189 = arith.cmpi ne, %convert_element_type3A_187, %cond3A_188 : i32
        scf.if %cond3A_189 {
          %add3A_233 = arith.constant 1 : i32
          %add3A_234 = arith.addi %add3A_178, %add3A_233 : i32
          %add3A_235 = arith.addi %add3A, %add3A_234 : i32
          %dma_wait3A_236 = arith.constant 0 : i32
          %dma_wait3A_237 = arith.constant 0 : i32
          %dma_wait3A_238 = arith.constant 0 : i32
          %dma_wait3A_239 = tpu.memref_slice %arg11[%dma_wait3A_236, %dma_wait3A_237, %dma_wait3A_238] : memref<2x2x64xi32, #tpu.memory_space<vmem>> -> memref<1x2x64xi32, #tpu.memory_space<vmem>>
          %dma_wait3A_240 = tpu.memref_squeeze %dma_wait3A_239 : memref<1x2x64xi32, #tpu.memory_space<vmem>> -> memref<2x64xi32, #tpu.memory_space<vmem>>
          %dma_wait3A_241 = arith.constant 0 : i32
          %dma_wait3A_242 = arith.constant 0 : i32
          %dma_wait3A_243 = tpu.memref_slice %arg4[%add3A_235, %dma_wait3A_241, %dma_wait3A_242] : memref<5184x2x64xi32, #tpu.memory_space<hbm>> -> memref<1x2x64xi32, #tpu.memory_space<hbm>>
          %dma_wait3A_244 = tpu.memref_squeeze %dma_wait3A_243 : memref<1x2x64xi32, #tpu.memory_space<hbm>> -> memref<2x64xi32, #tpu.memory_space<hbm>>
          %dma_wait3A_245 = arith.constant 0 : i32
          %dma_wait3A_246 = arith.constant 0 : i32
          %dma_wait3A_247 = tpu.memref_slice %arg11[%dma_wait3A_236, %dma_wait3A_245, %dma_wait3A_246] : memref<2x2x64xi32, #tpu.memory_space<vmem>> -> memref<1x2x64xi32, #tpu.memory_space<vmem>>
          %dma_wait3A_248 = tpu.memref_squeeze %dma_wait3A_247 : memref<1x2x64xi32, #tpu.memory_space<vmem>> -> memref<2x64xi32, #tpu.memory_space<vmem>>
          %dma_wait3A_249 = arith.constant 0 : i32
          %dma_wait3A_250 = arith.constant 0 : i32
          %dma_wait3A_251 = tpu.memref_slice %arg4[%add3A_235, %dma_wait3A_249, %dma_wait3A_250] : memref<5184x2x64xi32, #tpu.memory_space<hbm>> -> memref<1x2x64xi32, #tpu.memory_space<hbm>>
          %dma_wait3A_252 = tpu.memref_squeeze %dma_wait3A_251 : memref<1x2x64xi32, #tpu.memory_space<hbm>> -> memref<2x64xi32, #tpu.memory_space<hbm>>
          tpu.wait_dma2 semaphore(%arg23 : memref<!tpu.dma_semaphore, #tpu.memory_space<semaphore_mem>>) src(%dma_wait3A_252 : memref<2x64xi32, #tpu.memory_space<hbm>>) dst(%dma_wait3A_248 : memref<2x64xi32, #tpu.memory_space<vmem>>)
          %add3A_253 = arith.constant 1 : i32
          %add3A_254 = arith.addi %add3A_178, %add3A_253 : i32
          %dma_start3A_255 = arith.constant 0 : i32
          %dma_start3A_256 = arith.constant 0 : i32
          %dma_start3A_257 = arith.constant 0 : i32
          %dma_start3A_258 = tpu.memref_slice %arg11[%dma_start3A_255, %dma_start3A_256, %dma_start3A_257] : memref<2x2x64xi32, #tpu.memory_space<vmem>> -> memref<1x1x64xi32, #tpu.memory_space<vmem>>
          %dma_start3A_259 = tpu.memref_squeeze %dma_start3A_258 : memref<1x1x64xi32, #tpu.memory_space<vmem>> -> memref<64xi32, #tpu.memory_space<vmem>>
          %dma_start3A_260 = arith.constant 0 : i32
          %dma_start3A_261 = arith.constant 0 : i32
          %dma_start3A_262 = tpu.memref_slice %arg2[%dma_start3A_260, %dma_start3A_261] : memref<10000x128xbf16, #tpu.memory_space<hbm>> -> memref<10000x128xbf16, #tpu.memory_space<hbm>>
          tpu.enqueue_indirect_dma source(%dma_start3A_262 : memref<10000x128xbf16, #tpu.memory_space<hbm>>) target(%arg17 : memref<64x128xbf16, #tpu.memory_space<vmem>>) offsets(%dma_start3A_259 : memref<64xi32, #tpu.memory_space<vmem>>) semaphore(%arg25 : memref<!tpu.dma_semaphore, #tpu.memory_space<semaphore_mem>>)
          %dma_start3A_263 = arith.constant 0 : i32
          %dma_start3A_264 = arith.constant 1 : i32
          %dma_start3A_265 = arith.constant 0 : i32
          %dma_start3A_266 = tpu.memref_slice %arg11[%dma_start3A_263, %dma_start3A_264, %dma_start3A_265] : memref<2x2x64xi32, #tpu.memory_space<vmem>> -> memref<1x1x64xi32, #tpu.memory_space<vmem>>
          %dma_start3A_267 = tpu.memref_squeeze %dma_start3A_266 : memref<1x1x64xi32, #tpu.memory_space<vmem>> -> memref<64xi32, #tpu.memory_space<vmem>>
          %dma_start3A_268 = arith.constant 0 : i32
          %dma_start3A_269 = arith.constant 0 : i32
          %dma_start3A_270 = tpu.memref_slice %arg3[%dma_start3A_268, %dma_start3A_269] : memref<10016x128xbf16, #tpu.memory_space<hbm>> -> memref<10016x128xbf16, #tpu.memory_space<hbm>>
          tpu.enqueue_indirect_dma source(%dma_start3A_270 : memref<10016x128xbf16, #tpu.memory_space<hbm>>) target(%arg19 : memref<64x128xbf16, #tpu.memory_space<vmem>>) offsets(%dma_start3A_267 : memref<64xi32, #tpu.memory_space<vmem>>) semaphore(%arg27 : memref<!tpu.dma_semaphore, #tpu.memory_space<semaphore_mem>>)
        } else {
        }
        %dma_wait3A_190 = arith.constant 1 : i32
        %dma_wait3A_191 = arith.constant 0 : i32
        %dma_wait3A_192 = arith.constant 0 : i32
        %dma_wait3A_193 = tpu.memref_slice %arg11[%dma_wait3A_190, %dma_wait3A_191, %dma_wait3A_192] : memref<2x2x64xi32, #tpu.memory_space<vmem>> -> memref<1x1x64xi32, #tpu.memory_space<vmem>>
        %dma_wait3A_194 = tpu.memref_squeeze %dma_wait3A_193 : memref<1x1x64xi32, #tpu.memory_space<vmem>> -> memref<64xi32, #tpu.memory_space<vmem>>
        %dma_wait3A_195 = arith.constant 0 : i32
        %dma_wait3A_196 = arith.constant 0 : i32
        %dma_wait3A_197 = tpu.memref_slice %arg2[%dma_wait3A_195, %dma_wait3A_196] : memref<10000x128xbf16, #tpu.memory_space<hbm>> -> memref<10000x128xbf16, #tpu.memory_space<hbm>>
        tpu.wait_indirect_dma semaphore(%arg26 : memref<!tpu.dma_semaphore, #tpu.memory_space<semaphore_mem>>) src(%dma_wait3A_197 : memref<10000x128xbf16, #tpu.memory_space<hbm>>) dst(%arg18 : memref<64x128xbf16, #tpu.memory_space<vmem>>)
        %dma_wait3A_198 = arith.constant 1 : i32
        %dma_wait3A_199 = arith.constant 1 : i32
        %dma_wait3A_200 = arith.constant 0 : i32
        %dma_wait3A_201 = tpu.memref_slice %arg11[%dma_wait3A_198, %dma_wait3A_199, %dma_wait3A_200] : memref<2x2x64xi32, #tpu.memory_space<vmem>> -> memref<1x1x64xi32, #tpu.memory_space<vmem>>
        %dma_wait3A_202 = tpu.memref_squeeze %dma_wait3A_201 : memref<1x1x64xi32, #tpu.memory_space<vmem>> -> memref<64xi32, #tpu.memory_space<vmem>>
        %dma_wait3A_203 = arith.constant 0 : i32
        %dma_wait3A_204 = arith.constant 0 : i32
        %dma_wait3A_205 = tpu.memref_slice %arg3[%dma_wait3A_203, %dma_wait3A_204] : memref<10016x128xbf16, #tpu.memory_space<hbm>> -> memref<10016x128xbf16, #tpu.memory_space<hbm>>
        tpu.wait_indirect_dma semaphore(%arg28 : memref<!tpu.dma_semaphore, #tpu.memory_space<semaphore_mem>>) src(%dma_wait3A_205 : memref<10016x128xbf16, #tpu.memory_space<hbm>>) dst(%arg20 : memref<64x128xbf16, #tpu.memory_space<vmem>>)
        %scan3A_206 = arith.constant 0 : i32
        %scan3A_207 = arith.constant 0 : i32
        %scan3A_208 = arith.constant 4 : i32
        %scan3A_209 = arith.addi %scan3A_207, %scan3A_208 : i32
        %scan3A_210 = arith.constant 1 : i32
        scf.for %scan3A_233 = %scan3A_207 to %scan3A_209 step %scan3A_210  : i32 {
          %mul3A_234 = arith.constant 16 : i32
          %mul3A_235 = arith.muli %scan3A_233, %mul3A_234 : i32
          %get3A_236 = arith.constant 1 : i32
          %get3A_237 = arith.constant 1 : i32
          %get3A_238 = arith.index_cast %get3A_236 : i32 to index
          %get3A_239 = arith.index_cast %get3A_237 : i32 to index
          %get3A_240 = arith.index_cast %mul3A_235 : i32 to index
          %get3A_241 = tpu.vector_load %arg11[%get3A_238, %get3A_239, %get3A_240] {strides = array<i32>} : memref<2x2x64xi32, #tpu.memory_space<vmem>>, vector<16xi32>,
          %swap3A = arith.index_cast %mul3A_235 : i32 to index
          %swap3A_242 = tpu.vector_load %arg13[%swap3A] {strides = array<i32>} : memref<64xi32, #tpu.memory_space<vmem>>, vector<16xi32>,
          tpu.vector_store %arg13[%swap3A], %get3A_241 {strides = array<i32>} : memref<64xi32, #tpu.memory_space<vmem>>, vector<16xi32>,
        }
        %scan3A_211 = arith.constant 4 : i32
        %add3A_212 = arith.constant 2 : i32
        %add3A_213 = arith.addi %add3A_178, %add3A_212 : i32
        %lt3A_214 = arith.cmpi slt, %add3A_213, %select_n3A : i32
        %convert_element_type3A_215 = arith.extui %lt3A_214 : i1 to i32
        %cond3A_216 = arith.constant 0 : i32
        %cond3A_217 = arith.cmpi ne, %convert_element_type3A_215, %cond3A_216 : i32
        scf.if %cond3A_217 {
          %add3A_233 = arith.constant 2 : i32
          %add3A_234 = arith.addi %add3A_178, %add3A_233 : i32
          %add3A_235 = arith.addi %add3A, %add3A_234 : i32
          %dma_start3A_236 = arith.constant 1 : i32
          %dma_start3A_237 = arith.constant 0 : i32
          %dma_start3A_238 = arith.constant 0 : i32
          %dma_start3A_239 = tpu.memref_slice %arg11[%dma_start3A_236, %dma_start3A_237, %dma_start3A_238] : memref<2x2x64xi32, #tpu.memory_space<vmem>> -> memref<1x2x64xi32, #tpu.memory_space<vmem>>
          %dma_start3A_240 = tpu.memref_squeeze %dma_start3A_239 : memref<1x2x64xi32, #tpu.memory_space<vmem>> -> memref<2x64xi32, #tpu.memory_space<vmem>>
          %dma_start3A_241 = arith.constant 0 : i32
          %dma_start3A_242 = arith.constant 0 : i32
          %dma_start3A_243 = tpu.memref_slice %arg4[%add3A_235, %dma_start3A_241, %dma_start3A_242] : memref<5184x2x64xi32, #tpu.memory_space<hbm>> -> memref<1x2x64xi32, #tpu.memory_space<hbm>>
          %dma_start3A_244 = tpu.memref_squeeze %dma_start3A_243 : memref<1x2x64xi32, #tpu.memory_space<hbm>> -> memref<2x64xi32, #tpu.memory_space<hbm>>
          %dma_start3A_245 = arith.constant 0 : i32
          %dma_start3A_246 = arith.constant 0 : i32
          %dma_start3A_247 = tpu.memref_slice %arg11[%dma_start3A_236, %dma_start3A_245, %dma_start3A_246] : memref<2x2x64xi32, #tpu.memory_space<vmem>> -> memref<1x2x64xi32, #tpu.memory_space<vmem>>
          %dma_start3A_248 = tpu.memref_squeeze %dma_start3A_247 : memref<1x2x64xi32, #tpu.memory_space<vmem>> -> memref<2x64xi32, #tpu.memory_space<vmem>>
          %dma_start3A_249 = arith.constant 0 : i32
          %dma_start3A_250 = arith.constant 0 : i32
          %dma_start3A_251 = tpu.memref_slice %arg4[%add3A_235, %dma_start3A_249, %dma_start3A_250] : memref<5184x2x64xi32, #tpu.memory_space<hbm>> -> memref<1x2x64xi32, #tpu.memory_space<hbm>>
          %dma_start3A_252 = tpu.memref_squeeze %dma_start3A_251 : memref<1x2x64xi32, #tpu.memory_space<hbm>> -> memref<2x64xi32, #tpu.memory_space<hbm>>
          tpu.enqueue_dma source(%dma_start3A_252 : memref<2x64xi32, #tpu.memory_space<hbm>>) target(%dma_start3A_248 : memref<2x64xi32, #tpu.memory_space<vmem>>) target_semaphore(%arg24 : memref<!tpu.dma_semaphore, #tpu.memory_space<semaphore_mem>>)
        } else {
        }
        %scan3A_218 = arith.constant 0 : i32
        %scan3A_219 = arith.constant 0 : i32
        %scan3A_220 = arith.constant 4 : i32
        %scan3A_221 = arith.addi %scan3A_219, %scan3A_220 : i32
        %scan3A_222 = arith.constant 1 : i32
        scf.for %scan3A_233 = %scan3A_219 to %scan3A_221 step %scan3A_222  : i32 {
          %scan3A_234 = arith.constant 0 : i32
          %scan3A_235 = arith.constant 0 : i32
          %scan3A_236 = arith.constant 4 : i32
          %scan3A_237 = arith.addi %scan3A_235, %scan3A_236 : i32
          %scan3A_238 = arith.constant 1 : i32
          scf.for %scan3A_328 = %scan3A_235 to %scan3A_237 step %scan3A_238  : i32 {
            %mul3A_329 = arith.constant 16 : i32
            %mul3A_330 = arith.muli %scan3A_233, %mul3A_329 : i32
            %mul3A_331 = arith.constant 4 : i32
            %mul3A_332 = arith.muli %scan3A_328, %mul3A_331 : i32
            %add3A_333 = arith.addi %mul3A_330, %mul3A_332 : i32
            %add3A_334 = arith.constant 0 : i32
            %add3A_335 = arith.addi %add3A_333, %add3A_334 : i32
            %broadcast_in_dim3A_336 = arith.constant 0.000000e+00 : f32
            %broadcast_in_dim3A_337 = vector.broadcast %broadcast_in_dim3A_336 : f32 to vector<16xf32>
            %get3A_338 = arith.index_cast %add3A_335 : i32 to index
            %get3A_339 = arith.constant 0 : index
            %get3A_340 = tpu.vector_load %arg18[%get3A_338, %get3A_339] {strides = array<i32>} : memref<64x128xbf16, #tpu.memory_space<vmem>>, vector<32xbf16>,
            %get3A_341 = arith.index_cast %add3A_335 : i32 to index
            %get3A_342 = arith.constant 0 : index
            %get3A_343 = tpu.vector_load %arg20[%get3A_341, %get3A_342] {strides = array<i32>} : memref<64x128xbf16, #tpu.memory_space<vmem>>, vector<32xbf16>,
            %add3A_344 = arith.addf %get3A_340, %get3A_343 : vector<32xbf16>
            %mul3A_345 = arith.constant 2.001950e-01 : bf16
            %mul3A_346 = vector.broadcast %mul3A_345 : bf16 to vector<32xbf16>
            %mul3A_347 = arith.mulf %mul3A_346, %add3A_344 : vector<32xbf16>
            %max3A = arith.maximumf %add3A_344, %mul3A_347 : vector<32xbf16>
            %mul3A_348 = arith.mulf %get3A_9, %max3A : vector<32xbf16>
            %unpack3A = tpu.unpack_subelements %mul3A_348, 0 {pack_format = #tpu.pack_format<interleaved>} : vector<32xbf16> -> vector<16xf32>
            %unpack3A_349 = tpu.unpack_subelements %mul3A_348, 1 {pack_format = #tpu.pack_format<interleaved>} : vector<32xbf16> -> vector<16xf32>
            %add3A_350 = arith.addf %broadcast_in_dim3A_337, %unpack3A : vector<16xf32>
            %add3A_351 = arith.addf %add3A_350, %unpack3A_349 : vector<16xf32>
            %get3A_352 = arith.index_cast %add3A_335 : i32 to index
            %get3A_353 = arith.constant 32 : index
            %get3A_354 = tpu.vector_load %arg18[%get3A_352, %get3A_353] {strides = array<i32>} : memref<64x128xbf16, #tpu.memory_space<vmem>>, vector<32xbf16>,
            %get3A_355 = arith.index_cast %add3A_335 : i32 to index
            %get3A_356 = arith.constant 32 : index
            %get3A_357 = tpu.vector_load %arg20[%get3A_355, %get3A_356] {strides = array<i32>} : memref<64x128xbf16, #tpu.memory_space<vmem>>, vector<32xbf16>,
            %add3A_358 = arith.addf %get3A_354, %get3A_357 : vector<32xbf16>
            %mul3A_359 = arith.constant 2.001950e-01 : bf16
            %mul3A_360 = vector.broadcast %mul3A_359 : bf16 to vector<32xbf16>
            %mul3A_361 = arith.mulf %mul3A_360, %add3A_358 : vector<32xbf16>
            %max3A_362 = arith.maximumf %add3A_358, %mul3A_361 : vector<32xbf16>
            %mul3A_363 = arith.mulf %get3A_11, %max3A_362 : vector<32xbf16>
            %unpack3A_364 = tpu.unpack_subelements %mul3A_363, 0 {pack_format = #tpu.pack_format<interleaved>} : vector<32xbf16> -> vector<16xf32>
            %unpack3A_365 = tpu.unpack_subelements %mul3A_363, 1 {pack_format = #tpu.pack_format<interleaved>} : vector<32xbf16> -> vector<16xf32>
            %add3A_366 = arith.addf %add3A_351, %unpack3A_364 : vector<16xf32>
            %add3A_367 = arith.addf %add3A_366, %unpack3A_365 : vector<16xf32>
            %get3A_368 = arith.index_cast %add3A_335 : i32 to index
            %get3A_369 = arith.constant 64 : index
            %get3A_370 = tpu.vector_load %arg18[%get3A_368, %get3A_369] {strides = array<i32>} : memref<64x128xbf16, #tpu.memory_space<vmem>>, vector<32xbf16>,
            %get3A_371 = arith.index_cast %add3A_335 : i32 to index
            %get3A_372 = arith.constant 64 : index
            %get3A_373 = tpu.vector_load %arg20[%get3A_371, %get3A_372] {strides = array<i32>} : memref<64x128xbf16, #tpu.memory_space<vmem>>, vector<32xbf16>,
            %add3A_374 = arith.addf %get3A_370, %get3A_373 : vector<32xbf16>
            %mul3A_375 = arith.constant 2.001950e-01 : bf16
            %mul3A_376 = vector.broadcast %mul3A_375 : bf16 to vector<32xbf16>
            %mul3A_377 = arith.mulf %mul3A_376, %add3A_374 : vector<32xbf16>
            %max3A_378 = arith.maximumf %add3A_374, %mul3A_377 : vector<32xbf16>
            %mul3A_379 = arith.mulf %get3A_13, %max3A_378 : vector<32xbf16>
            %unpack3A_380 = tpu.unpack_subelements %mul3A_379, 0 {pack_format = #tpu.pack_format<interleaved>} : vector<32xbf16> -> vector<16xf32>
            %unpack3A_381 = tpu.unpack_subelements %mul3A_379, 1 {pack_format = #tpu.pack_format<interleaved>} : vector<32xbf16> -> vector<16xf32>
            %add3A_382 = arith.addf %add3A_367, %unpack3A_380 : vector<16xf32>
            %add3A_383 = arith.addf %add3A_382, %unpack3A_381 : vector<16xf32>
            %get3A_384 = arith.index_cast %add3A_335 : i32 to index
            %get3A_385 = arith.constant 96 : index
            %get3A_386 = tpu.vector_load %arg18[%get3A_384, %get3A_385] {strides = array<i32>} : memref<64x128xbf16, #tpu.memory_space<vmem>>, vector<32xbf16>,
            %get3A_387 = arith.index_cast %add3A_335 : i32 to index
            %get3A_388 = arith.constant 96 : index
            %get3A_389 = tpu.vector_load %arg20[%get3A_387, %get3A_388] {strides = array<i32>} : memref<64x128xbf16, #tpu.memory_space<vmem>>, vector<32xbf16>,
            %add3A_390 = arith.addf %get3A_386, %get3A_389 : vector<32xbf16>
            %mul3A_391 = arith.constant 2.001950e-01 : bf16
            %mul3A_392 = vector.broadcast %mul3A_391 : bf16 to vector<32xbf16>
            %mul3A_393 = arith.mulf %mul3A_392, %add3A_390 : vector<32xbf16>
            %max3A_394 = arith.maximumf %add3A_390, %mul3A_393 : vector<32xbf16>
            %mul3A_395 = arith.mulf %get3A_15, %max3A_394 : vector<32xbf16>
            %unpack3A_396 = tpu.unpack_subelements %mul3A_395, 0 {pack_format = #tpu.pack_format<interleaved>} : vector<32xbf16> -> vector<16xf32>
            %unpack3A_397 = tpu.unpack_subelements %mul3A_395, 1 {pack_format = #tpu.pack_format<interleaved>} : vector<32xbf16> -> vector<16xf32>
            %add3A_398 = arith.addf %add3A_383, %unpack3A_396 : vector<16xf32>
            %add3A_399 = arith.addf %add3A_398, %unpack3A_397 : vector<16xf32>
            %mul3A_400 = arith.constant 4 : i32
            %mul3A_401 = arith.muli %scan3A_328, %mul3A_400 : i32
            %add3A_402 = arith.constant 0 : i32
            %add3A_403 = arith.addi %mul3A_401, %add3A_402 : i32
            %mul3A_404 = arith.constant 16 : i32
            %mul3A_405 = arith.muli %add3A_403, %mul3A_404 : i32
            %swap3A_406 = arith.index_cast %mul3A_405 : i32 to index
            %swap3A_407 = tpu.vector_load %arg15[%swap3A_406] {strides = array<i32>} : memref<256xf32, #tpu.memory_space<vmem>>, vector<16xf32>,
            tpu.vector_store %arg15[%swap3A_406], %add3A_399 {strides = array<i32>} : memref<256xf32, #tpu.memory_space<vmem>>, vector<16xf32>,
            %mul3A_408 = arith.constant 16 : i32
            %mul3A_409 = arith.muli %scan3A_233, %mul3A_408 : i32
            %mul3A_410 = arith.constant 4 : i32
            %mul3A_411 = arith.muli %scan3A_328, %mul3A_410 : i32
            %add3A_412 = arith.addi %mul3A_409, %mul3A_411 : i32
            %add3A_413 = arith.constant 1 : i32
            %add3A_414 = arith.addi %add3A_412, %add3A_413 : i32
            %broadcast_in_dim3A_415 = arith.constant 0.000000e+00 : f32
            %broadcast_in_dim3A_416 = vector.broadcast %broadcast_in_dim3A_415 : f32 to vector<16xf32>
            %get3A_417 = arith.index_cast %add3A_414 : i32 to index
            %get3A_418 = arith.constant 0 : index
            %get3A_419 = tpu.vector_load %arg18[%get3A_417, %get3A_418] {strides = array<i32>} : memref<64x128xbf16, #tpu.memory_space<vmem>>, vector<32xbf16>,
            %get3A_420 = arith.index_cast %add3A_414 : i32 to index
            %get3A_421 = arith.constant 0 : index
            %get3A_422 = tpu.vector_load %arg20[%get3A_420, %get3A_421] {strides = array<i32>} : memref<64x128xbf16, #tpu.memory_space<vmem>>, vector<32xbf16>,
            %add3A_423 = arith.addf %get3A_419, %get3A_422 : vector<32xbf16>
            %mul3A_424 = arith.constant 2.001950e-01 : bf16
            %mul3A_425 = vector.broadcast %mul3A_424 : bf16 to vector<32xbf16>
            %mul3A_426 = arith.mulf %mul3A_425, %add3A_423 : vector<32xbf16>
            %max3A_427 = arith.maximumf %add3A_423, %mul3A_426 : vector<32xbf16>
            %mul3A_428 = arith.mulf %get3A_9, %max3A_427 : vector<32xbf16>
            %unpack3A_429 = tpu.unpack_subelements %mul3A_428, 0 {pack_format = #tpu.pack_format<interleaved>} : vector<32xbf16> -> vector<16xf32>
            %unpack3A_430 = tpu.unpack_subelements %mul3A_428, 1 {pack_format = #tpu.pack_format<interleaved>} : vector<32xbf16> -> vector<16xf32>
            %add3A_431 = arith.addf %broadcast_in_dim3A_416, %unpack3A_429 : vector<16xf32>
            %add3A_432 = arith.addf %add3A_431, %unpack3A_430 : vector<16xf32>
            %get3A_433 = arith.index_cast %add3A_414 : i32 to index
            %get3A_434 = arith.constant 32 : index
            %get3A_435 = tpu.vector_load %arg18[%get3A_433, %get3A_434] {strides = array<i32>} : memref<64x128xbf16, #tpu.memory_space<vmem>>, vector<32xbf16>,
            %get3A_436 = arith.index_cast %add3A_414 : i32 to index
            %get3A_437 = arith.constant 32 : index
            %get3A_438 = tpu.vector_load %arg20[%get3A_436, %get3A_437] {strides = array<i32>} : memref<64x128xbf16, #tpu.memory_space<vmem>>, vector<32xbf16>,
            %add3A_439 = arith.addf %get3A_435, %get3A_438 : vector<32xbf16>
            %mul3A_440 = arith.constant 2.001950e-01 : bf16
            %mul3A_441 = vector.broadcast %mul3A_440 : bf16 to vector<32xbf16>
            %mul3A_442 = arith.mulf %mul3A_441, %add3A_439 : vector<32xbf16>
            %max3A_443 = arith.maximumf %add3A_439, %mul3A_442 : vector<32xbf16>
            %mul3A_444 = arith.mulf %get3A_11, %max3A_443 : vector<32xbf16>
            %unpack3A_445 = tpu.unpack_subelements %mul3A_444, 0 {pack_format = #tpu.pack_format<interleaved>} : vector<32xbf16> -> vector<16xf32>
            %unpack3A_446 = tpu.unpack_subelements %mul3A_444, 1 {pack_format = #tpu.pack_format<interleaved>} : vector<32xbf16> -> vector<16xf32>
            %add3A_447 = arith.addf %add3A_432, %unpack3A_445 : vector<16xf32>
            %add3A_448 = arith.addf %add3A_447, %unpack3A_446 : vector<16xf32>
            %get3A_449 = arith.index_cast %add3A_414 : i32 to index
            %get3A_450 = arith.constant 64 : index
            %get3A_451 = tpu.vector_load %arg18[%get3A_449, %get3A_450] {strides = array<i32>} : memref<64x128xbf16, #tpu.memory_space<vmem>>, vector<32xbf16>,
            %get3A_452 = arith.index_cast %add3A_414 : i32 to index
            %get3A_453 = arith.constant 64 : index
            %get3A_454 = tpu.vector_load %arg20[%get3A_452, %get3A_453] {strides = array<i32>} : memref<64x128xbf16, #tpu.memory_space<vmem>>, vector<32xbf16>,
            %add3A_455 = arith.addf %get3A_451, %get3A_454 : vector<32xbf16>
            %mul3A_456 = arith.constant 2.001950e-01 : bf16
            %mul3A_457 = vector.broadcast %mul3A_456 : bf16 to vector<32xbf16>
            %mul3A_458 = arith.mulf %mul3A_457, %add3A_455 : vector<32xbf16>
            %max3A_459 = arith.maximumf %add3A_455, %mul3A_458 : vector<32xbf16>
            %mul3A_460 = arith.mulf %get3A_13, %max3A_459 : vector<32xbf16>
            %unpack3A_461 = tpu.unpack_subelements %mul3A_460, 0 {pack_format = #tpu.pack_format<interleaved>} : vector<32xbf16> -> vector<16xf32>
            %unpack3A_462 = tpu.unpack_subelements %mul3A_460, 1 {pack_format = #tpu.pack_format<interleaved>} : vector<32xbf16> -> vector<16xf32>
            %add3A_463 = arith.addf %add3A_448, %unpack3A_461 : vector<16xf32>
            %add3A_464 = arith.addf %add3A_463, %unpack3A_462 : vector<16xf32>
            %get3A_465 = arith.index_cast %add3A_414 : i32 to index
            %get3A_466 = arith.constant 96 : index
            %get3A_467 = tpu.vector_load %arg18[%get3A_465, %get3A_466] {strides = array<i32>} : memref<64x128xbf16, #tpu.memory_space<vmem>>, vector<32xbf16>,
            %get3A_468 = arith.index_cast %add3A_414 : i32 to index
            %get3A_469 = arith.constant 96 : index
            %get3A_470 = tpu.vector_load %arg20[%get3A_468, %get3A_469] {strides = array<i32>} : memref<64x128xbf16, #tpu.memory_space<vmem>>, vector<32xbf16>,
            %add3A_471 = arith.addf %get3A_467, %get3A_470 : vector<32xbf16>
            %mul3A_472 = arith.constant 2.001950e-01 : bf16
            %mul3A_473 = vector.broadcast %mul3A_472 : bf16 to vector<32xbf16>
            %mul3A_474 = arith.mulf %mul3A_473, %add3A_471 : vector<32xbf16>
            %max3A_475 = arith.maximumf %add3A_471, %mul3A_474 : vector<32xbf16>
            %mul3A_476 = arith.mulf %get3A_15, %max3A_475 : vector<32xbf16>
            %unpack3A_477 = tpu.unpack_subelements %mul3A_476, 0 {pack_format = #tpu.pack_format<interleaved>} : vector<32xbf16> -> vector<16xf32>
            %unpack3A_478 = tpu.unpack_subelements %mul3A_476, 1 {pack_format = #tpu.pack_format<interleaved>} : vector<32xbf16> -> vector<16xf32>
            %add3A_479 = arith.addf %add3A_464, %unpack3A_477 : vector<16xf32>
            %add3A_480 = arith.addf %add3A_479, %unpack3A_478 : vector<16xf32>
            %mul3A_481 = arith.constant 4 : i32
            %mul3A_482 = arith.muli %scan3A_328, %mul3A_481 : i32
            %add3A_483 = arith.constant 1 : i32
            %add3A_484 = arith.addi %mul3A_482, %add3A_483 : i32
            %mul3A_485 = arith.constant 16 : i32
            %mul3A_486 = arith.muli %add3A_484, %mul3A_485 : i32
            %swap3A_487 = arith.index_cast %mul3A_486 : i32 to index
            %swap3A_488 = tpu.vector_load %arg15[%swap3A_487] {strides = array<i32>} : memref<256xf32, #tpu.memory_space<vmem>>, vector<16xf32>,
            tpu.vector_store %arg15[%swap3A_487], %add3A_480 {strides = array<i32>} : memref<256xf32, #tpu.memory_space<vmem>>, vector<16xf32>,
            %mul3A_489 = arith.constant 16 : i32
            %mul3A_490 = arith.muli %scan3A_233, %mul3A_489 : i32
            %mul3A_491 = arith.constant 4 : i32
            %mul3A_492 = arith.muli %scan3A_328, %mul3A_491 : i32
            %add3A_493 = arith.addi %mul3A_490, %mul3A_492 : i32
            %add3A_494 = arith.constant 2 : i32
            %add3A_495 = arith.addi %add3A_493, %add3A_494 : i32
            %broadcast_in_dim3A_496 = arith.constant 0.000000e+00 : f32
            %broadcast_in_dim3A_497 = vector.broadcast %broadcast_in_dim3A_496 : f32 to vector<16xf32>
            %get3A_498 = arith.index_cast %add3A_495 : i32 to index
            %get3A_499 = arith.constant 0 : index
            %get3A_500 = tpu.vector_load %arg18[%get3A_498, %get3A_499] {strides = array<i32>} : memref<64x128xbf16, #tpu.memory_space<vmem>>, vector<32xbf16>,
            %get3A_501 = arith.index_cast %add3A_495 : i32 to index
            %get3A_502 = arith.constant 0 : index
            %get3A_503 = tpu.vector_load %arg20[%get3A_501, %get3A_502] {strides = array<i32>} : memref<64x128xbf16, #tpu.memory_space<vmem>>, vector<32xbf16>,
            %add3A_504 = arith.addf %get3A_500, %get3A_503 : vector<32xbf16>
            %mul3A_505 = arith.constant 2.001950e-01 : bf16
            %mul3A_506 = vector.broadcast %mul3A_505 : bf16 to vector<32xbf16>
            %mul3A_507 = arith.mulf %mul3A_506, %add3A_504 : vector<32xbf16>
            %max3A_508 = arith.maximumf %add3A_504, %mul3A_507 : vector<32xbf16>
            %mul3A_509 = arith.mulf %get3A_9, %max3A_508 : vector<32xbf16>
            %unpack3A_510 = tpu.unpack_subelements %mul3A_509, 0 {pack_format = #tpu.pack_format<interleaved>} : vector<32xbf16> -> vector<16xf32>
            %unpack3A_511 = tpu.unpack_subelements %mul3A_509, 1 {pack_format = #tpu.pack_format<interleaved>} : vector<32xbf16> -> vector<16xf32>
            %add3A_512 = arith.addf %broadcast_in_dim3A_497, %unpack3A_510 : vector<16xf32>
            %add3A_513 = arith.addf %add3A_512, %unpack3A_511 : vector<16xf32>
            %get3A_514 = arith.index_cast %add3A_495 : i32 to index
            %get3A_515 = arith.constant 32 : index
            %get3A_516 = tpu.vector_load %arg18[%get3A_514, %get3A_515] {strides = array<i32>} : memref<64x128xbf16, #tpu.memory_space<vmem>>, vector<32xbf16>,
            %get3A_517 = arith.index_cast %add3A_495 : i32 to index
            %get3A_518 = arith.constant 32 : index
            %get3A_519 = tpu.vector_load %arg20[%get3A_517, %get3A_518] {strides = array<i32>} : memref<64x128xbf16, #tpu.memory_space<vmem>>, vector<32xbf16>,
            %add3A_520 = arith.addf %get3A_516, %get3A_519 : vector<32xbf16>
            %mul3A_521 = arith.constant 2.001950e-01 : bf16
            %mul3A_522 = vector.broadcast %mul3A_521 : bf16 to vector<32xbf16>
            %mul3A_523 = arith.mulf %mul3A_522, %add3A_520 : vector<32xbf16>
            %max3A_524 = arith.maximumf %add3A_520, %mul3A_523 : vector<32xbf16>
            %mul3A_525 = arith.mulf %get3A_11, %max3A_524 : vector<32xbf16>
            %unpack3A_526 = tpu.unpack_subelements %mul3A_525, 0 {pack_format = #tpu.pack_format<interleaved>} : vector<32xbf16> -> vector<16xf32>
            %unpack3A_527 = tpu.unpack_subelements %mul3A_525, 1 {pack_format = #tpu.pack_format<interleaved>} : vector<32xbf16> -> vector<16xf32>
            %add3A_528 = arith.addf %add3A_513, %unpack3A_526 : vector<16xf32>
            %add3A_529 = arith.addf %add3A_528, %unpack3A_527 : vector<16xf32>
            %get3A_530 = arith.index_cast %add3A_495 : i32 to index
            %get3A_531 = arith.constant 64 : index
            %get3A_532 = tpu.vector_load %arg18[%get3A_530, %get3A_531] {strides = array<i32>} : memref<64x128xbf16, #tpu.memory_space<vmem>>, vector<32xbf16>,
            %get3A_533 = arith.index_cast %add3A_495 : i32 to index
            %get3A_534 = arith.constant 64 : index
            %get3A_535 = tpu.vector_load %arg20[%get3A_533, %get3A_534] {strides = array<i32>} : memref<64x128xbf16, #tpu.memory_space<vmem>>, vector<32xbf16>,
            %add3A_536 = arith.addf %get3A_532, %get3A_535 : vector<32xbf16>
            %mul3A_537 = arith.constant 2.001950e-01 : bf16
            %mul3A_538 = vector.broadcast %mul3A_537 : bf16 to vector<32xbf16>
            %mul3A_539 = arith.mulf %mul3A_538, %add3A_536 : vector<32xbf16>
            %max3A_540 = arith.maximumf %add3A_536, %mul3A_539 : vector<32xbf16>
            %mul3A_541 = arith.mulf %get3A_13, %max3A_540 : vector<32xbf16>
            %unpack3A_542 = tpu.unpack_subelements %mul3A_541, 0 {pack_format = #tpu.pack_format<interleaved>} : vector<32xbf16> -> vector<16xf32>
            %unpack3A_543 = tpu.unpack_subelements %mul3A_541, 1 {pack_format = #tpu.pack_format<interleaved>} : vector<32xbf16> -> vector<16xf32>
            %add3A_544 = arith.addf %add3A_529, %unpack3A_542 : vector<16xf32>
            %add3A_545 = arith.addf %add3A_544, %unpack3A_543 : vector<16xf32>
            %get3A_546 = arith.index_cast %add3A_495 : i32 to index
            %get3A_547 = arith.constant 96 : index
            %get3A_548 = tpu.vector_load %arg18[%get3A_546, %get3A_547] {strides = array<i32>} : memref<64x128xbf16, #tpu.memory_space<vmem>>, vector<32xbf16>,
            %get3A_549 = arith.index_cast %add3A_495 : i32 to index
            %get3A_550 = arith.constant 96 : index
            %get3A_551 = tpu.vector_load %arg20[%get3A_549, %get3A_550] {strides = array<i32>} : memref<64x128xbf16, #tpu.memory_space<vmem>>, vector<32xbf16>,
            %add3A_552 = arith.addf %get3A_548, %get3A_551 : vector<32xbf16>
            %mul3A_553 = arith.constant 2.001950e-01 : bf16
            %mul3A_554 = vector.broadcast %mul3A_553 : bf16 to vector<32xbf16>
            %mul3A_555 = arith.mulf %mul3A_554, %add3A_552 : vector<32xbf16>
            %max3A_556 = arith.maximumf %add3A_552, %mul3A_555 : vector<32xbf16>
            %mul3A_557 = arith.mulf %get3A_15, %max3A_556 : vector<32xbf16>
            %unpack3A_558 = tpu.unpack_subelements %mul3A_557, 0 {pack_format = #tpu.pack_format<interleaved>} : vector<32xbf16> -> vector<16xf32>
            %unpack3A_559 = tpu.unpack_subelements %mul3A_557, 1 {pack_format = #tpu.pack_format<interleaved>} : vector<32xbf16> -> vector<16xf32>
            %add3A_560 = arith.addf %add3A_545, %unpack3A_558 : vector<16xf32>
            %add3A_561 = arith.addf %add3A_560, %unpack3A_559 : vector<16xf32>
            %mul3A_562 = arith.constant 4 : i32
            %mul3A_563 = arith.muli %scan3A_328, %mul3A_562 : i32
            %add3A_564 = arith.constant 2 : i32
            %add3A_565 = arith.addi %mul3A_563, %add3A_564 : i32
            %mul3A_566 = arith.constant 16 : i32
            %mul3A_567 = arith.muli %add3A_565, %mul3A_566 : i32
            %swap3A_568 = arith.index_cast %mul3A_567 : i32 to index
            %swap3A_569 = tpu.vector_load %arg15[%swap3A_568] {strides = array<i32>} : memref<256xf32, #tpu.memory_space<vmem>>, vector<16xf32>,
            tpu.vector_store %arg15[%swap3A_568], %add3A_561 {strides = array<i32>} : memref<256xf32, #tpu.memory_space<vmem>>, vector<16xf32>,
            %mul3A_570 = arith.constant 16 : i32
            %mul3A_571 = arith.muli %scan3A_233, %mul3A_570 : i32
            %mul3A_572 = arith.constant 4 : i32
            %mul3A_573 = arith.muli %scan3A_328, %mul3A_572 : i32
            %add3A_574 = arith.addi %mul3A_571, %mul3A_573 : i32
            %add3A_575 = arith.constant 3 : i32
            %add3A_576 = arith.addi %add3A_574, %add3A_575 : i32
            %broadcast_in_dim3A_577 = arith.constant 0.000000e+00 : f32
            %broadcast_in_dim3A_578 = vector.broadcast %broadcast_in_dim3A_577 : f32 to vector<16xf32>
            %get3A_579 = arith.index_cast %add3A_576 : i32 to index
            %get3A_580 = arith.constant 0 : index
            %get3A_581 = tpu.vector_load %arg18[%get3A_579, %get3A_580] {strides = array<i32>} : memref<64x128xbf16, #tpu.memory_space<vmem>>, vector<32xbf16>,
            %get3A_582 = arith.index_cast %add3A_576 : i32 to index
            %get3A_583 = arith.constant 0 : index
            %get3A_584 = tpu.vector_load %arg20[%get3A_582, %get3A_583] {strides = array<i32>} : memref<64x128xbf16, #tpu.memory_space<vmem>>, vector<32xbf16>,
            %add3A_585 = arith.addf %get3A_581, %get3A_584 : vector<32xbf16>
            %mul3A_586 = arith.constant 2.001950e-01 : bf16
            %mul3A_587 = vector.broadcast %mul3A_586 : bf16 to vector<32xbf16>
            %mul3A_588 = arith.mulf %mul3A_587, %add3A_585 : vector<32xbf16>
            %max3A_589 = arith.maximumf %add3A_585, %mul3A_588 : vector<32xbf16>
            %mul3A_590 = arith.mulf %get3A_9, %max3A_589 : vector<32xbf16>
            %unpack3A_591 = tpu.unpack_subelements %mul3A_590, 0 {pack_format = #tpu.pack_format<interleaved>} : vector<32xbf16> -> vector<16xf32>
            %unpack3A_592 = tpu.unpack_subelements %mul3A_590, 1 {pack_format = #tpu.pack_format<interleaved>} : vector<32xbf16> -> vector<16xf32>
            %add3A_593 = arith.addf %broadcast_in_dim3A_578, %unpack3A_591 : vector<16xf32>
            %add3A_594 = arith.addf %add3A_593, %unpack3A_592 : vector<16xf32>
            %get3A_595 = arith.index_cast %add3A_576 : i32 to index
            %get3A_596 = arith.constant 32 : index
            %get3A_597 = tpu.vector_load %arg18[%get3A_595, %get3A_596] {strides = array<i32>} : memref<64x128xbf16, #tpu.memory_space<vmem>>, vector<32xbf16>,
            %get3A_598 = arith.index_cast %add3A_576 : i32 to index
            %get3A_599 = arith.constant 32 : index
            %get3A_600 = tpu.vector_load %arg20[%get3A_598, %get3A_599] {strides = array<i32>} : memref<64x128xbf16, #tpu.memory_space<vmem>>, vector<32xbf16>,
            %add3A_601 = arith.addf %get3A_597, %get3A_600 : vector<32xbf16>
            %mul3A_602 = arith.constant 2.001950e-01 : bf16
            %mul3A_603 = vector.broadcast %mul3A_602 : bf16 to vector<32xbf16>
            %mul3A_604 = arith.mulf %mul3A_603, %add3A_601 : vector<32xbf16>
            %max3A_605 = arith.maximumf %add3A_601, %mul3A_604 : vector<32xbf16>
            %mul3A_606 = arith.mulf %get3A_11, %max3A_605 : vector<32xbf16>
            %unpack3A_607 = tpu.unpack_subelements %mul3A_606, 0 {pack_format = #tpu.pack_format<interleaved>} : vector<32xbf16> -> vector<16xf32>
            %unpack3A_608 = tpu.unpack_subelements %mul3A_606, 1 {pack_format = #tpu.pack_format<interleaved>} : vector<32xbf16> -> vector<16xf32>
            %add3A_609 = arith.addf %add3A_594, %unpack3A_607 : vector<16xf32>
            %add3A_610 = arith.addf %add3A_609, %unpack3A_608 : vector<16xf32>
            %get3A_611 = arith.index_cast %add3A_576 : i32 to index
            %get3A_612 = arith.constant 64 : index
            %get3A_613 = tpu.vector_load %arg18[%get3A_611, %get3A_612] {strides = array<i32>} : memref<64x128xbf16, #tpu.memory_space<vmem>>, vector<32xbf16>,
            %get3A_614 = arith.index_cast %add3A_576 : i32 to index
            %get3A_615 = arith.constant 64 : index
            %get3A_616 = tpu.vector_load %arg20[%get3A_614, %get3A_615] {strides = array<i32>} : memref<64x128xbf16, #tpu.memory_space<vmem>>, vector<32xbf16>,
            %add3A_617 = arith.addf %get3A_613, %get3A_616 : vector<32xbf16>
            %mul3A_618 = arith.constant 2.001950e-01 : bf16
            %mul3A_619 = vector.broadcast %mul3A_618 : bf16 to vector<32xbf16>
            %mul3A_620 = arith.mulf %mul3A_619, %add3A_617 : vector<32xbf16>
            %max3A_621 = arith.maximumf %add3A_617, %mul3A_620 : vector<32xbf16>
            %mul3A_622 = arith.mulf %get3A_13, %max3A_621 : vector<32xbf16>
            %unpack3A_623 = tpu.unpack_subelements %mul3A_622, 0 {pack_format = #tpu.pack_format<interleaved>} : vector<32xbf16> -> vector<16xf32>
            %unpack3A_624 = tpu.unpack_subelements %mul3A_622, 1 {pack_format = #tpu.pack_format<interleaved>} : vector<32xbf16> -> vector<16xf32>
            %add3A_625 = arith.addf %add3A_610, %unpack3A_623 : vector<16xf32>
            %add3A_626 = arith.addf %add3A_625, %unpack3A_624 : vector<16xf32>
            %get3A_627 = arith.index_cast %add3A_576 : i32 to index
            %get3A_628 = arith.constant 96 : index
            %get3A_629 = tpu.vector_load %arg18[%get3A_627, %get3A_628] {strides = array<i32>} : memref<64x128xbf16, #tpu.memory_space<vmem>>, vector<32xbf16>,
            %get3A_630 = arith.index_cast %add3A_576 : i32 to index
            %get3A_631 = arith.constant 96 : index
            %get3A_632 = tpu.vector_load %arg20[%get3A_630, %get3A_631] {strides = array<i32>} : memref<64x128xbf16, #tpu.memory_space<vmem>>, vector<32xbf16>,
            %add3A_633 = arith.addf %get3A_629, %get3A_632 : vector<32xbf16>
            %mul3A_634 = arith.constant 2.001950e-01 : bf16
            %mul3A_635 = vector.broadcast %mul3A_634 : bf16 to vector<32xbf16>
            %mul3A_636 = arith.mulf %mul3A_635, %add3A_633 : vector<32xbf16>
            %max3A_637 = arith.maximumf %add3A_633, %mul3A_636 : vector<32xbf16>
            %mul3A_638 = arith.mulf %get3A_15, %max3A_637 : vector<32xbf16>
            %unpack3A_639 = tpu.unpack_subelements %mul3A_638, 0 {pack_format = #tpu.pack_format<interleaved>} : vector<32xbf16> -> vector<16xf32>
            %unpack3A_640 = tpu.unpack_subelements %mul3A_638, 1 {pack_format = #tpu.pack_format<interleaved>} : vector<32xbf16> -> vector<16xf32>
            %add3A_641 = arith.addf %add3A_626, %unpack3A_639 : vector<16xf32>
            %add3A_642 = arith.addf %add3A_641, %unpack3A_640 : vector<16xf32>
            %mul3A_643 = arith.constant 4 : i32
            %mul3A_644 = arith.muli %scan3A_328, %mul3A_643 : i32
            %add3A_645 = arith.constant 3 : i32
            %add3A_646 = arith.addi %mul3A_644, %add3A_645 : i32
            %mul3A_647 = arith.constant 16 : i32
            %mul3A_648 = arith.muli %add3A_646, %mul3A_647 : i32
            %swap3A_649 = arith.index_cast %mul3A_648 : i32 to index
            %swap3A_650 = tpu.vector_load %arg15[%swap3A_649] {strides = array<i32>} : memref<256xf32, #tpu.memory_space<vmem>>, vector<16xf32>,
            tpu.vector_store %arg15[%swap3A_649], %add3A_642 {strides = array<i32>} : memref<256xf32, #tpu.memory_space<vmem>>, vector<16xf32>,
          }
          %scan3A_239 = arith.constant 4 : i32
          %broadcast_in_dim3A_240 = arith.constant 0.000000e+00 : f32
          %broadcast_in_dim3A_241 = vector.broadcast %broadcast_in_dim3A_240 : f32 to vector<16xf32>
          %mul3A_242 = arith.constant 16 : i32
          %mul3A_243 = vector.broadcast %mul3A_242 : i32 to vector<16xi32>
          %mul3A_244 = arith.muli %iota3A, %mul3A_243 : vector<16xi32>
          %add3A_245 = arith.constant 0 : i32
          %add3A_246 = vector.broadcast %add3A_245 : i32 to vector<16xi32>
          %add3A_247 = arith.addi %mul3A_244, %add3A_246 : vector<16xi32>
          %gather3A = tpu.vector_load_idx %arg15[%add3A_247] : memref<256xf32, #tpu.memory_space<vmem>>[vector<16xi32>], vector<16xf32>,
          %add3A_248 = arith.addf %broadcast_in_dim3A_241, %gather3A : vector<16xf32>
          %add3A_249 = arith.constant 1 : i32
          %add3A_250 = vector.broadcast %add3A_249 : i32 to vector<16xi32>
          %add3A_251 = arith.addi %mul3A_244, %add3A_250 : vector<16xi32>
          %gather3A_252 = tpu.vector_load_idx %arg15[%add3A_251] : memref<256xf32, #tpu.memory_space<vmem>>[vector<16xi32>], vector<16xf32>,
          %add3A_253 = arith.addf %add3A_248, %gather3A_252 : vector<16xf32>
          %add3A_254 = arith.constant 2 : i32
          %add3A_255 = vector.broadcast %add3A_254 : i32 to vector<16xi32>
          %add3A_256 = arith.addi %mul3A_244, %add3A_255 : vector<16xi32>
          %gather3A_257 = tpu.vector_load_idx %arg15[%add3A_256] : memref<256xf32, #tpu.memory_space<vmem>>[vector<16xi32>], vector<16xf32>,
          %add3A_258 = arith.addf %add3A_253, %gather3A_257 : vector<16xf32>
          %add3A_259 = arith.constant 3 : i32
          %add3A_260 = vector.broadcast %add3A_259 : i32 to vector<16xi32>
          %add3A_261 = arith.addi %mul3A_244, %add3A_260 : vector<16xi32>
          %gather3A_262 = tpu.vector_load_idx %arg15[%add3A_261] : memref<256xf32, #tpu.memory_space<vmem>>[vector<16xi32>], vector<16xf32>,
          %add3A_263 = arith.addf %add3A_258, %gather3A_262 : vector<16xf32>
          %add3A_264 = arith.constant 4 : i32
          %add3A_265 = vector.broadcast %add3A_264 : i32 to vector<16xi32>
          %add3A_266 = arith.addi %mul3A_244, %add3A_265 : vector<16xi32>
          %gather3A_267 = tpu.vector_load_idx %arg15[%add3A_266] : memref<256xf32, #tpu.memory_space<vmem>>[vector<16xi32>], vector<16xf32>,
          %add3A_268 = arith.addf %add3A_263, %gather3A_267 : vector<16xf32>
          %add3A_269 = arith.constant 5 : i32
          %add3A_270 = vector.broadcast %add3A_269 : i32 to vector<16xi32>
          %add3A_271 = arith.addi %mul3A_244, %add3A_270 : vector<16xi32>
          %gather3A_272 = tpu.vector_load_idx %arg15[%add3A_271] : memref<256xf32, #tpu.memory_space<vmem>>[vector<16xi32>], vector<16xf32>,
          %add3A_273 = arith.addf %add3A_268, %gather3A_272 : vector<16xf32>
          %add3A_274 = arith.constant 6 : i32
          %add3A_275 = vector.broadcast %add3A_274 : i32 to vector<16xi32>
          %add3A_276 = arith.addi %mul3A_244, %add3A_275 : vector<16xi32>
          %gather3A_277 = tpu.vector_load_idx %arg15[%add3A_276] : memref<256xf32, #tpu.memory_space<vmem>>[vector<16xi32>], vector<16xf32>,
          %add3A_278 = arith.addf %add3A_273, %gather3A_277 : vector<16xf32>
          %add3A_279 = arith.constant 7 : i32
          %add3A_280 = vector.broadcast %add3A_279 : i32 to vector<16xi32>
          %add3A_281 = arith.addi %mul3A_244, %add3A_280 : vector<16xi32>
          %gather3A_282 = tpu.vector_load_idx %arg15[%add3A_281] : memref<256xf32, #tpu.memory_space<vmem>>[vector<16xi32>], vector<16xf32>,
          %add3A_283 = arith.addf %add3A_278, %gather3A_282 : vector<16xf32>
          %add3A_284 = arith.constant 8 : i32
          %add3A_285 = vector.broadcast %add3A_284 : i32 to vector<16xi32>
          %add3A_286 = arith.addi %mul3A_244, %add3A_285 : vector<16xi32>
          %gather3A_287 = tpu.vector_load_idx %arg15[%add3A_286] : memref<256xf32, #tpu.memory_space<vmem>>[vector<16xi32>], vector<16xf32>,
          %add3A_288 = arith.addf %add3A_283, %gather3A_287 : vector<16xf32>
          %add3A_289 = arith.constant 9 : i32
          %add3A_290 = vector.broadcast %add3A_289 : i32 to vector<16xi32>
          %add3A_291 = arith.addi %mul3A_244, %add3A_290 : vector<16xi32>
          %gather3A_292 = tpu.vector_load_idx %arg15[%add3A_291] : memref<256xf32, #tpu.memory_space<vmem>>[vector<16xi32>], vector<16xf32>,
          %add3A_293 = arith.addf %add3A_288, %gather3A_292 : vector<16xf32>
          %add3A_294 = arith.constant 10 : i32
          %add3A_295 = vector.broadcast %add3A_294 : i32 to vector<16xi32>
          %add3A_296 = arith.addi %mul3A_244, %add3A_295 : vector<16xi32>
          %gather3A_297 = tpu.vector_load_idx %arg15[%add3A_296] : memref<256xf32, #tpu.memory_space<vmem>>[vector<16xi32>], vector<16xf32>,
          %add3A_298 = arith.addf %add3A_293, %gather3A_297 : vector<16xf32>
          %add3A_299 = arith.constant 11 : i32
          %add3A_300 = vector.broadcast %add3A_299 : i32 to vector<16xi32>
          %add3A_301 = arith.addi %mul3A_244, %add3A_300 : vector<16xi32>
          %gather3A_302 = tpu.vector_load_idx %arg15[%add3A_301] : memref<256xf32, #tpu.memory_space<vmem>>[vector<16xi32>], vector<16xf32>,
          %add3A_303 = arith.addf %add3A_298, %gather3A_302 : vector<16xf32>
          %add3A_304 = arith.constant 12 : i32
          %add3A_305 = vector.broadcast %add3A_304 : i32 to vector<16xi32>
          %add3A_306 = arith.addi %mul3A_244, %add3A_305 : vector<16xi32>
          %gather3A_307 = tpu.vector_load_idx %arg15[%add3A_306] : memref<256xf32, #tpu.memory_space<vmem>>[vector<16xi32>], vector<16xf32>,
          %add3A_308 = arith.addf %add3A_303, %gather3A_307 : vector<16xf32>
          %add3A_309 = arith.constant 13 : i32
          %add3A_310 = vector.broadcast %add3A_309 : i32 to vector<16xi32>
          %add3A_311 = arith.addi %mul3A_244, %add3A_310 : vector<16xi32>
          %gather3A_312 = tpu.vector_load_idx %arg15[%add3A_311] : memref<256xf32, #tpu.memory_space<vmem>>[vector<16xi32>], vector<16xf32>,
          %add3A_313 = arith.addf %add3A_308, %gather3A_312 : vector<16xf32>
          %add3A_314 = arith.constant 14 : i32
          %add3A_315 = vector.broadcast %add3A_314 : i32 to vector<16xi32>
          %add3A_316 = arith.addi %mul3A_244, %add3A_315 : vector<16xi32>
          %gather3A_317 = tpu.vector_load_idx %arg15[%add3A_316] : memref<256xf32, #tpu.memory_space<vmem>>[vector<16xi32>], vector<16xf32>,
          %add3A_318 = arith.addf %add3A_313, %gather3A_317 : vector<16xf32>
          %add3A_319 = arith.constant 15 : i32
          %add3A_320 = vector.broadcast %add3A_319 : i32 to vector<16xi32>
          %add3A_321 = arith.addi %mul3A_244, %add3A_320 : vector<16xi32>
          %gather3A_322 = tpu.vector_load_idx %arg15[%add3A_321] : memref<256xf32, #tpu.memory_space<vmem>>[vector<16xi32>], vector<16xf32>,
          %add3A_323 = arith.addf %add3A_318, %gather3A_322 : vector<16xf32>
          %sub3A_324 = arith.subf %add3A_323, %get3A_17 : vector<16xf32>
          %exp3A = math.exp %sub3A_324 : vector<16xf32>
          %mul3A_325 = arith.constant 16 : i32
          %mul3A_326 = arith.muli %scan3A_233, %mul3A_325 : i32
          %swap3A = arith.index_cast %mul3A_326 : i32 to index
          %swap3A_327 = tpu.vector_load %arg14[%swap3A] {strides = array<i32>} : memref<64xf32, #tpu.memory_space<vmem>>, vector<16xf32>,
          tpu.vector_store %arg14[%swap3A], %exp3A {strides = array<i32>} : memref<64xf32, #tpu.memory_space<vmem>>, vector<16xf32>,
        }
        %scan3A_223 = arith.constant 4 : i32
        %scan3A_224 = arith.constant 0 : i32
        %scan3A_225 = arith.constant 0 : i32
        %scan3A_226 = arith.constant 16 : i32
        %scan3A_227 = arith.addi %scan3A_225, %scan3A_226 : i32
        %scan3A_228 = arith.constant 1 : i32
        scf.for %scan3A_233 = %scan3A_225 to %scan3A_227 step %scan3A_228  : i32 {
          %mul3A_234 = arith.constant 4 : i32
          %mul3A_235 = arith.muli %scan3A_233, %mul3A_234 : i32
          %add3A_236 = arith.constant 0 : i32
          %add3A_237 = arith.addi %mul3A_235, %add3A_236 : i32
          %broadcast_in_dim3A_238 = vector.broadcast %add3A_237 : i32 to vector<16xi32>
          %gather3A = tpu.vector_load_idx %arg14[%broadcast_in_dim3A_238] : memref<64xf32, #tpu.memory_space<vmem>>[vector<16xi32>], vector<16xf32>,
          %get3A_239 = arith.index_cast %add3A_237 : i32 to index
          %get3A_240 = arith.constant 0 : index
          %get3A_241 = tpu.vector_load %arg18[%get3A_239, %get3A_240] {strides = array<i32>} : memref<64x128xbf16, #tpu.memory_space<vmem>>, vector<32xbf16>,
          %unpack3A = tpu.unpack_subelements %get3A_241, 0 {pack_format = #tpu.pack_format<interleaved>} : vector<32xbf16> -> vector<16xf32>
          %unpack3A_242 = tpu.unpack_subelements %get3A_241, 1 {pack_format = #tpu.pack_format<interleaved>} : vector<32xbf16> -> vector<16xf32>
          %mul3A_243 = arith.mulf %unpack3A, %gather3A : vector<16xf32>
          %swap3A = arith.index_cast %add3A_237 : i32 to index
          %swap3A_244 = arith.constant 0 : index
          %swap3A_245 = tpu.vector_load %arg22[%swap3A, %swap3A_244] {strides = array<i32>} : memref<64x144xf32, #tpu.memory_space<vmem>>, vector<16xf32>,
          tpu.vector_store %arg22[%swap3A, %swap3A_244], %mul3A_243 {strides = array<i32>} : memref<64x144xf32, #tpu.memory_space<vmem>>, vector<16xf32>,
          %mul3A_246 = arith.mulf %unpack3A_242, %gather3A : vector<16xf32>
          %swap3A_247 = arith.index_cast %add3A_237 : i32 to index
          %swap3A_248 = arith.constant 16 : index
          %swap3A_249 = tpu.vector_load %arg22[%swap3A_247, %swap3A_248] {strides = array<i32>} : memref<64x144xf32, #tpu.memory_space<vmem>>, vector<16xf32>,
          tpu.vector_store %arg22[%swap3A_247, %swap3A_248], %mul3A_246 {strides = array<i32>} : memref<64x144xf32, #tpu.memory_space<vmem>>, vector<16xf32>,
          %get3A_250 = arith.index_cast %add3A_237 : i32 to index
          %get3A_251 = arith.constant 32 : index
          %get3A_252 = tpu.vector_load %arg18[%get3A_250, %get3A_251] {strides = array<i32>} : memref<64x128xbf16, #tpu.memory_space<vmem>>, vector<32xbf16>,
          %unpack3A_253 = tpu.unpack_subelements %get3A_252, 0 {pack_format = #tpu.pack_format<interleaved>} : vector<32xbf16> -> vector<16xf32>
          %unpack3A_254 = tpu.unpack_subelements %get3A_252, 1 {pack_format = #tpu.pack_format<interleaved>} : vector<32xbf16> -> vector<16xf32>
          %mul3A_255 = arith.mulf %unpack3A_253, %gather3A : vector<16xf32>
          %swap3A_256 = arith.index_cast %add3A_237 : i32 to index
          %swap3A_257 = arith.constant 32 : index
          %swap3A_258 = tpu.vector_load %arg22[%swap3A_256, %swap3A_257] {strides = array<i32>} : memref<64x144xf32, #tpu.memory_space<vmem>>, vector<16xf32>,
          tpu.vector_store %arg22[%swap3A_256, %swap3A_257], %mul3A_255 {strides = array<i32>} : memref<64x144xf32, #tpu.memory_space<vmem>>, vector<16xf32>,
          %mul3A_259 = arith.mulf %unpack3A_254, %gather3A : vector<16xf32>
          %swap3A_260 = arith.index_cast %add3A_237 : i32 to index
          %swap3A_261 = arith.constant 48 : index
          %swap3A_262 = tpu.vector_load %arg22[%swap3A_260, %swap3A_261] {strides = array<i32>} : memref<64x144xf32, #tpu.memory_space<vmem>>, vector<16xf32>,
          tpu.vector_store %arg22[%swap3A_260, %swap3A_261], %mul3A_259 {strides = array<i32>} : memref<64x144xf32, #tpu.memory_space<vmem>>, vector<16xf32>,
          %get3A_263 = arith.index_cast %add3A_237 : i32 to index
          %get3A_264 = arith.constant 64 : index
          %get3A_265 = tpu.vector_load %arg18[%get3A_263, %get3A_264] {strides = array<i32>} : memref<64x128xbf16, #tpu.memory_space<vmem>>, vector<32xbf16>,
          %unpack3A_266 = tpu.unpack_subelements %get3A_265, 0 {pack_format = #tpu.pack_format<interleaved>} : vector<32xbf16> -> vector<16xf32>
          %unpack3A_267 = tpu.unpack_subelements %get3A_265, 1 {pack_format = #tpu.pack_format<interleaved>} : vector<32xbf16> -> vector<16xf32>
          %mul3A_268 = arith.mulf %unpack3A_266, %gather3A : vector<16xf32>
          %swap3A_269 = arith.index_cast %add3A_237 : i32 to index
          %swap3A_270 = arith.constant 64 : index
          %swap3A_271 = tpu.vector_load %arg22[%swap3A_269, %swap3A_270] {strides = array<i32>} : memref<64x144xf32, #tpu.memory_space<vmem>>, vector<16xf32>,
          tpu.vector_store %arg22[%swap3A_269, %swap3A_270], %mul3A_268 {strides = array<i32>} : memref<64x144xf32, #tpu.memory_space<vmem>>, vector<16xf32>,
          %mul3A_272 = arith.mulf %unpack3A_267, %gather3A : vector<16xf32>
          %swap3A_273 = arith.index_cast %add3A_237 : i32 to index
          %swap3A_274 = arith.constant 80 : index
          %swap3A_275 = tpu.vector_load %arg22[%swap3A_273, %swap3A_274] {strides = array<i32>} : memref<64x144xf32, #tpu.memory_space<vmem>>, vector<16xf32>,
          tpu.vector_store %arg22[%swap3A_273, %swap3A_274], %mul3A_272 {strides = array<i32>} : memref<64x144xf32, #tpu.memory_space<vmem>>, vector<16xf32>,
          %get3A_276 = arith.index_cast %add3A_237 : i32 to index
          %get3A_277 = arith.constant 96 : index
          %get3A_278 = tpu.vector_load %arg18[%get3A_276, %get3A_277] {strides = array<i32>} : memref<64x128xbf16, #tpu.memory_space<vmem>>, vector<32xbf16>,
          %unpack3A_279 = tpu.unpack_subelements %get3A_278, 0 {pack_format = #tpu.pack_format<interleaved>} : vector<32xbf16> -> vector<16xf32>
          %unpack3A_280 = tpu.unpack_subelements %get3A_278, 1 {pack_format = #tpu.pack_format<interleaved>} : vector<32xbf16> -> vector<16xf32>
          %mul3A_281 = arith.mulf %unpack3A_279, %gather3A : vector<16xf32>
          %swap3A_282 = arith.index_cast %add3A_237 : i32 to index
          %swap3A_283 = arith.constant 96 : index
          %swap3A_284 = tpu.vector_load %arg22[%swap3A_282, %swap3A_283] {strides = array<i32>} : memref<64x144xf32, #tpu.memory_space<vmem>>, vector<16xf32>,
          tpu.vector_store %arg22[%swap3A_282, %swap3A_283], %mul3A_281 {strides = array<i32>} : memref<64x144xf32, #tpu.memory_space<vmem>>, vector<16xf32>,
          %mul3A_285 = arith.mulf %unpack3A_280, %gather3A : vector<16xf32>
          %swap3A_286 = arith.index_cast %add3A_237 : i32 to index
          %swap3A_287 = arith.constant 112 : index
          %swap3A_288 = tpu.vector_load %arg22[%swap3A_286, %swap3A_287] {strides = array<i32>} : memref<64x144xf32, #tpu.memory_space<vmem>>, vector<16xf32>,
          tpu.vector_store %arg22[%swap3A_286, %swap3A_287], %mul3A_285 {strides = array<i32>} : memref<64x144xf32, #tpu.memory_space<vmem>>, vector<16xf32>,
          %mul3A_289 = arith.mulf %select_n3A_24, %gather3A : vector<16xf32>
          %swap3A_290 = arith.index_cast %add3A_237 : i32 to index
          %swap3A_291 = arith.constant 128 : index
          %swap3A_292 = tpu.vector_load %arg22[%swap3A_290, %swap3A_291] {strides = array<i32>} : memref<64x144xf32, #tpu.memory_space<vmem>>, vector<16xf32>,
          tpu.vector_store %arg22[%swap3A_290, %swap3A_291], %mul3A_289 {strides = array<i32>} : memref<64x144xf32, #tpu.memory_space<vmem>>, vector<16xf32>,
          %mul3A_293 = arith.constant 4 : i32
          %mul3A_294 = arith.muli %scan3A_233, %mul3A_293 : i32
          %add3A_295 = arith.constant 1 : i32
          %add3A_296 = arith.addi %mul3A_294, %add3A_295 : i32
          %broadcast_in_dim3A_297 = vector.broadcast %add3A_296 : i32 to vector<16xi32>
          %gather3A_298 = tpu.vector_load_idx %arg14[%broadcast_in_dim3A_297] : memref<64xf32, #tpu.memory_space<vmem>>[vector<16xi32>], vector<16xf32>,
          %get3A_299 = arith.index_cast %add3A_296 : i32 to index
          %get3A_300 = arith.constant 0 : index
          %get3A_301 = tpu.vector_load %arg18[%get3A_299, %get3A_300] {strides = array<i32>} : memref<64x128xbf16, #tpu.memory_space<vmem>>, vector<32xbf16>,
          %unpack3A_302 = tpu.unpack_subelements %get3A_301, 0 {pack_format = #tpu.pack_format<interleaved>} : vector<32xbf16> -> vector<16xf32>
          %unpack3A_303 = tpu.unpack_subelements %get3A_301, 1 {pack_format = #tpu.pack_format<interleaved>} : vector<32xbf16> -> vector<16xf32>
          %mul3A_304 = arith.mulf %unpack3A_302, %gather3A_298 : vector<16xf32>
          %swap3A_305 = arith.index_cast %add3A_296 : i32 to index
          %swap3A_306 = arith.constant 0 : index
          %swap3A_307 = tpu.vector_load %arg22[%swap3A_305, %swap3A_306] {strides = array<i32>} : memref<64x144xf32, #tpu.memory_space<vmem>>, vector<16xf32>,
          tpu.vector_store %arg22[%swap3A_305, %swap3A_306], %mul3A_304 {strides = array<i32>} : memref<64x144xf32, #tpu.memory_space<vmem>>, vector<16xf32>,
          %mul3A_308 = arith.mulf %unpack3A_303, %gather3A_298 : vector<16xf32>
          %swap3A_309 = arith.index_cast %add3A_296 : i32 to index
          %swap3A_310 = arith.constant 16 : index
          %swap3A_311 = tpu.vector_load %arg22[%swap3A_309, %swap3A_310] {strides = array<i32>} : memref<64x144xf32, #tpu.memory_space<vmem>>, vector<16xf32>,
          tpu.vector_store %arg22[%swap3A_309, %swap3A_310], %mul3A_308 {strides = array<i32>} : memref<64x144xf32, #tpu.memory_space<vmem>>, vector<16xf32>,
          %get3A_312 = arith.index_cast %add3A_296 : i32 to index
          %get3A_313 = arith.constant 32 : index
          %get3A_314 = tpu.vector_load %arg18[%get3A_312, %get3A_313] {strides = array<i32>} : memref<64x128xbf16, #tpu.memory_space<vmem>>, vector<32xbf16>,
          %unpack3A_315 = tpu.unpack_subelements %get3A_314, 0 {pack_format = #tpu.pack_format<interleaved>} : vector<32xbf16> -> vector<16xf32>
          %unpack3A_316 = tpu.unpack_subelements %get3A_314, 1 {pack_format = #tpu.pack_format<interleaved>} : vector<32xbf16> -> vector<16xf32>
          %mul3A_317 = arith.mulf %unpack3A_315, %gather3A_298 : vector<16xf32>
          %swap3A_318 = arith.index_cast %add3A_296 : i32 to index
          %swap3A_319 = arith.constant 32 : index
          %swap3A_320 = tpu.vector_load %arg22[%swap3A_318, %swap3A_319] {strides = array<i32>} : memref<64x144xf32, #tpu.memory_space<vmem>>, vector<16xf32>,
          tpu.vector_store %arg22[%swap3A_318, %swap3A_319], %mul3A_317 {strides = array<i32>} : memref<64x144xf32, #tpu.memory_space<vmem>>, vector<16xf32>,
          %mul3A_321 = arith.mulf %unpack3A_316, %gather3A_298 : vector<16xf32>
          %swap3A_322 = arith.index_cast %add3A_296 : i32 to index
          %swap3A_323 = arith.constant 48 : index
          %swap3A_324 = tpu.vector_load %arg22[%swap3A_322, %swap3A_323] {strides = array<i32>} : memref<64x144xf32, #tpu.memory_space<vmem>>, vector<16xf32>,
          tpu.vector_store %arg22[%swap3A_322, %swap3A_323], %mul3A_321 {strides = array<i32>} : memref<64x144xf32, #tpu.memory_space<vmem>>, vector<16xf32>,
          %get3A_325 = arith.index_cast %add3A_296 : i32 to index
          %get3A_326 = arith.constant 64 : index
          %get3A_327 = tpu.vector_load %arg18[%get3A_325, %get3A_326] {strides = array<i32>} : memref<64x128xbf16, #tpu.memory_space<vmem>>, vector<32xbf16>,
          %unpack3A_328 = tpu.unpack_subelements %get3A_327, 0 {pack_format = #tpu.pack_format<interleaved>} : vector<32xbf16> -> vector<16xf32>
          %unpack3A_329 = tpu.unpack_subelements %get3A_327, 1 {pack_format = #tpu.pack_format<interleaved>} : vector<32xbf16> -> vector<16xf32>
          %mul3A_330 = arith.mulf %unpack3A_328, %gather3A_298 : vector<16xf32>
          %swap3A_331 = arith.index_cast %add3A_296 : i32 to index
          %swap3A_332 = arith.constant 64 : index
          %swap3A_333 = tpu.vector_load %arg22[%swap3A_331, %swap3A_332] {strides = array<i32>} : memref<64x144xf32, #tpu.memory_space<vmem>>, vector<16xf32>,
          tpu.vector_store %arg22[%swap3A_331, %swap3A_332], %mul3A_330 {strides = array<i32>} : memref<64x144xf32, #tpu.memory_space<vmem>>, vector<16xf32>,
          %mul3A_334 = arith.mulf %unpack3A_329, %gather3A_298 : vector<16xf32>
          %swap3A_335 = arith.index_cast %add3A_296 : i32 to index
          %swap3A_336 = arith.constant 80 : index
          %swap3A_337 = tpu.vector_load %arg22[%swap3A_335, %swap3A_336] {strides = array<i32>} : memref<64x144xf32, #tpu.memory_space<vmem>>, vector<16xf32>,
          tpu.vector_store %arg22[%swap3A_335, %swap3A_336], %mul3A_334 {strides = array<i32>} : memref<64x144xf32, #tpu.memory_space<vmem>>, vector<16xf32>,
          %get3A_338 = arith.index_cast %add3A_296 : i32 to index
          %get3A_339 = arith.constant 96 : index
          %get3A_340 = tpu.vector_load %arg18[%get3A_338, %get3A_339] {strides = array<i32>} : memref<64x128xbf16, #tpu.memory_space<vmem>>, vector<32xbf16>,
          %unpack3A_341 = tpu.unpack_subelements %get3A_340, 0 {pack_format = #tpu.pack_format<interleaved>} : vector<32xbf16> -> vector<16xf32>
          %unpack3A_342 = tpu.unpack_subelements %get3A_340, 1 {pack_format = #tpu.pack_format<interleaved>} : vector<32xbf16> -> vector<16xf32>
          %mul3A_343 = arith.mulf %unpack3A_341, %gather3A_298 : vector<16xf32>
          %swap3A_344 = arith.index_cast %add3A_296 : i32 to index
          %swap3A_345 = arith.constant 96 : index
          %swap3A_346 = tpu.vector_load %arg22[%swap3A_344, %swap3A_345] {strides = array<i32>} : memref<64x144xf32, #tpu.memory_space<vmem>>, vector<16xf32>,
          tpu.vector_store %arg22[%swap3A_344, %swap3A_345], %mul3A_343 {strides = array<i32>} : memref<64x144xf32, #tpu.memory_space<vmem>>, vector<16xf32>,
          %mul3A_347 = arith.mulf %unpack3A_342, %gather3A_298 : vector<16xf32>
          %swap3A_348 = arith.index_cast %add3A_296 : i32 to index
          %swap3A_349 = arith.constant 112 : index
          %swap3A_350 = tpu.vector_load %arg22[%swap3A_348, %swap3A_349] {strides = array<i32>} : memref<64x144xf32, #tpu.memory_space<vmem>>, vector<16xf32>,
          tpu.vector_store %arg22[%swap3A_348, %swap3A_349], %mul3A_347 {strides = array<i32>} : memref<64x144xf32, #tpu.memory_space<vmem>>, vector<16xf32>,
          %mul3A_351 = arith.mulf %select_n3A_24, %gather3A_298 : vector<16xf32>
          %swap3A_352 = arith.index_cast %add3A_296 : i32 to index
          %swap3A_353 = arith.constant 128 : index
          %swap3A_354 = tpu.vector_load %arg22[%swap3A_352, %swap3A_353] {strides = array<i32>} : memref<64x144xf32, #tpu.memory_space<vmem>>, vector<16xf32>,
          tpu.vector_store %arg22[%swap3A_352, %swap3A_353], %mul3A_351 {strides = array<i32>} : memref<64x144xf32, #tpu.memory_space<vmem>>, vector<16xf32>,
          %mul3A_355 = arith.constant 4 : i32
          %mul3A_356 = arith.muli %scan3A_233, %mul3A_355 : i32
          %add3A_357 = arith.constant 2 : i32
          %add3A_358 = arith.addi %mul3A_356, %add3A_357 : i32
          %broadcast_in_dim3A_359 = vector.broadcast %add3A_358 : i32 to vector<16xi32>
          %gather3A_360 = tpu.vector_load_idx %arg14[%broadcast_in_dim3A_359] : memref<64xf32, #tpu.memory_space<vmem>>[vector<16xi32>], vector<16xf32>,
          %get3A_361 = arith.index_cast %add3A_358 : i32 to index
          %get3A_362 = arith.constant 0 : index
          %get3A_363 = tpu.vector_load %arg18[%get3A_361, %get3A_362] {strides = array<i32>} : memref<64x128xbf16, #tpu.memory_space<vmem>>, vector<32xbf16>,
          %unpack3A_364 = tpu.unpack_subelements %get3A_363, 0 {pack_format = #tpu.pack_format<interleaved>} : vector<32xbf16> -> vector<16xf32>
          %unpack3A_365 = tpu.unpack_subelements %get3A_363, 1 {pack_format = #tpu.pack_format<interleaved>} : vector<32xbf16> -> vector<16xf32>
          %mul3A_366 = arith.mulf %unpack3A_364, %gather3A_360 : vector<16xf32>
          %swap3A_367 = arith.index_cast %add3A_358 : i32 to index
          %swap3A_368 = arith.constant 0 : index
          %swap3A_369 = tpu.vector_load %arg22[%swap3A_367, %swap3A_368] {strides = array<i32>} : memref<64x144xf32, #tpu.memory_space<vmem>>, vector<16xf32>,
          tpu.vector_store %arg22[%swap3A_367, %swap3A_368], %mul3A_366 {strides = array<i32>} : memref<64x144xf32, #tpu.memory_space<vmem>>, vector<16xf32>,
          %mul3A_370 = arith.mulf %unpack3A_365, %gather3A_360 : vector<16xf32>
          %swap3A_371 = arith.index_cast %add3A_358 : i32 to index
          %swap3A_372 = arith.constant 16 : index
          %swap3A_373 = tpu.vector_load %arg22[%swap3A_371, %swap3A_372] {strides = array<i32>} : memref<64x144xf32, #tpu.memory_space<vmem>>, vector<16xf32>,
          tpu.vector_store %arg22[%swap3A_371, %swap3A_372], %mul3A_370 {strides = array<i32>} : memref<64x144xf32, #tpu.memory_space<vmem>>, vector<16xf32>,
          %get3A_374 = arith.index_cast %add3A_358 : i32 to index
          %get3A_375 = arith.constant 32 : index
          %get3A_376 = tpu.vector_load %arg18[%get3A_374, %get3A_375] {strides = array<i32>} : memref<64x128xbf16, #tpu.memory_space<vmem>>, vector<32xbf16>,
          %unpack3A_377 = tpu.unpack_subelements %get3A_376, 0 {pack_format = #tpu.pack_format<interleaved>} : vector<32xbf16> -> vector<16xf32>
          %unpack3A_378 = tpu.unpack_subelements %get3A_376, 1 {pack_format = #tpu.pack_format<interleaved>} : vector<32xbf16> -> vector<16xf32>
          %mul3A_379 = arith.mulf %unpack3A_377, %gather3A_360 : vector<16xf32>
          %swap3A_380 = arith.index_cast %add3A_358 : i32 to index
          %swap3A_381 = arith.constant 32 : index
          %swap3A_382 = tpu.vector_load %arg22[%swap3A_380, %swap3A_381] {strides = array<i32>} : memref<64x144xf32, #tpu.memory_space<vmem>>, vector<16xf32>,
          tpu.vector_store %arg22[%swap3A_380, %swap3A_381], %mul3A_379 {strides = array<i32>} : memref<64x144xf32, #tpu.memory_space<vmem>>, vector<16xf32>,
          %mul3A_383 = arith.mulf %unpack3A_378, %gather3A_360 : vector<16xf32>
          %swap3A_384 = arith.index_cast %add3A_358 : i32 to index
          %swap3A_385 = arith.constant 48 : index
          %swap3A_386 = tpu.vector_load %arg22[%swap3A_384, %swap3A_385] {strides = array<i32>} : memref<64x144xf32, #tpu.memory_space<vmem>>, vector<16xf32>,
          tpu.vector_store %arg22[%swap3A_384, %swap3A_385], %mul3A_383 {strides = array<i32>} : memref<64x144xf32, #tpu.memory_space<vmem>>, vector<16xf32>,
          %get3A_387 = arith.index_cast %add3A_358 : i32 to index
          %get3A_388 = arith.constant 64 : index
          %get3A_389 = tpu.vector_load %arg18[%get3A_387, %get3A_388] {strides = array<i32>} : memref<64x128xbf16, #tpu.memory_space<vmem>>, vector<32xbf16>,
          %unpack3A_390 = tpu.unpack_subelements %get3A_389, 0 {pack_format = #tpu.pack_format<interleaved>} : vector<32xbf16> -> vector<16xf32>
          %unpack3A_391 = tpu.unpack_subelements %get3A_389, 1 {pack_format = #tpu.pack_format<interleaved>} : vector<32xbf16> -> vector<16xf32>
          %mul3A_392 = arith.mulf %unpack3A_390, %gather3A_360 : vector<16xf32>
          %swap3A_393 = arith.index_cast %add3A_358 : i32 to index
          %swap3A_394 = arith.constant 64 : index
          %swap3A_395 = tpu.vector_load %arg22[%swap3A_393, %swap3A_394] {strides = array<i32>} : memref<64x144xf32, #tpu.memory_space<vmem>>, vector<16xf32>,
          tpu.vector_store %arg22[%swap3A_393, %swap3A_394], %mul3A_392 {strides = array<i32>} : memref<64x144xf32, #tpu.memory_space<vmem>>, vector<16xf32>,
          %mul3A_396 = arith.mulf %unpack3A_391, %gather3A_360 : vector<16xf32>
          %swap3A_397 = arith.index_cast %add3A_358 : i32 to index
          %swap3A_398 = arith.constant 80 : index
          %swap3A_399 = tpu.vector_load %arg22[%swap3A_397, %swap3A_398] {strides = array<i32>} : memref<64x144xf32, #tpu.memory_space<vmem>>, vector<16xf32>,
          tpu.vector_store %arg22[%swap3A_397, %swap3A_398], %mul3A_396 {strides = array<i32>} : memref<64x144xf32, #tpu.memory_space<vmem>>, vector<16xf32>,
          %get3A_400 = arith.index_cast %add3A_358 : i32 to index
          %get3A_401 = arith.constant 96 : index
          %get3A_402 = tpu.vector_load %arg18[%get3A_400, %get3A_401] {strides = array<i32>} : memref<64x128xbf16, #tpu.memory_space<vmem>>, vector<32xbf16>,
          %unpack3A_403 = tpu.unpack_subelements %get3A_402, 0 {pack_format = #tpu.pack_format<interleaved>} : vector<32xbf16> -> vector<16xf32>
          %unpack3A_404 = tpu.unpack_subelements %get3A_402, 1 {pack_format = #tpu.pack_format<interleaved>} : vector<32xbf16> -> vector<16xf32>
          %mul3A_405 = arith.mulf %unpack3A_403, %gather3A_360 : vector<16xf32>
          %swap3A_406 = arith.index_cast %add3A_358 : i32 to index
          %swap3A_407 = arith.constant 96 : index
          %swap3A_408 = tpu.vector_load %arg22[%swap3A_406, %swap3A_407] {strides = array<i32>} : memref<64x144xf32, #tpu.memory_space<vmem>>, vector<16xf32>,
          tpu.vector_store %arg22[%swap3A_406, %swap3A_407], %mul3A_405 {strides = array<i32>} : memref<64x144xf32, #tpu.memory_space<vmem>>, vector<16xf32>,
          %mul3A_409 = arith.mulf %unpack3A_404, %gather3A_360 : vector<16xf32>
          %swap3A_410 = arith.index_cast %add3A_358 : i32 to index
          %swap3A_411 = arith.constant 112 : index
          %swap3A_412 = tpu.vector_load %arg22[%swap3A_410, %swap3A_411] {strides = array<i32>} : memref<64x144xf32, #tpu.memory_space<vmem>>, vector<16xf32>,
          tpu.vector_store %arg22[%swap3A_410, %swap3A_411], %mul3A_409 {strides = array<i32>} : memref<64x144xf32, #tpu.memory_space<vmem>>, vector<16xf32>,
          %mul3A_413 = arith.mulf %select_n3A_24, %gather3A_360 : vector<16xf32>
          %swap3A_414 = arith.index_cast %add3A_358 : i32 to index
          %swap3A_415 = arith.constant 128 : index
          %swap3A_416 = tpu.vector_load %arg22[%swap3A_414, %swap3A_415] {strides = array<i32>} : memref<64x144xf32, #tpu.memory_space<vmem>>, vector<16xf32>,
          tpu.vector_store %arg22[%swap3A_414, %swap3A_415], %mul3A_413 {strides = array<i32>} : memref<64x144xf32, #tpu.memory_space<vmem>>, vector<16xf32>,
          %mul3A_417 = arith.constant 4 : i32
          %mul3A_418 = arith.muli %scan3A_233, %mul3A_417 : i32
          %add3A_419 = arith.constant 3 : i32
          %add3A_420 = arith.addi %mul3A_418, %add3A_419 : i32
          %broadcast_in_dim3A_421 = vector.broadcast %add3A_420 : i32 to vector<16xi32>
          %gather3A_422 = tpu.vector_load_idx %arg14[%broadcast_in_dim3A_421] : memref<64xf32, #tpu.memory_space<vmem>>[vector<16xi32>], vector<16xf32>,
          %get3A_423 = arith.index_cast %add3A_420 : i32 to index
          %get3A_424 = arith.constant 0 : index
          %get3A_425 = tpu.vector_load %arg18[%get3A_423, %get3A_424] {strides = array<i32>} : memref<64x128xbf16, #tpu.memory_space<vmem>>, vector<32xbf16>,
          %unpack3A_426 = tpu.unpack_subelements %get3A_425, 0 {pack_format = #tpu.pack_format<interleaved>} : vector<32xbf16> -> vector<16xf32>
          %unpack3A_427 = tpu.unpack_subelements %get3A_425, 1 {pack_format = #tpu.pack_format<interleaved>} : vector<32xbf16> -> vector<16xf32>
          %mul3A_428 = arith.mulf %unpack3A_426, %gather3A_422 : vector<16xf32>
          %swap3A_429 = arith.index_cast %add3A_420 : i32 to index
          %swap3A_430 = arith.constant 0 : index
          %swap3A_431 = tpu.vector_load %arg22[%swap3A_429, %swap3A_430] {strides = array<i32>} : memref<64x144xf32, #tpu.memory_space<vmem>>, vector<16xf32>,
          tpu.vector_store %arg22[%swap3A_429, %swap3A_430], %mul3A_428 {strides = array<i32>} : memref<64x144xf32, #tpu.memory_space<vmem>>, vector<16xf32>,
          %mul3A_432 = arith.mulf %unpack3A_427, %gather3A_422 : vector<16xf32>
          %swap3A_433 = arith.index_cast %add3A_420 : i32 to index
          %swap3A_434 = arith.constant 16 : index
          %swap3A_435 = tpu.vector_load %arg22[%swap3A_433, %swap3A_434] {strides = array<i32>} : memref<64x144xf32, #tpu.memory_space<vmem>>, vector<16xf32>,
          tpu.vector_store %arg22[%swap3A_433, %swap3A_434], %mul3A_432 {strides = array<i32>} : memref<64x144xf32, #tpu.memory_space<vmem>>, vector<16xf32>,
          %get3A_436 = arith.index_cast %add3A_420 : i32 to index
          %get3A_437 = arith.constant 32 : index
          %get3A_438 = tpu.vector_load %arg18[%get3A_436, %get3A_437] {strides = array<i32>} : memref<64x128xbf16, #tpu.memory_space<vmem>>, vector<32xbf16>,
          %unpack3A_439 = tpu.unpack_subelements %get3A_438, 0 {pack_format = #tpu.pack_format<interleaved>} : vector<32xbf16> -> vector<16xf32>
          %unpack3A_440 = tpu.unpack_subelements %get3A_438, 1 {pack_format = #tpu.pack_format<interleaved>} : vector<32xbf16> -> vector<16xf32>
          %mul3A_441 = arith.mulf %unpack3A_439, %gather3A_422 : vector<16xf32>
          %swap3A_442 = arith.index_cast %add3A_420 : i32 to index
          %swap3A_443 = arith.constant 32 : index
          %swap3A_444 = tpu.vector_load %arg22[%swap3A_442, %swap3A_443] {strides = array<i32>} : memref<64x144xf32, #tpu.memory_space<vmem>>, vector<16xf32>,
          tpu.vector_store %arg22[%swap3A_442, %swap3A_443], %mul3A_441 {strides = array<i32>} : memref<64x144xf32, #tpu.memory_space<vmem>>, vector<16xf32>,
          %mul3A_445 = arith.mulf %unpack3A_440, %gather3A_422 : vector<16xf32>
          %swap3A_446 = arith.index_cast %add3A_420 : i32 to index
          %swap3A_447 = arith.constant 48 : index
          %swap3A_448 = tpu.vector_load %arg22[%swap3A_446, %swap3A_447] {strides = array<i32>} : memref<64x144xf32, #tpu.memory_space<vmem>>, vector<16xf32>,
          tpu.vector_store %arg22[%swap3A_446, %swap3A_447], %mul3A_445 {strides = array<i32>} : memref<64x144xf32, #tpu.memory_space<vmem>>, vector<16xf32>,
          %get3A_449 = arith.index_cast %add3A_420 : i32 to index
          %get3A_450 = arith.constant 64 : index
          %get3A_451 = tpu.vector_load %arg18[%get3A_449, %get3A_450] {strides = array<i32>} : memref<64x128xbf16, #tpu.memory_space<vmem>>, vector<32xbf16>,
          %unpack3A_452 = tpu.unpack_subelements %get3A_451, 0 {pack_format = #tpu.pack_format<interleaved>} : vector<32xbf16> -> vector<16xf32>
          %unpack3A_453 = tpu.unpack_subelements %get3A_451, 1 {pack_format = #tpu.pack_format<interleaved>} : vector<32xbf16> -> vector<16xf32>
          %mul3A_454 = arith.mulf %unpack3A_452, %gather3A_422 : vector<16xf32>
          %swap3A_455 = arith.index_cast %add3A_420 : i32 to index
          %swap3A_456 = arith.constant 64 : index
          %swap3A_457 = tpu.vector_load %arg22[%swap3A_455, %swap3A_456] {strides = array<i32>} : memref<64x144xf32, #tpu.memory_space<vmem>>, vector<16xf32>,
          tpu.vector_store %arg22[%swap3A_455, %swap3A_456], %mul3A_454 {strides = array<i32>} : memref<64x144xf32, #tpu.memory_space<vmem>>, vector<16xf32>,
          %mul3A_458 = arith.mulf %unpack3A_453, %gather3A_422 : vector<16xf32>
          %swap3A_459 = arith.index_cast %add3A_420 : i32 to index
          %swap3A_460 = arith.constant 80 : index
          %swap3A_461 = tpu.vector_load %arg22[%swap3A_459, %swap3A_460] {strides = array<i32>} : memref<64x144xf32, #tpu.memory_space<vmem>>, vector<16xf32>,
          tpu.vector_store %arg22[%swap3A_459, %swap3A_460], %mul3A_458 {strides = array<i32>} : memref<64x144xf32, #tpu.memory_space<vmem>>, vector<16xf32>,
          %get3A_462 = arith.index_cast %add3A_420 : i32 to index
          %get3A_463 = arith.constant 96 : index
          %get3A_464 = tpu.vector_load %arg18[%get3A_462, %get3A_463] {strides = array<i32>} : memref<64x128xbf16, #tpu.memory_space<vmem>>, vector<32xbf16>,
          %unpack3A_465 = tpu.unpack_subelements %get3A_464, 0 {pack_format = #tpu.pack_format<interleaved>} : vector<32xbf16> -> vector<16xf32>
          %unpack3A_466 = tpu.unpack_subelements %get3A_464, 1 {pack_format = #tpu.pack_format<interleaved>} : vector<32xbf16> -> vector<16xf32>
          %mul3A_467 = arith.mulf %unpack3A_465, %gather3A_422 : vector<16xf32>
          %swap3A_468 = arith.index_cast %add3A_420 : i32 to index
          %swap3A_469 = arith.constant 96 : index
          %swap3A_470 = tpu.vector_load %arg22[%swap3A_468, %swap3A_469] {strides = array<i32>} : memref<64x144xf32, #tpu.memory_space<vmem>>, vector<16xf32>,
          tpu.vector_store %arg22[%swap3A_468, %swap3A_469], %mul3A_467 {strides = array<i32>} : memref<64x144xf32, #tpu.memory_space<vmem>>, vector<16xf32>,
          %mul3A_471 = arith.mulf %unpack3A_466, %gather3A_422 : vector<16xf32>
          %swap3A_472 = arith.index_cast %add3A_420 : i32 to index
          %swap3A_473 = arith.constant 112 : index
          %swap3A_474 = tpu.vector_load %arg22[%swap3A_472, %swap3A_473] {strides = array<i32>} : memref<64x144xf32, #tpu.memory_space<vmem>>, vector<16xf32>,
          tpu.vector_store %arg22[%swap3A_472, %swap3A_473], %mul3A_471 {strides = array<i32>} : memref<64x144xf32, #tpu.memory_space<vmem>>, vector<16xf32>,
          %mul3A_475 = arith.mulf %select_n3A_24, %gather3A_422 : vector<16xf32>
          %swap3A_476 = arith.index_cast %add3A_420 : i32 to index
          %swap3A_477 = arith.constant 128 : index
          %swap3A_478 = tpu.vector_load %arg22[%swap3A_476, %swap3A_477] {strides = array<i32>} : memref<64x144xf32, #tpu.memory_space<vmem>>, vector<16xf32>,
          tpu.vector_store %arg22[%swap3A_476, %swap3A_477], %mul3A_475 {strides = array<i32>} : memref<64x144xf32, #tpu.memory_space<vmem>>, vector<16xf32>,
        }
        %scan3A_229 = arith.constant 16 : i32
        %dma_start3A_230 = arith.constant 0 : i32
        %dma_start3A_231 = arith.constant 0 : i32
        %dma_start3A_232 = tpu.memref_slice %arg16[%dma_start3A_230, %dma_start3A_231] : memref<10016x144xf32, #tpu.memory_space<vmem_shared>> -> memref<10016x144xf32, #tpu.memory_space<vmem_shared>>
        tpu.enqueue_indirect_dma source(%arg22 : memref<64x144xf32, #tpu.memory_space<vmem>>) target(%dma_start3A_232 : memref<10016x144xf32, #tpu.memory_space<vmem_shared>>) offsets(%arg13 : memref<64xi32, #tpu.memory_space<vmem>>) semaphore(%arg30 : memref<!tpu.dma_semaphore, #tpu.memory_space<semaphore_mem>>) {add = true}
      }
      %dma_wait3A_116 = arith.constant 0 : i32
      %dma_wait3A_117 = arith.constant 0 : i32
      %dma_wait3A_118 = tpu.memref_slice %arg16[%dma_wait3A_116, %dma_wait3A_117] : memref<10016x144xf32, #tpu.memory_space<vmem_shared>> -> memref<10016x144xf32, #tpu.memory_space<vmem_shared>>
      tpu.wait_indirect_dma semaphore(%arg30 : memref<!tpu.dma_semaphore, #tpu.memory_space<semaphore_mem>>) src(%arg22 : memref<64x144xf32, #tpu.memory_space<vmem>>) dst(%dma_wait3A_118 : memref<10016x144xf32, #tpu.memory_space<vmem_shared>>)
    } else {
    }
    %barrier3A_27 = arith.constant 0 : index
    tpu.barrier barrier_id(%barrier3A_27)
    %mul3A_28 = arith.constant 626 : i32
    %mul3A_29 = arith.muli %arg1, %mul3A_28 : i32
    %mul3A_30 = arith.constant 626 : i32
    %mul3A_31 = arith.muli %arg1, %mul3A_30 : i32
    "tpu.region"() ({
      %run_scoped3A = tpu.sem_alloc : memref<!tpu.dma_semaphore, #tpu.memory_space<semaphore_mem>>
      %dma_start3A = arith.constant 0 : i32
      %dma_start3A_32 = tpu.memref_slice %arg8[%arg0, %mul3A_31, %dma_start3A] : memref<2x10016x144xf32, #tpu.memory_space<hbm>> -> memref<1x626x144xf32, #tpu.memory_space<hbm>>
      %dma_start3A_33 = tpu.memref_squeeze %dma_start3A_32 : memref<1x626x144xf32, #tpu.memory_space<hbm>> -> memref<626x144xf32, #tpu.memory_space<hbm>>
      %dma_start3A_34 = arith.constant 0 : i32
      %dma_start3A_35 = tpu.memref_slice %arg16[%mul3A_29, %dma_start3A_34] : memref<10016x144xf32, #tpu.memory_space<vmem_shared>> -> memref<626x144xf32, #tpu.memory_space<vmem_shared>>
      tpu.enqueue_dma source(%dma_start3A_35 : memref<626x144xf32, #tpu.memory_space<vmem_shared>>) target(%dma_start3A_33 : memref<626x144xf32, #tpu.memory_space<hbm>>) target_semaphore(%run_scoped3A : memref<!tpu.dma_semaphore, #tpu.memory_space<semaphore_mem>>)
      %dma_wait3A = arith.constant 0 : i32
      %dma_wait3A_36 = tpu.memref_slice %arg8[%arg0, %mul3A_31, %dma_wait3A] : memref<2x10016x144xf32, #tpu.memory_space<hbm>> -> memref<1x626x144xf32, #tpu.memory_space<hbm>>
      %dma_wait3A_37 = tpu.memref_squeeze %dma_wait3A_36 : memref<1x626x144xf32, #tpu.memory_space<hbm>> -> memref<626x144xf32, #tpu.memory_space<hbm>>
      %dma_wait3A_38 = arith.constant 0 : i32
      %dma_wait3A_39 = tpu.memref_slice %arg16[%mul3A_29, %dma_wait3A_38] : memref<10016x144xf32, #tpu.memory_space<vmem_shared>> -> memref<626x144xf32, #tpu.memory_space<vmem_shared>>
      tpu.wait_dma2 semaphore(%run_scoped3A : memref<!tpu.dma_semaphore, #tpu.memory_space<semaphore_mem>>) src(%dma_wait3A_39 : memref<626x144xf32, #tpu.memory_space<vmem_shared>>) dst(%dma_wait3A_37 : memref<626x144xf32, #tpu.memory_space<hbm>>)
      tpu.yield
    }) : () -> ()
    return
  }
}

module attributes {stable_mosaic.version = 14 : i64} {
  func.func @_mm_body(%arg0: i32, %arg1: memref<1000x128xf32, #tpu.memory_space<vmem>>, %arg2: memref<128x128xf32, #tpu.memory_space<vmem>>, %arg3: memref<128x128xf32, #tpu.memory_space<vmem>>, %arg4: memref<1000x128xbf16, #tpu.memory_space<vmem>>, %arg5: memref<1000x128xbf16, #tpu.memory_space<vmem>>) attributes {dimension_semantics = [#tpu.dimension_semantics<arbitrary>], iteration_bounds = array<i64: 10>, scalar_prefetch = 0 : i64, scratch_operands = 0 : i64, tpu.core_type = #tpu.core_type<tc>, window_params = [{transform_indices = @transform_0, window_bounds = array<i64: 1000, 128>}, {pipeline_mode = #tpu.pipeline_mode<synchronous>, transform_indices = @transform_1, window_bounds = array<i64: 128, 128>}, {pipeline_mode = #tpu.pipeline_mode<synchronous>, transform_indices = @transform_2, window_bounds = array<i64: 128, 128>}, {transform_indices = @transform_3, window_bounds = array<i64: 1000, 128>}, {transform_indices = @transform_4, window_bounds = array<i64: 1000, 128>}]} {
    %get3A = arith.constant 0 : index
    %get3A_0 = arith.constant 0 : index
    %get3A_1 = vector.load %arg1[%get3A, %get3A_0] : memref<1000x128xf32, #tpu.memory_space<vmem>>, vector<1000x128xf32>
    %get3A_2 = arith.constant 0 : index
    %get3A_3 = arith.constant 0 : index
    %get3A_4 = vector.load %arg2[%get3A_2, %get3A_3] : memref<128x128xf32, #tpu.memory_space<vmem>>, vector<128x128xf32>
    %dot_general3A = arith.constant dense<0.000000e+00> : vector<1000x128xf32>
    %dot_general3A_5 = tpu.matmul %get3A_1, %get3A_4, %dot_general3A {dimension_numbers = #tpu.dot_dimension_numbers<[1], [0], [0], [1], [0, 0, 1, 1], [], []>, transpose_lhs_hint = false} : vector<1000x128xf32>, vector<128x128xf32>, vector<1000x128xf32> -> vector<1000x128xf32>
    %convert_element_type3A = arith.truncf %dot_general3A_5 : vector<1000x128xf32> to vector<1000x128xbf16>
    %swap3A = arith.constant 0 : index
    %swap3A_6 = arith.constant 0 : index
    %swap3A_7 = vector.load %arg4[%swap3A, %swap3A_6] : memref<1000x128xbf16, #tpu.memory_space<vmem>>, vector<1000x128xbf16>
    tpu.vector_store %arg4[%swap3A, %swap3A_6], %convert_element_type3A {strides = array<i32>} : memref<1000x128xbf16, #tpu.memory_space<vmem>>, vector<1000x128xbf16>,
    %get3A_8 = arith.constant 0 : index
    %get3A_9 = arith.constant 0 : index
    %get3A_10 = vector.load %arg3[%get3A_8, %get3A_9] : memref<128x128xf32, #tpu.memory_space<vmem>>, vector<128x128xf32>
    %dot_general3A_11 = arith.constant dense<0.000000e+00> : vector<1000x128xf32>
    %dot_general3A_12 = tpu.matmul %get3A_1, %get3A_10, %dot_general3A_11 {dimension_numbers = #tpu.dot_dimension_numbers<[1], [0], [0], [1], [0, 0, 1, 1], [], []>, transpose_lhs_hint = false} : vector<1000x128xf32>, vector<128x128xf32>, vector<1000x128xf32> -> vector<1000x128xf32>
    %convert_element_type3A_13 = arith.truncf %dot_general3A_12 : vector<1000x128xf32> to vector<1000x128xbf16>
    %swap3A_14 = arith.constant 0 : index
    %swap3A_15 = arith.constant 0 : index
    %swap3A_16 = vector.load %arg5[%swap3A_14, %swap3A_15] : memref<1000x128xbf16, #tpu.memory_space<vmem>>, vector<1000x128xbf16>
    tpu.vector_store %arg5[%swap3A_14, %swap3A_15], %convert_element_type3A_13 {strides = array<i32>} : memref<1000x128xbf16, #tpu.memory_space<vmem>>, vector<1000x128xbf16>,
    return
  }
  func.func @transform_0(%arg0: i32) -> (i32, i32) {
    %c0_i32 = arith.constant 0 : i32
    %c0_i32_0 = arith.constant 0 : i32
    return %arg0, %c0_i32 : i32, i32
  }
  func.func @transform_1(%arg0: i32) -> (i32, i32) {
    %c0_i32 = arith.constant 0 : i32
    %c0_i32_0 = arith.constant 0 : i32
    %c0_i32_1 = arith.constant 0 : i32
    return %c0_i32, %c0_i32_0 : i32, i32
  }
  func.func @transform_2(%arg0: i32) -> (i32, i32) {
    %c0_i32 = arith.constant 0 : i32
    %c0_i32_0 = arith.constant 0 : i32
    %c0_i32_1 = arith.constant 0 : i32
    return %c0_i32, %c0_i32_0 : i32, i32
  }
  func.func @transform_3(%arg0: i32) -> (i32, i32) {
    %c0_i32 = arith.constant 0 : i32
    %c0_i32_0 = arith.constant 0 : i32
    return %arg0, %c0_i32 : i32, i32
  }
  func.func @transform_4(%arg0: i32) -> (i32, i32) {
    %c0_i32 = arith.constant 0 : i32
    %c0_i32_0 = arith.constant 0 : i32
    return %arg0, %c0_i32 : i32, i32
  }
}

module attributes {stable_mosaic.version = 14 : i64} {
  func.func @_norm_body(%arg0: memref<2x10016x144xf32, #tpu.memory_space<vmem>>, %arg1: memref<1x128xf32, #tpu.memory_space<vmem>>, %arg2: memref<1x128xf32, #tpu.memory_space<vmem>>, %arg3: memref<1x128xf32, #tpu.memory_space<vmem>>, %arg4: memref<1x128xf32, #tpu.memory_space<vmem>>, %arg5: memref<10000x128xf32, #tpu.memory_space<vmem>>) attributes {dimension_semantics = [], scalar_prefetch = 0 : i64, scratch_operands = 0 : i64, tpu.core_type = #tpu.core_type<tc>} {
    %get3A = arith.constant 0 : index
    %get3A_0 = arith.constant 0 : index
    %get3A_1 = arith.constant 0 : index
    %get3A_2 = vector.load %arg0[%get3A, %get3A_0, %get3A_1] : memref<2x10016x144xf32, #tpu.memory_space<vmem>>, vector<1x10016x144xf32>
    %get3A_3 = vector.shape_cast %get3A_2 : vector<1x10016x144xf32> to vector<10016x144xf32>
    %get3A_4 = arith.constant 1 : index
    %get3A_5 = arith.constant 0 : index
    %get3A_6 = arith.constant 0 : index
    %get3A_7 = vector.load %arg0[%get3A_4, %get3A_5, %get3A_6] : memref<2x10016x144xf32, #tpu.memory_space<vmem>>, vector<1x10016x144xf32>
    %get3A_8 = vector.shape_cast %get3A_7 : vector<1x10016x144xf32> to vector<10016x144xf32>
    %add3A = arith.addf %get3A_3, %get3A_8 : vector<10016x144xf32>
    %iota3A = tpu.iota {dimensions = array<i32: 1>} : vector<10016x144xi32>
    %eq3A = arith.constant 128 : i32
    %eq3A_9 = vector.broadcast %eq3A : i32 to vector<10016x144xi32>
    %eq3A_10 = arith.cmpi eq, %iota3A, %eq3A_9 : vector<10016x144xi32>
    %jit3A = arith.constant 0.000000e+00 : f32
    %broadcast_in_dim3A = vector.broadcast %jit3A : f32 to vector<10016x144xf32>
    %select_n3A = arith.select %eq3A_10, %add3A, %broadcast_in_dim3A : vector<10016x144xi1>, vector<10016x144xf32>
    %reduce_sum3A = arith.constant dense<0.000000e+00> : vector<10016xf32>
    %reduce_sum3A_11 = vector.multi_reduction <add>, %select_n3A, %reduce_sum3A [1] : vector<10016x144xf32> to vector<10016xf32>
    %broadcast_in_dim3A_12 = vector.shape_cast %reduce_sum3A_11 : vector<10016xf32> to vector<10016x1xf32>
    %slice3A = vector.extract_strided_slice %add3A {offsets = [0, 0], sizes = [10000, 128], strides = [1, 1]} : vector<10016x144xf32> to vector<10000x128xf32>
    %slice3A_13 = vector.extract_strided_slice %broadcast_in_dim3A_12 {offsets = [0, 0], sizes = [10000, 1], strides = [1, 1]} : vector<10016x1xf32> to vector<10000x1xf32>
    %add3A_14 = arith.constant 1.000000e-16 : f32
    %add3A_15 = vector.broadcast %add3A_14 : f32 to vector<10000x1xf32>
    %add3A_16 = arith.addf %slice3A_13, %add3A_15 : vector<10000x1xf32>
    %div3A = vector.broadcast %add3A_16 : vector<10000x1xf32> to vector<10000x128xf32>
    %div3A_17 = arith.divf %slice3A, %div3A : vector<10000x128xf32>
    %get3A_18 = arith.constant 0 : index
    %get3A_19 = arith.constant 0 : index
    %get3A_20 = vector.load %arg1[%get3A_18, %get3A_19] : memref<1x128xf32, #tpu.memory_space<vmem>>, vector<1x128xf32>
    %add3A_21 = vector.broadcast %get3A_20 : vector<1x128xf32> to vector<10000x128xf32>
    %add3A_22 = arith.addf %div3A_17, %add3A_21 : vector<10000x128xf32>
    %reduce_sum3A_23 = arith.constant dense<0.000000e+00> : vector<128xf32>
    %reduce_sum3A_24 = vector.multi_reduction <add>, %add3A_22, %reduce_sum3A_23 [0] : vector<10000x128xf32> to vector<128xf32>
    %broadcast_in_dim3A_25 = vector.shape_cast %reduce_sum3A_24 : vector<128xf32> to vector<1x128xf32>
    %div3A_26 = arith.constant 1.000000e+04 : f32
    %div3A_27 = vector.broadcast %div3A_26 : f32 to vector<1x128xf32>
    %div3A_28 = arith.divf %broadcast_in_dim3A_25, %div3A_27 : vector<1x128xf32>
    %get3A_29 = arith.constant 0 : index
    %get3A_30 = arith.constant 0 : index
    %get3A_31 = vector.load %arg4[%get3A_29, %get3A_30] : memref<1x128xf32, #tpu.memory_space<vmem>>, vector<1x128xf32>
    %mul3A = arith.mulf %get3A_31, %div3A_28 : vector<1x128xf32>
    %sub3A = vector.broadcast %mul3A : vector<1x128xf32> to vector<10000x128xf32>
    %sub3A_32 = arith.subf %add3A_22, %sub3A : vector<10000x128xf32>
    %mul3A_33 = arith.mulf %sub3A_32, %sub3A_32 : vector<10000x128xf32>
    %reduce_sum3A_34 = arith.constant dense<0.000000e+00> : vector<128xf32>
    %reduce_sum3A_35 = vector.multi_reduction <add>, %mul3A_33, %reduce_sum3A_34 [0] : vector<10000x128xf32> to vector<128xf32>
    %broadcast_in_dim3A_36 = vector.shape_cast %reduce_sum3A_35 : vector<128xf32> to vector<1x128xf32>
    %div3A_37 = arith.constant 1.000000e+04 : f32
    %div3A_38 = vector.broadcast %div3A_37 : f32 to vector<1x128xf32>
    %div3A_39 = arith.divf %broadcast_in_dim3A_36, %div3A_38 : vector<1x128xf32>
    %get3A_40 = arith.constant 0 : index
    %get3A_41 = arith.constant 0 : index
    %get3A_42 = vector.load %arg2[%get3A_40, %get3A_41] : memref<1x128xf32, #tpu.memory_space<vmem>>, vector<1x128xf32>
    %mul3A_43 = vector.broadcast %get3A_42 : vector<1x128xf32> to vector<10000x128xf32>
    %mul3A_44 = arith.mulf %mul3A_43, %sub3A_32 : vector<10000x128xf32>
    %add3A_45 = arith.constant 9.99999974E-6 : f32
    %add3A_46 = vector.broadcast %add3A_45 : f32 to vector<1x128xf32>
    %add3A_47 = arith.addf %div3A_39, %add3A_46 : vector<1x128xf32>
    %sqrt3A = math.sqrt %add3A_47 : vector<1x128xf32>
    %div3A_48 = vector.broadcast %sqrt3A : vector<1x128xf32> to vector<10000x128xf32>
    %div3A_49 = arith.divf %mul3A_44, %div3A_48 : vector<10000x128xf32>
    %get3A_50 = arith.constant 0 : index
    %get3A_51 = arith.constant 0 : index
    %get3A_52 = vector.load %arg3[%get3A_50, %get3A_51] : memref<1x128xf32, #tpu.memory_space<vmem>>, vector<1x128xf32>
    %add3A_53 = vector.broadcast %get3A_52 : vector<1x128xf32> to vector<10000x128xf32>
    %add3A_54 = arith.addf %div3A_49, %add3A_53 : vector<10000x128xf32>
    %swap3A = arith.constant 0 : index
    %swap3A_55 = arith.constant 0 : index
    %swap3A_56 = vector.load %arg5[%swap3A, %swap3A_55] : memref<10000x128xf32, #tpu.memory_space<vmem>>, vector<10000x128xf32>
    tpu.vector_store %arg5[%swap3A, %swap3A_55], %add3A_54 {strides = array<i32>} : memref<10000x128xf32, #tpu.memory_space<vmem>>, vector<10000x128xf32>,
    return
  }
}

</mosaic_0001>

<sc_bundles>
// kernel: kernel.5.cloned.1.call-start
scs
__scs_entry_jumppad:
0x0: {  	(pc) =	sbr.rel $0x88, $3  }
0x1: {  	(tag) =	ssettag $0x0;
	lr =	simm.s32 $0x1  }
0x2: {  	[smem:$0x3F98] =	sst lr;
	_ =	strace $0xD0000000  }
0x3: {  	_ = 	snop  }
0x4: {  	_ = 	snop  }
0x5: {  	_ = 	snop  }
0x6: {  	_ = 	snop  }
0x7: {  	_ = 	snop  }
__scs_overlays_trampoline_lowered:
0x8: {  	[smem:$0x3FA7] =	sst s0  }
0x9: {  	[smem:$0x3FA8] =	sst s1  }
0xa: {  	[smem:$0x3FA9] =	sst s2  }
0xb: {  	[smem:$0x3FAA] =	sst s3  }
0xc: {  	[smem:$0x3FAB] =	sst s4  }
0xd: {  	[smem:$0x3FAC] =	sst s5  }
0xe: {  	[smem:$0x3FAD] =	sst s6  }
0xf: {  	[smem:$0x3FAE] =	sst s7  }
0x10: {  	[smem:$0x3FAF] =	sst s8  }
0x11: {  	[smem:$0x3FB0] =	sst s9;
	s0 =	simm.s32 @!p0 $0x0  }
0x12: {  	s1 =	sld [smem:$0x3F96];
	s0 =	simm.s32 @p0 $0x1  }
0x13: {  	[smem:$0x3FB1] =	sst s0;
	s0 =	simm.s32 @!p1 $0x0  }
0x14: {  	s2 =	sld [smem:$0x3F95];
	s0 =	simm.s32 @p1 $0x1  }
0x15: {  	[smem:$0x3FB2] =	sst s0;
	s0 =	simm.s32 @!p2 $0x0  }
0x16: {  	s3 =	sld [smem:$0x3FDB];
	s0 =	simm.s32 @p2 $0x1  }
0x17: {  	s4 =	simm.s32 $0x1BF5;
	[smem:$0x3FB4] =	sst s0  }
0x18: {  	s0 =	sld [smem:$0x3F97];
	_ =	swait.ge [sflag:s4], $0x0  }
0x19: {  	s7 =	sld [smem:$0x3F98]  }
0x1a: {  	s8 =	sadd.s32 $0xFFFFE003, lr  }
0x1b: {  	s9 =	sadd.s32 $0xFFFFFEF7, lr;
	s5 =	simm.s32 $0xFFFFFFFF;
	p2 =	slt.u32 s8, $0xFFFFF086  }
0x1c: {  	p1 =	slt.u32 s9, $0xF7A;
	s5 =	simm.s32 @!p2 $0x0  }
0x1d: {  	s5 =	simm.s32 @p1 $0x1;
	p0 =	seq.s32 s7, s2  }
0x1e: {  	s7 =	smul.u32 @!p0 $0xF7A, s2;
	p2 =	seq.s32 @!p0 s5, $0x0  }
0x1f: {  	s9 =	smul.u32 $0xF7A, s1;
	s8 =	simm.s32 @!p0 $0x1BF5;
	p2 =	por !p2, p0  }
0x20: {  	[sflag:s8] =	ssyncset.s32 @!p0 $0xFFFFF086;
	s6 =	sadd.s32 @!p0 s3, s7;
	s7 =	simm.s32 @!p0 $0x108  }
0x21: {  	s3 =	sadd.s32 s3, s9;
	s6 =	sadd.s32 @!p0 $0x88, s6;
	s7 =	simm.s32 @p2 $0x1082  }
0x22: {  	[simem:s7], [sflag:s8] =	dma.local @!p0 [hbm:s6], $0xF7A  }
0x23: {  	s9 =	sor.u32 $0xD0000000, s2;
	s6 =	simm.s32 $0x108;
	_ =	swait.ge @!p0 [sflag:s8], $0x0  }
0x24: {  	s3 =	sadd.s32 $0x88, s3;
	s6 =	simm.s32 @!p1 $0x1082;
	[sflag:s4] =	ssyncset.s32 $0xFFFFF086  }
0x25: {  	[simem:s6], [sflag:s4] =	dma.local [hbm:s3], $0xF7A  }
0x26: {  	[smem:$0x3F98] =	sst s1;
	(tag) =	ssettag s2;
	_ =	strace s9  }
0x27: {  	s1 =	sld [smem:$0x3FA8]  }
0x28: {  	s2 =	sld [smem:$0x3FA9]  }
0x29: {  	s4 =	sld [smem:$0x3FAB]  }
0x2a: {  	p0 =	seq.s32 s5, $0x0;
	s5 =	sld [smem:$0x3FAC]  }
0x2b: {  	s6 =	sld [smem:$0x3FAD]  }
0x2c: {  	s7 =	sld [smem:$0x3FAE]  }
0x2d: {  	s3 =	simm.s32 $0x108;
	s8 =	sld [smem:$0x3FAF]  }
0x2e: {  	s3 =	simm.s32 @!p0 $0x1082;
	s9 =	sld [smem:$0x3FB0]  }
0x2f: {  	lr =	sadd.s32 s0, s3;
	s0 =	sld [smem:$0x3FA7]  }
0x30: {  	s3 =	sld [smem:$0x3FAA]  }
0x31: {  	[smem:$0x3FB3] =	sst s10  }
0x32: {  	s10 =	sld [smem:$0x3FB1];
	_ =	sdelay $0x3  }
0x33: {  	p0 =	seq.s32 s10, $0x1;
	s10 =	sld [smem:$0x3FB3];
	_ =	sdelay $0x3  }
0x34: {  	[smem:$0x3FB3] =	sst s10  }
0x35: {  	s10 =	sld [smem:$0x3FB2];
	_ =	sdelay $0x3  }
0x36: {  	p1 =	seq.s32 s10, $0x1;
	s10 =	sld [smem:$0x3FB3];
	_ =	sdelay $0x3  }
0x37: {  	[smem:$0x3FB3] =	sst s10  }
0x38: {  	s10 =	sld [smem:$0x3FB4]  }
0x39: {  	_ = 	snop;
	(pc) =	sbr.ind lr, $3  }
0x3a: {  	_ = 	snop  }
0x3b: {  	_ = 	snop  }
0x3c: {  	p2 =	seq.s32 s10, $0x1;
	s10 =	sld [smem:$0x3FB3]  }
0x3d: {  	_ =	shalt  }
0x3e: {  	_ =	shalt  }
0x3f: {  	_ =	shalt  }
0x40: {  	_ =	shalt  }
0x41: {  	_ =	shalt  }
0x42: {  	_ =	shalt  }
0x43: {  	_ =	shalt  }
0x44: {  	_ =	shalt  }
0x45: {  	_ =	shalt  }
0x46: {  	_ =	shalt  }
0x47: {  	_ =	shalt  }
0x48: {  	_ =	shalt  }
0x49: {  	_ =	shalt  }
0x4a: {  	_ =	shalt  }
0x4b: {  	_ =	shalt  }
0x4c: {  	_ =	shalt  }
0x4d: {  	_ =	shalt  }
0x4e: {  	_ =	shalt  }
0x4f: {  	_ =	shalt  }
0x50: {  	_ =	shalt  }
0x51: {  	_ =	shalt  }
0x52: {  	_ =	shalt  }
0x53: {  	_ =	shalt  }
0x54: {  	_ =	shalt  }
0x55: {  	_ =	shalt  }
0x56: {  	_ =	shalt  }
0x57: {  	_ =	shalt  }
0x58: {  	_ =	shalt  }
0x59: {  	_ =	shalt  }
0x5a: {  	_ =	shalt  }
0x5b: {  	_ =	shalt  }
0x5c: {  	_ =	shalt  }
0x5d: {  	_ =	shalt  }
0x5e: {  	_ =	shalt  }
0x5f: {  	_ =	shalt  }
0x60: {  	_ =	shalt  }
0x61: {  	_ =	shalt  }
0x62: {  	_ =	shalt  }
0x63: {  	_ =	shalt  }
0x64: {  	_ =	shalt  }
0x65: {  	_ =	shalt  }
0x66: {  	_ =	shalt  }
0x67: {  	_ =	shalt  }
0x68: {  	_ =	shalt  }
0x69: {  	_ =	shalt  }
0x6a: {  	_ =	shalt  }
0x6b: {  	_ =	shalt  }
0x6c: {  	_ =	shalt  }
0x6d: {  	_ =	shalt  }
0x6e: {  	_ =	shalt  }
0x6f: {  	_ =	shalt  }
0x70: {  	_ =	shalt  }
0x71: {  	_ =	shalt  }
0x72: {  	_ =	shalt  }
0x73: {  	_ =	shalt  }
0x74: {  	_ =	shalt  }
0x75: {  	_ =	shalt  }
0x76: {  	_ =	shalt  }
0x77: {  	_ =	shalt  }
0x78: {  	_ =	shalt  }
0x79: {  	_ =	shalt  }
0x7a: {  	_ =	shalt  }
0x7b: {  	_ =	shalt  }
0x7c: {  	_ =	shalt  }
0x7d: {  	_ =	shalt  }
0x7e: {  	_ =	shalt  }
0x7f: {  	_ =	shalt  }
0x80: {  	_ =	shalt  }
0x81: {  	_ =	shalt  }
0x82: {  	_ =	shalt  }
0x83: {  	_ =	shalt  }
0x84: {  	_ =	shalt  }
0x85: {  	_ =	shalt  }
0x86: {  	_ =	shalt  }
0x87: {  	_ =	shalt  }
.Lfunc_end0:
.L_simem_size_0:
called_computation_lowered:
.L_overlay_start_0:
0x88: {  	s2 =	sld [smem:$0x3FD9]  }
0x89: {  	s3 =	sld [smem:$0x3FFE];
	_ =	sdelay $0x1  }
0x8a: {  	s1 =	srdreg.scid  }
0x8b: {  	s0 =	sand.u32 $0x1, s1  }
0x8c: {  	s17 =	sshll.u32 s0, $0xA;
	s2 =	sadd.s32 s3, s2  }
0x8d: {  	s2 =	sadd.s32 s2, s17  }
0x8e: {  	[smem:$0x3FBF] =	sst s2  }
0x8f: {  	_ = 	snop  }
0x90: {  	s2 =	sld [smem:$0x3FD0];
	(tm) =	ssettm $0x1  }
0x91: {  	s18 =	sld [smem:$0x3FFB];
	_ =	sdelay $0x3  }
0x92: {  	_ =	strace s18  }
0x93: {  	s3 =	sld [smem:$0x3FFC];
	_ =	sdelay $0x3  }
0x94: {  	_ =	strace s3  }
0x95: {  	s3 =	sld [smem:$0x3FFD];
	_ =	sdelay $0x3  }
0x96: {  	_ =	strace s3  }
0x97: {  	_ =	strace $0x8FFFFFFF  }
0x98: {  	s19 =	sld [smem:$0x3FDB];
	_ =	sdelay $0x1  }
0x99: {  	s4 =	simm.s32 $_scs_section_size  }
0x9a: {  	s5 =	simm.s32 $_size__tile_overlayer_lowered;
	s6 =	simm.s32 $_tile_overlayer_lowered  }
0x9b: {  	s22 =	simm.s32 $0x1BFF;
	s21 =	sshll.u32 s6, $0x1;
	s3 =	sadd.s32 s4, s19  }
0x9c: {  	s7 =	simm.s32 $0x0;
	s20 =	sshll.u32 s5, $0x1;
	s5 =	sadd.s32 s21, s3  }
0x9d: {  	[timem:s7], [sflag:s22] =	dma.local [hbm:s5], s20  }
0x9e: {  	_ =	swait.ge [sflag:s22], s20  }
0x9f: {  	s4 =	ssub.s32 $0x0, s20;
	[sflag:s22] =	ssyncset.done $0x0  }
0xa0: {  	[sflag:s22] =	ssyncadd.s32 s4;
	_ =	sdelay $0x1  }
0xa1: {  	s23 =	simm.s32 $0x1B8B  }
0xa2: {  	_ =	swait.ge [sflag:s23], $0x1  }
0xa3: {  	[sflag:s23] =	ssyncset.done $0x0  }
0xa4: {  	s25 =	simm.s32 $0x1B8E;
	s24 =	sld [smem:$0x3FFE];
	[sflag:s23] =	ssyncadd.s32 $0xFFFFFFFF  }
0xa5: {  	s26 =	simm.s32 $execute0_lowered;
	[smem:$0x3FD2] =	sst s25  }
0xa6: {  	s5 =	sshll.u32 s26, $0x1;
	_ =	strace $0x80000046;
	[dreg:$0x1] =	wrdreg $0xFFFFFFFF  }
0xa7: {  	s28 =	simm.s32 $_size_execute0_lowered;
	s3 =	sadd.s32 s3, s5;
	[dreg:$0x0] =	wrdreg $0x0  }
0xa8: {  	s5 =	sshll.u32 s28, $0x1;
	[dreg:$0x2] =	wrdreg s3  }
0xa9: {  	[dreg:$0x3] =	wrdreg s5  }
0xaa: {  	[dreg:$0x4] =	wrdreg $0xC0  }
0xab: {  	_ =	task [dreg:s7], $0x5FFFF  }
0xac: {  	[dreg:$0x1] =	wrdreg $0xFFFFFFFF  }
0xad: {  	[dreg:$0x0] =	wrdreg $0x60  }
0xae: {  	[dreg:$0x2] =	wrdreg s24  }
0xaf: {  	[dreg:$0x3] =	wrdreg s2  }
0xb0: {  	[dreg:$0x4] =	wrdreg $0x3100  }
0xb1: {  	[dreg:$0x5] =	wrdreg $0x9  }
0xb2: {  	_ =	task.clear_ibuf [dreg:s7], $0x6FFFF;
	_ =	strace $0x90000046  }
0xb3: {  	s29 =	simm.s32 $0x9;
	_ =	strace $0x80000048  }
0xb4: {  	_ =	swait.ge [sflag:s29], $0x1  }
0xb5: {  	[sflag:s29] =	ssyncadd.s32 $0xFFFFFFFF  }
0xb6: {  	_ =	strace $0x90000048  }
0xb7: {  	_ =	sfence  }
0xb8: {  	s30 =	sld [smem:$0x0];
	_ =	sdelay $0x2  }
0xb9: {  	s31 =	sshll.u32 s1, $0xD;
	s1 =	sshrl.u32 s1, $0x2  }
0xba: {  	s3 =	sand.u32 $0x4000, s31;
	s1 =	sadd.s32 s1, s30  }
0xbb: {  	s0 =	sor.u32 s3, s0;
	s1 =	sshll.u32 s1, $0x11  }
0xbc: {  	s0 =	sor.u32 s1, s0  }
0xbd: {  	s0 =	sadd.s32 $0x8F2B, s0  }
0xbe: {  	[sflag:s0] =	ssyncadd.remote.s32 $0x1  }
0xbf: {  	_ =	sfence.sel $0xFFFF  }
0xc0: {  	[dreg:$0x0] =	wrdreg $0xFFFFFFFF;
	(pc) =	sbr.abs _section_cstart, $3  }
0xc1: {  	[dreg:$0x1] =	wrdreg $0xFFFFFFFF  }
0xc2: {  	_ =	task.clear_ibuf [dreg:s7], $0x2FFFF;
	_ =	strace $0x9FFFFFFF  }
0xc3: {  	(tm) =	ssettm $0x7FFFFFFF  }
tec
execute0_lowered:
.L_overlay_start_1:
0x0: {  	(tag) =	ssettag $0x1  }
0x1: {  	s0 =	rddreg [dreg:$0x0]  }
0x2: {  	s2 =	rddreg [dreg:$0x1]  }
0x3: {  	s3 =	rddreg [dreg:$0x2];
	s4 =	simm.s32 $0x0  }
0x4: {  	s13 =	stileid.u32;
	s1 =	srdreg.scid;
	s9 =	simm.s32 $0x92  }
0x5: {  	s29 =	simm.s32 $0x3;
	s30 =	simm.s32 $0x5;
	s31 =	simm.s32 $0x210  }
0x6: {  	s28 =	simm.s32 $0x6;
	[smem:$0x7FF] =	sst s4;
	s19 =	smul.u32 $0x16020, s13  }
0x7: {  	s1 =	sand.u32 $0x1, s1;
	s5 =	sadd.s32 $0x800, s0;
	s6 =	sadd.s32 $0x14200, s0  }
0x8: {  	s8 =	sadd.s32 $0x600, s0;
	s20 =	sadd.s32 $0x27C00, s0;
	s10 =	smul.u32 $0x144, s13  }
0x9: {  	s24 =	sshll.u32 s13, $0x6;
	_ =	strace $0x80000047;
	[dreg:$0x4] =	wrdreg s8  }
0xa: {  	s7 =	smul.u32 $0x160200, s1;
	[dreg:$0x5] =	wrdreg s20;
	s22 =	ssub.s32 $0x2, s1  }
0xb: {  	s11 =	smul.u32 $0x92, s1;
	p0 =	seq.s32 s1, $0x0;
	s20 =	simm.s32 $0x9  }
0xc: {  	s1 =	simm.s32 $0x150;
	s21 =	sshrl.u32 s19, $0x3;
	s12 =	sshrl.u32 s22, $0x1  }
0xd: {  	s9 =	simm.s32 @!p0 $0xB2;
	s4 =	sadd.s32 s19, s3;
	s7 =	sadd.s32 s19, s7  }
0xe: {  	s8 =	sadd.s32 s21, s0;
	s23 =	ssub.s32 s22, s12;
	s10 =	sadd.s32 s11, s10  }
0xf: {  	s15 =	sshrl.u32 s9, $0x1;
	s16 =	sadd.s32 $0xFFFFFFFF, s9;
	s12 =	sshrl.u32 s4, $0x3  }
0x10: {  	v0 =	vlaneseq.u32;
	s21 =	simm.s32 $0x40;
	s22 =	simm.s32 $0x190;
	s7 =	sshrl.u32 s7, $0x3  }
0x11: {  	v17 =	vimm.f32 $0.0e+00;
	vm0 =	vcmask $0x300;
	v0 =	vmul.u32 $0x10, v0;
	s11 =	sshll.u32 s10, $0x4;
	s8 =	sadd.s32 $0x27E00, s8;
	[dreg:$0xc] =	wrdreg s12  }
0x12: {  	v1 =	vimm.bf16 $2.0020e-01;
	v17 =	vsel vm0, $0x3F800000, v17;
	s26 =	smax.u32 s23, $0x1;
	s0 =	sadd.s32 s7, s0;
	[dreg:$0x6] =	wrdreg s8  }
0x13: {  	v2 =	vor.u32 $0x1, v0;
	v3 =	vor.u32 $0x2, v0;
	v4 =	vor.u32 $0x3, v0;
	s8 =	sor.u32 $0x1C09, s24;
	s25 =	sadd.s32 s2, s11;
	[dreg:$0xb] =	wrdreg s26  }
0x14: {  	v5 =	vor.u32 $0x4, v0;
	v6 =	vor.u32 $0x5, v0;
	v7 =	vor.u32 $0x6, v0;
	s24 =	simm.s32 $0x1A330;
	s26 =	simm.s32 $0x4;
	[dreg:$0x8] =	wrdreg s25  }
0x15: {  	v8 =	vor.u32 $0x7, v0;
	v9 =	vor.u32 $0x8, v0;
	v10 =	vor.u32 $0x9, v0;
	s11 =	simm.s32 $0x0;
	s7 =	sadd.s32 $0x10, s25;
	[dreg:$0x7] =	wrdreg s8  }
0x16: {  	v11 =	vor.u32 $0xA, v0;
	v12 =	vor.u32 $0xB, v0;
	v13 =	vor.u32 $0xC, v0;
	s0 =	sadd.s32 $0x54000, s0;
	s25 =	simm.s32 $0x7;
	[dreg:$0x9] =	wrdreg s7  }
0x17: {  	v14 =	vor.u32 $0xD, v0;
	v15 =	vor.u32 $0xE, v0;
	v16 =	vor.u32 $0xF, v0;
	[dreg:$0xa] =	wrdreg s0;
	s0 =	simm.s32 $0x1D0;
	s7 =	simm.s32 $0x1C730  }
.LBB2_1:
0x18: {  	s4 =	rddreg [dreg:$0x6]  }
0x19: {  	[spmem:s12], [sflag:s8] =	dma.local [hbm:s4], $0x2C04  }
0x1a: {  	_ =	swait.ge [sflag:s20], $0x2C04  }
0x1b: {  	[sflag:s20] =	ssyncset.done $0x0  }
0x1c: {  	[sflag:s20] =	ssyncadd.s32 $0xFFFFD3FC  }
0x1d: {  	[bflag:$0x0] =	sbarrier.arrive $0xFFFF  }
0x1e: {  	s12 =	simm.s32 $0x0;
	s17 =	rddreg [dreg:$0x4]  }
0x1f: {  	[tilespmem:s12], [sflag:$0x9] =	stream.linear.gather [hbm4b:s17+s12], $0x40, $0x38;
	[tilespmem:$0x1EB30] =	vst v63  }
0x20: {  	_ =	swait.ge [sflag:s20], $0x40  }
0x21: {  	[sflag:s20] =	ssyncset.done $0x0  }
0x22: {  	s18 =	rddreg [dreg:$0x5];
	[sflag:s20] =	ssyncadd.s32 $0xFFFFFFC0  }
0x23: {  	[tilespmem:s21], [sflag:$0x9] =	stream.linear.gather [hbm4b:s18+s12], $0x10, $0x38;
	[tilespmem:$0x1EB30] =	vst v63  }
0x24: {  	_ =	swait.ge [sflag:s20], $0x10  }
0x25: {  	[sflag:s20] =	ssyncset.done $0x0  }
0x26: {  	[sflag:s20] =	ssyncadd.s32 $0xFFFFFFF0  }
0x27: {  	v18 =	vld [tilespmem:$0x0]  }
0x28: {  	v19 =	vld [tilespmem:$0x10]  }
0x29: {  	v20 =	vld [tilespmem:$0x20]  }
0x2a: {  	s23 =	simm.s32 $0x50;
	s14 =	simm.s32 $0x1;
	s19 =	rddreg [dreg:$0x8];
	v21 =	vld [tilespmem:$0x30]  }
0x2b: {  	v22 =	vld [tilespmem:$0x40];
	[tilespmem:s23], [sflag:$0x1] =	stream.linear.gather [hbm4b:s19+s12], $0x80, $0x38  }
0x2c: {  	_ =	swait.ge [sflag:s14], $0x80  }
0x2d: {  	[sflag:s14] =	ssyncset.done $0x0  }
0x2e: {  	s13 =	simm.s32 $0xD0;
	s17 =	rddreg [dreg:$0x9];
	[sflag:s14] =	ssyncadd.s32 $0xFFFFFF80  }
0x2f: {  	[tilespmem:s13], [sflag:$0x2] =	stream.linear.gather [hbm4b:s17+s12], $0x80, $0x38;
	[tilespmem:$0x1EB30] =	vst v63  }
0x30: {  	s18 =	simm.s32 $0x16330  }
0x31: {  	[tilespmem:s18], [sflag:$0x3] =	stream.indirect.gather [hbm4b:s5+s21], $0x40, s23, s21, $0xb8;
	[tilespmem:$0x1EB30] =	vst v63  }
0x32: {  	s19 =	simm.s32 $0x90;
	s14 =	simm.s32 $0x0;
	s23 =	simm.s32 $0x18330  }
0x33: {  	[tilespmem:s23], [sflag:$0x5] =	stream.indirect.gather [hbm4b:s6+s21], $0x40, s19, s21, $0xb8;
	[tilespmem:$0x1EB30] =	vst v63  }
.LBB2_2:
0x34: {  	p0 =	seq.s32 s14, $0x0  }
0x35: {  	s4 =	simm.s32 @!p0 $0x8  }
0x36: {  	s17 =	sshll.u32 s14, $0x1;
	_ =	swait.ge @!p0 [sflag:s4], $0x2400  }
0x37: {  	p1 =	sge.u32 s17, s16;
	[sflag:s4] =	ssyncset.done @!p0 $0x0  }
0x38: {  	[sflag:s4] =	ssyncadd.s32 @!p0 $0xFFFFDC00;
	s4 =	simm.s32 @!p1 $0x2  }
0x39: {  	_ =	swait.ge @!p1 [sflag:s4], $0x80  }
0x3a: {  	s8 =	simm.s32 @!p1 $0xD0;
	[sflag:s4] =	ssyncset.done @!p1 $0x0  }
0x3b: {  	s12 =	simm.s32 @!p1 $0x17330;
	[sflag:s4] =	ssyncadd.s32 @!p1 $0xFFFFFF80;
	s4 =	simm.s32 @!p1 $0x40  }
0x3c: {  	[tilespmem:s12], [sflag:$0x4] =	stream.indirect.gather @!p1 [hbm4b:s5+s4], $0x40, s8, s4, $0xb8;
	[tilespmem:$0x1EB30] =	vst v63  }
0x3d: {  	s8 =	simm.s32 @!p1 $0x110;
	s12 =	simm.s32 @!p1 $0x19330  }
0x3e: {  	[tilespmem:s12], [sflag:$0x6] =	stream.indirect.gather @!p1 [hbm4b:s6+s4], $0x40, s8, s4, $0xb8;
	[tilespmem:$0x1EB30] =	vst v63  }
0x3f: {  	_ =	swait.ge [sflag:s29], $0x1000  }
0x40: {  	[sflag:s29] =	ssyncset.done $0x0  }
0x41: {  	[sflag:s29] =	ssyncadd.s32 $0xFFFFF000  }
0x42: {  	_ =	swait.ge [sflag:s30], $0x1000  }
0x43: {  	[sflag:s30] =	ssyncset.done $0x0  }
0x44: {  	[sflag:s30] =	ssyncadd.s32 $0xFFFFF000  }
0x45: {  	v23 =	vld [tilespmem:$0x90]  }
0x46: {  	v24 =	vld [tilespmem:$0xA0]  }
0x47: {  	v25 =	vld [tilespmem:$0xB0]  }
0x48: {  	s4 =	sadd.s32 $0x2, s17;
	v26 =	vld [tilespmem:$0xC0]  }
0x49: {  	p0 =	sge.u32 s4, s9  }
0x4a: {  	s4 =	sadd.s32 @!p0 s10, s4;
	[tilespmem:$0x150] =	vst v23  }
0x4b: {  	s18 =	simm.s32 $0x0;
	s4 =	sshll.u32 @!p0 s4, $0x4;
	[tilespmem:$0x160] =	vst v24  }
0x4c: {  	s13 =	simm.s32 $0x16420;
	s23 =	simm.s32 $0x18420;
	s4 =	sand.u32 @!p0 $0x1FFFFFE0, s4;
	[tilespmem:$0x170] =	vst v25  }
0x4d: {  	s8 =	simm.s32 @!p0 $0x0;
	s12 =	simm.s32 @!p0 $0x50;
	s4 =	sadd.s32 @!p0 s2, s4;
	[tilespmem:$0x180] =	vst v26  }
0x4e: {  	[tilespmem:s12], [sflag:$0x1] =	stream.linear.gather @!p0 [hbm4b:s4+s8], $0x80, $0x38;
	[tilespmem:$0x1EB30] =	vst v63  }
.LBB2_3:
0x4f: {  	v23 =	vmov s13  }
0x50: {  	v24 =	vmov s23;
	_ =	sdelay $0x2  }
0x51: {  	s4 =	simm.s32 $0x0  }
0x52: {  	v25 =	vld.idx.msk [tilespmem:v23+s4+$0xFFFFFF10 ss:$0x1], $0xffff  }
0x53: {  	v26 =	vld.idx.msk [tilespmem:v24+s4+$0xFFFFFF10 ss:$0x1], $0xffff;
	_ =	sdelay $0x2  }
0x54: {  	v27 =	vld.idx.msk [tilespmem:v24+s4+$0xFFFFFF20 ss:$0x1], $0xffff  }
0x55: {  	v28 =	vld.idx.msk [tilespmem:v23+s4+$0xFFFFFF20 ss:$0x1], $0xffff  }
0x56: {  	v25 =	vadd.bf16 v26, v25;
	_ =	sdelay $0x1  }
0x57: {  	v30 =	vld.idx.msk [tilespmem:v23+s4+$0xFFFFFF30 ss:$0x1], $0xffff;
	v29 =	vmul.bf16 v1, v25  }
0x58: {  	v26 =	vld.idx.msk [tilespmem:v24+s4+$0xFFFFFF30 ss:$0x1], $0xffff  }
0x59: {  	v27 =	vadd.bf16 v27, v28;
	v25 =	vmax.bf16 v25, v29  }
0x5a: {  	v25 =	vmul.bf16 v25, v18  }
0x5b: {  	v31 =	vld.idx.msk [tilespmem:v23+s4+$0xFFFFFF40 ss:$0x1], $0xffff;
	v29 =	vmul.bf16 v1, v27  }
0x5c: {  	v28 =	vld.idx.msk [tilespmem:v24+s4+$0xFFFFFF40 ss:$0x1], $0xffff;
	v32 =	vunpack.i.l.bf16.f32 v25  }
0x5d: {  	v26 =	vadd.bf16 v26, v30;
	v27 =	vmax.bf16 v27, v29;
	v30 =	vadd.f32 $0.0e+00, v32  }
0x5e: {  	v25 =	vunpack.i.u.bf16.f32 v25;
	v27 =	vmul.bf16 v27, v19  }
0x5f: {  	v29 =	vmul.bf16 v1, v26;
	v25 =	vadd.f32 v30, v25  }
0x60: {  	v30 =	vunpack.i.l.bf16.f32 v27  }
0x61: {  	v28 =	vadd.bf16 v28, v31;
	v26 =	vmax.bf16 v26, v29;
	v25 =	vadd.f32 v30, v25  }
0x62: {  	v26 =	vmul.bf16 v26, v20;
	v27 =	vunpack.i.u.bf16.f32 v27  }
0x63: {  	v29 =	vmul.bf16 v1, v28;
	v25 =	vadd.f32 v25, v27  }
0x64: {  	v27 =	vunpack.i.l.bf16.f32 v26  }
0x65: {  	v28 =	vmax.bf16 v28, v29;
	v25 =	vadd.f32 v27, v25  }
0x66: {  	v26 =	vunpack.i.u.bf16.f32 v26;
	v27 =	vmul.bf16 v28, v21  }
0x67: {  	v25 =	vadd.f32 v25, v26  }
0x68: {  	v26 =	vunpack.i.l.bf16.f32 v27  }
0x69: {  	v25 =	vadd.f32 v26, v25  }
0x6a: {  	v26 =	vunpack.i.u.bf16.f32 v27  }
0x6b: {  	v25 =	vadd.f32 v25, v26  }
0x6c: {  	s8 =	simm.s32 $0x230  }
0x6d: {  	[tilespmem:s8+$0xFFFFFFE0] =	vst v25  }
0x6e: {  	v25 =	vld.idx.msk [tilespmem:v23+s4+$0xFFFFFF50 ss:$0x1], $0xffff  }
0x6f: {  	v26 =	vld.idx.msk [tilespmem:v24+s4+$0xFFFFFF50 ss:$0x1], $0xffff;
	_ =	sdelay $0x2  }
0x70: {  	v27 =	vld.idx.msk [tilespmem:v23+s4+$0xFFFFFF60 ss:$0x1], $0xffff  }
0x71: {  	v28 =	vld.idx.msk [tilespmem:v24+s4+$0xFFFFFF60 ss:$0x1], $0xffff  }
0x72: {  	v25 =	vadd.bf16 v26, v25;
	_ =	sdelay $0x1  }
0x73: {  	v30 =	vld.idx.msk [tilespmem:v23+s4+$0xFFFFFF70 ss:$0x1], $0xffff;
	v29 =	vmul.bf16 v1, v25  }
0x74: {  	v26 =	vld.idx.msk [tilespmem:v24+s4+$0xFFFFFF70 ss:$0x1], $0xffff  }
0x75: {  	v27 =	vadd.bf16 v28, v27;
	v25 =	vmax.bf16 v25, v29  }
0x76: {  	v25 =	vmul.bf16 v25, v18  }
0x77: {  	v31 =	vld.idx.msk [tilespmem:v23+s4+$0xFFFFFF80 ss:$0x1], $0xffff;
	v28 =	vmul.bf16 v1, v27  }
0x78: {  	v29 =	vld.idx.msk [tilespmem:v24+s4+$0xFFFFFF80 ss:$0x1], $0xffff;
	v61 =	vunpack.i.l.bf16.f32 v25  }
0x79: {  	v27 =	vmax.bf16 v27, v28;
	v26 =	vadd.bf16 v26, v30;
	v28 =	vadd.f32 $0.0e+00, v61  }
0x7a: {  	v27 =	vmul.bf16 v27, v19;
	v25 =	vunpack.i.u.bf16.f32 v25  }
0x7b: {  	v25 =	vadd.f32 v28, v25;
	v28 =	vmul.bf16 v1, v26  }
0x7c: {  	v30 =	vunpack.i.l.bf16.f32 v27  }
0x7d: {  	v25 =	vadd.f32 v30, v25;
	v26 =	vmax.bf16 v26, v28;
	v28 =	vadd.bf16 v29, v31  }
0x7e: {  	v27 =	vunpack.i.u.bf16.f32 v27;
	v26 =	vmul.bf16 v26, v20  }
0x7f: {  	v25 =	vadd.f32 v25, v27;
	v27 =	vmul.bf16 v1, v28  }
0x80: {  	v29 =	vunpack.i.l.bf16.f32 v26  }
0x81: {  	v25 =	vadd.f32 v29, v25;
	v27 =	vmax.bf16 v28, v27  }
0x82: {  	v26 =	vunpack.i.u.bf16.f32 v26;
	v27 =	vmul.bf16 v27, v21  }
0x83: {  	v25 =	vadd.f32 v25, v26  }
0x84: {  	v26 =	vunpack.i.l.bf16.f32 v27  }
0x85: {  	v25 =	vadd.f32 v26, v25  }
0x86: {  	v26 =	vunpack.i.u.bf16.f32 v27  }
0x87: {  	v25 =	vadd.f32 v25, v26;
	_ =	sdelay $0x1  }
0x88: {  	[tilespmem:s8+$0xFFFFFFF0] =	vst v25  }
0x89: {  	v25 =	vld.idx.msk [tilespmem:v23+s4+$0xFFFFFF90 ss:$0x1], $0xffff  }
0x8a: {  	v26 =	vld.idx.msk [tilespmem:v24+s4+$0xFFFFFF90 ss:$0x1], $0xffff;
	_ =	sdelay $0x2  }
0x8b: {  	v27 =	vld.idx.msk [tilespmem:v24+s4+$0xFFFFFFA0 ss:$0x1], $0xffff  }
0x8c: {  	v28 =	vld.idx.msk [tilespmem:v23+s4+$0xFFFFFFA0 ss:$0x1], $0xffff  }
0x8d: {  	v25 =	vadd.bf16 v26, v25;
	_ =	sdelay $0x1  }
0x8e: {  	v30 =	vld.idx.msk [tilespmem:v24+s4+$0xFFFFFFB0 ss:$0x1], $0xffff;
	v29 =	vmul.bf16 v1, v25  }
0x8f: {  	v26 =	vld.idx.msk [tilespmem:v23+s4+$0xFFFFFFB0 ss:$0x1], $0xffff  }
0x90: {  	v27 =	vadd.bf16 v27, v28;
	v25 =	vmax.bf16 v25, v29  }
0x91: {  	v25 =	vmul.bf16 v25, v18  }
0x92: {  	v31 =	vld.idx.msk [tilespmem:v24+s4+$0xFFFFFFC0 ss:$0x1], $0xffff;
	v29 =	vmul.bf16 v1, v27  }
0x93: {  	v28 =	vld.idx.msk [tilespmem:v23+s4+$0xFFFFFFC0 ss:$0x1], $0xffff;
	v62 =	vunpack.i.l.bf16.f32 v25  }
0x94: {  	v26 =	vadd.bf16 v30, v26;
	v27 =	vmax.bf16 v27, v29;
	v29 =	vadd.f32 $0.0e+00, v62  }
0x95: {  	v27 =	vmul.bf16 v27, v19;
	v25 =	vunpack.i.u.bf16.f32 v25  }
0x96: {  	v30 =	vmul.bf16 v1, v26;
	v25 =	vadd.f32 v29, v25  }
0x97: {  	v29 =	vunpack.i.l.bf16.f32 v27  }
0x98: {  	v28 =	vadd.bf16 v31, v28;
	v26 =	vmax.bf16 v26, v30;
	v25 =	vadd.f32 v29, v25  }
0x99: {  	v26 =	vmul.bf16 v26, v20;
	v27 =	vunpack.i.u.bf16.f32 v27  }
0x9a: {  	v29 =	vmul.bf16 v1, v28;
	v25 =	vadd.f32 v25, v27  }
0x9b: {  	v27 =	vunpack.i.l.bf16.f32 v26  }
0x9c: {  	v28 =	vmax.bf16 v28, v29;
	v25 =	vadd.f32 v27, v25  }
0x9d: {  	v26 =	vunpack.i.u.bf16.f32 v26;
	v27 =	vmul.bf16 v28, v21  }
0x9e: {  	v25 =	vadd.f32 v25, v26  }
0x9f: {  	v26 =	vunpack.i.l.bf16.f32 v27  }
0xa0: {  	v25 =	vadd.f32 v26, v25  }
0xa1: {  	v26 =	vunpack.i.u.bf16.f32 v27  }
0xa2: {  	v25 =	vadd.f32 v25, v26;
	_ =	sdelay $0x1  }
0xa3: {  	[tilespmem:s8+$0x0] =	vst v25  }
0xa4: {  	v25 =	vld.idx.msk [tilespmem:v24+s4+$0x0 ss:$0x1], $0xffff  }
0xa5: {  	v26 =	vld.idx.msk [tilespmem:v23+s4+$0xFFFFFFD0 ss:$0x1], $0xffff  }
0xa6: {  	v27 =	vld.idx.msk [tilespmem:v24+s4+$0xFFFFFFF0 ss:$0x1], $0xffff  }
0xa7: {  	v28 =	vld.idx.msk [tilespmem:v23+s4+$0xFFFFFFF0 ss:$0x1], $0xffff  }
0xa8: {  	v29 =	vld.idx.msk [tilespmem:v23+s4+$0xFFFFFFE0 ss:$0x1], $0xffff  }
0xa9: {  	v30 =	vld.idx.msk [tilespmem:v23+s4+$0x0 ss:$0x1], $0xffff  }
0xaa: {  	v31 =	vld.idx.msk [tilespmem:v24+s4+$0xFFFFFFE0 ss:$0x1], $0xffff  }
0xab: {  	v63 =	vld.idx.msk [tilespmem:v24+s4+$0xFFFFFFD0 ss:$0x1], $0xffff;
	_ =	sdelay $0x2  }
0xac: {  	v27 =	vadd.bf16 v27, v28  }
0xad: {  	v25 =	vadd.bf16 v25, v30  }
0xae: {  	v29 =	vadd.bf16 v31, v29;
	v30 =	vadd.bf16 v63, v26;
	v28 =	vmul.bf16 v1, v27  }
0xaf: {  	v31 =	vmul.bf16 v1, v25  }
0xb0: {  	v26 =	vmax.bf16 v27, v28;
	v27 =	vmul.bf16 v1, v29;
	v28 =	vmul.bf16 v1, v30  }
0xb1: {  	v25 =	vmax.bf16 v25, v31;
	v26 =	vmul.bf16 v26, v20  }
0xb2: {  	v25 =	vmul.bf16 v25, v21;
	v27 =	vmax.bf16 v29, v27;
	v28 =	vmax.bf16 v30, v28  }
0xb3: {  	s12 =	simm.s32 $0x400;
	s4 =	simm.s32 $0x230;
	v27 =	vmul.bf16 v27, v19;
	v28 =	vmul.bf16 v28, v18  }
.LBB2_4:
0xb4: {  	p1 =	sne.s32 s12, $0xC00  }
0xb5: {  	s8 =	sadd.s32 $0x40, s8;
	s19 =	smov.u32 s12;
	s12 =	sadd.s32 $0x400, s12;
	v29 =	vunpack.i.u.bf16.f32 v28;
	v28 =	vunpack.i.l.bf16.f32 v28  }
0xb6: {  	v28 =	vadd.f32 $0.0e+00, v28  }
0xb7: {  	v30 =	vunpack.i.l.bf16.f32 v27  }
0xb8: {  	v28 =	vadd.f32 v28, v29  }
0xb9: {  	v27 =	vunpack.i.u.bf16.f32 v27  }
0xba: {  	v28 =	vadd.f32 v30, v28  }
0xbb: {  	v29 =	vunpack.i.l.bf16.f32 v26  }
0xbc: {  	v27 =	vadd.f32 v28, v27  }
0xbd: {  	v26 =	vunpack.i.u.bf16.f32 v26  }
0xbe: {  	v27 =	vadd.f32 v29, v27  }
0xbf: {  	s19 =	sshra.s32 s19, $0x2;
	v28 =	vunpack.i.l.bf16.f32 v25  }
0xc0: {  	v26 =	vadd.f32 v27, v26  }
0xc1: {  	v25 =	vunpack.i.u.bf16.f32 v25  }
0xc2: {  	v26 =	vadd.f32 v28, v26;
	_ =	sdelay $0x1  }
0xc3: {  	v25 =	vadd.f32 v26, v25;
	_ =	sdelay $0x1  }
0xc4: {  	[tilespmem:s4+$0x10] =	vst v25;
	s4 =	smov.u32 s8  }
0xc5: {  	v25 =	vld.idx.msk [tilespmem:v23+s19+$0xFFFFFF10 ss:$0x1], $0xffff  }
0xc6: {  	v26 =	vld.idx.msk [tilespmem:v24+s19+$0xFFFFFF10 ss:$0x1], $0xffff  }
0xc7: {  	v27 =	vld.idx.msk [tilespmem:v24+s19+$0xFFFFFF30 ss:$0x1], $0xffff  }
0xc8: {  	v28 =	vld.idx.msk [tilespmem:v23+s19+$0xFFFFFF30 ss:$0x1], $0xffff  }
0xc9: {  	v29 =	vld.idx.msk [tilespmem:v24+s19+$0xFFFFFF20 ss:$0x1], $0xffff  }
0xca: {  	v30 =	vld.idx.msk [tilespmem:v23+s19+$0xFFFFFF20 ss:$0x1], $0xffff  }
0xcb: {  	v31 =	vld.idx.msk [tilespmem:v24+s19+$0xFFFFFF40 ss:$0x1], $0xffff  }
0xcc: {  	v25 =	vadd.bf16 v26, v25;
	v26 =	vld.idx.msk [tilespmem:v23+s19+$0xFFFFFF40 ss:$0x1], $0xffff;
	_ =	sdelay $0x1  }
0xcd: {  	v32 =	vmul.bf16 v1, v25;
	v27 =	vadd.bf16 v27, v28;
	_ =	sdelay $0x1  }
0xce: {  	v25 =	vmax.bf16 v25, v32;
	v28 =	vadd.bf16 v29, v30;
	v29 =	vmul.bf16 v1, v27  }
0xcf: {  	v25 =	vmul.bf16 v25, v18  }
0xd0: {  	v30 =	vmul.bf16 v1, v28;
	v27 =	vmax.bf16 v27, v29;
	v26 =	vadd.bf16 v31, v26  }
0xd1: {  	v29 =	vunpack.i.l.bf16.f32 v25;
	v27 =	vmul.bf16 v27, v20  }
0xd2: {  	v29 =	vadd.f32 $0.0e+00, v29;
	v28 =	vmax.bf16 v28, v30;
	v30 =	vmul.bf16 v1, v26  }
0xd3: {  	v25 =	vunpack.i.u.bf16.f32 v25;
	v28 =	vmul.bf16 v28, v19  }
0xd4: {  	v25 =	vadd.f32 v29, v25;
	v26 =	vmax.bf16 v26, v30  }
0xd5: {  	v29 =	vunpack.i.l.bf16.f32 v28;
	v26 =	vmul.bf16 v26, v21  }
0xd6: {  	v25 =	vadd.f32 v29, v25  }
0xd7: {  	v28 =	vunpack.i.u.bf16.f32 v28  }
0xd8: {  	v25 =	vadd.f32 v25, v28  }
0xd9: {  	v28 =	vunpack.i.l.bf16.f32 v27  }
0xda: {  	v25 =	vadd.f32 v28, v25  }
0xdb: {  	v27 =	vunpack.i.u.bf16.f32 v27  }
0xdc: {  	v25 =	vadd.f32 v25, v27  }
0xdd: {  	v27 =	vunpack.i.l.bf16.f32 v26  }
0xde: {  	v25 =	vadd.f32 v27, v25  }
0xdf: {  	v26 =	vunpack.i.u.bf16.f32 v26  }
0xe0: {  	v25 =	vadd.f32 v25, v26;
	_ =	sdelay $0x1  }
0xe1: {  	[tilespmem:s8+$0xFFFFFFE0] =	vst v25  }
0xe2: {  	v25 =	vld.idx.msk [tilespmem:v23+s19+$0xFFFFFF50 ss:$0x1], $0xffff  }
0xe3: {  	v26 =	vld.idx.msk [tilespmem:v24+s19+$0xFFFFFF50 ss:$0x1], $0xffff  }
0xe4: {  	v27 =	vld.idx.msk [tilespmem:v23+s19+$0xFFFFFF60 ss:$0x1], $0xffff  }
0xe5: {  	v28 =	vld.idx.msk [tilespmem:v24+s19+$0xFFFFFF60 ss:$0x1], $0xffff;
	_ =	sdelay $0x3  }
0xe6: {  	v25 =	vadd.bf16 v26, v25  }
0xe7: {  	v26 =	vld.idx.msk [tilespmem:v24+s19+$0xFFFFFF70 ss:$0x1], $0xffff  }
0xe8: {  	v29 =	vmul.bf16 v1, v25;
	v27 =	vadd.bf16 v28, v27;
	v28 =	vld.idx.msk [tilespmem:v23+s19+$0xFFFFFF70 ss:$0x1], $0xffff;
	_ =	sdelay $0x1  }
0xe9: {  	v25 =	vmax.bf16 v25, v29;
	v29 =	vmul.bf16 v1, v27  }
0xea: {  	v25 =	vmul.bf16 v25, v18;
	v30 =	vld.idx.msk [tilespmem:v24+s19+$0xFFFFFF80 ss:$0x1], $0xffff  }
0xeb: {  	v27 =	vmax.bf16 v27, v29;
	v29 =	vld.idx.msk [tilespmem:v23+s19+$0xFFFFFF80 ss:$0x1], $0xffff  }
0xec: {  	v31 =	vunpack.i.l.bf16.f32 v25;
	v27 =	vmul.bf16 v27, v19  }
0xed: {  	v31 =	vadd.f32 $0.0e+00, v31;
	v26 =	vadd.bf16 v26, v28  }
0xee: {  	v25 =	vunpack.i.u.bf16.f32 v25  }
0xef: {  	v25 =	vadd.f32 v31, v25;
	v28 =	vmul.bf16 v1, v26  }
0xf0: {  	v31 =	vunpack.i.l.bf16.f32 v27  }
0xf1: {  	v25 =	vadd.f32 v31, v25;
	v26 =	vmax.bf16 v26, v28;
	v28 =	vadd.bf16 v30, v29  }
0xf2: {  	v27 =	vunpack.i.u.bf16.f32 v27;
	v26 =	vmul.bf16 v26, v20  }
0xf3: {  	v25 =	vadd.f32 v25, v27;
	v27 =	vmul.bf16 v1, v28  }
0xf4: {  	v29 =	vunpack.i.l.bf16.f32 v26  }
0xf5: {  	v25 =	vadd.f32 v29, v25;
	v27 =	vmax.bf16 v28, v27  }
0xf6: {  	v26 =	vunpack.i.u.bf16.f32 v26;
	v27 =	vmul.bf16 v27, v21  }
0xf7: {  	v25 =	vadd.f32 v25, v26  }
0xf8: {  	v26 =	vunpack.i.l.bf16.f32 v27  }
0xf9: {  	v25 =	vadd.f32 v26, v25  }
0xfa: {  	v26 =	vunpack.i.u.bf16.f32 v27  }
0xfb: {  	v25 =	vadd.f32 v25, v26;
	_ =	sdelay $0x1  }
0xfc: {  	[tilespmem:s8+$0xFFFFFFF0] =	vst v25  }
0xfd: {  	v25 =	vld.idx.msk [tilespmem:v23+s19+$0xFFFFFF90 ss:$0x1], $0xffff  }
0xfe: {  	v26 =	vld.idx.msk [tilespmem:v24+s19+$0xFFFFFF90 ss:$0x1], $0xffff  }
0xff: {  	v27 =	vld.idx.msk [tilespmem:v24+s19+$0xFFFFFFA0 ss:$0x1], $0xffff  }
0x100: {  	v28 =	vld.idx.msk [tilespmem:v23+s19+$0xFFFFFFA0 ss:$0x1], $0xffff  }
0x101: {  	v29 =	vld.idx.msk [tilespmem:v23+s19+$0xFFFFFFB0 ss:$0x1], $0xffff  }
0x102: {  	v30 =	vld.idx.msk [tilespmem:v24+s19+$0xFFFFFFB0 ss:$0x1], $0xffff  }
0x103: {  	v31 =	vld.idx.msk [tilespmem:v23+s19+$0xFFFFFFC0 ss:$0x1], $0xffff  }
0x104: {  	v25 =	vadd.bf16 v26, v25;
	v26 =	vld.idx.msk [tilespmem:v24+s19+$0xFFFFFFC0 ss:$0x1], $0xffff;
	_ =	sdelay $0x1  }
0x105: {  	v32 =	vmul.bf16 v1, v25;
	v27 =	vadd.bf16 v27, v28;
	_ =	sdelay $0x1  }
0x106: {  	v25 =	vmax.bf16 v25, v32;
	v28 =	vmul.bf16 v1, v27;
	v29 =	vadd.bf16 v30, v29  }
0x107: {  	v25 =	vmul.bf16 v25, v18  }
0x108: {  	v27 =	vmax.bf16 v27, v28;
	v28 =	vmul.bf16 v1, v29;
	v26 =	vadd.bf16 v26, v31  }
0x109: {  	v30 =	vunpack.i.l.bf16.f32 v25;
	v27 =	vmul.bf16 v27, v19  }
0x10a: {  	v30 =	vadd.f32 $0.0e+00, v30;
	v28 =	vmax.bf16 v29, v28;
	v29 =	vmul.bf16 v1, v26  }
0x10b: {  	v25 =	vunpack.i.u.bf16.f32 v25;
	v28 =	vmul.bf16 v28, v20  }
0x10c: {  	v25 =	vadd.f32 v30, v25;
	v26 =	vmax.bf16 v26, v29  }
0x10d: {  	v29 =	vunpack.i.l.bf16.f32 v27  }
0x10e: {  	v25 =	vadd.f32 v29, v25  }
0x10f: {  	v27 =	vunpack.i.u.bf16.f32 v27  }
0x110: {  	v25 =	vadd.f32 v25, v27  }
0x111: {  	v27 =	vunpack.i.l.bf16.f32 v28  }
0x112: {  	v25 =	vadd.f32 v27, v25  }
0x113: {  	v26 =	vmul.bf16 v26, v21;
	v27 =	vunpack.i.u.bf16.f32 v28  }
0x114: {  	v25 =	vadd.f32 v25, v27  }
0x115: {  	v27 =	vunpack.i.l.bf16.f32 v26  }
0x116: {  	v25 =	vadd.f32 v27, v25  }
0x117: {  	v26 =	vunpack.i.u.bf16.f32 v26  }
0x118: {  	v25 =	vadd.f32 v25, v26;
	_ =	sdelay $0x1  }
0x119: {  	[tilespmem:s8+$0x0] =	vst v25  }
0x11a: {  	v25 =	vld.idx.msk [tilespmem:v24+s19+$0x0 ss:$0x1], $0xffff  }
0x11b: {  	v26 =	vld.idx.msk [tilespmem:v23+s19+$0xFFFFFFD0 ss:$0x1], $0xffff  }
0x11c: {  	v27 =	vld.idx.msk [tilespmem:v24+s19+$0xFFFFFFF0 ss:$0x1], $0xffff  }
0x11d: {  	v28 =	vld.idx.msk [tilespmem:v23+s19+$0xFFFFFFF0 ss:$0x1], $0xffff  }
0x11e: {  	v29 =	vld.idx.msk [tilespmem:v23+s19+$0xFFFFFFE0 ss:$0x1], $0xffff  }
0x11f: {  	v30 =	vld.idx.msk [tilespmem:v23+s19+$0x0 ss:$0x1], $0xffff  }
0x120: {  	v31 =	vld.idx.msk [tilespmem:v24+s19+$0xFFFFFFE0 ss:$0x1], $0xffff  }
0x121: {  	v32 =	vld.idx.msk [tilespmem:v24+s19+$0xFFFFFFD0 ss:$0x1], $0xffff;
	_ =	sdelay $0x1  }
0x122: {  	v27 =	vadd.bf16 v27, v28;
	_ =	sdelay $0x1  }
0x123: {  	v28 =	vmul.bf16 v1, v27;
	v25 =	vadd.bf16 v25, v30  }
0x124: {  	v29 =	vadd.bf16 v31, v29  }
0x125: {  	v30 =	vadd.bf16 v32, v26;
	v26 =	vmax.bf16 v27, v28;
	v27 =	vmul.bf16 v1, v25  }
.Ltmp0:
0x126: {  	v28 =	vmul.bf16 v1, v29;
	v26 =	vmul.bf16 v26, v20;
	(pc) =	sbr.rel @p1 .LBB2_4-.Ltmp0, $4  }
0x127: {  	v31 =	vmul.bf16 v1, v30;
	v25 =	vmax.bf16 v25, v27  }
0x128: {  	v27 =	vmax.bf16 v29, v28;
	v25 =	vmul.bf16 v25, v21  }
0x129: {  	v28 =	vmax.bf16 v30, v31;
	v27 =	vmul.bf16 v27, v19  }
0x12a: {  	v28 =	vmul.bf16 v28, v18  }
0x12b: {  	_ = 	snop  }
0x12c: {  	v23 =	vunpack.i.l.bf16.f32 v28  }
0x12d: {  	v23 =	vadd.f32 $0.0e+00, v23  }
0x12e: {  	v24 =	vunpack.i.u.bf16.f32 v28  }
0x12f: {  	v23 =	vadd.f32 v23, v24  }
0x130: {  	v43 =	vunpack.i.l.bf16.f32 v27  }
0x131: {  	v23 =	vadd.f32 v43, v23  }
0x132: {  	v44 =	vunpack.i.u.bf16.f32 v27  }
0x133: {  	v23 =	vadd.f32 v23, v44  }
0x134: {  	v45 =	vunpack.i.l.bf16.f32 v26  }
0x135: {  	v23 =	vadd.f32 v45, v23  }
0x136: {  	v46 =	vunpack.i.u.bf16.f32 v26  }
0x137: {  	v23 =	vadd.f32 v23, v46  }
0x138: {  	v47 =	vunpack.i.l.bf16.f32 v25  }
0x139: {  	v23 =	vadd.f32 v47, v23  }
0x13a: {  	v48 =	vunpack.i.u.bf16.f32 v25  }
0x13b: {  	v23 =	vadd.f32 v23, v48;
	_ =	sdelay $0x1  }
0x13c: {  	[tilespmem:s4+$0x10] =	vst v23  }
0x13d: {  	v23 =	vld.idx.msk [tilespmem:v0+s31+$0x0], $0xffff;
	_ =	sdelay $0x1  }
0x13e: {  	v49 =	vld.idx.msk [tilespmem:v2+s31+$0x0], $0xffff;
	_ =	sdelay $0x1  }
0x13f: {  	v50 =	vld.idx.msk [tilespmem:v3+s31+$0x0], $0xffff  }
0x140: {  	v23 =	vadd.f32 $0.0e+00, v23  }
0x141: {  	v51 =	vld.idx.msk [tilespmem:v4+s31+$0x0], $0xffff  }
0x142: {  	v23 =	vadd.f32 v49, v23  }
0x143: {  	v52 =	vld.idx.msk [tilespmem:v5+s31+$0x0], $0xffff  }
0x144: {  	v23 =	vadd.f32 v50, v23  }
0x145: {  	v53 =	vld.idx.msk [tilespmem:v6+s31+$0x0], $0xffff  }
0x146: {  	v23 =	vadd.f32 v51, v23  }
0x147: {  	v54 =	vld.idx.msk [tilespmem:v7+s31+$0x0], $0xffff  }
0x148: {  	v23 =	vadd.f32 v52, v23  }
0x149: {  	v55 =	vld.idx.msk [tilespmem:v8+s31+$0x0], $0xffff  }
0x14a: {  	v23 =	vadd.f32 v53, v23  }
0x14b: {  	v56 =	vld.idx.msk [tilespmem:v9+s31+$0x0], $0xffff  }
0x14c: {  	v23 =	vadd.f32 v54, v23  }
0x14d: {  	v57 =	vld.idx.msk [tilespmem:v10+s31+$0x0], $0xffff  }
0x14e: {  	v23 =	vadd.f32 v55, v23  }
0x14f: {  	v58 =	vld.idx.msk [tilespmem:v11+s31+$0x0], $0xffff  }
0x150: {  	v23 =	vadd.f32 v56, v23  }
0x151: {  	v59 =	vld.idx.msk [tilespmem:v12+s31+$0x0], $0xffff  }
0x152: {  	v23 =	vadd.f32 v57, v23  }
0x153: {  	v60 =	vld.idx.msk [tilespmem:v13+s31+$0x0], $0xffff  }
0x154: {  	v23 =	vadd.f32 v58, v23  }
0x155: {  	v61 =	vld.idx.msk [tilespmem:v14+s31+$0x0], $0xffff  }
0x156: {  	v23 =	vadd.f32 v59, v23  }
0x157: {  	v62 =	vld.idx.msk [tilespmem:v15+s31+$0x0], $0xffff  }
0x158: {  	v23 =	vadd.f32 v60, v23  }
0x159: {  	v63 =	vld.idx.msk [tilespmem:v16+s31+$0x0], $0xffff  }
0x15a: {  	v23 =	vadd.f32 v61, v23;
	_ =	sdelay $0x1  }
0x15b: {  	v23 =	vadd.f32 v62, v23;
	_ =	sdelay $0x1  }
0x15c: {  	v23 =	vadd.f32 v63, v23;
	_ =	sdelay $0x1  }
0x15d: {  	v23 =	vsub.f32 v23, v22;
	_ =	sdelay $0x1  }
0x15e: {  	v23 =	vmul.f32 $1.442695020e+00, v23;
	_ =	sdelay $0x1  }
0x15f: {  	(erf) = vpow2.f32 v23;
	_ =	sdelay $0x3  }
0x160: {  	s19 =	sshll.u32 s18, $0x4;
	s18 =	sadd.s32 $0x1, s18  }
0x161: {  	p1 =	sne.s32 s18, $0x4  }
.Ltmp1:
0x162: {  	_ = 	snop;
	(pc) =	sbr.rel @p1 .LBB2_3-.Ltmp1, $3  }
0x163: {  	_ =	sdelay $0x1  }
0x164: {  	s4 =	sand.u32 $0x3FFFFFF0, s19;
	v23 =	vpop (erf)  }
0x165: {  	s13 =	sadd.s32 $0x400, s13;
	s23 =	sadd.s32 $0x400, s23;
	[tilespmem:s4+$0x1D0] =	vst v23  }
0x166: {  	s4 =	simm.s32 $0x0  }
0x167: {  	v23 =	vmov s4  }
0x168: {  	v23 =	vand.u32 $0xFFFFFFFC, v23  }
0x169: {  	v23 =	vbroadcast v23, $0x0;
	_ =	sdelay $0x3  }
0x16a: {  	s13 =	simm.s32 $0x163B0  }
0x16b: {  	v24 =	vld [tilespmem:s13+$0xFFFFFF80]  }
0x16c: {  	v23 =	vld.idx.msk [tilespmem:v23+s0+$0x0], $0xffff;
	_ =	sdelay $0x3  }
0x16d: {  	v25 =	vunpack.i.l.bf16.f32 v24  }
0x16e: {  	v24 =	vunpack.i.u.bf16.f32 v24;
	v25 =	vmul.f32 v25, v23  }
0x16f: {  	s18 =	simm.s32 $0x1A450;
	v24 =	vmul.f32 v24, v23  }
0x170: {  	[tilespmem:s18+$0xFFFFFEE0] =	vst v25  }
0x171: {  	[tilespmem:s18+$0xFFFFFEF0] =	vst v24  }
0x172: {  	v24 =	vld [tilespmem:s13+$0xFFFFFF90];
	_ =	sdelay $0x4  }
0x173: {  	v25 =	vunpack.i.l.bf16.f32 v24  }
0x174: {  	v24 =	vunpack.i.u.bf16.f32 v24;
	v25 =	vmul.f32 v25, v23  }
0x175: {  	v24 =	vmul.f32 v24, v23  }
0x176: {  	[tilespmem:s18+$0xFFFFFF00] =	vst v25  }
0x177: {  	[tilespmem:s18+$0xFFFFFF10] =	vst v24  }
0x178: {  	v24 =	vld [tilespmem:s13+$0xFFFFFFA0];
	_ =	sdelay $0x4  }
0x179: {  	v25 =	vunpack.i.l.bf16.f32 v24  }
0x17a: {  	v24 =	vunpack.i.u.bf16.f32 v24;
	v25 =	vmul.f32 v25, v23  }
0x17b: {  	v24 =	vmul.f32 v24, v23  }
0x17c: {  	[tilespmem:s18+$0xFFFFFF20] =	vst v25  }
0x17d: {  	[tilespmem:s18+$0xFFFFFF30] =	vst v24  }
0x17e: {  	v24 =	vld [tilespmem:s13+$0xFFFFFFB0];
	_ =	sdelay $0x1  }
0x17f: {  	s12 =	simm.s32 $0x1  }
0x180: {  	v25 =	vmov s12  }
0x181: {  	v25 =	vand.u32 $0xFFFFFFFD, v25  }
0x182: {  	v27 =	vmul.f32 v17, v23;
	v25 =	vbroadcast v25, $0x0;
	v26 =	vunpack.i.l.bf16.f32 v24  }
0x183: {  	v24 =	vunpack.i.u.bf16.f32 v24;
	v26 =	vmul.f32 v26, v23  }
0x184: {  	[tilespmem:s18+$0xFFFFFF60] =	vst v27;
	v23 =	vmul.f32 v24, v23  }
0x185: {  	[tilespmem:s18+$0xFFFFFF40] =	vst v26  }
0x186: {  	[tilespmem:s18+$0xFFFFFF50] =	vst v23  }
0x187: {  	v23 =	vld [tilespmem:s13+$0xFFFFFFC0]  }
0x188: {  	v24 =	vld.idx.msk [tilespmem:v25+s0+$0x0], $0xffff;
	_ =	sdelay $0x3  }
0x189: {  	v25 =	vunpack.i.l.bf16.f32 v23  }
0x18a: {  	v23 =	vunpack.i.u.bf16.f32 v23;
	v25 =	vmul.f32 v25, v24  }
0x18b: {  	v23 =	vmul.f32 v23, v24  }
0x18c: {  	[tilespmem:s18+$0xFFFFFF70] =	vst v25  }
0x18d: {  	[tilespmem:s18+$0xFFFFFF80] =	vst v23  }
0x18e: {  	v23 =	vld [tilespmem:s13+$0xFFFFFFD0];
	_ =	sdelay $0x4  }
0x18f: {  	v25 =	vunpack.i.l.bf16.f32 v23  }
0x190: {  	v23 =	vunpack.i.u.bf16.f32 v23;
	v25 =	vmul.f32 v25, v24  }
0x191: {  	v23 =	vmul.f32 v23, v24  }
0x192: {  	[tilespmem:s18+$0xFFFFFF90] =	vst v25  }
0x193: {  	[tilespmem:s18+$0xFFFFFFA0] =	vst v23  }
0x194: {  	v23 =	vld [tilespmem:s13+$0xFFFFFFE0];
	_ =	sdelay $0x4  }
0x195: {  	v25 =	vunpack.i.l.bf16.f32 v23  }
0x196: {  	v23 =	vunpack.i.u.bf16.f32 v23;
	v25 =	vmul.f32 v25, v24  }
0x197: {  	v23 =	vmul.f32 v23, v24  }
0x198: {  	[tilespmem:s18+$0xFFFFFFB0] =	vst v25  }
0x199: {  	[tilespmem:s18+$0xFFFFFFC0] =	vst v23  }
0x19a: {  	v23 =	vld [tilespmem:s13+$0xFFFFFFF0];
	_ =	sdelay $0x1  }
0x19b: {  	s19 =	simm.s32 $0x2  }
0x19c: {  	v25 =	vmov s19  }
0x19d: {  	v25 =	vand.u32 $0xFFFFFFFE, v25  }
0x19e: {  	v26 =	vmul.f32 v17, v24;
	v25 =	vbroadcast v25, $0x0;
	v27 =	vunpack.i.l.bf16.f32 v23  }
0x19f: {  	v23 =	vunpack.i.u.bf16.f32 v23;
	v27 =	vmul.f32 v27, v24  }
0x1a0: {  	[tilespmem:s18+$0xFFFFFFF0] =	vst v26;
	v23 =	vmul.f32 v23, v24  }
0x1a1: {  	[tilespmem:s18+$0xFFFFFFD0] =	vst v27  }
0x1a2: {  	[tilespmem:s18+$0xFFFFFFE0] =	vst v23  }
0x1a3: {  	v23 =	vld [tilespmem:s13+$0x0]  }
0x1a4: {  	v24 =	vld.idx.msk [tilespmem:v25+s0+$0x0], $0xffff;
	_ =	sdelay $0x3  }
0x1a5: {  	v25 =	vunpack.i.l.bf16.f32 v23  }
0x1a6: {  	v23 =	vunpack.i.u.bf16.f32 v23;
	v25 =	vmul.f32 v25, v24  }
0x1a7: {  	v23 =	vmul.f32 v23, v24  }
0x1a8: {  	[tilespmem:s18+$0x0] =	vst v25  }
0x1a9: {  	[tilespmem:s18+$0x10] =	vst v23  }
0x1aa: {  	v23 =	vld [tilespmem:s13+$0x10];
	_ =	sdelay $0x4  }
0x1ab: {  	v25 =	vunpack.i.l.bf16.f32 v23  }
0x1ac: {  	v23 =	vunpack.i.u.bf16.f32 v23;
	v25 =	vmul.f32 v25, v24  }
0x1ad: {  	v23 =	vmul.f32 v23, v24  }
0x1ae: {  	[tilespmem:s18+$0x20] =	vst v25  }
0x1af: {  	[tilespmem:s18+$0x30] =	vst v23  }
0x1b0: {  	v23 =	vld [tilespmem:s13+$0x20];
	_ =	sdelay $0x4  }
0x1b1: {  	v25 =	vunpack.i.l.bf16.f32 v23  }
0x1b2: {  	v23 =	vunpack.i.u.bf16.f32 v23;
	v25 =	vmul.f32 v25, v24  }
0x1b3: {  	v23 =	vmul.f32 v23, v24  }
0x1b4: {  	[tilespmem:s18+$0x40] =	vst v25  }
0x1b5: {  	[tilespmem:s18+$0x50] =	vst v23  }
0x1b6: {  	v23 =	vld [tilespmem:s13+$0x30];
	_ =	sdelay $0x4  }
0x1b7: {  	s23 =	simm.s32 $0x3;
	v25 =	vmul.f32 v17, v24;
	v26 =	vunpack.i.l.bf16.f32 v23  }
0x1b8: {  	v27 =	vmov s23;
	v23 =	vunpack.i.u.bf16.f32 v23;
	v26 =	vmul.f32 v26, v24  }
0x1b9: {  	[tilespmem:s18+$0x80] =	vst v25;
	v23 =	vmul.f32 v23, v24  }
0x1ba: {  	[tilespmem:s18+$0x60] =	vst v26  }
0x1bb: {  	[tilespmem:s18+$0x70] =	vst v23  }
0x1bc: {  	v24 =	vld [tilespmem:s13+$0x40]  }
0x1bd: {  	v23 =	vld.idx.msk [tilespmem:v27+s0+$0x0], $0xffff;
	_ =	sdelay $0x3  }
0x1be: {  	v25 =	vunpack.i.l.bf16.f32 v24  }
0x1bf: {  	v24 =	vunpack.i.u.bf16.f32 v24;
	v25 =	vmul.f32 v25, v23  }
0x1c0: {  	v24 =	vmul.f32 v24, v23  }
0x1c1: {  	[tilespmem:s18+$0x90] =	vst v25  }
0x1c2: {  	[tilespmem:s18+$0xA0] =	vst v24  }
0x1c3: {  	v24 =	vld [tilespmem:s13+$0x50];
	_ =	sdelay $0x4  }
0x1c4: {  	v25 =	vunpack.i.l.bf16.f32 v24  }
0x1c5: {  	v24 =	vunpack.i.u.bf16.f32 v24;
	v25 =	vmul.f32 v25, v23  }
0x1c6: {  	v26 =	vmul.f32 v24, v23  }
0x1c7: {  	[tilespmem:s18+$0xB0] =	vst v25  }
0x1c8: {  	s8 =	simm.s32 $0x1A450;
	s4 =	simm.s32 $0x4;
	s23 =	simm.s32 $0x163B0;
	v24 =	vmul.f32 v17, v23;
	[tilespmem:s18+$0xC0] =	vst v26  }
.LBB2_7:
0x1c9: {  	p1 =	sne.s32 s4, $0x3C;
	v25 =	vld [tilespmem:s13+$0x60];
	s23 =	sadd.s32 $0x100, s23;
	s18 =	sadd.s32 $0x240, s18  }
0x1ca: {  	s12 =	smov.u32 s4;
	s4 =	sadd.s32 $0x4, s4;
	_ =	sdelay $0x3  }
0x1cb: {  	v26 =	vunpack.i.u.bf16.f32 v25;
	v25 =	vunpack.i.l.bf16.f32 v25  }
0x1cc: {  	v25 =	vmul.f32 v25, v23;
	v26 =	vmul.f32 v26, v23;
	_ =	sdelay $0x1  }
0x1cd: {  	[tilespmem:s8+$0xD0] =	vst v25  }
0x1ce: {  	[tilespmem:s8+$0xE0] =	vst v26  }
0x1cf: {  	v25 =	vld [tilespmem:s13+$0x70];
	s13 =	smov.u32 s23  }
0x1d0: {  	[tilespmem:s8+$0x110] =	vst v24;
	_ =	sdelay $0x1  }
0x1d1: {  	v24 =	vmov s12  }
0x1d2: {  	v24 =	vand.u32 $0xFFFFFFFC, v24  }
0x1d3: {  	v24 =	vbroadcast v24, $0x0;
	v26 =	vunpack.i.u.bf16.f32 v25;
	v25 =	vunpack.i.l.bf16.f32 v25  }
0x1d4: {  	v25 =	vmul.f32 v25, v23;
	v23 =	vmul.f32 v26, v23;
	_ =	sdelay $0x1  }
0x1d5: {  	[tilespmem:s8+$0xF0] =	vst v25  }
0x1d6: {  	[tilespmem:s8+$0x100] =	vst v23;
	s8 =	smov.u32 s18  }
0x1d7: {  	v23 =	vld [tilespmem:s23+$0xFFFFFF80]  }
0x1d8: {  	v24 =	vld.idx.msk [tilespmem:v24+s0+$0x0], $0xffff;
	_ =	sdelay $0x4  }
0x1d9: {  	v25 =	vunpack.i.u.bf16.f32 v23;
	v23 =	vunpack.i.l.bf16.f32 v23  }
0x1da: {  	v23 =	vmul.f32 v23, v24;
	v25 =	vmul.f32 v25, v24;
	_ =	sdelay $0x1  }
0x1db: {  	[tilespmem:s18+$0xFFFFFEE0] =	vst v23  }
0x1dc: {  	[tilespmem:s18+$0xFFFFFEF0] =	vst v25  }
0x1dd: {  	v23 =	vld [tilespmem:s23+$0xFFFFFF90];
	_ =	sdelay $0x4  }
0x1de: {  	v25 =	vunpack.i.u.bf16.f32 v23;
	v23 =	vunpack.i.l.bf16.f32 v23  }
0x1df: {  	v23 =	vmul.f32 v23, v24;
	v25 =	vmul.f32 v25, v24;
	_ =	sdelay $0x1  }
0x1e0: {  	[tilespmem:s18+$0xFFFFFF00] =	vst v23  }
0x1e1: {  	[tilespmem:s18+$0xFFFFFF10] =	vst v25  }
0x1e2: {  	v23 =	vld [tilespmem:s23+$0xFFFFFFA0];
	_ =	sdelay $0x4  }
0x1e3: {  	v25 =	vunpack.i.u.bf16.f32 v23;
	v23 =	vunpack.i.l.bf16.f32 v23  }
0x1e4: {  	v23 =	vmul.f32 v23, v24;
	v25 =	vmul.f32 v25, v24;
	_ =	sdelay $0x1  }
0x1e5: {  	[tilespmem:s18+$0xFFFFFF20] =	vst v23  }
0x1e6: {  	[tilespmem:s18+$0xFFFFFF30] =	vst v25  }
0x1e7: {  	v23 =	vld [tilespmem:s23+$0xFFFFFFB0]  }
0x1e8: {  	s19 =	sadd.s32 $0x1, s12  }
0x1e9: {  	v25 =	vmov s19  }
0x1ea: {  	v25 =	vand.u32 $0xFFFFFFFD, v25  }
0x1eb: {  	v25 =	vbroadcast v25, $0x0  }
0x1ec: {  	v27 =	vmul.f32 v17, v24;
	v26 =	vunpack.i.u.bf16.f32 v23;
	v23 =	vunpack.i.l.bf16.f32 v23  }
0x1ed: {  	v23 =	vmul.f32 v23, v24;
	v24 =	vmul.f32 v26, v24  }
0x1ee: {  	[tilespmem:s18+$0xFFFFFF60] =	vst v27  }
0x1ef: {  	[tilespmem:s18+$0xFFFFFF40] =	vst v23  }
0x1f0: {  	[tilespmem:s18+$0xFFFFFF50] =	vst v24  }
0x1f1: {  	v23 =	vld.idx.msk [tilespmem:v25+s0+$0x0], $0xffff  }
0x1f2: {  	v24 =	vld [tilespmem:s23+$0xFFFFFFC0];
	_ =	sdelay $0x4  }
0x1f3: {  	v25 =	vunpack.i.u.bf16.f32 v24;
	v24 =	vunpack.i.l.bf16.f32 v24  }
0x1f4: {  	v24 =	vmul.f32 v24, v23;
	v25 =	vmul.f32 v25, v23;
	_ =	sdelay $0x1  }
0x1f5: {  	[tilespmem:s18+$0xFFFFFF70] =	vst v24  }
0x1f6: {  	[tilespmem:s18+$0xFFFFFF80] =	vst v25  }
0x1f7: {  	v24 =	vld [tilespmem:s23+$0xFFFFFFD0];
	_ =	sdelay $0x4  }
0x1f8: {  	v25 =	vunpack.i.u.bf16.f32 v24;
	v24 =	vunpack.i.l.bf16.f32 v24  }
0x1f9: {  	v24 =	vmul.f32 v24, v23;
	v25 =	vmul.f32 v25, v23;
	_ =	sdelay $0x1  }
0x1fa: {  	[tilespmem:s18+$0xFFFFFF90] =	vst v24  }
0x1fb: {  	[tilespmem:s18+$0xFFFFFFA0] =	vst v25  }
0x1fc: {  	v24 =	vld [tilespmem:s23+$0xFFFFFFE0];
	_ =	sdelay $0x4  }
0x1fd: {  	v25 =	vunpack.i.u.bf16.f32 v24;
	v24 =	vunpack.i.l.bf16.f32 v24  }
0x1fe: {  	v24 =	vmul.f32 v24, v23;
	v25 =	vmul.f32 v25, v23;
	_ =	sdelay $0x1  }
0x1ff: {  	[tilespmem:s18+$0xFFFFFFB0] =	vst v24;
	v24 =	vmul.f32 v17, v23  }
0x200: {  	[tilespmem:s18+$0xFFFFFFC0] =	vst v25  }
0x201: {  	v25 =	vld [tilespmem:s23+$0xFFFFFFF0]  }
0x202: {  	s19 =	sadd.s32 $0x2, s12;
	[tilespmem:s18+$0xFFFFFFF0] =	vst v24  }
0x203: {  	v24 =	vmov s19  }
0x204: {  	v24 =	vand.u32 $0xFFFFFFFE, v24  }
0x205: {  	v24 =	vbroadcast v24, $0x0  }
0x206: {  	v26 =	vunpack.i.u.bf16.f32 v25;
	v25 =	vunpack.i.l.bf16.f32 v25  }
0x207: {  	v25 =	vmul.f32 v25, v23;
	v23 =	vmul.f32 v26, v23;
	_ =	sdelay $0x1  }
0x208: {  	[tilespmem:s18+$0xFFFFFFD0] =	vst v25  }
0x209: {  	[tilespmem:s18+$0xFFFFFFE0] =	vst v23  }
0x20a: {  	v23 =	vld.idx.msk [tilespmem:v24+s0+$0x0], $0xffff  }
0x20b: {  	v24 =	vld [tilespmem:s23+$0x0];
	_ =	sdelay $0x4  }
0x20c: {  	v25 =	vunpack.i.u.bf16.f32 v24;
	v24 =	vunpack.i.l.bf16.f32 v24  }
0x20d: {  	v24 =	vmul.f32 v24, v23;
	v25 =	vmul.f32 v25, v23;
	_ =	sdelay $0x1  }
0x20e: {  	[tilespmem:s18+$0x0] =	vst v24  }
0x20f: {  	[tilespmem:s18+$0x10] =	vst v25  }
0x210: {  	v24 =	vld [tilespmem:s23+$0x10];
	_ =	sdelay $0x4  }
0x211: {  	v25 =	vunpack.i.u.bf16.f32 v24;
	v24 =	vunpack.i.l.bf16.f32 v24  }
0x212: {  	v24 =	vmul.f32 v24, v23;
	v25 =	vmul.f32 v25, v23;
	_ =	sdelay $0x1  }
0x213: {  	[tilespmem:s18+$0x20] =	vst v24  }
0x214: {  	[tilespmem:s18+$0x30] =	vst v25  }
0x215: {  	v24 =	vld [tilespmem:s23+$0x20];
	_ =	sdelay $0x2  }
0x216: {  	v25 =	vmul.f32 v17, v23;
	_ =	sdelay $0x1  }
0x217: {  	v26 =	vunpack.i.u.bf16.f32 v24;
	v24 =	vunpack.i.l.bf16.f32 v24  }
0x218: {  	v24 =	vmul.f32 v24, v23;
	v26 =	vmul.f32 v26, v23;
	_ =	sdelay $0x1  }
0x219: {  	[tilespmem:s18+$0x40] =	vst v24  }
0x21a: {  	[tilespmem:s18+$0x50] =	vst v26  }
0x21b: {  	v24 =	vld [tilespmem:s23+$0x30]  }
0x21c: {  	[tilespmem:s18+$0x80] =	vst v25;
	_ =	sdelay $0x2  }
0x21d: {  	s12 =	sadd.s32 $0x3, s12  }
0x21e: {  	v26 =	vmov s12;
	v25 =	vunpack.i.u.bf16.f32 v24;
	v24 =	vunpack.i.l.bf16.f32 v24  }
0x21f: {  	v24 =	vmul.f32 v24, v23;
	v23 =	vmul.f32 v25, v23;
	_ =	sdelay $0x1  }
0x220: {  	[tilespmem:s18+$0x60] =	vst v24  }
0x221: {  	[tilespmem:s18+$0x70] =	vst v23  }
0x222: {  	v23 =	vld.idx.msk [tilespmem:v26+s0+$0x0], $0xffff  }
0x223: {  	v24 =	vld [tilespmem:s23+$0x40];
	_ =	sdelay $0x4  }
0x224: {  	v25 =	vunpack.i.u.bf16.f32 v24;
	v24 =	vunpack.i.l.bf16.f32 v24  }
0x225: {  	v24 =	vmul.f32 v24, v23;
	v25 =	vmul.f32 v25, v23;
	_ =	sdelay $0x1  }
0x226: {  	[tilespmem:s18+$0x90] =	vst v24  }
0x227: {  	[tilespmem:s18+$0xA0] =	vst v25  }
0x228: {  	v24 =	vld [tilespmem:s23+$0x50];
	_ =	sdelay $0x4  }
.Ltmp2:
0x229: {  	v25 =	vunpack.i.u.bf16.f32 v24;
	v24 =	vunpack.i.l.bf16.f32 v24;
	(pc) =	sbr.rel @p1 .LBB2_7-.Ltmp2, $3  }
0x22a: {  	v24 =	vmul.f32 v24, v23;
	v25 =	vmul.f32 v25, v23;
	_ =	sdelay $0x1  }
0x22b: {  	[tilespmem:s18+$0xB0] =	vst v24;
	v24 =	vmul.f32 v17, v23  }
0x22c: {  	[tilespmem:s18+$0xC0] =	vst v25  }
0x22d: {  	v25 =	vld [tilespmem:s13+$0x60];
	_ =	sdelay $0x4  }
0x22e: {  	v26 =	vunpack.i.l.bf16.f32 v25  }
0x22f: {  	v25 =	vunpack.i.u.bf16.f32 v25;
	v26 =	vmul.f32 v26, v23  }
0x230: {  	v25 =	vmul.f32 v25, v23  }
0x231: {  	[tilespmem:s8+$0xD0] =	vst v26  }
0x232: {  	[tilespmem:s8+$0xE0] =	vst v25  }
0x233: {  	v25 =	vld [tilespmem:s13+$0x70];
	_ =	sdelay $0x4  }
0x234: {  	v60 =	vunpack.i.l.bf16.f32 v25  }
0x235: {  	v25 =	vunpack.i.u.bf16.f32 v25;
	v26 =	vmul.f32 v60, v23  }
0x236: {  	[tilespmem:s8+$0x110] =	vst v24;
	v23 =	vmul.f32 v25, v23  }
0x237: {  	[tilespmem:s8+$0xF0] =	vst v26  }
0x238: {  	[tilespmem:s8+$0x100] =	vst v23  }
0x239: {  	[spmem:s3] =	stream.indirect.scatter.add.f32 [tilespmem:s24], [sflag:$0x7], $0x90, s1, s21, $0xb8;
	[tilespmem:$0x1EB30] =	vst v63  }
0x23a: {  	_ =	swait.ge [sflag:s25], $0x2400  }
0x23b: {  	[sflag:s25] =	ssyncset.done $0x0  }
0x23c: {  	s4 =	simm.s32 @!p0 $0x1;
	[sflag:s25] =	ssyncadd.s32 $0xFFFFDC00  }
0x23d: {  	_ =	swait.ge @!p0 [sflag:s4], $0x80  }
0x23e: {  	s12 =	simm.s32 @!p0 $0x16330;
	[sflag:s4] =	ssyncset.done @!p0 $0x0  }
0x23f: {  	s8 =	simm.s32 @!p0 $0x50;
	[sflag:s4] =	ssyncadd.s32 @!p0 $0xFFFFFF80;
	s4 =	simm.s32 @!p0 $0x40  }
0x240: {  	[tilespmem:s12], [sflag:$0x3] =	stream.indirect.gather @!p0 [hbm4b:s5+s4], $0x40, s8, s4, $0xb8;
	[tilespmem:$0x1EB30] =	vst v63  }
0x241: {  	s8 =	simm.s32 @!p0 $0x90;
	s12 =	simm.s32 @!p0 $0x18330  }
0x242: {  	[tilespmem:s12], [sflag:$0x5] =	stream.indirect.gather @!p0 [hbm4b:s6+s4], $0x40, s8, s4, $0xb8;
	[tilespmem:$0x1EB30] =	vst v63  }
0x243: {  	_ =	swait.ge [sflag:s26], $0x1000  }
0x244: {  	[sflag:s26] =	ssyncset.done $0x0  }
0x245: {  	[sflag:s26] =	ssyncadd.s32 $0xFFFFF000  }
0x246: {  	_ =	swait.ge [sflag:s28], $0x1000  }
0x247: {  	[sflag:s28] =	ssyncset.done $0x0  }
0x248: {  	[sflag:s28] =	ssyncadd.s32 $0xFFFFF000  }
0x249: {  	v23 =	vld [tilespmem:$0x110]  }
0x24a: {  	v61 =	vld [tilespmem:$0x120]  }
0x24b: {  	v62 =	vld [tilespmem:$0x130]  }
0x24c: {  	s4 =	sadd.s32 $0x3, s17;
	v63 =	vld [tilespmem:$0x140]  }
0x24d: {  	p0 =	sge.u32 s4, s9  }
0x24e: {  	s4 =	sadd.s32 @!p0 s10, s4;
	[tilespmem:$0x190] =	vst v23  }
0x24f: {  	s18 =	simm.s32 $0x19420;
	s4 =	sshll.u32 @!p0 s4, $0x4;
	[tilespmem:$0x1A0] =	vst v61  }
0x250: {  	s13 =	simm.s32 $0x17420;
	s17 =	simm.s32 $0x0;
	s4 =	sand.u32 @!p0 $0x1FFFFFF0, s4;
	[tilespmem:$0x1B0] =	vst v62  }
0x251: {  	s8 =	simm.s32 @!p0 $0x0;
	s12 =	simm.s32 @!p0 $0xD0;
	s4 =	sadd.s32 @!p0 s2, s4;
	[tilespmem:$0x1C0] =	vst v63  }
0x252: {  	[tilespmem:s12], [sflag:$0x2] =	stream.linear.gather @!p0 [hbm4b:s4+s8], $0x80, $0x38;
	[tilespmem:$0x1EB30] =	vst v63  }
.LBB2_9:
0x253: {  	v23 =	vmov s13  }
0x254: {  	v24 =	vmov s18;
	_ =	sdelay $0x2  }
0x255: {  	s4 =	simm.s32 $0x0  }
0x256: {  	v25 =	vld.idx.msk [tilespmem:v23+s4+$0xFFFFFF10 ss:$0x1], $0xffff  }
0x257: {  	v26 =	vld.idx.msk [tilespmem:v24+s4+$0xFFFFFF10 ss:$0x1], $0xffff;
	_ =	sdelay $0x2  }
0x258: {  	v27 =	vld.idx.msk [tilespmem:v24+s4+$0xFFFFFF20 ss:$0x1], $0xffff  }
0x259: {  	v28 =	vld.idx.msk [tilespmem:v23+s4+$0xFFFFFF20 ss:$0x1], $0xffff  }
0x25a: {  	v25 =	vadd.bf16 v26, v25;
	_ =	sdelay $0x1  }
0x25b: {  	v30 =	vld.idx.msk [tilespmem:v23+s4+$0xFFFFFF30 ss:$0x1], $0xffff;
	v29 =	vmul.bf16 v1, v25  }
0x25c: {  	v26 =	vld.idx.msk [tilespmem:v24+s4+$0xFFFFFF30 ss:$0x1], $0xffff  }
0x25d: {  	v27 =	vadd.bf16 v27, v28;
	v25 =	vmax.bf16 v25, v29  }
0x25e: {  	v25 =	vmul.bf16 v25, v18  }
0x25f: {  	v31 =	vld.idx.msk [tilespmem:v23+s4+$0xFFFFFF40 ss:$0x1], $0xffff;
	v29 =	vmul.bf16 v1, v27  }
0x260: {  	v28 =	vld.idx.msk [tilespmem:v24+s4+$0xFFFFFF40 ss:$0x1], $0xffff;
	v32 =	vunpack.i.l.bf16.f32 v25  }
0x261: {  	v26 =	vadd.bf16 v26, v30;
	v27 =	vmax.bf16 v27, v29;
	v30 =	vadd.f32 $0.0e+00, v32  }
0x262: {  	v25 =	vunpack.i.u.bf16.f32 v25;
	v27 =	vmul.bf16 v27, v19  }
0x263: {  	v29 =	vmul.bf16 v1, v26;
	v25 =	vadd.f32 v30, v25  }
0x264: {  	v30 =	vunpack.i.l.bf16.f32 v27  }
0x265: {  	v28 =	vadd.bf16 v28, v31;
	v26 =	vmax.bf16 v26, v29;
	v25 =	vadd.f32 v30, v25  }
0x266: {  	v26 =	vmul.bf16 v26, v20;
	v27 =	vunpack.i.u.bf16.f32 v27  }
0x267: {  	v29 =	vmul.bf16 v1, v28;
	v25 =	vadd.f32 v25, v27  }
0x268: {  	v27 =	vunpack.i.l.bf16.f32 v26  }
0x269: {  	v28 =	vmax.bf16 v28, v29;
	v25 =	vadd.f32 v27, v25  }
0x26a: {  	v26 =	vunpack.i.u.bf16.f32 v26;
	v27 =	vmul.bf16 v28, v21  }
0x26b: {  	v25 =	vadd.f32 v25, v26  }
0x26c: {  	v26 =	vunpack.i.l.bf16.f32 v27  }
0x26d: {  	v25 =	vadd.f32 v26, v25  }
0x26e: {  	v26 =	vunpack.i.u.bf16.f32 v27  }
0x26f: {  	v25 =	vadd.f32 v25, v26  }
0x270: {  	s8 =	simm.s32 $0x230  }
0x271: {  	[tilespmem:s8+$0xFFFFFFE0] =	vst v25  }
0x272: {  	v25 =	vld.idx.msk [tilespmem:v23+s4+$0xFFFFFF50 ss:$0x1], $0xffff  }
0x273: {  	v26 =	vld.idx.msk [tilespmem:v24+s4+$0xFFFFFF50 ss:$0x1], $0xffff;
	_ =	sdelay $0x2  }
0x274: {  	v27 =	vld.idx.msk [tilespmem:v23+s4+$0xFFFFFF60 ss:$0x1], $0xffff  }
0x275: {  	v28 =	vld.idx.msk [tilespmem:v24+s4+$0xFFFFFF60 ss:$0x1], $0xffff  }
0x276: {  	v25 =	vadd.bf16 v26, v25;
	_ =	sdelay $0x1  }
0x277: {  	v30 =	vld.idx.msk [tilespmem:v23+s4+$0xFFFFFF70 ss:$0x1], $0xffff;
	v29 =	vmul.bf16 v1, v25  }
0x278: {  	v26 =	vld.idx.msk [tilespmem:v24+s4+$0xFFFFFF70 ss:$0x1], $0xffff  }
0x279: {  	v27 =	vadd.bf16 v28, v27;
	v25 =	vmax.bf16 v25, v29  }
0x27a: {  	v25 =	vmul.bf16 v25, v18  }
0x27b: {  	v31 =	vld.idx.msk [tilespmem:v23+s4+$0xFFFFFF80 ss:$0x1], $0xffff;
	v28 =	vmul.bf16 v1, v27  }
0x27c: {  	v29 =	vld.idx.msk [tilespmem:v24+s4+$0xFFFFFF80 ss:$0x1], $0xffff;
	v61 =	vunpack.i.l.bf16.f32 v25  }
0x27d: {  	v27 =	vmax.bf16 v27, v28;
	v26 =	vadd.bf16 v26, v30;
	v28 =	vadd.f32 $0.0e+00, v61  }
0x27e: {  	v27 =	vmul.bf16 v27, v19;
	v25 =	vunpack.i.u.bf16.f32 v25  }
0x27f: {  	v25 =	vadd.f32 v28, v25;
	v28 =	vmul.bf16 v1, v26  }
0x280: {  	v30 =	vunpack.i.l.bf16.f32 v27  }
0x281: {  	v25 =	vadd.f32 v30, v25;
	v26 =	vmax.bf16 v26, v28;
	v28 =	vadd.bf16 v29, v31  }
0x282: {  	v27 =	vunpack.i.u.bf16.f32 v27;
	v26 =	vmul.bf16 v26, v20  }
0x283: {  	v25 =	vadd.f32 v25, v27;
	v27 =	vmul.bf16 v1, v28  }
0x284: {  	v29 =	vunpack.i.l.bf16.f32 v26  }
0x285: {  	v25 =	vadd.f32 v29, v25;
	v27 =	vmax.bf16 v28, v27  }
0x286: {  	v26 =	vunpack.i.u.bf16.f32 v26;
	v27 =	vmul.bf16 v27, v21  }
0x287: {  	v25 =	vadd.f32 v25, v26  }
0x288: {  	v26 =	vunpack.i.l.bf16.f32 v27  }
0x289: {  	v25 =	vadd.f32 v26, v25  }
0x28a: {  	v26 =	vunpack.i.u.bf16.f32 v27  }
0x28b: {  	v25 =	vadd.f32 v25, v26;
	_ =	sdelay $0x1  }
0x28c: {  	[tilespmem:s8+$0xFFFFFFF0] =	vst v25  }
0x28d: {  	v25 =	vld.idx.msk [tilespmem:v23+s4+$0xFFFFFF90 ss:$0x1], $0xffff  }
0x28e: {  	v26 =	vld.idx.msk [tilespmem:v24+s4+$0xFFFFFF90 ss:$0x1], $0xffff;
	_ =	sdelay $0x2  }
0x28f: {  	v27 =	vld.idx.msk [tilespmem:v24+s4+$0xFFFFFFA0 ss:$0x1], $0xffff  }
0x290: {  	v28 =	vld.idx.msk [tilespmem:v23+s4+$0xFFFFFFA0 ss:$0x1], $0xffff  }
0x291: {  	v25 =	vadd.bf16 v26, v25;
	_ =	sdelay $0x1  }
0x292: {  	v30 =	vld.idx.msk [tilespmem:v24+s4+$0xFFFFFFB0 ss:$0x1], $0xffff;
	v29 =	vmul.bf16 v1, v25  }
0x293: {  	v26 =	vld.idx.msk [tilespmem:v23+s4+$0xFFFFFFB0 ss:$0x1], $0xffff  }
0x294: {  	v27 =	vadd.bf16 v27, v28;
	v25 =	vmax.bf16 v25, v29  }
0x295: {  	v25 =	vmul.bf16 v25, v18  }
0x296: {  	v31 =	vld.idx.msk [tilespmem:v24+s4+$0xFFFFFFC0 ss:$0x1], $0xffff;
	v29 =	vmul.bf16 v1, v27  }
0x297: {  	v28 =	vld.idx.msk [tilespmem:v23+s4+$0xFFFFFFC0 ss:$0x1], $0xffff;
	v62 =	vunpack.i.l.bf16.f32 v25  }
0x298: {  	v26 =	vadd.bf16 v30, v26;
	v27 =	vmax.bf16 v27, v29;
	v29 =	vadd.f32 $0.0e+00, v62  }
0x299: {  	v27 =	vmul.bf16 v27, v19;
	v25 =	vunpack.i.u.bf16.f32 v25  }
0x29a: {  	v30 =	vmul.bf16 v1, v26;
	v25 =	vadd.f32 v29, v25  }
0x29b: {  	v29 =	vunpack.i.l.bf16.f32 v27  }
0x29c: {  	v28 =	vadd.bf16 v31, v28;
	v26 =	vmax.bf16 v26, v30;
	v25 =	vadd.f32 v29, v25  }
0x29d: {  	v26 =	vmul.bf16 v26, v20;
	v27 =	vunpack.i.u.bf16.f32 v27  }
0x29e: {  	v29 =	vmul.bf16 v1, v28;
	v25 =	vadd.f32 v25, v27  }
0x29f: {  	v27 =	vunpack.i.l.bf16.f32 v26  }
0x2a0: {  	v28 =	vmax.bf16 v28, v29;
	v25 =	vadd.f32 v27, v25  }
0x2a1: {  	v26 =	vunpack.i.u.bf16.f32 v26;
	v27 =	vmul.bf16 v28, v21  }
0x2a2: {  	v25 =	vadd.f32 v25, v26  }
0x2a3: {  	v26 =	vunpack.i.l.bf16.f32 v27  }
0x2a4: {  	v25 =	vadd.f32 v26, v25  }
0x2a5: {  	v26 =	vunpack.i.u.bf16.f32 v27  }
0x2a6: {  	v25 =	vadd.f32 v25, v26;
	_ =	sdelay $0x1  }
0x2a7: {  	[tilespmem:s8+$0x0] =	vst v25  }
0x2a8: {  	v25 =	vld.idx.msk [tilespmem:v24+s4+$0x0 ss:$0x1], $0xffff  }
0x2a9: {  	v26 =	vld.idx.msk [tilespmem:v23+s4+$0xFFFFFFD0 ss:$0x1], $0xffff  }
0x2aa: {  	v27 =	vld.idx.msk [tilespmem:v24+s4+$0xFFFFFFF0 ss:$0x1], $0xffff  }
0x2ab: {  	v28 =	vld.idx.msk [tilespmem:v23+s4+$0xFFFFFFF0 ss:$0x1], $0xffff  }
0x2ac: {  	v29 =	vld.idx.msk [tilespmem:v23+s4+$0xFFFFFFE0 ss:$0x1], $0xffff  }
0x2ad: {  	v30 =	vld.idx.msk [tilespmem:v23+s4+$0x0 ss:$0x1], $0xffff  }
0x2ae: {  	v31 =	vld.idx.msk [tilespmem:v24+s4+$0xFFFFFFE0 ss:$0x1], $0xffff  }
0x2af: {  	v63 =	vld.idx.msk [tilespmem:v24+s4+$0xFFFFFFD0 ss:$0x1], $0xffff;
	_ =	sdelay $0x2  }
0x2b0: {  	v27 =	vadd.bf16 v27, v28  }
0x2b1: {  	v25 =	vadd.bf16 v25, v30  }
0x2b2: {  	v29 =	vadd.bf16 v31, v29;
	v30 =	vadd.bf16 v63, v26;
	v28 =	vmul.bf16 v1, v27  }
0x2b3: {  	v31 =	vmul.bf16 v1, v25  }
0x2b4: {  	v26 =	vmax.bf16 v27, v28;
	v27 =	vmul.bf16 v1, v29;
	v28 =	vmul.bf16 v1, v30  }
0x2b5: {  	v25 =	vmax.bf16 v25, v31;
	v26 =	vmul.bf16 v26, v20  }
0x2b6: {  	v25 =	vmul.bf16 v25, v21;
	v27 =	vmax.bf16 v29, v27;
	v28 =	vmax.bf16 v30, v28  }
0x2b7: {  	s12 =	simm.s32 $0x400;
	s4 =	simm.s32 $0x230;
	v27 =	vmul.bf16 v27, v19;
	v28 =	vmul.bf16 v28, v18  }
.LBB2_10:
0x2b8: {  	p0 =	sne.s32 s12, $0xC00  }
0x2b9: {  	s8 =	sadd.s32 $0x40, s8;
	s19 =	smov.u32 s12;
	s12 =	sadd.s32 $0x400, s12;
	v29 =	vunpack.i.u.bf16.f32 v28;
	v28 =	vunpack.i.l.bf16.f32 v28  }
0x2ba: {  	v28 =	vadd.f32 $0.0e+00, v28  }
0x2bb: {  	v30 =	vunpack.i.l.bf16.f32 v27  }
0x2bc: {  	v28 =	vadd.f32 v28, v29  }
0x2bd: {  	v27 =	vunpack.i.u.bf16.f32 v27  }
0x2be: {  	v28 =	vadd.f32 v30, v28  }
0x2bf: {  	v29 =	vunpack.i.l.bf16.f32 v26  }
0x2c0: {  	v27 =	vadd.f32 v28, v27  }
0x2c1: {  	v26 =	vunpack.i.u.bf16.f32 v26  }
0x2c2: {  	v27 =	vadd.f32 v29, v27  }
0x2c3: {  	s19 =	sshra.s32 s19, $0x2;
	v28 =	vunpack.i.l.bf16.f32 v25  }
0x2c4: {  	v26 =	vadd.f32 v27, v26  }
0x2c5: {  	v25 =	vunpack.i.u.bf16.f32 v25  }
0x2c6: {  	v26 =	vadd.f32 v28, v26;
	_ =	sdelay $0x1  }
0x2c7: {  	v25 =	vadd.f32 v26, v25;
	_ =	sdelay $0x1  }
0x2c8: {  	[tilespmem:s4+$0x10] =	vst v25;
	s4 =	smov.u32 s8  }
0x2c9: {  	v25 =	vld.idx.msk [tilespmem:v23+s19+$0xFFFFFF10 ss:$0x1], $0xffff  }
0x2ca: {  	v26 =	vld.idx.msk [tilespmem:v24+s19+$0xFFFFFF10 ss:$0x1], $0xffff  }
0x2cb: {  	v27 =	vld.idx.msk [tilespmem:v24+s19+$0xFFFFFF30 ss:$0x1], $0xffff  }
0x2cc: {  	v28 =	vld.idx.msk [tilespmem:v23+s19+$0xFFFFFF30 ss:$0x1], $0xffff  }
0x2cd: {  	v29 =	vld.idx.msk [tilespmem:v24+s19+$0xFFFFFF20 ss:$0x1], $0xffff  }
0x2ce: {  	v30 =	vld.idx.msk [tilespmem:v23+s19+$0xFFFFFF20 ss:$0x1], $0xffff  }
0x2cf: {  	v31 =	vld.idx.msk [tilespmem:v24+s19+$0xFFFFFF40 ss:$0x1], $0xffff  }
0x2d0: {  	v25 =	vadd.bf16 v26, v25;
	v26 =	vld.idx.msk [tilespmem:v23+s19+$0xFFFFFF40 ss:$0x1], $0xffff;
	_ =	sdelay $0x1  }
0x2d1: {  	v32 =	vmul.bf16 v1, v25;
	v27 =	vadd.bf16 v27, v28;
	_ =	sdelay $0x1  }
0x2d2: {  	v25 =	vmax.bf16 v25, v32;
	v28 =	vadd.bf16 v29, v30;
	v29 =	vmul.bf16 v1, v27  }
0x2d3: {  	v25 =	vmul.bf16 v25, v18  }
0x2d4: {  	v30 =	vmul.bf16 v1, v28;
	v27 =	vmax.bf16 v27, v29;
	v26 =	vadd.bf16 v31, v26  }
0x2d5: {  	v29 =	vunpack.i.l.bf16.f32 v25;
	v27 =	vmul.bf16 v27, v20  }
0x2d6: {  	v29 =	vadd.f32 $0.0e+00, v29;
	v28 =	vmax.bf16 v28, v30;
	v30 =	vmul.bf16 v1, v26  }
0x2d7: {  	v25 =	vunpack.i.u.bf16.f32 v25;
	v28 =	vmul.bf16 v28, v19  }
0x2d8: {  	v25 =	vadd.f32 v29, v25;
	v26 =	vmax.bf16 v26, v30  }
0x2d9: {  	v29 =	vunpack.i.l.bf16.f32 v28;
	v26 =	vmul.bf16 v26, v21  }
0x2da: {  	v25 =	vadd.f32 v29, v25  }
0x2db: {  	v28 =	vunpack.i.u.bf16.f32 v28  }
0x2dc: {  	v25 =	vadd.f32 v25, v28  }
0x2dd: {  	v28 =	vunpack.i.l.bf16.f32 v27  }
0x2de: {  	v25 =	vadd.f32 v28, v25  }
0x2df: {  	v27 =	vunpack.i.u.bf16.f32 v27  }
0x2e0: {  	v25 =	vadd.f32 v25, v27  }
0x2e1: {  	v27 =	vunpack.i.l.bf16.f32 v26  }
0x2e2: {  	v25 =	vadd.f32 v27, v25  }
0x2e3: {  	v26 =	vunpack.i.u.bf16.f32 v26  }
0x2e4: {  	v25 =	vadd.f32 v25, v26;
	_ =	sdelay $0x1  }
0x2e5: {  	[tilespmem:s8+$0xFFFFFFE0] =	vst v25  }
0x2e6: {  	v25 =	vld.idx.msk [tilespmem:v23+s19+$0xFFFFFF50 ss:$0x1], $0xffff  }
0x2e7: {  	v26 =	vld.idx.msk [tilespmem:v24+s19+$0xFFFFFF50 ss:$0x1], $0xffff  }
0x2e8: {  	v27 =	vld.idx.msk [tilespmem:v23+s19+$0xFFFFFF60 ss:$0x1], $0xffff  }
0x2e9: {  	v28 =	vld.idx.msk [tilespmem:v24+s19+$0xFFFFFF60 ss:$0x1], $0xffff;
	_ =	sdelay $0x3  }
0x2ea: {  	v25 =	vadd.bf16 v26, v25  }
0x2eb: {  	v26 =	vld.idx.msk [tilespmem:v24+s19+$0xFFFFFF70 ss:$0x1], $0xffff  }
0x2ec: {  	v29 =	vmul.bf16 v1, v25;
	v27 =	vadd.bf16 v28, v27;
	v28 =	vld.idx.msk [tilespmem:v23+s19+$0xFFFFFF70 ss:$0x1], $0xffff;
	_ =	sdelay $0x1  }
0x2ed: {  	v25 =	vmax.bf16 v25, v29;
	v29 =	vmul.bf16 v1, v27  }
0x2ee: {  	v25 =	vmul.bf16 v25, v18;
	v30 =	vld.idx.msk [tilespmem:v24+s19+$0xFFFFFF80 ss:$0x1], $0xffff  }
0x2ef: {  	v27 =	vmax.bf16 v27, v29;
	v29 =	vld.idx.msk [tilespmem:v23+s19+$0xFFFFFF80 ss:$0x1], $0xffff  }
0x2f0: {  	v31 =	vunpack.i.l.bf16.f32 v25;
	v27 =	vmul.bf16 v27, v19  }
0x2f1: {  	v31 =	vadd.f32 $0.0e+00, v31;
	v26 =	vadd.bf16 v26, v28  }
0x2f2: {  	v25 =	vunpack.i.u.bf16.f32 v25  }
0x2f3: {  	v25 =	vadd.f32 v31, v25;
	v28 =	vmul.bf16 v1, v26  }
0x2f4: {  	v31 =	vunpack.i.l.bf16.f32 v27  }
0x2f5: {  	v25 =	vadd.f32 v31, v25;
	v26 =	vmax.bf16 v26, v28;
	v28 =	vadd.bf16 v30, v29  }
0x2f6: {  	v27 =	vunpack.i.u.bf16.f32 v27;
	v26 =	vmul.bf16 v26, v20  }
0x2f7: {  	v25 =	vadd.f32 v25, v27;
	v27 =	vmul.bf16 v1, v28  }
0x2f8: {  	v29 =	vunpack.i.l.bf16.f32 v26  }
0x2f9: {  	v25 =	vadd.f32 v29, v25;
	v27 =	vmax.bf16 v28, v27  }
0x2fa: {  	v26 =	vunpack.i.u.bf16.f32 v26;
	v27 =	vmul.bf16 v27, v21  }
0x2fb: {  	v25 =	vadd.f32 v25, v26  }
0x2fc: {  	v26 =	vunpack.i.l.bf16.f32 v27  }
0x2fd: {  	v25 =	vadd.f32 v26, v25  }
0x2fe: {  	v26 =	vunpack.i.u.bf16.f32 v27  }
0x2ff: {  	v25 =	vadd.f32 v25, v26;
	_ =	sdelay $0x1  }
0x300: {  	[tilespmem:s8+$0xFFFFFFF0] =	vst v25  }
0x301: {  	v25 =	vld.idx.msk [tilespmem:v23+s19+$0xFFFFFF90 ss:$0x1], $0xffff  }
0x302: {  	v26 =	vld.idx.msk [tilespmem:v24+s19+$0xFFFFFF90 ss:$0x1], $0xffff  }
0x303: {  	v27 =	vld.idx.msk [tilespmem:v24+s19+$0xFFFFFFA0 ss:$0x1], $0xffff  }
0x304: {  	v28 =	vld.idx.msk [tilespmem:v23+s19+$0xFFFFFFA0 ss:$0x1], $0xffff  }
0x305: {  	v29 =	vld.idx.msk [tilespmem:v23+s19+$0xFFFFFFB0 ss:$0x1], $0xffff  }
0x306: {  	v30 =	vld.idx.msk [tilespmem:v24+s19+$0xFFFFFFB0 ss:$0x1], $0xffff  }
0x307: {  	v31 =	vld.idx.msk [tilespmem:v23+s19+$0xFFFFFFC0 ss:$0x1], $0xffff  }
0x308: {  	v25 =	vadd.bf16 v26, v25;
	v26 =	vld.idx.msk [tilespmem:v24+s19+$0xFFFFFFC0 ss:$0x1], $0xffff;
	_ =	sdelay $0x1  }
0x309: {  	v32 =	vmul.bf16 v1, v25;
	v27 =	vadd.bf16 v27, v28;
	_ =	sdelay $0x1  }
0x30a: {  	v25 =	vmax.bf16 v25, v32;
	v28 =	vmul.bf16 v1, v27;
	v29 =	vadd.bf16 v30, v29  }
0x30b: {  	v25 =	vmul.bf16 v25, v18  }
0x30c: {  	v27 =	vmax.bf16 v27, v28;
	v28 =	vmul.bf16 v1, v29;
	v26 =	vadd.bf16 v26, v31  }
0x30d: {  	v30 =	vunpack.i.l.bf16.f32 v25;
	v27 =	vmul.bf16 v27, v19  }
0x30e: {  	v30 =	vadd.f32 $0.0e+00, v30;
	v28 =	vmax.bf16 v29, v28;
	v29 =	vmul.bf16 v1, v26  }
0x30f: {  	v25 =	vunpack.i.u.bf16.f32 v25;
	v28 =	vmul.bf16 v28, v20  }
0x310: {  	v25 =	vadd.f32 v30, v25;
	v26 =	vmax.bf16 v26, v29  }
0x311: {  	v29 =	vunpack.i.l.bf16.f32 v27  }
0x312: {  	v25 =	vadd.f32 v29, v25  }
0x313: {  	v27 =	vunpack.i.u.bf16.f32 v27  }
0x314: {  	v25 =	vadd.f32 v25, v27  }
0x315: {  	v27 =	vunpack.i.l.bf16.f32 v28  }
0x316: {  	v25 =	vadd.f32 v27, v25  }
0x317: {  	v26 =	vmul.bf16 v26, v21;
	v27 =	vunpack.i.u.bf16.f32 v28  }
0x318: {  	v25 =	vadd.f32 v25, v27  }
0x319: {  	v27 =	vunpack.i.l.bf16.f32 v26  }
0x31a: {  	v25 =	vadd.f32 v27, v25  }
0x31b: {  	v26 =	vunpack.i.u.bf16.f32 v26  }
0x31c: {  	v25 =	vadd.f32 v25, v26;
	_ =	sdelay $0x1  }
0x31d: {  	[tilespmem:s8+$0x0] =	vst v25  }
0x31e: {  	v25 =	vld.idx.msk [tilespmem:v24+s19+$0x0 ss:$0x1], $0xffff  }
0x31f: {  	v26 =	vld.idx.msk [tilespmem:v23+s19+$0xFFFFFFD0 ss:$0x1], $0xffff  }
0x320: {  	v27 =	vld.idx.msk [tilespmem:v24+s19+$0xFFFFFFF0 ss:$0x1], $0xffff  }
0x321: {  	v28 =	vld.idx.msk [tilespmem:v23+s19+$0xFFFFFFF0 ss:$0x1], $0xffff  }
0x322: {  	v29 =	vld.idx.msk [tilespmem:v23+s19+$0xFFFFFFE0 ss:$0x1], $0xffff  }
0x323: {  	v30 =	vld.idx.msk [tilespmem:v23+s19+$0x0 ss:$0x1], $0xffff  }
0x324: {  	v31 =	vld.idx.msk [tilespmem:v24+s19+$0xFFFFFFE0 ss:$0x1], $0xffff  }
0x325: {  	v32 =	vld.idx.msk [tilespmem:v24+s19+$0xFFFFFFD0 ss:$0x1], $0xffff;
	_ =	sdelay $0x1  }
0x326: {  	v27 =	vadd.bf16 v27, v28;
	_ =	sdelay $0x1  }
0x327: {  	v28 =	vmul.bf16 v1, v27;
	v25 =	vadd.bf16 v25, v30  }
0x328: {  	v29 =	vadd.bf16 v31, v29  }
0x329: {  	v30 =	vadd.bf16 v32, v26;
	v26 =	vmax.bf16 v27, v28;
	v27 =	vmul.bf16 v1, v25  }
.Ltmp3:
0x32a: {  	v28 =	vmul.bf16 v1, v29;
	v26 =	vmul.bf16 v26, v20;
	(pc) =	sbr.rel @p0 .LBB2_10-.Ltmp3, $4  }
0x32b: {  	v31 =	vmul.bf16 v1, v30;
	v25 =	vmax.bf16 v25, v27  }
0x32c: {  	v27 =	vmax.bf16 v29, v28;
	v25 =	vmul.bf16 v25, v21  }
0x32d: {  	v28 =	vmax.bf16 v30, v31;
	v27 =	vmul.bf16 v27, v19  }
0x32e: {  	v28 =	vmul.bf16 v28, v18  }
0x32f: {  	_ = 	snop  }
0x330: {  	v23 =	vunpack.i.l.bf16.f32 v28  }
0x331: {  	v23 =	vadd.f32 $0.0e+00, v23  }
0x332: {  	v24 =	vunpack.i.u.bf16.f32 v28  }
0x333: {  	v23 =	vadd.f32 v23, v24  }
0x334: {  	v43 =	vunpack.i.l.bf16.f32 v27  }
0x335: {  	v23 =	vadd.f32 v43, v23  }
0x336: {  	v44 =	vunpack.i.u.bf16.f32 v27  }
0x337: {  	v23 =	vadd.f32 v23, v44  }
0x338: {  	v45 =	vunpack.i.l.bf16.f32 v26  }
0x339: {  	v23 =	vadd.f32 v45, v23  }
0x33a: {  	v46 =	vunpack.i.u.bf16.f32 v26  }
0x33b: {  	v23 =	vadd.f32 v23, v46  }
0x33c: {  	v47 =	vunpack.i.l.bf16.f32 v25  }
0x33d: {  	v23 =	vadd.f32 v47, v23  }
0x33e: {  	v48 =	vunpack.i.u.bf16.f32 v25  }
0x33f: {  	v23 =	vadd.f32 v23, v48;
	_ =	sdelay $0x1  }
0x340: {  	[tilespmem:s4+$0x10] =	vst v23  }
0x341: {  	v23 =	vld.idx.msk [tilespmem:v0+s31+$0x0], $0xffff;
	_ =	sdelay $0x1  }
0x342: {  	v49 =	vld.idx.msk [tilespmem:v2+s31+$0x0], $0xffff;
	_ =	sdelay $0x1  }
0x343: {  	v50 =	vld.idx.msk [tilespmem:v3+s31+$0x0], $0xffff  }
0x344: {  	v23 =	vadd.f32 $0.0e+00, v23  }
0x345: {  	v51 =	vld.idx.msk [tilespmem:v4+s31+$0x0], $0xffff  }
0x346: {  	v23 =	vadd.f32 v49, v23  }
0x347: {  	v52 =	vld.idx.msk [tilespmem:v5+s31+$0x0], $0xffff  }
0x348: {  	v23 =	vadd.f32 v50, v23  }
0x349: {  	v53 =	vld.idx.msk [tilespmem:v6+s31+$0x0], $0xffff  }
0x34a: {  	v23 =	vadd.f32 v51, v23  }
0x34b: {  	v54 =	vld.idx.msk [tilespmem:v7+s31+$0x0], $0xffff  }
0x34c: {  	v23 =	vadd.f32 v52, v23  }
0x34d: {  	v55 =	vld.idx.msk [tilespmem:v8+s31+$0x0], $0xffff  }
0x34e: {  	v23 =	vadd.f32 v53, v23  }
0x34f: {  	v56 =	vld.idx.msk [tilespmem:v9+s31+$0x0], $0xffff  }
0x350: {  	v23 =	vadd.f32 v54, v23  }
0x351: {  	v57 =	vld.idx.msk [tilespmem:v10+s31+$0x0], $0xffff  }
0x352: {  	v23 =	vadd.f32 v55, v23  }
0x353: {  	v58 =	vld.idx.msk [tilespmem:v11+s31+$0x0], $0xffff  }
0x354: {  	v23 =	vadd.f32 v56, v23  }
0x355: {  	v59 =	vld.idx.msk [tilespmem:v12+s31+$0x0], $0xffff  }
0x356: {  	v23 =	vadd.f32 v57, v23  }
0x357: {  	v60 =	vld.idx.msk [tilespmem:v13+s31+$0x0], $0xffff  }
0x358: {  	v23 =	vadd.f32 v58, v23  }
0x359: {  	v61 =	vld.idx.msk [tilespmem:v14+s31+$0x0], $0xffff  }
0x35a: {  	v23 =	vadd.f32 v59, v23  }
0x35b: {  	v62 =	vld.idx.msk [tilespmem:v15+s31+$0x0], $0xffff  }
0x35c: {  	v23 =	vadd.f32 v60, v23  }
0x35d: {  	v63 =	vld.idx.msk [tilespmem:v16+s31+$0x0], $0xffff  }
0x35e: {  	v23 =	vadd.f32 v61, v23;
	_ =	sdelay $0x1  }
0x35f: {  	v23 =	vadd.f32 v62, v23;
	_ =	sdelay $0x1  }
0x360: {  	v23 =	vadd.f32 v63, v23;
	_ =	sdelay $0x1  }
0x361: {  	v23 =	vsub.f32 v23, v22;
	_ =	sdelay $0x1  }
0x362: {  	v23 =	vmul.f32 $1.442695020e+00, v23;
	_ =	sdelay $0x1  }
0x363: {  	(erf) = vpow2.f32 v23;
	_ =	sdelay $0x3  }
0x364: {  	s23 =	sshll.u32 s17, $0x4;
	s17 =	sadd.s32 $0x1, s17  }
0x365: {  	p0 =	sne.s32 s17, $0x4  }
.Ltmp4:
0x366: {  	_ = 	snop;
	(pc) =	sbr.rel @p0 .LBB2_9-.Ltmp4, $3  }
0x367: {  	_ =	sdelay $0x1  }
0x368: {  	s4 =	sand.u32 $0x3FFFFFF0, s23;
	v23 =	vpop (erf)  }
0x369: {  	s13 =	sadd.s32 $0x400, s13;
	s18 =	sadd.s32 $0x400, s18;
	[tilespmem:s4+$0x1D0] =	vst v23  }
0x36a: {  	s4 =	simm.s32 $0x0  }
0x36b: {  	v23 =	vmov s4  }
0x36c: {  	v23 =	vand.u32 $0xFFFFFFFC, v23  }
0x36d: {  	v23 =	vbroadcast v23, $0x0;
	_ =	sdelay $0x3  }
0x36e: {  	s13 =	simm.s32 $0x173B0  }
0x36f: {  	v24 =	vld [tilespmem:s13+$0xFFFFFF80]  }
0x370: {  	v23 =	vld.idx.msk [tilespmem:v23+s0+$0x0], $0xffff;
	_ =	sdelay $0x3  }
0x371: {  	v25 =	vunpack.i.l.bf16.f32 v24  }
0x372: {  	v24 =	vunpack.i.u.bf16.f32 v24;
	v25 =	vmul.f32 v25, v23  }
0x373: {  	s17 =	simm.s32 $0x1C850;
	v24 =	vmul.f32 v24, v23  }
0x374: {  	[tilespmem:s17+$0xFFFFFEE0] =	vst v25  }
0x375: {  	[tilespmem:s17+$0xFFFFFEF0] =	vst v24  }
0x376: {  	v24 =	vld [tilespmem:s13+$0xFFFFFF90];
	_ =	sdelay $0x4  }
0x377: {  	v25 =	vunpack.i.l.bf16.f32 v24  }
0x378: {  	v24 =	vunpack.i.u.bf16.f32 v24;
	v25 =	vmul.f32 v25, v23  }
0x379: {  	v24 =	vmul.f32 v24, v23  }
0x37a: {  	[tilespmem:s17+$0xFFFFFF00] =	vst v25  }
0x37b: {  	[tilespmem:s17+$0xFFFFFF10] =	vst v24  }
0x37c: {  	v24 =	vld [tilespmem:s13+$0xFFFFFFA0];
	_ =	sdelay $0x4  }
0x37d: {  	v25 =	vunpack.i.l.bf16.f32 v24  }
0x37e: {  	v24 =	vunpack.i.u.bf16.f32 v24;
	v25 =	vmul.f32 v25, v23  }
0x37f: {  	v24 =	vmul.f32 v24, v23  }
0x380: {  	[tilespmem:s17+$0xFFFFFF20] =	vst v25  }
0x381: {  	[tilespmem:s17+$0xFFFFFF30] =	vst v24  }
0x382: {  	v24 =	vld [tilespmem:s13+$0xFFFFFFB0];
	_ =	sdelay $0x1  }
0x383: {  	s18 =	simm.s32 $0x1  }
0x384: {  	v25 =	vmov s18  }
0x385: {  	v25 =	vand.u32 $0xFFFFFFFD, v25  }
0x386: {  	v27 =	vmul.f32 v17, v23;
	v25 =	vbroadcast v25, $0x0;
	v26 =	vunpack.i.l.bf16.f32 v24  }
0x387: {  	v24 =	vunpack.i.u.bf16.f32 v24;
	v26 =	vmul.f32 v26, v23  }
0x388: {  	[tilespmem:s17+$0xFFFFFF60] =	vst v27;
	v23 =	vmul.f32 v24, v23  }
0x389: {  	[tilespmem:s17+$0xFFFFFF40] =	vst v26  }
0x38a: {  	[tilespmem:s17+$0xFFFFFF50] =	vst v23  }
0x38b: {  	v23 =	vld [tilespmem:s13+$0xFFFFFFC0]  }
0x38c: {  	v24 =	vld.idx.msk [tilespmem:v25+s0+$0x0], $0xffff;
	_ =	sdelay $0x3  }
0x38d: {  	v25 =	vunpack.i.l.bf16.f32 v23  }
0x38e: {  	v23 =	vunpack.i.u.bf16.f32 v23;
	v25 =	vmul.f32 v25, v24  }
0x38f: {  	v23 =	vmul.f32 v23, v24  }
0x390: {  	[tilespmem:s17+$0xFFFFFF70] =	vst v25  }
0x391: {  	[tilespmem:s17+$0xFFFFFF80] =	vst v23  }
0x392: {  	v23 =	vld [tilespmem:s13+$0xFFFFFFD0];
	_ =	sdelay $0x4  }
0x393: {  	v25 =	vunpack.i.l.bf16.f32 v23  }
0x394: {  	v23 =	vunpack.i.u.bf16.f32 v23;
	v25 =	vmul.f32 v25, v24  }
0x395: {  	v23 =	vmul.f32 v23, v24  }
0x396: {  	[tilespmem:s17+$0xFFFFFF90] =	vst v25  }
0x397: {  	[tilespmem:s17+$0xFFFFFFA0] =	vst v23  }
0x398: {  	v23 =	vld [tilespmem:s13+$0xFFFFFFE0];
	_ =	sdelay $0x4  }
0x399: {  	v25 =	vunpack.i.l.bf16.f32 v23  }
0x39a: {  	v23 =	vunpack.i.u.bf16.f32 v23;
	v25 =	vmul.f32 v25, v24  }
0x39b: {  	v23 =	vmul.f32 v23, v24  }
0x39c: {  	[tilespmem:s17+$0xFFFFFFB0] =	vst v25  }
0x39d: {  	[tilespmem:s17+$0xFFFFFFC0] =	vst v23  }
0x39e: {  	v23 =	vld [tilespmem:s13+$0xFFFFFFF0];
	_ =	sdelay $0x1  }
0x39f: {  	s19 =	simm.s32 $0x2  }
0x3a0: {  	v25 =	vmov s19  }
0x3a1: {  	v25 =	vand.u32 $0xFFFFFFFE, v25  }
0x3a2: {  	v26 =	vmul.f32 v17, v24;
	v25 =	vbroadcast v25, $0x0;
	v27 =	vunpack.i.l.bf16.f32 v23  }
0x3a3: {  	v23 =	vunpack.i.u.bf16.f32 v23;
	v27 =	vmul.f32 v27, v24  }
0x3a4: {  	[tilespmem:s17+$0xFFFFFFF0] =	vst v26;
	v23 =	vmul.f32 v23, v24  }
0x3a5: {  	[tilespmem:s17+$0xFFFFFFD0] =	vst v27  }
0x3a6: {  	[tilespmem:s17+$0xFFFFFFE0] =	vst v23  }
0x3a7: {  	v23 =	vld [tilespmem:s13+$0x0]  }
0x3a8: {  	v24 =	vld.idx.msk [tilespmem:v25+s0+$0x0], $0xffff;
	_ =	sdelay $0x3  }
0x3a9: {  	v25 =	vunpack.i.l.bf16.f32 v23  }
0x3aa: {  	v23 =	vunpack.i.u.bf16.f32 v23;
	v25 =	vmul.f32 v25, v24  }
0x3ab: {  	v23 =	vmul.f32 v23, v24  }
0x3ac: {  	[tilespmem:s17+$0x0] =	vst v25  }
0x3ad: {  	[tilespmem:s17+$0x10] =	vst v23  }
0x3ae: {  	v23 =	vld [tilespmem:s13+$0x10];
	_ =	sdelay $0x4  }
0x3af: {  	v25 =	vunpack.i.l.bf16.f32 v23  }
0x3b0: {  	v23 =	vunpack.i.u.bf16.f32 v23;
	v25 =	vmul.f32 v25, v24  }
0x3b1: {  	v23 =	vmul.f32 v23, v24  }
0x3b2: {  	[tilespmem:s17+$0x20] =	vst v25  }
0x3b3: {  	[tilespmem:s17+$0x30] =	vst v23  }
0x3b4: {  	v23 =	vld [tilespmem:s13+$0x20];
	_ =	sdelay $0x4  }
0x3b5: {  	v25 =	vunpack.i.l.bf16.f32 v23  }
0x3b6: {  	v23 =	vunpack.i.u.bf16.f32 v23;
	v25 =	vmul.f32 v25, v24  }
0x3b7: {  	v23 =	vmul.f32 v23, v24  }
0x3b8: {  	[tilespmem:s17+$0x40] =	vst v25  }
0x3b9: {  	[tilespmem:s17+$0x50] =	vst v23  }
0x3ba: {  	v23 =	vld [tilespmem:s13+$0x30];
	_ =	sdelay $0x4  }
0x3bb: {  	s23 =	simm.s32 $0x3;
	v25 =	vmul.f32 v17, v24;
	v26 =	vunpack.i.l.bf16.f32 v23  }
0x3bc: {  	v27 =	vmov s23;
	v23 =	vunpack.i.u.bf16.f32 v23;
	v26 =	vmul.f32 v26, v24  }
0x3bd: {  	[tilespmem:s17+$0x80] =	vst v25;
	v23 =	vmul.f32 v23, v24  }
0x3be: {  	[tilespmem:s17+$0x60] =	vst v26  }
0x3bf: {  	[tilespmem:s17+$0x70] =	vst v23  }
0x3c0: {  	v24 =	vld [tilespmem:s13+$0x40]  }
0x3c1: {  	v23 =	vld.idx.msk [tilespmem:v27+s0+$0x0], $0xffff;
	_ =	sdelay $0x3  }
0x3c2: {  	v25 =	vunpack.i.l.bf16.f32 v24  }
0x3c3: {  	v24 =	vunpack.i.u.bf16.f32 v24;
	v25 =	vmul.f32 v25, v23  }
0x3c4: {  	v24 =	vmul.f32 v24, v23  }
0x3c5: {  	[tilespmem:s17+$0x90] =	vst v25  }
0x3c6: {  	[tilespmem:s17+$0xA0] =	vst v24  }
0x3c7: {  	v24 =	vld [tilespmem:s13+$0x50];
	_ =	sdelay $0x4  }
0x3c8: {  	v25 =	vunpack.i.l.bf16.f32 v24  }
0x3c9: {  	v24 =	vunpack.i.u.bf16.f32 v24;
	v25 =	vmul.f32 v25, v23  }
0x3ca: {  	v26 =	vmul.f32 v24, v23  }
0x3cb: {  	[tilespmem:s17+$0xB0] =	vst v25  }
0x3cc: {  	s8 =	simm.s32 $0x1C850;
	s4 =	simm.s32 $0x4;
	s18 =	simm.s32 $0x173B0;
	v24 =	vmul.f32 v17, v23;
	[tilespmem:s17+$0xC0] =	vst v26  }
.LBB2_13:
0x3cd: {  	p0 =	sne.s32 s4, $0x3C;
	v25 =	vld [tilespmem:s13+$0x60];
	s18 =	sadd.s32 $0x100, s18;
	s17 =	sadd.s32 $0x240, s17  }
0x3ce: {  	s12 =	smov.u32 s4;
	s4 =	sadd.s32 $0x4, s4;
	_ =	sdelay $0x3  }
0x3cf: {  	v26 =	vunpack.i.u.bf16.f32 v25;
	v25 =	vunpack.i.l.bf16.f32 v25  }
0x3d0: {  	v25 =	vmul.f32 v25, v23;
	v26 =	vmul.f32 v26, v23;
	_ =	sdelay $0x1  }
0x3d1: {  	[tilespmem:s8+$0xD0] =	vst v25  }
0x3d2: {  	[tilespmem:s8+$0xE0] =	vst v26  }
0x3d3: {  	v25 =	vld [tilespmem:s13+$0x70];
	s13 =	smov.u32 s18  }
0x3d4: {  	[tilespmem:s8+$0x110] =	vst v24;
	_ =	sdelay $0x1  }
0x3d5: {  	v24 =	vmov s12  }
0x3d6: {  	v24 =	vand.u32 $0xFFFFFFFC, v24  }
0x3d7: {  	v24 =	vbroadcast v24, $0x0;
	v26 =	vunpack.i.u.bf16.f32 v25;
	v25 =	vunpack.i.l.bf16.f32 v25  }
0x3d8: {  	v25 =	vmul.f32 v25, v23;
	v23 =	vmul.f32 v26, v23;
	_ =	sdelay $0x1  }
0x3d9: {  	[tilespmem:s8+$0xF0] =	vst v25  }
0x3da: {  	[tilespmem:s8+$0x100] =	vst v23;
	s8 =	smov.u32 s17  }
0x3db: {  	v23 =	vld [tilespmem:s18+$0xFFFFFF80]  }
0x3dc: {  	v24 =	vld.idx.msk [tilespmem:v24+s0+$0x0], $0xffff;
	_ =	sdelay $0x4  }
0x3dd: {  	v25 =	vunpack.i.u.bf16.f32 v23;
	v23 =	vunpack.i.l.bf16.f32 v23  }
0x3de: {  	v23 =	vmul.f32 v23, v24;
	v25 =	vmul.f32 v25, v24;
	_ =	sdelay $0x1  }
0x3df: {  	[tilespmem:s17+$0xFFFFFEE0] =	vst v23  }
0x3e0: {  	[tilespmem:s17+$0xFFFFFEF0] =	vst v25  }
0x3e1: {  	v23 =	vld [tilespmem:s18+$0xFFFFFF90];
	_ =	sdelay $0x4  }
0x3e2: {  	v25 =	vunpack.i.u.bf16.f32 v23;
	v23 =	vunpack.i.l.bf16.f32 v23  }
0x3e3: {  	v23 =	vmul.f32 v23, v24;
	v25 =	vmul.f32 v25, v24;
	_ =	sdelay $0x1  }
0x3e4: {  	[tilespmem:s17+$0xFFFFFF00] =	vst v23  }
0x3e5: {  	[tilespmem:s17+$0xFFFFFF10] =	vst v25  }
0x3e6: {  	v23 =	vld [tilespmem:s18+$0xFFFFFFA0];
	_ =	sdelay $0x4  }
0x3e7: {  	v25 =	vunpack.i.u.bf16.f32 v23;
	v23 =	vunpack.i.l.bf16.f32 v23  }
0x3e8: {  	v23 =	vmul.f32 v23, v24;
	v25 =	vmul.f32 v25, v24;
	_ =	sdelay $0x1  }
0x3e9: {  	[tilespmem:s17+$0xFFFFFF20] =	vst v23  }
0x3ea: {  	[tilespmem:s17+$0xFFFFFF30] =	vst v25  }
0x3eb: {  	v23 =	vld [tilespmem:s18+$0xFFFFFFB0]  }
0x3ec: {  	s19 =	sadd.s32 $0x1, s12  }
0x3ed: {  	v25 =	vmov s19  }
0x3ee: {  	v25 =	vand.u32 $0xFFFFFFFD, v25  }
0x3ef: {  	v25 =	vbroadcast v25, $0x0  }
0x3f0: {  	v27 =	vmul.f32 v17, v24;
	v26 =	vunpack.i.u.bf16.f32 v23;
	v23 =	vunpack.i.l.bf16.f32 v23  }
0x3f1: {  	v23 =	vmul.f32 v23, v24;
	v24 =	vmul.f32 v26, v24  }
0x3f2: {  	[tilespmem:s17+$0xFFFFFF60] =	vst v27  }
0x3f3: {  	[tilespmem:s17+$0xFFFFFF40] =	vst v23  }
0x3f4: {  	[tilespmem:s17+$0xFFFFFF50] =	vst v24  }
0x3f5: {  	v23 =	vld.idx.msk [tilespmem:v25+s0+$0x0], $0xffff  }
0x3f6: {  	v24 =	vld [tilespmem:s18+$0xFFFFFFC0];
	_ =	sdelay $0x4  }
0x3f7: {  	v25 =	vunpack.i.u.bf16.f32 v24;
	v24 =	vunpack.i.l.bf16.f32 v24  }
0x3f8: {  	v24 =	vmul.f32 v24, v23;
	v25 =	vmul.f32 v25, v23;
	_ =	sdelay $0x1  }
0x3f9: {  	[tilespmem:s17+$0xFFFFFF70] =	vst v24  }
0x3fa: {  	[tilespmem:s17+$0xFFFFFF80] =	vst v25  }
0x3fb: {  	v24 =	vld [tilespmem:s18+$0xFFFFFFD0];
	_ =	sdelay $0x4  }
0x3fc: {  	v25 =	vunpack.i.u.bf16.f32 v24;
	v24 =	vunpack.i.l.bf16.f32 v24  }
0x3fd: {  	v24 =	vmul.f32 v24, v23;
	v25 =	vmul.f32 v25, v23;
	_ =	sdelay $0x1  }
0x3fe: {  	[tilespmem:s17+$0xFFFFFF90] =	vst v24  }
0x3ff: {  	[tilespmem:s17+$0xFFFFFFA0] =	vst v25  }
0x400: {  	v24 =	vld [tilespmem:s18+$0xFFFFFFE0];
	_ =	sdelay $0x4  }
0x401: {  	v25 =	vunpack.i.u.bf16.f32 v24;
	v24 =	vunpack.i.l.bf16.f32 v24  }
0x402: {  	v24 =	vmul.f32 v24, v23;
	v25 =	vmul.f32 v25, v23;
	_ =	sdelay $0x1  }
0x403: {  	[tilespmem:s17+$0xFFFFFFB0] =	vst v24;
	v24 =	vmul.f32 v17, v23  }
0x404: {  	[tilespmem:s17+$0xFFFFFFC0] =	vst v25  }
0x405: {  	v25 =	vld [tilespmem:s18+$0xFFFFFFF0]  }
0x406: {  	s19 =	sadd.s32 $0x2, s12;
	[tilespmem:s17+$0xFFFFFFF0] =	vst v24  }
0x407: {  	v24 =	vmov s19  }
0x408: {  	v24 =	vand.u32 $0xFFFFFFFE, v24  }
0x409: {  	v24 =	vbroadcast v24, $0x0  }
0x40a: {  	v26 =	vunpack.i.u.bf16.f32 v25;
	v25 =	vunpack.i.l.bf16.f32 v25  }
0x40b: {  	v25 =	vmul.f32 v25, v23;
	v23 =	vmul.f32 v26, v23;
	_ =	sdelay $0x1  }
0x40c: {  	[tilespmem:s17+$0xFFFFFFD0] =	vst v25  }
0x40d: {  	[tilespmem:s17+$0xFFFFFFE0] =	vst v23  }
0x40e: {  	v23 =	vld.idx.msk [tilespmem:v24+s0+$0x0], $0xffff  }
0x40f: {  	v24 =	vld [tilespmem:s18+$0x0];
	_ =	sdelay $0x4  }
0x410: {  	v25 =	vunpack.i.u.bf16.f32 v24;
	v24 =	vunpack.i.l.bf16.f32 v24  }
0x411: {  	v24 =	vmul.f32 v24, v23;
	v25 =	vmul.f32 v25, v23;
	_ =	sdelay $0x1  }
0x412: {  	[tilespmem:s17+$0x0] =	vst v24  }
0x413: {  	[tilespmem:s17+$0x10] =	vst v25  }
0x414: {  	v24 =	vld [tilespmem:s18+$0x10];
	_ =	sdelay $0x4  }
0x415: {  	v25 =	vunpack.i.u.bf16.f32 v24;
	v24 =	vunpack.i.l.bf16.f32 v24  }
0x416: {  	v24 =	vmul.f32 v24, v23;
	v25 =	vmul.f32 v25, v23;
	_ =	sdelay $0x1  }
0x417: {  	[tilespmem:s17+$0x20] =	vst v24  }
0x418: {  	[tilespmem:s17+$0x30] =	vst v25  }
0x419: {  	v24 =	vld [tilespmem:s18+$0x20];
	_ =	sdelay $0x2  }
0x41a: {  	v25 =	vmul.f32 v17, v23;
	_ =	sdelay $0x1  }
0x41b: {  	v26 =	vunpack.i.u.bf16.f32 v24;
	v24 =	vunpack.i.l.bf16.f32 v24  }
0x41c: {  	v24 =	vmul.f32 v24, v23;
	v26 =	vmul.f32 v26, v23;
	_ =	sdelay $0x1  }
0x41d: {  	[tilespmem:s17+$0x40] =	vst v24  }
0x41e: {  	[tilespmem:s17+$0x50] =	vst v26  }
0x41f: {  	v24 =	vld [tilespmem:s18+$0x30]  }
0x420: {  	[tilespmem:s17+$0x80] =	vst v25;
	_ =	sdelay $0x2  }
0x421: {  	s12 =	sadd.s32 $0x3, s12  }
0x422: {  	v26 =	vmov s12;
	v25 =	vunpack.i.u.bf16.f32 v24;
	v24 =	vunpack.i.l.bf16.f32 v24  }
0x423: {  	v24 =	vmul.f32 v24, v23;
	v23 =	vmul.f32 v25, v23;
	_ =	sdelay $0x1  }
0x424: {  	[tilespmem:s17+$0x60] =	vst v24  }
0x425: {  	[tilespmem:s17+$0x70] =	vst v23  }
0x426: {  	v23 =	vld.idx.msk [tilespmem:v26+s0+$0x0], $0xffff  }
0x427: {  	v24 =	vld [tilespmem:s18+$0x40];
	_ =	sdelay $0x4  }
0x428: {  	v25 =	vunpack.i.u.bf16.f32 v24;
	v24 =	vunpack.i.l.bf16.f32 v24  }
0x429: {  	v24 =	vmul.f32 v24, v23;
	v25 =	vmul.f32 v25, v23;
	_ =	sdelay $0x1  }
0x42a: {  	[tilespmem:s17+$0x90] =	vst v24  }
0x42b: {  	[tilespmem:s17+$0xA0] =	vst v25  }
0x42c: {  	v24 =	vld [tilespmem:s18+$0x50];
	_ =	sdelay $0x4  }
.Ltmp5:
0x42d: {  	v25 =	vunpack.i.u.bf16.f32 v24;
	v24 =	vunpack.i.l.bf16.f32 v24;
	(pc) =	sbr.rel @p0 .LBB2_13-.Ltmp5, $3  }
0x42e: {  	v24 =	vmul.f32 v24, v23;
	v25 =	vmul.f32 v25, v23;
	_ =	sdelay $0x1  }
0x42f: {  	[tilespmem:s17+$0xB0] =	vst v24;
	v24 =	vmul.f32 v17, v23  }
0x430: {  	[tilespmem:s17+$0xC0] =	vst v25  }
0x431: {  	v25 =	vld [tilespmem:s13+$0x60];
	_ =	sdelay $0x4  }
0x432: {  	v26 =	vunpack.i.l.bf16.f32 v25  }
0x433: {  	v25 =	vunpack.i.u.bf16.f32 v25;
	v26 =	vmul.f32 v26, v23  }
0x434: {  	v25 =	vmul.f32 v25, v23  }
0x435: {  	[tilespmem:s8+$0xD0] =	vst v26  }
0x436: {  	[tilespmem:s8+$0xE0] =	vst v25  }
0x437: {  	v25 =	vld [tilespmem:s13+$0x70];
	_ =	sdelay $0x3  }
0x438: {  	s14 =	sadd.s32 $0x1, s14  }
0x439: {  	p0 =	sne.s32 s14, s15;
	v63 =	vunpack.i.l.bf16.f32 v25  }
.Ltmp6:
0x43a: {  	v25 =	vunpack.i.u.bf16.f32 v25;
	v26 =	vmul.f32 v63, v23;
	(pc) =	sbr.rel @p0 .LBB2_2-.Ltmp6, $4  }
0x43b: {  	[tilespmem:s8+$0x110] =	vst v24;
	v23 =	vmul.f32 v25, v23  }
0x43c: {  	[tilespmem:s8+$0xF0] =	vst v26  }
0x43d: {  	[tilespmem:s8+$0x100] =	vst v23  }
0x43e: {  	[spmem:s3] =	stream.indirect.scatter.add.f32 [tilespmem:s7], [sflag:$0x8], $0x90, s22, s21, $0xb8;
	[tilespmem:$0x1EB30] =	vst v63  }
0x43f: {  	s4 =	simm.s32 $0x8  }
0x440: {  	_ =	swait.ge [sflag:s4], $0x2400  }
0x441: {  	[sflag:s4] =	ssyncset.done $0x0  }
0x442: {  	[sflag:s4] =	ssyncadd.s32 $0xFFFFDC00  }
0x443: {  	[bflag:$0x0] =	sbarrier.arrive $0xFFFF  }
0x444: {  	s8 =	rddreg [dreg:$0x7]  }
0x445: {  	s19 =	rddreg [dreg:$0xa]  }
0x446: {  	s12 =	rddreg [dreg:$0xc]  }
0x447: {  	[hbm:s19], [sflag:s8] =	dma.local [spmem:s12], $0x2C04  }
0x448: {  	_ =	swait.ge [sflag:s20], $0x2C04  }
0x449: {  	s11 =	sadd.s32 $0x1, s11;
	s23 =	rddreg [dreg:$0xb]  }
0x44a: {  	p0 =	sne.s32 s11, s23  }
.Ltmp7:
0x44b: {  	_ = 	snop;
	(pc) =	sbr.rel @p0 .LBB2_1-.Ltmp7, $3  }
0x44c: {  	_ =	sdelay $0x1  }
0x44d: {  	[sflag:s20] =	ssyncset.done $0x0  }
0x44e: {  	[sflag:s20] =	ssyncadd.s32 $0xFFFFD3FC  }
0x44f: {  	_ =	sfence.sel $0x180000  }
0x450: {  	[bflag:$0x0] =	sbarrier.arrive $0xFFFF  }
0x451: {  	_ =	strace $0x90000047  }
0x452: {  	s0 =	stileid.u32;
	[bflag:$0x2] =	sbarrier.arrive $0xFFFF  }
0x453: {  	p0 =	sne.s32 s0, $0x0;
	s0 =	rddreg [dreg:$0x3]  }
0x454: {  	s0 =	sadd.s32 @!p0 $0x100000, s0  }
0x455: {  	[sflag:s0] =	ssyncadd.tile.s32 @!p0 $0x1;
	_ =	shalt  }
.Lfunc_end2:
_tile_overlayer_lowered:
.L_overlay_start_2:
0x456: {  	(tag) =	ssettag $0x2  }
0x457: {  	s0 =	rddreg [dreg:$0x0];
	s2 =	stileid.u32  }
0x458: {  	s1 =	rddreg [dreg:$0x1];
	p0 =	sne.s32 s2, $0x0  }
0x459: {  	s3 =	rddreg [dreg:$0x2];
	[bflag:$0x3] =	sbarrier.arrive $0xFFFF;
	s2 =	simm.s32 @!p0 $0x1C09  }
0x45a: {  	[timem:s3], [sflag:s2] =	dma.local @!p0 [hbm:s0], s1  }
0x45b: {  	s0 =	simm.s32 @!p0 $0x9  }
0x45c: {  	_ =	swait.ge @!p0 [sflag:s0], s1  }
0x45d: {  	s1 =	ssub.s32 @!p0 $0x0, s1;
	[sflag:s0] =	ssyncset.done @!p0 $0x0  }
0x45e: {  	[sflag:s0] =	ssyncadd.s32 @!p0 s1  }
0x45f: {  	[bflag:$0x3] =	sbarrier.arrive $0xFFFF  }
0x460: {  	_ =	shalt  }

</sc_bundles>
